<compile_context>
chip_gen: v7x
topology: tpu7x:2x2x1
jax: 0.10.2.dev20260603
libtpu: 0.0.44.dev20260713+nightly
codegen_flags: <defaults>
</compile_context>

<pallas_src>
import functools

import jax
import jax.numpy as jnp
from jax import lax
from jax.experimental import pallas as pl
from jax.experimental.pallas import tpu as pltpu
from jax.experimental.pallas import tpu_sc as plsc

N = 16777216
BINS = 2048
NC = 2
NS = 16
L = 16
NW = NC * NS
PER_W = N // NW
CHUNK = 32768
NCHUNK = PER_W // CHUNK
VPC = CHUNK // L

_sc_mesh = plsc.VectorSubcoreMesh(core_axis_name="c", subcore_axis_name="s")


_U = 8


@functools.partial(
    pl.kernel,
    out_type=(
        jax.ShapeDtypeStruct((NW * L,), jnp.float32),
        jax.ShapeDtypeStruct((NW * L,), jnp.float32),
    ),
    mesh=_sc_mesh,
    compiler_params=pltpu.CompilerParams(needs_layout_passes=False),
    scratch_types=[
        [pltpu.VMEM((CHUNK,), jnp.float32)] * 2,
        pltpu.VMEM((L,), jnp.float32),
        pltpu.VMEM((L,), jnp.float32),
        [pltpu.SemaphoreType.DMA] * 2,
    ],
)
def _sc_minmax(x_hbm, mnp_hbm, mxp_hbm, bufs, mn_v, mx_v, isems):
    c = lax.axis_index("c")
    s = lax.axis_index("s")
    wid = s * NC + c
    base = wid * PER_W

    def chunk_slice(k):
        return x_hbm.at[pl.ds(base + k * CHUNK, CHUNK)]

    in_desc = [
        pltpu.async_copy(chunk_slice(0), bufs[0], isems[0]),
        pltpu.async_copy(chunk_slice(1), bufs[1], isems[1]),
    ]
    in_desc[0].wait()

    carry = tuple(bufs[0][pl.ds(u * L, L)] for u in range(_U)) * 2

    for k in range(NCHUNK):
        p = k % 2
        if k != 0:
            in_desc[p].wait()
        buf = bufs[p]

        @pl.loop(0, VPC // _U, init_carry=carry)
        def _acc(i, carry):
            mns = list(carry[:_U])
            mxs = list(carry[_U:])
            for u in range(_U):
                v = buf[pl.ds((i * _U + u) * L, L)]
                mns[u] = jnp.minimum(mns[u], v)
                mxs[u] = jnp.maximum(mxs[u], v)
            return tuple(mns) + tuple(mxs)

        carry = _acc
        if k + 2 < NCHUNK:
            in_desc[p] = pltpu.async_copy(chunk_slice(k + 2), bufs[p], isems[p])

    mn = carry[0]
    mx = carry[_U]
    for u in range(1, _U):
        mn = jnp.minimum(mn, carry[u])
        mx = jnp.maximum(mx, carry[_U + u])
    mn_v[...] = mn
    mx_v[...] = mx
    pltpu.sync_copy(mn_v, mnp_hbm.at[pl.ds(wid * L, L)])
    pltpu.sync_copy(mx_v, mxp_hbm.at[pl.ds(wid * L, L)])



_NBUF = 3


@functools.partial(
    pl.kernel,
    out_type=(
        jax.ShapeDtypeStruct((NW, BINS + L), jnp.float32),
        jax.ShapeDtypeStruct((N,), jnp.float32),
        jax.ShapeDtypeStruct((L,), jnp.float32),
        jax.ShapeDtypeStruct((L,), jnp.float32),
    ),
    mesh=_sc_mesh,
    compiler_params=pltpu.CompilerParams(needs_layout_passes=False),
    scratch_types=[
        [pltpu.VMEM((CHUNK,), jnp.float32)] * _NBUF,
        pltpu.VMEM((BINS + L,), jnp.float32),
        pltpu.VMEM((NW * L,), jnp.float32),
        pltpu.VMEM((NW * L,), jnp.float32),
        pltpu.VMEM((L,), jnp.float32),
        pltpu.VMEM((L,), jnp.float32),
        [pltpu.SemaphoreType.DMA] * _NBUF,
        [pltpu.SemaphoreType.DMA] * _NBUF,
    ],
)
def _sc_hist(x_hbm, mnp_hbm, mxp_hbm, parts_hbm, xout_hbm, mn_hbm, mx_hbm,
             bufs, hist, mnstage, mxstage, mn_v, mx_v, isems, osems):
    c = lax.axis_index("c")
    s = lax.axis_index("s")
    wid = s * NC + c
    base = wid * PER_W

    pltpu.sync_copy(mnp_hbm, mnstage)
    pltpu.sync_copy(mxp_hbm, mxstage)
    macc = mnstage[pl.ds(0, L)]
    Macc = mxstage[pl.ds(0, L)]
    for w in range(1, NW):
        macc = jnp.minimum(macc, mnstage[pl.ds(w * L, L)])
        Macc = jnp.maximum(Macc, mxstage[pl.ds(w * L, L)])
    mscal = jnp.min(macc)
    Mscal = jnp.max(Macc)
    minv = jnp.broadcast_to(mscal, (L,))
    maxv = jnp.broadcast_to(Mscal, (L,))
    rngv = maxv - minv
    rngv = jnp.where(rngv == 0.0, jnp.float32(1.0), rngv)
    sval = jnp.full((L,), BINS, jnp.float32) / rngv
    sval = jnp.where(sval == jnp.float32(jnp.inf), jnp.float32(0.0), sval)
    ones = jnp.ones((L,), jnp.float32)

    @pl.when(wid == 0)
    def _():
        mn_v[...] = minv
        mx_v[...] = maxv
        pltpu.sync_copy(mn_v, mn_hbm)
        pltpu.sync_copy(mx_v, mx_hbm)

    @pl.loop(0, (BINS + L) // L, unroll=8)
    def _zero(i):
        hist[pl.ds(i * L, L)] = jnp.zeros((L,), jnp.float32)

    def chunk_slice(ref, k):
        return ref.at[pl.ds(base + k * CHUNK, CHUNK)]

    in_desc = [None] * _NBUF
    out_desc = [None] * _NBUF
    for j in range(min(_NBUF - 1, NCHUNK)):
        in_desc[j] = pltpu.async_copy(chunk_slice(x_hbm, j), bufs[j], isems[j])

    for k in range(NCHUNK):
        p = k % _NBUF
        in_desc[p].wait()
        buf = bufs[p]

        @plsc.parallel_loop(0, VPC, unroll=4)
        def _process(i):
            v = buf[pl.ds(i * L, L)]
            t = (v - minv) * sval
            idx = t.astype(jnp.int32)
            plsc.addupdate_scatter(hist, [idx], ones)

        out_desc[p] = pltpu.async_copy(buf, chunk_slice(xout_hbm, k), osems[p])

        j = k + _NBUF - 1
        if j < NCHUNK:
            q = j % _NBUF
            if out_desc[q] is not None:
                out_desc[q].wait()
                out_desc[q] = None
            in_desc[q] = pltpu.async_copy(chunk_slice(x_hbm, j), bufs[q], isems[q])

    for p in range(_NBUF):
        if out_desc[p] is not None:
            out_desc[p].wait()

    pltpu.sync_copy(hist, parts_hbm.at[wid])




def _combine_body(p_ref, h_ref):
    full = jnp.sum(p_ref[...], axis=0, keepdims=True)
    over = full[0, BINS]
    lanes = lax.broadcasted_iota(jnp.int32, (1, BINS), 1)
    h_ref[...] = full[:, :BINS] + jnp.where(
        lanes == BINS - 1, over, jnp.float32(0.0))


def _tc_combine(parts):
    return pl.pallas_call(
        _combine_body,
        out_shape=jax.ShapeDtypeStruct((1, BINS), jnp.float32),
    )(parts)




def kernel(x):
    x_flat = x.reshape(-1)
    mnp, mxp = _sc_minmax(x_flat)
    parts, x_copy, mn16, mx16 = _sc_hist(x_flat, mnp, mxp)
    hist2 = _tc_combine(parts)
    return (x_copy.reshape(x.shape), hist2.reshape(BINS), mn16[0], mx16[0])

# --- scband reference (transcript-rebuilt; emitter-appended) ---
"""Pipeline reference for scband-histogram-observer-13116830122432 (READ-ONLY COPY).

The authoritative reference and input builder live on the scoring server;
editing this copy changes nothing except your own understanding.
"""

import jax, jax.numpy as jnp
import numpy as np

BINS = 2048

def setup_inputs(seed: int = 0) -> dict:
    key = jax.random.key(seed)
    x = jax.random.normal(key, (16777216,), dtype=jnp.float32)
    return {"x": x}

def _histc(x, bins, min_val, max_val):
    # Faithful translation of torch.histc: uniform bins over [min_val, max_val],
    # values on the right edge fall into the last bin.
    rng = max_val - min_val
    rng = jnp.where(rng == 0, jnp.float32(1.0), rng)
    idx = jnp.floor((x - min_val) / rng * bins).astype(jnp.int32)
    idx = jnp.clip(idx, 0, bins - 1)
    return jnp.bincount(idx, length=bins).astype(jnp.float32)

def reference(x):
    # HistogramObserver.forward, first-call path (histogram empty -> initialize):
    #   min_val = x.min(); max_val = x.max();
    #   histogram = torch.histc(x, bins, min=min_val, max=max_val)
    # and forward returns the input tensor unchanged.
    x_flat = x.reshape(-1)
    min_val = jnp.min(x_flat)
    max_val = jnp.max(x_flat)
    histogram = _histc(x_flat, BINS, min_val, max_val)
    return (x, histogram, min_val, max_val)

if __name__ == "__main__":
    import jax
    _d = setup_inputs()
    print(jax.jit(kernel)(*tuple(_d.values())))

</pallas_src>

<mosaic_0001>
#map = affine_map<(d0, d1) -> (0)>
#map1 = affine_map<(d0, d1) -> (0, 0)>
module attributes {stable_mosaic.version = 14 : i64} {
  func.func @_sc_hist(%arg0: i32, %arg1: i32, %arg2: memref<16777216xf32, #tpu.memory_space<hbm>>, %arg3: memref<512xf32, #tpu.memory_space<hbm>>, %arg4: memref<512xf32, #tpu.memory_space<hbm>>, %arg5: memref<32x2064xf32, #tpu.memory_space<hbm>>, %arg6: memref<16777216xf32, #tpu.memory_space<hbm>>, %arg7: memref<16xf32, #tpu.memory_space<hbm>>, %arg8: memref<16xf32, #tpu.memory_space<hbm>>, %arg9: memref<32768xf32, #tpu.memory_space<vmem>>, %arg10: memref<32768xf32, #tpu.memory_space<vmem>>, %arg11: memref<32768xf32, #tpu.memory_space<vmem>>, %arg12: memref<2064xf32, #tpu.memory_space<vmem>>, %arg13: memref<512xf32, #tpu.memory_space<vmem>>, %arg14: memref<512xf32, #tpu.memory_space<vmem>>, %arg15: memref<16xf32, #tpu.memory_space<vmem>>, %arg16: memref<16xf32, #tpu.memory_space<vmem>>, %arg17: memref<!tpu.dma_semaphore, #tpu.memory_space<semaphore_mem>>, %arg18: memref<!tpu.dma_semaphore, #tpu.memory_space<semaphore_mem>>, %arg19: memref<!tpu.dma_semaphore, #tpu.memory_space<semaphore_mem>>, %arg20: memref<!tpu.dma_semaphore, #tpu.memory_space<semaphore_mem>>, %arg21: memref<!tpu.dma_semaphore, #tpu.memory_space<semaphore_mem>>, %arg22: memref<!tpu.dma_semaphore, #tpu.memory_space<semaphore_mem>>) attributes {dimension_semantics = [#tpu.dimension_semantics<core_parallel>, #tpu.dimension_semantics<subcore_parallel>], iteration_bounds = array<i64: 2, 16>, scalar_prefetch = 0 : i64, scratch_operands = 14 : i64, tpu.core_type = #tpu.core_type<sc_vector_subcore>, window_params = [{transform_indices = #map}, {transform_indices = #map}, {transform_indices = #map}, {transform_indices = #map1}, {transform_indices = #map}, {transform_indices = #map}, {transform_indices = #map}]} {
    %mul3A = arith.constant 2 : i32
    %mul3A_0 = arith.muli %arg1, %mul3A : i32
    %add3A = arith.addi %mul3A_0, %arg0 : i32
    %mul3A_1 = arith.constant 524288 : i32
    %mul3A_2 = arith.muli %add3A, %mul3A_1 : i32
    "tpu.region"() ({
      %run_scoped3A = tpu.sem_alloc : memref<!tpu.dma_semaphore, #tpu.memory_space<semaphore_mem>>
      tpu.enqueue_dma source(%arg3 : memref<512xf32, #tpu.memory_space<hbm>>) target(%arg13 : memref<512xf32, #tpu.memory_space<vmem>>) target_semaphore(%run_scoped3A : memref<!tpu.dma_semaphore, #tpu.memory_space<semaphore_mem>>)
      tpu.wait_dma2 semaphore(%run_scoped3A : memref<!tpu.dma_semaphore, #tpu.memory_space<semaphore_mem>>) src(%arg3 : memref<512xf32, #tpu.memory_space<hbm>>) dst(%arg13 : memref<512xf32, #tpu.memory_space<vmem>>)
      tpu.yield
    }) : () -> ()
    "tpu.region"() ({
      %run_scoped3A = tpu.sem_alloc : memref<!tpu.dma_semaphore, #tpu.memory_space<semaphore_mem>>
      tpu.enqueue_dma source(%arg4 : memref<512xf32, #tpu.memory_space<hbm>>) target(%arg14 : memref<512xf32, #tpu.memory_space<vmem>>) target_semaphore(%run_scoped3A : memref<!tpu.dma_semaphore, #tpu.memory_space<semaphore_mem>>)
      tpu.wait_dma2 semaphore(%run_scoped3A : memref<!tpu.dma_semaphore, #tpu.memory_space<semaphore_mem>>) src(%arg4 : memref<512xf32, #tpu.memory_space<hbm>>) dst(%arg14 : memref<512xf32, #tpu.memory_space<vmem>>)
      tpu.yield
    }) : () -> ()
    %get3A = arith.constant 0 : index
    %get3A_3 = tpu.vector_load %arg13[%get3A] {strides = array<i32>} : memref<512xf32, #tpu.memory_space<vmem>>, vector<16xf32>,
    %get3A_4 = arith.constant 0 : index
    %get3A_5 = tpu.vector_load %arg14[%get3A_4] {strides = array<i32>} : memref<512xf32, #tpu.memory_space<vmem>>, vector<16xf32>,
    %get3A_6 = arith.constant 16 : index
    %get3A_7 = tpu.vector_load %arg13[%get3A_6] {strides = array<i32>} : memref<512xf32, #tpu.memory_space<vmem>>, vector<16xf32>,
    %min3A = arith.minimumf %get3A_3, %get3A_7 : vector<16xf32>
    %get3A_8 = arith.constant 16 : index
    %get3A_9 = tpu.vector_load %arg14[%get3A_8] {strides = array<i32>} : memref<512xf32, #tpu.memory_space<vmem>>, vector<16xf32>,
    %max3A = arith.maximumf %get3A_5, %get3A_9 : vector<16xf32>
    %get3A_10 = arith.constant 32 : index
    %get3A_11 = tpu.vector_load %arg13[%get3A_10] {strides = array<i32>} : memref<512xf32, #tpu.memory_space<vmem>>, vector<16xf32>,
    %min3A_12 = arith.minimumf %min3A, %get3A_11 : vector<16xf32>
    %get3A_13 = arith.constant 32 : index
    %get3A_14 = tpu.vector_load %arg14[%get3A_13] {strides = array<i32>} : memref<512xf32, #tpu.memory_space<vmem>>, vector<16xf32>,
    %max3A_15 = arith.maximumf %max3A, %get3A_14 : vector<16xf32>
    %get3A_16 = arith.constant 48 : index
    %get3A_17 = tpu.vector_load %arg13[%get3A_16] {strides = array<i32>} : memref<512xf32, #tpu.memory_space<vmem>>, vector<16xf32>,
    %min3A_18 = arith.minimumf %min3A_12, %get3A_17 : vector<16xf32>
    %get3A_19 = arith.constant 48 : index
    %get3A_20 = tpu.vector_load %arg14[%get3A_19] {strides = array<i32>} : memref<512xf32, #tpu.memory_space<vmem>>, vector<16xf32>,
    %max3A_21 = arith.maximumf %max3A_15, %get3A_20 : vector<16xf32>
    %get3A_22 = arith.constant 64 : index
    %get3A_23 = tpu.vector_load %arg13[%get3A_22] {strides = array<i32>} : memref<512xf32, #tpu.memory_space<vmem>>, vector<16xf32>,
    %min3A_24 = arith.minimumf %min3A_18, %get3A_23 : vector<16xf32>
    %get3A_25 = arith.constant 64 : index
    %get3A_26 = tpu.vector_load %arg14[%get3A_25] {strides = array<i32>} : memref<512xf32, #tpu.memory_space<vmem>>, vector<16xf32>,
    %max3A_27 = arith.maximumf %max3A_21, %get3A_26 : vector<16xf32>
    %get3A_28 = arith.constant 80 : index
    %get3A_29 = tpu.vector_load %arg13[%get3A_28] {strides = array<i32>} : memref<512xf32, #tpu.memory_space<vmem>>, vector<16xf32>,
    %min3A_30 = arith.minimumf %min3A_24, %get3A_29 : vector<16xf32>
    %get3A_31 = arith.constant 80 : index
    %get3A_32 = tpu.vector_load %arg14[%get3A_31] {strides = array<i32>} : memref<512xf32, #tpu.memory_space<vmem>>, vector<16xf32>,
    %max3A_33 = arith.maximumf %max3A_27, %get3A_32 : vector<16xf32>
    %get3A_34 = arith.constant 96 : index
    %get3A_35 = tpu.vector_load %arg13[%get3A_34] {strides = array<i32>} : memref<512xf32, #tpu.memory_space<vmem>>, vector<16xf32>,
    %min3A_36 = arith.minimumf %min3A_30, %get3A_35 : vector<16xf32>
    %get3A_37 = arith.constant 96 : index
    %get3A_38 = tpu.vector_load %arg14[%get3A_37] {strides = array<i32>} : memref<512xf32, #tpu.memory_space<vmem>>, vector<16xf32>,
    %max3A_39 = arith.maximumf %max3A_33, %get3A_38 : vector<16xf32>
    %get3A_40 = arith.constant 112 : index
    %get3A_41 = tpu.vector_load %arg13[%get3A_40] {strides = array<i32>} : memref<512xf32, #tpu.memory_space<vmem>>, vector<16xf32>,
    %min3A_42 = arith.minimumf %min3A_36, %get3A_41 : vector<16xf32>
    %get3A_43 = arith.constant 112 : index
    %get3A_44 = tpu.vector_load %arg14[%get3A_43] {strides = array<i32>} : memref<512xf32, #tpu.memory_space<vmem>>, vector<16xf32>,
    %max3A_45 = arith.maximumf %max3A_39, %get3A_44 : vector<16xf32>
    %get3A_46 = arith.constant 128 : index
    %get3A_47 = tpu.vector_load %arg13[%get3A_46] {strides = array<i32>} : memref<512xf32, #tpu.memory_space<vmem>>, vector<16xf32>,
    %min3A_48 = arith.minimumf %min3A_42, %get3A_47 : vector<16xf32>
    %get3A_49 = arith.constant 128 : index
    %get3A_50 = tpu.vector_load %arg14[%get3A_49] {strides = array<i32>} : memref<512xf32, #tpu.memory_space<vmem>>, vector<16xf32>,
    %max3A_51 = arith.maximumf %max3A_45, %get3A_50 : vector<16xf32>
    %get3A_52 = arith.constant 144 : index
    %get3A_53 = tpu.vector_load %arg13[%get3A_52] {strides = array<i32>} : memref<512xf32, #tpu.memory_space<vmem>>, vector<16xf32>,
    %min3A_54 = arith.minimumf %min3A_48, %get3A_53 : vector<16xf32>
    %get3A_55 = arith.constant 144 : index
    %get3A_56 = tpu.vector_load %arg14[%get3A_55] {strides = array<i32>} : memref<512xf32, #tpu.memory_space<vmem>>, vector<16xf32>,
    %max3A_57 = arith.maximumf %max3A_51, %get3A_56 : vector<16xf32>
    %get3A_58 = arith.constant 160 : index
    %get3A_59 = tpu.vector_load %arg13[%get3A_58] {strides = array<i32>} : memref<512xf32, #tpu.memory_space<vmem>>, vector<16xf32>,
    %min3A_60 = arith.minimumf %min3A_54, %get3A_59 : vector<16xf32>
    %get3A_61 = arith.constant 160 : index
    %get3A_62 = tpu.vector_load %arg14[%get3A_61] {strides = array<i32>} : memref<512xf32, #tpu.memory_space<vmem>>, vector<16xf32>,
    %max3A_63 = arith.maximumf %max3A_57, %get3A_62 : vector<16xf32>
    %get3A_64 = arith.constant 176 : index
    %get3A_65 = tpu.vector_load %arg13[%get3A_64] {strides = array<i32>} : memref<512xf32, #tpu.memory_space<vmem>>, vector<16xf32>,
    %min3A_66 = arith.minimumf %min3A_60, %get3A_65 : vector<16xf32>
    %get3A_67 = arith.constant 176 : index
    %get3A_68 = tpu.vector_load %arg14[%get3A_67] {strides = array<i32>} : memref<512xf32, #tpu.memory_space<vmem>>, vector<16xf32>,
    %max3A_69 = arith.maximumf %max3A_63, %get3A_68 : vector<16xf32>
    %get3A_70 = arith.constant 192 : index
    %get3A_71 = tpu.vector_load %arg13[%get3A_70] {strides = array<i32>} : memref<512xf32, #tpu.memory_space<vmem>>, vector<16xf32>,
    %min3A_72 = arith.minimumf %min3A_66, %get3A_71 : vector<16xf32>
    %get3A_73 = arith.constant 192 : index
    %get3A_74 = tpu.vector_load %arg14[%get3A_73] {strides = array<i32>} : memref<512xf32, #tpu.memory_space<vmem>>, vector<16xf32>,
    %max3A_75 = arith.maximumf %max3A_69, %get3A_74 : vector<16xf32>
    %get3A_76 = arith.constant 208 : index
    %get3A_77 = tpu.vector_load %arg13[%get3A_76] {strides = array<i32>} : memref<512xf32, #tpu.memory_space<vmem>>, vector<16xf32>,
    %min3A_78 = arith.minimumf %min3A_72, %get3A_77 : vector<16xf32>
    %get3A_79 = arith.constant 208 : index
    %get3A_80 = tpu.vector_load %arg14[%get3A_79] {strides = array<i32>} : memref<512xf32, #tpu.memory_space<vmem>>, vector<16xf32>,
    %max3A_81 = arith.maximumf %max3A_75, %get3A_80 : vector<16xf32>
    %get3A_82 = arith.constant 224 : index
    %get3A_83 = tpu.vector_load %arg13[%get3A_82] {strides = array<i32>} : memref<512xf32, #tpu.memory_space<vmem>>, vector<16xf32>,
    %min3A_84 = arith.minimumf %min3A_78, %get3A_83 : vector<16xf32>
    %get3A_85 = arith.constant 224 : index
    %get3A_86 = tpu.vector_load %arg14[%get3A_85] {strides = array<i32>} : memref<512xf32, #tpu.memory_space<vmem>>, vector<16xf32>,
    %max3A_87 = arith.maximumf %max3A_81, %get3A_86 : vector<16xf32>
    %get3A_88 = arith.constant 240 : index
    %get3A_89 = tpu.vector_load %arg13[%get3A_88] {strides = array<i32>} : memref<512xf32, #tpu.memory_space<vmem>>, vector<16xf32>,
    %min3A_90 = arith.minimumf %min3A_84, %get3A_89 : vector<16xf32>
    %get3A_91 = arith.constant 240 : index
    %get3A_92 = tpu.vector_load %arg14[%get3A_91] {strides = array<i32>} : memref<512xf32, #tpu.memory_space<vmem>>, vector<16xf32>,
    %max3A_93 = arith.maximumf %max3A_87, %get3A_92 : vector<16xf32>
    %get3A_94 = arith.constant 256 : index
    %get3A_95 = tpu.vector_load %arg13[%get3A_94] {strides = array<i32>} : memref<512xf32, #tpu.memory_space<vmem>>, vector<16xf32>,
    %min3A_96 = arith.minimumf %min3A_90, %get3A_95 : vector<16xf32>
    %get3A_97 = arith.constant 256 : index
    %get3A_98 = tpu.vector_load %arg14[%get3A_97] {strides = array<i32>} : memref<512xf32, #tpu.memory_space<vmem>>, vector<16xf32>,
    %max3A_99 = arith.maximumf %max3A_93, %get3A_98 : vector<16xf32>
    %get3A_100 = arith.constant 272 : index
    %get3A_101 = tpu.vector_load %arg13[%get3A_100] {strides = array<i32>} : memref<512xf32, #tpu.memory_space<vmem>>, vector<16xf32>,
    %min3A_102 = arith.minimumf %min3A_96, %get3A_101 : vector<16xf32>
    %get3A_103 = arith.constant 272 : index
    %get3A_104 = tpu.vector_load %arg14[%get3A_103] {strides = array<i32>} : memref<512xf32, #tpu.memory_space<vmem>>, vector<16xf32>,
    %max3A_105 = arith.maximumf %max3A_99, %get3A_104 : vector<16xf32>
    %get3A_106 = arith.constant 288 : index
    %get3A_107 = tpu.vector_load %arg13[%get3A_106] {strides = array<i32>} : memref<512xf32, #tpu.memory_space<vmem>>, vector<16xf32>,
    %min3A_108 = arith.minimumf %min3A_102, %get3A_107 : vector<16xf32>
    %get3A_109 = arith.constant 288 : index
    %get3A_110 = tpu.vector_load %arg14[%get3A_109] {strides = array<i32>} : memref<512xf32, #tpu.memory_space<vmem>>, vector<16xf32>,
    %max3A_111 = arith.maximumf %max3A_105, %get3A_110 : vector<16xf32>
    %get3A_112 = arith.constant 304 : index
    %get3A_113 = tpu.vector_load %arg13[%get3A_112] {strides = array<i32>} : memref<512xf32, #tpu.memory_space<vmem>>, vector<16xf32>,
    %min3A_114 = arith.minimumf %min3A_108, %get3A_113 : vector<16xf32>
    %get3A_115 = arith.constant 304 : index
    %get3A_116 = tpu.vector_load %arg14[%get3A_115] {strides = array<i32>} : memref<512xf32, #tpu.memory_space<vmem>>, vector<16xf32>,
    %max3A_117 = arith.maximumf %max3A_111, %get3A_116 : vector<16xf32>
    %get3A_118 = arith.constant 320 : index
    %get3A_119 = tpu.vector_load %arg13[%get3A_118] {strides = array<i32>} : memref<512xf32, #tpu.memory_space<vmem>>, vector<16xf32>,
    %min3A_120 = arith.minimumf %min3A_114, %get3A_119 : vector<16xf32>
    %get3A_121 = arith.constant 320 : index
    %get3A_122 = tpu.vector_load %arg14[%get3A_121] {strides = array<i32>} : memref<512xf32, #tpu.memory_space<vmem>>, vector<16xf32>,
    %max3A_123 = arith.maximumf %max3A_117, %get3A_122 : vector<16xf32>
    %get3A_124 = arith.constant 336 : index
    %get3A_125 = tpu.vector_load %arg13[%get3A_124] {strides = array<i32>} : memref<512xf32, #tpu.memory_space<vmem>>, vector<16xf32>,
    %min3A_126 = arith.minimumf %min3A_120, %get3A_125 : vector<16xf32>
    %get3A_127 = arith.constant 336 : index
    %get3A_128 = tpu.vector_load %arg14[%get3A_127] {strides = array<i32>} : memref<512xf32, #tpu.memory_space<vmem>>, vector<16xf32>,
    %max3A_129 = arith.maximumf %max3A_123, %get3A_128 : vector<16xf32>
    %get3A_130 = arith.constant 352 : index
    %get3A_131 = tpu.vector_load %arg13[%get3A_130] {strides = array<i32>} : memref<512xf32, #tpu.memory_space<vmem>>, vector<16xf32>,
    %min3A_132 = arith.minimumf %min3A_126, %get3A_131 : vector<16xf32>
    %get3A_133 = arith.constant 352 : index
    %get3A_134 = tpu.vector_load %arg14[%get3A_133] {strides = array<i32>} : memref<512xf32, #tpu.memory_space<vmem>>, vector<16xf32>,
    %max3A_135 = arith.maximumf %max3A_129, %get3A_134 : vector<16xf32>
    %get3A_136 = arith.constant 368 : index
    %get3A_137 = tpu.vector_load %arg13[%get3A_136] {strides = array<i32>} : memref<512xf32, #tpu.memory_space<vmem>>, vector<16xf32>,
    %min3A_138 = arith.minimumf %min3A_132, %get3A_137 : vector<16xf32>
    %get3A_139 = arith.constant 368 : index
    %get3A_140 = tpu.vector_load %arg14[%get3A_139] {strides = array<i32>} : memref<512xf32, #tpu.memory_space<vmem>>, vector<16xf32>,
    %max3A_141 = arith.maximumf %max3A_135, %get3A_140 : vector<16xf32>
    %get3A_142 = arith.constant 384 : index
    %get3A_143 = tpu.vector_load %arg13[%get3A_142] {strides = array<i32>} : memref<512xf32, #tpu.memory_space<vmem>>, vector<16xf32>,
    %min3A_144 = arith.minimumf %min3A_138, %get3A_143 : vector<16xf32>
    %get3A_145 = arith.constant 384 : index
    %get3A_146 = tpu.vector_load %arg14[%get3A_145] {strides = array<i32>} : memref<512xf32, #tpu.memory_space<vmem>>, vector<16xf32>,
    %max3A_147 = arith.maximumf %max3A_141, %get3A_146 : vector<16xf32>
    %get3A_148 = arith.constant 400 : index
    %get3A_149 = tpu.vector_load %arg13[%get3A_148] {strides = array<i32>} : memref<512xf32, #tpu.memory_space<vmem>>, vector<16xf32>,
    %min3A_150 = arith.minimumf %min3A_144, %get3A_149 : vector<16xf32>
    %get3A_151 = arith.constant 400 : index
    %get3A_152 = tpu.vector_load %arg14[%get3A_151] {strides = array<i32>} : memref<512xf32, #tpu.memory_space<vmem>>, vector<16xf32>,
    %max3A_153 = arith.maximumf %max3A_147, %get3A_152 : vector<16xf32>
    %get3A_154 = arith.constant 416 : index
    %get3A_155 = tpu.vector_load %arg13[%get3A_154] {strides = array<i32>} : memref<512xf32, #tpu.memory_space<vmem>>, vector<16xf32>,
    %min3A_156 = arith.minimumf %min3A_150, %get3A_155 : vector<16xf32>
    %get3A_157 = arith.constant 416 : index
    %get3A_158 = tpu.vector_load %arg14[%get3A_157] {strides = array<i32>} : memref<512xf32, #tpu.memory_space<vmem>>, vector<16xf32>,
    %max3A_159 = arith.maximumf %max3A_153, %get3A_158 : vector<16xf32>
    %get3A_160 = arith.constant 432 : index
    %get3A_161 = tpu.vector_load %arg13[%get3A_160] {strides = array<i32>} : memref<512xf32, #tpu.memory_space<vmem>>, vector<16xf32>,
    %min3A_162 = arith.minimumf %min3A_156, %get3A_161 : vector<16xf32>
    %get3A_163 = arith.constant 432 : index
    %get3A_164 = tpu.vector_load %arg14[%get3A_163] {strides = array<i32>} : memref<512xf32, #tpu.memory_space<vmem>>, vector<16xf32>,
    %max3A_165 = arith.maximumf %max3A_159, %get3A_164 : vector<16xf32>
    %get3A_166 = arith.constant 448 : index
    %get3A_167 = tpu.vector_load %arg13[%get3A_166] {strides = array<i32>} : memref<512xf32, #tpu.memory_space<vmem>>, vector<16xf32>,
    %min3A_168 = arith.minimumf %min3A_162, %get3A_167 : vector<16xf32>
    %get3A_169 = arith.constant 448 : index
    %get3A_170 = tpu.vector_load %arg14[%get3A_169] {strides = array<i32>} : memref<512xf32, #tpu.memory_space<vmem>>, vector<16xf32>,
    %max3A_171 = arith.maximumf %max3A_165, %get3A_170 : vector<16xf32>
    %get3A_172 = arith.constant 464 : index
    %get3A_173 = tpu.vector_load %arg13[%get3A_172] {strides = array<i32>} : memref<512xf32, #tpu.memory_space<vmem>>, vector<16xf32>,
    %min3A_174 = arith.minimumf %min3A_168, %get3A_173 : vector<16xf32>
    %get3A_175 = arith.constant 464 : index
    %get3A_176 = tpu.vector_load %arg14[%get3A_175] {strides = array<i32>} : memref<512xf32, #tpu.memory_space<vmem>>, vector<16xf32>,
    %max3A_177 = arith.maximumf %max3A_171, %get3A_176 : vector<16xf32>
    %get3A_178 = arith.constant 480 : index
    %get3A_179 = tpu.vector_load %arg13[%get3A_178] {strides = array<i32>} : memref<512xf32, #tpu.memory_space<vmem>>, vector<16xf32>,
    %min3A_180 = arith.minimumf %min3A_174, %get3A_179 : vector<16xf32>
    %get3A_181 = arith.constant 480 : index
    %get3A_182 = tpu.vector_load %arg14[%get3A_181] {strides = array<i32>} : memref<512xf32, #tpu.memory_space<vmem>>, vector<16xf32>,
    %max3A_183 = arith.maximumf %max3A_177, %get3A_182 : vector<16xf32>
    %get3A_184 = arith.constant 496 : index
    %get3A_185 = tpu.vector_load %arg13[%get3A_184] {strides = array<i32>} : memref<512xf32, #tpu.memory_space<vmem>>, vector<16xf32>,
    %min3A_186 = arith.minimumf %min3A_180, %get3A_185 : vector<16xf32>
    %get3A_187 = arith.constant 496 : index
    %get3A_188 = tpu.vector_load %arg14[%get3A_187] {strides = array<i32>} : memref<512xf32, #tpu.memory_space<vmem>>, vector<16xf32>,
    %max3A_189 = arith.maximumf %max3A_183, %get3A_188 : vector<16xf32>
    %reduce_min3A = arith.constant true
    %reduce_min3A_190 = vector.broadcast %reduce_min3A : i1 to vector<16xi1>
    %reduce_min3A_191 = tpu.scan <min>, %min3A_186 masked %reduce_min3A_190 : vector<16xf32>, vector<16xi1> -> vector<16xf32>
    %reduce_min3A_192 = vector.extract %reduce_min3A_191[15] : f32 from vector<16xf32>
    %reduce_max3A = arith.constant true
    %reduce_max3A_193 = vector.broadcast %reduce_max3A : i1 to vector<16xi1>
    %reduce_max3A_194 = tpu.scan <max>, %max3A_189 masked %reduce_max3A_193 : vector<16xf32>, vector<16xi1> -> vector<16xf32>
    %reduce_max3A_195 = vector.extract %reduce_max3A_194[15] : f32 from vector<16xf32>
    %broadcast_in_dim3A = vector.broadcast %reduce_min3A_192 : f32 to vector<16xf32>
    %broadcast_in_dim3A_196 = vector.broadcast %reduce_max3A_195 : f32 to vector<16xf32>
    %sub3A = arith.subf %broadcast_in_dim3A_196, %broadcast_in_dim3A : vector<16xf32>
    %eq3A = arith.constant 0.000000e+00 : f32
    %eq3A_197 = vector.broadcast %eq3A : f32 to vector<16xf32>
    %eq3A_198 = arith.cmpf oeq, %sub3A, %eq3A_197 : vector<16xf32>
    %jit3A = arith.constant 1.000000e+00 : f32
    %broadcast_in_dim3A_199 = vector.broadcast %jit3A : f32 to vector<16xf32>
    %select_n3A = arith.select %eq3A_198, %broadcast_in_dim3A_199, %sub3A : vector<16xi1>, vector<16xf32>
    %broadcast_in_dim3A_200 = arith.constant 2.048000e+03 : f32
    %broadcast_in_dim3A_201 = vector.broadcast %broadcast_in_dim3A_200 : f32 to vector<16xf32>
    %div3A = arith.divf %broadcast_in_dim3A_201, %select_n3A : vector<16xf32>
    %eq3A_202 = arith.constant 0x7F800000 : f32
    %eq3A_203 = vector.broadcast %eq3A_202 : f32 to vector<16xf32>
    %eq3A_204 = arith.cmpf oeq, %div3A, %eq3A_203 : vector<16xf32>
    %jit3A_205 = arith.constant 0.000000e+00 : f32
    %broadcast_in_dim3A_206 = vector.broadcast %jit3A_205 : f32 to vector<16xf32>
    %select_n3A_207 = arith.select %eq3A_204, %broadcast_in_dim3A_206, %div3A : vector<16xi1>, vector<16xf32>
    %broadcast_in_dim3A_208 = arith.constant 1.000000e+00 : f32
    %broadcast_in_dim3A_209 = vector.broadcast %broadcast_in_dim3A_208 : f32 to vector<16xf32>
    %eq3A_210 = arith.constant 0 : i32
    %eq3A_211 = arith.cmpi eq, %add3A, %eq3A_210 : i32
    %convert_element_type3A = arith.extui %eq3A_211 : i1 to i32
    %cond3A = arith.constant 0 : i32
    %cond3A_212 = arith.cmpi ne, %convert_element_type3A, %cond3A : i32
    scf.if %cond3A_212 {
      %swap3A_465 = arith.constant 0 : index
      %swap3A_466 = tpu.vector_load %arg15[%swap3A_465] {strides = array<i32>} : memref<16xf32, #tpu.memory_space<vmem>>, vector<16xf32>,
      tpu.vector_store %arg15[%swap3A_465], %broadcast_in_dim3A {strides = array<i32>} : memref<16xf32, #tpu.memory_space<vmem>>, vector<16xf32>,
      %swap3A_467 = arith.constant 0 : index
      %swap3A_468 = tpu.vector_load %arg16[%swap3A_467] {strides = array<i32>} : memref<16xf32, #tpu.memory_space<vmem>>, vector<16xf32>,
      tpu.vector_store %arg16[%swap3A_467], %broadcast_in_dim3A_196 {strides = array<i32>} : memref<16xf32, #tpu.memory_space<vmem>>, vector<16xf32>,
      "tpu.region"() ({
        %run_scoped3A = tpu.sem_alloc : memref<!tpu.dma_semaphore, #tpu.memory_space<semaphore_mem>>
        tpu.enqueue_dma source(%arg15 : memref<16xf32, #tpu.memory_space<vmem>>) target(%arg7 : memref<16xf32, #tpu.memory_space<hbm>>) target_semaphore(%run_scoped3A : memref<!tpu.dma_semaphore, #tpu.memory_space<semaphore_mem>>)
        tpu.wait_dma2 semaphore(%run_scoped3A : memref<!tpu.dma_semaphore, #tpu.memory_space<semaphore_mem>>) src(%arg15 : memref<16xf32, #tpu.memory_space<vmem>>) dst(%arg7 : memref<16xf32, #tpu.memory_space<hbm>>)
        tpu.yield
      }) : () -> ()
      "tpu.region"() ({
        %run_scoped3A = tpu.sem_alloc : memref<!tpu.dma_semaphore, #tpu.memory_space<semaphore_mem>>
        tpu.enqueue_dma source(%arg16 : memref<16xf32, #tpu.memory_space<vmem>>) target(%arg8 : memref<16xf32, #tpu.memory_space<hbm>>) target_semaphore(%run_scoped3A : memref<!tpu.dma_semaphore, #tpu.memory_space<semaphore_mem>>)
        tpu.wait_dma2 semaphore(%run_scoped3A : memref<!tpu.dma_semaphore, #tpu.memory_space<semaphore_mem>>) src(%arg16 : memref<16xf32, #tpu.memory_space<vmem>>) dst(%arg8 : memref<16xf32, #tpu.memory_space<hbm>>)
        tpu.yield
      }) : () -> ()
    } else {
    }
    %scan3A = arith.constant 0 : i32
    %scan3A_213 = arith.constant 128 : i32
    %scan3A_214 = arith.addi %scan3A, %scan3A_213 : i32
    %scan3A_215 = arith.constant 8 : i32
    scf.for %scan3A_465 = %scan3A to %scan3A_214 step %scan3A_215  : i32 {
      %mul3A_466 = arith.constant 1 : i32
      %mul3A_467 = arith.muli %scan3A_465, %mul3A_466 : i32
      %add3A_468 = arith.constant 0 : i32
      %add3A_469 = arith.addi %add3A_468, %mul3A_467 : i32
      %broadcast_in_dim3A_470 = arith.constant 0.000000e+00 : f32
      %broadcast_in_dim3A_471 = vector.broadcast %broadcast_in_dim3A_470 : f32 to vector<16xf32>
      %mul3A_472 = arith.constant 16 : i32
      %mul3A_473 = arith.muli %add3A_469, %mul3A_472 : i32
      %swap3A_474 = arith.index_cast %mul3A_473 : i32 to index
      %swap3A_475 = tpu.vector_load %arg12[%swap3A_474] {strides = array<i32>} : memref<2064xf32, #tpu.memory_space<vmem>>, vector<16xf32>,
      tpu.vector_store %arg12[%swap3A_474], %broadcast_in_dim3A_471 {strides = array<i32>} : memref<2064xf32, #tpu.memory_space<vmem>>, vector<16xf32>,
      %scan3A_476 = arith.constant 1 : i32
      %scan3A_477 = arith.addi %scan3A_465, %scan3A_476 : i32
      %mul3A_478 = arith.constant 1 : i32
      %mul3A_479 = arith.muli %scan3A_477, %mul3A_478 : i32
      %add3A_480 = arith.constant 0 : i32
      %add3A_481 = arith.addi %add3A_480, %mul3A_479 : i32
      %broadcast_in_dim3A_482 = arith.constant 0.000000e+00 : f32
      %broadcast_in_dim3A_483 = vector.broadcast %broadcast_in_dim3A_482 : f32 to vector<16xf32>
      %mul3A_484 = arith.constant 16 : i32
      %mul3A_485 = arith.muli %add3A_481, %mul3A_484 : i32
      %swap3A_486 = arith.index_cast %mul3A_485 : i32 to index
      %swap3A_487 = tpu.vector_load %arg12[%swap3A_486] {strides = array<i32>} : memref<2064xf32, #tpu.memory_space<vmem>>, vector<16xf32>,
      tpu.vector_store %arg12[%swap3A_486], %broadcast_in_dim3A_483 {strides = array<i32>} : memref<2064xf32, #tpu.memory_space<vmem>>, vector<16xf32>,
      %scan3A_488 = arith.constant 2 : i32
      %scan3A_489 = arith.addi %scan3A_465, %scan3A_488 : i32
      %mul3A_490 = arith.constant 1 : i32
      %mul3A_491 = arith.muli %scan3A_489, %mul3A_490 : i32
      %add3A_492 = arith.constant 0 : i32
      %add3A_493 = arith.addi %add3A_492, %mul3A_491 : i32
      %broadcast_in_dim3A_494 = arith.constant 0.000000e+00 : f32
      %broadcast_in_dim3A_495 = vector.broadcast %broadcast_in_dim3A_494 : f32 to vector<16xf32>
      %mul3A_496 = arith.constant 16 : i32
      %mul3A_497 = arith.muli %add3A_493, %mul3A_496 : i32
      %swap3A_498 = arith.index_cast %mul3A_497 : i32 to index
      %swap3A_499 = tpu.vector_load %arg12[%swap3A_498] {strides = array<i32>} : memref<2064xf32, #tpu.memory_space<vmem>>, vector<16xf32>,
      tpu.vector_store %arg12[%swap3A_498], %broadcast_in_dim3A_495 {strides = array<i32>} : memref<2064xf32, #tpu.memory_space<vmem>>, vector<16xf32>,
      %scan3A_500 = arith.constant 3 : i32
      %scan3A_501 = arith.addi %scan3A_465, %scan3A_500 : i32
      %mul3A_502 = arith.constant 1 : i32
      %mul3A_503 = arith.muli %scan3A_501, %mul3A_502 : i32
      %add3A_504 = arith.constant 0 : i32
      %add3A_505 = arith.addi %add3A_504, %mul3A_503 : i32
      %broadcast_in_dim3A_506 = arith.constant 0.000000e+00 : f32
      %broadcast_in_dim3A_507 = vector.broadcast %broadcast_in_dim3A_506 : f32 to vector<16xf32>
      %mul3A_508 = arith.constant 16 : i32
      %mul3A_509 = arith.muli %add3A_505, %mul3A_508 : i32
      %swap3A_510 = arith.index_cast %mul3A_509 : i32 to index
      %swap3A_511 = tpu.vector_load %arg12[%swap3A_510] {strides = array<i32>} : memref<2064xf32, #tpu.memory_space<vmem>>, vector<16xf32>,
      tpu.vector_store %arg12[%swap3A_510], %broadcast_in_dim3A_507 {strides = array<i32>} : memref<2064xf32, #tpu.memory_space<vmem>>, vector<16xf32>,
      %scan3A_512 = arith.constant 4 : i32
      %scan3A_513 = arith.addi %scan3A_465, %scan3A_512 : i32
      %mul3A_514 = arith.constant 1 : i32
      %mul3A_515 = arith.muli %scan3A_513, %mul3A_514 : i32
      %add3A_516 = arith.constant 0 : i32
      %add3A_517 = arith.addi %add3A_516, %mul3A_515 : i32
      %broadcast_in_dim3A_518 = arith.constant 0.000000e+00 : f32
      %broadcast_in_dim3A_519 = vector.broadcast %broadcast_in_dim3A_518 : f32 to vector<16xf32>
      %mul3A_520 = arith.constant 16 : i32
      %mul3A_521 = arith.muli %add3A_517, %mul3A_520 : i32
      %swap3A_522 = arith.index_cast %mul3A_521 : i32 to index
      %swap3A_523 = tpu.vector_load %arg12[%swap3A_522] {strides = array<i32>} : memref<2064xf32, #tpu.memory_space<vmem>>, vector<16xf32>,
      tpu.vector_store %arg12[%swap3A_522], %broadcast_in_dim3A_519 {strides = array<i32>} : memref<2064xf32, #tpu.memory_space<vmem>>, vector<16xf32>,
      %scan3A_524 = arith.constant 5 : i32
      %scan3A_525 = arith.addi %scan3A_465, %scan3A_524 : i32
      %mul3A_526 = arith.constant 1 : i32
      %mul3A_527 = arith.muli %scan3A_525, %mul3A_526 : i32
      %add3A_528 = arith.constant 0 : i32
      %add3A_529 = arith.addi %add3A_528, %mul3A_527 : i32
      %broadcast_in_dim3A_530 = arith.constant 0.000000e+00 : f32
      %broadcast_in_dim3A_531 = vector.broadcast %broadcast_in_dim3A_530 : f32 to vector<16xf32>
      %mul3A_532 = arith.constant 16 : i32
      %mul3A_533 = arith.muli %add3A_529, %mul3A_532 : i32
      %swap3A_534 = arith.index_cast %mul3A_533 : i32 to index
      %swap3A_535 = tpu.vector_load %arg12[%swap3A_534] {strides = array<i32>} : memref<2064xf32, #tpu.memory_space<vmem>>, vector<16xf32>,
      tpu.vector_store %arg12[%swap3A_534], %broadcast_in_dim3A_531 {strides = array<i32>} : memref<2064xf32, #tpu.memory_space<vmem>>, vector<16xf32>,
      %scan3A_536 = arith.constant 6 : i32
      %scan3A_537 = arith.addi %scan3A_465, %scan3A_536 : i32
      %mul3A_538 = arith.constant 1 : i32
      %mul3A_539 = arith.muli %scan3A_537, %mul3A_538 : i32
      %add3A_540 = arith.constant 0 : i32
      %add3A_541 = arith.addi %add3A_540, %mul3A_539 : i32
      %broadcast_in_dim3A_542 = arith.constant 0.000000e+00 : f32
      %broadcast_in_dim3A_543 = vector.broadcast %broadcast_in_dim3A_542 : f32 to vector<16xf32>
      %mul3A_544 = arith.constant 16 : i32
      %mul3A_545 = arith.muli %add3A_541, %mul3A_544 : i32
      %swap3A_546 = arith.index_cast %mul3A_545 : i32 to index
      %swap3A_547 = tpu.vector_load %arg12[%swap3A_546] {strides = array<i32>} : memref<2064xf32, #tpu.memory_space<vmem>>, vector<16xf32>,
      tpu.vector_store %arg12[%swap3A_546], %broadcast_in_dim3A_543 {strides = array<i32>} : memref<2064xf32, #tpu.memory_space<vmem>>, vector<16xf32>,
      %scan3A_548 = arith.constant 7 : i32
      %scan3A_549 = arith.addi %scan3A_465, %scan3A_548 : i32
      %mul3A_550 = arith.constant 1 : i32
      %mul3A_551 = arith.muli %scan3A_549, %mul3A_550 : i32
      %add3A_552 = arith.constant 0 : i32
      %add3A_553 = arith.addi %add3A_552, %mul3A_551 : i32
      %broadcast_in_dim3A_554 = arith.constant 0.000000e+00 : f32
      %broadcast_in_dim3A_555 = vector.broadcast %broadcast_in_dim3A_554 : f32 to vector<16xf32>
      %mul3A_556 = arith.constant 16 : i32
      %mul3A_557 = arith.muli %add3A_553, %mul3A_556 : i32
      %swap3A_558 = arith.index_cast %mul3A_557 : i32 to index
      %swap3A_559 = tpu.vector_load %arg12[%swap3A_558] {strides = array<i32>} : memref<2064xf32, #tpu.memory_space<vmem>>, vector<16xf32>,
      tpu.vector_store %arg12[%swap3A_558], %broadcast_in_dim3A_555 {strides = array<i32>} : memref<2064xf32, #tpu.memory_space<vmem>>, vector<16xf32>,
    }
    %scan3A_216 = arith.constant 128 : i32
    %scan3A_217 = arith.addi %scan3A, %scan3A_216 : i32
    %mul3A_218 = arith.constant 1 : i32
    %mul3A_219 = arith.muli %scan3A_217, %mul3A_218 : i32
    %add3A_220 = arith.constant 0 : i32
    %add3A_221 = arith.addi %add3A_220, %mul3A_219 : i32
    %broadcast_in_dim3A_222 = arith.constant 0.000000e+00 : f32
    %broadcast_in_dim3A_223 = vector.broadcast %broadcast_in_dim3A_222 : f32 to vector<16xf32>
    %mul3A_224 = arith.constant 16 : i32
    %mul3A_225 = arith.muli %add3A_221, %mul3A_224 : i32
    %swap3A = arith.index_cast %mul3A_225 : i32 to index
    %swap3A_226 = tpu.vector_load %arg12[%swap3A] {strides = array<i32>} : memref<2064xf32, #tpu.memory_space<vmem>>, vector<16xf32>,
    tpu.vector_store %arg12[%swap3A], %broadcast_in_dim3A_223 {strides = array<i32>} : memref<2064xf32, #tpu.memory_space<vmem>>, vector<16xf32>,
    %scan3A_227 = arith.constant 129 : i32
    %add3A_228 = arith.constant 0 : i32
    %add3A_229 = arith.addi %mul3A_2, %add3A_228 : i32
    %dma_start3A = tpu.memref_slice %arg2[%add3A_229] : memref<16777216xf32, #tpu.memory_space<hbm>> -> memref<32768xf32, #tpu.memory_space<hbm>>
    %dma_start3A_230 = tpu.memref_slice %arg2[%add3A_229] : memref<16777216xf32, #tpu.memory_space<hbm>> -> memref<32768xf32, #tpu.memory_space<hbm>>
    tpu.enqueue_dma source(%dma_start3A_230 : memref<32768xf32, #tpu.memory_space<hbm>>) target(%arg9 : memref<32768xf32, #tpu.memory_space<vmem>>) target_semaphore(%arg17 : memref<!tpu.dma_semaphore, #tpu.memory_space<semaphore_mem>>)
    %add3A_231 = arith.constant 32768 : i32
    %add3A_232 = arith.addi %mul3A_2, %add3A_231 : i32
    %dma_start3A_233 = tpu.memref_slice %arg2[%add3A_232] : memref<16777216xf32, #tpu.memory_space<hbm>> -> memref<32768xf32, #tpu.memory_space<hbm>>
    %dma_start3A_234 = tpu.memref_slice %arg2[%add3A_232] : memref<16777216xf32, #tpu.memory_space<hbm>> -> memref<32768xf32, #tpu.memory_space<hbm>>
    tpu.enqueue_dma source(%dma_start3A_234 : memref<32768xf32, #tpu.memory_space<hbm>>) target(%arg10 : memref<32768xf32, #tpu.memory_space<vmem>>) target_semaphore(%arg18 : memref<!tpu.dma_semaphore, #tpu.memory_space<semaphore_mem>>)
    %dma_wait3A = tpu.memref_slice %arg2[%add3A_229] : memref<16777216xf32, #tpu.memory_space<hbm>> -> memref<32768xf32, #tpu.memory_space<hbm>>
    %dma_wait3A_235 = tpu.memref_slice %arg2[%add3A_229] : memref<16777216xf32, #tpu.memory_space<hbm>> -> memref<32768xf32, #tpu.memory_space<hbm>>
    tpu.wait_dma2 semaphore(%arg17 : memref<!tpu.dma_semaphore, #tpu.memory_space<semaphore_mem>>) src(%dma_wait3A_235 : memref<32768xf32, #tpu.memory_space<hbm>>) dst(%arg9 : memref<32768xf32, #tpu.memory_space<vmem>>)
    %parallel_loop3A = arith.constant 0 : i32
    %parallel_loop3A_236 = arith.constant 2048 : i32
    %parallel_loop3A_237 = arith.constant 1 : i32
    scf.for %parallel_loop3A_465 = %parallel_loop3A to %parallel_loop3A_236 step %parallel_loop3A_237  : i32 {
      %parallel_loop3A_466 = arith.constant 16 : i32
      %parallel_loop3A_467 = arith.muli %parallel_loop3A_465, %parallel_loop3A_466 : i32
      %parallel_loop3A_468 = arith.index_cast %parallel_loop3A_467 : i32 to index
      %parallel_loop3A_469 = tpu.vector_load %arg9[%parallel_loop3A_468] {strides = array<i32>} : memref<32768xf32, #tpu.memory_space<vmem>>, vector<16xf32>,
      %parallel_loop3A_470 = arith.subf %parallel_loop3A_469, %broadcast_in_dim3A : vector<16xf32>
      %parallel_loop3A_471 = arith.mulf %parallel_loop3A_470, %select_n3A_207 : vector<16xf32>
      %parallel_loop3A_472 = arith.fptosi %parallel_loop3A_471 : vector<16xf32> to vector<16xi32>
      tpu.vector_store_idx %arg12[%parallel_loop3A_472], %broadcast_in_dim3A_209 {add = true} : memref<2064xf32, #tpu.memory_space<vmem>>[vector<16xi32>], vector<16xf32>,
    } {sc.loop_unroll_factor = 4 : i64, sc.parallel_access}
    %add3A_238 = arith.constant 0 : i32
    %add3A_239 = arith.addi %mul3A_2, %add3A_238 : i32
    %dma_start3A_240 = tpu.memref_slice %arg6[%add3A_239] : memref<16777216xf32, #tpu.memory_space<hbm>> -> memref<32768xf32, #tpu.memory_space<hbm>>
    %dma_start3A_241 = tpu.memref_slice %arg6[%add3A_239] : memref<16777216xf32, #tpu.memory_space<hbm>> -> memref<32768xf32, #tpu.memory_space<hbm>>
    tpu.enqueue_dma source(%arg9 : memref<32768xf32, #tpu.memory_space<vmem>>) target(%dma_start3A_241 : memref<32768xf32, #tpu.memory_space<hbm>>) target_semaphore(%arg20 : memref<!tpu.dma_semaphore, #tpu.memory_space<semaphore_mem>>)
    %add3A_242 = arith.constant 65536 : i32
    %add3A_243 = arith.addi %mul3A_2, %add3A_242 : i32
    %dma_start3A_244 = tpu.memref_slice %arg2[%add3A_243] : memref<16777216xf32, #tpu.memory_space<hbm>> -> memref<32768xf32, #tpu.memory_space<hbm>>
    %dma_start3A_245 = tpu.memref_slice %arg2[%add3A_243] : memref<16777216xf32, #tpu.memory_space<hbm>> -> memref<32768xf32, #tpu.memory_space<hbm>>
    tpu.enqueue_dma source(%dma_start3A_245 : memref<32768xf32, #tpu.memory_space<hbm>>) target(%arg11 : memref<32768xf32, #tpu.memory_space<vmem>>) target_semaphore(%arg19 : memref<!tpu.dma_semaphore, #tpu.memory_space<semaphore_mem>>)
    %dma_wait3A_246 = tpu.memref_slice %arg2[%add3A_232] : memref<16777216xf32, #tpu.memory_space<hbm>> -> memref<32768xf32, #tpu.memory_space<hbm>>
    %dma_wait3A_247 = tpu.memref_slice %arg2[%add3A_232] : memref<16777216xf32, #tpu.memory_space<hbm>> -> memref<32768xf32, #tpu.memory_space<hbm>>
    tpu.wait_dma2 semaphore(%arg18 : memref<!tpu.dma_semaphore, #tpu.memory_space<semaphore_mem>>) src(%dma_wait3A_247 : memref<32768xf32, #tpu.memory_space<hbm>>) dst(%arg10 : memref<32768xf32, #tpu.memory_space<vmem>>)
    %parallel_loop3A_248 = arith.constant 0 : i32
    %parallel_loop3A_249 = arith.constant 2048 : i32
    %parallel_loop3A_250 = arith.constant 1 : i32
    scf.for %parallel_loop3A_465 = %parallel_loop3A_248 to %parallel_loop3A_249 step %parallel_loop3A_250  : i32 {
      %parallel_loop3A_466 = arith.constant 16 : i32
      %parallel_loop3A_467 = arith.muli %parallel_loop3A_465, %parallel_loop3A_466 : i32
      %parallel_loop3A_468 = arith.index_cast %parallel_loop3A_467 : i32 to index
      %parallel_loop3A_469 = tpu.vector_load %arg10[%parallel_loop3A_468] {strides = array<i32>} : memref<32768xf32, #tpu.memory_space<vmem>>, vector<16xf32>,
      %parallel_loop3A_470 = arith.subf %parallel_loop3A_469, %broadcast_in_dim3A : vector<16xf32>
      %parallel_loop3A_471 = arith.mulf %parallel_loop3A_470, %select_n3A_207 : vector<16xf32>
      %parallel_loop3A_472 = arith.fptosi %parallel_loop3A_471 : vector<16xf32> to vector<16xi32>
      tpu.vector_store_idx %arg12[%parallel_loop3A_472], %broadcast_in_dim3A_209 {add = true} : memref<2064xf32, #tpu.memory_space<vmem>>[vector<16xi32>], vector<16xf32>,
    } {sc.loop_unroll_factor = 4 : i64, sc.parallel_access}
    %add3A_251 = arith.constant 32768 : i32
    %add3A_252 = arith.addi %mul3A_2, %add3A_251 : i32
    %dma_start3A_253 = tpu.memref_slice %arg6[%add3A_252] : memref<16777216xf32, #tpu.memory_space<hbm>> -> memref<32768xf32, #tpu.memory_space<hbm>>
    %dma_start3A_254 = tpu.memref_slice %arg6[%add3A_252] : memref<16777216xf32, #tpu.memory_space<hbm>> -> memref<32768xf32, #tpu.memory_space<hbm>>
    tpu.enqueue_dma source(%arg10 : memref<32768xf32, #tpu.memory_space<vmem>>) target(%dma_start3A_254 : memref<32768xf32, #tpu.memory_space<hbm>>) target_semaphore(%arg21 : memref<!tpu.dma_semaphore, #tpu.memory_space<semaphore_mem>>)
    %dma_wait3A_255 = tpu.memref_slice %arg6[%add3A_239] : memref<16777216xf32, #tpu.memory_space<hbm>> -> memref<32768xf32, #tpu.memory_space<hbm>>
    %dma_wait3A_256 = tpu.memref_slice %arg6[%add3A_239] : memref<16777216xf32, #tpu.memory_space<hbm>> -> memref<32768xf32, #tpu.memory_space<hbm>>
    tpu.wait_dma2 semaphore(%arg20 : memref<!tpu.dma_semaphore, #tpu.memory_space<semaphore_mem>>) src(%arg9 : memref<32768xf32, #tpu.memory_space<vmem>>) dst(%dma_wait3A_256 : memref<32768xf32, #tpu.memory_space<hbm>>)
    %add3A_257 = arith.constant 98304 : i32
    %add3A_258 = arith.addi %mul3A_2, %add3A_257 : i32
    %dma_start3A_259 = tpu.memref_slice %arg2[%add3A_258] : memref<16777216xf32, #tpu.memory_space<hbm>> -> memref<32768xf32, #tpu.memory_space<hbm>>
    %dma_start3A_260 = tpu.memref_slice %arg2[%add3A_258] : memref<16777216xf32, #tpu.memory_space<hbm>> -> memref<32768xf32, #tpu.memory_space<hbm>>
    tpu.enqueue_dma source(%dma_start3A_260 : memref<32768xf32, #tpu.memory_space<hbm>>) target(%arg9 : memref<32768xf32, #tpu.memory_space<vmem>>) target_semaphore(%arg17 : memref<!tpu.dma_semaphore, #tpu.memory_space<semaphore_mem>>)
    %dma_wait3A_261 = tpu.memref_slice %arg2[%add3A_243] : memref<16777216xf32, #tpu.memory_space<hbm>> -> memref<32768xf32, #tpu.memory_space<hbm>>
    %dma_wait3A_262 = tpu.memref_slice %arg2[%add3A_243] : memref<16777216xf32, #tpu.memory_space<hbm>> -> memref<32768xf32, #tpu.memory_space<hbm>>
    tpu.wait_dma2 semaphore(%arg19 : memref<!tpu.dma_semaphore, #tpu.memory_space<semaphore_mem>>) src(%dma_wait3A_262 : memref<32768xf32, #tpu.memory_space<hbm>>) dst(%arg11 : memref<32768xf32, #tpu.memory_space<vmem>>)
    %parallel_loop3A_263 = arith.constant 0 : i32
    %parallel_loop3A_264 = arith.constant 2048 : i32
    %parallel_loop3A_265 = arith.constant 1 : i32
    scf.for %parallel_loop3A_465 = %parallel_loop3A_263 to %parallel_loop3A_264 step %parallel_loop3A_265  : i32 {
      %parallel_loop3A_466 = arith.constant 16 : i32
      %parallel_loop3A_467 = arith.muli %parallel_loop3A_465, %parallel_loop3A_466 : i32
      %parallel_loop3A_468 = arith.index_cast %parallel_loop3A_467 : i32 to index
      %parallel_loop3A_469 = tpu.vector_load %arg11[%parallel_loop3A_468] {strides = array<i32>} : memref<32768xf32, #tpu.memory_space<vmem>>, vector<16xf32>,
      %parallel_loop3A_470 = arith.subf %parallel_loop3A_469, %broadcast_in_dim3A : vector<16xf32>
      %parallel_loop3A_471 = arith.mulf %parallel_loop3A_470, %select_n3A_207 : vector<16xf32>
      %parallel_loop3A_472 = arith.fptosi %parallel_loop3A_471 : vector<16xf32> to vector<16xi32>
      tpu.vector_store_idx %arg12[%parallel_loop3A_472], %broadcast_in_dim3A_209 {add = true} : memref<2064xf32, #tpu.memory_space<vmem>>[vector<16xi32>], vector<16xf32>,
    } {sc.loop_unroll_factor = 4 : i64, sc.parallel_access}
    %add3A_266 = arith.constant 65536 : i32
    %add3A_267 = arith.addi %mul3A_2, %add3A_266 : i32
    %dma_start3A_268 = tpu.memref_slice %arg6[%add3A_267] : memref<16777216xf32, #tpu.memory_space<hbm>> -> memref<32768xf32, #tpu.memory_space<hbm>>
    %dma_start3A_269 = tpu.memref_slice %arg6[%add3A_267] : memref<16777216xf32, #tpu.memory_space<hbm>> -> memref<32768xf32, #tpu.memory_space<hbm>>
    tpu.enqueue_dma source(%arg11 : memref<32768xf32, #tpu.memory_space<vmem>>) target(%dma_start3A_269 : memref<32768xf32, #tpu.memory_space<hbm>>) target_semaphore(%arg22 : memref<!tpu.dma_semaphore, #tpu.memory_space<semaphore_mem>>)
    %dma_wait3A_270 = tpu.memref_slice %arg6[%add3A_252] : memref<16777216xf32, #tpu.memory_space<hbm>> -> memref<32768xf32, #tpu.memory_space<hbm>>
    %dma_wait3A_271 = tpu.memref_slice %arg6[%add3A_252] : memref<16777216xf32, #tpu.memory_space<hbm>> -> memref<32768xf32, #tpu.memory_space<hbm>>
    tpu.wait_dma2 semaphore(%arg21 : memref<!tpu.dma_semaphore, #tpu.memory_space<semaphore_mem>>) src(%arg10 : memref<32768xf32, #tpu.memory_space<vmem>>) dst(%dma_wait3A_271 : memref<32768xf32, #tpu.memory_space<hbm>>)
    %add3A_272 = arith.constant 131072 : i32
    %add3A_273 = arith.addi %mul3A_2, %add3A_272 : i32
    %dma_start3A_274 = tpu.memref_slice %arg2[%add3A_273] : memref<16777216xf32, #tpu.memory_space<hbm>> -> memref<32768xf32, #tpu.memory_space<hbm>>
    %dma_start3A_275 = tpu.memref_slice %arg2[%add3A_273] : memref<16777216xf32, #tpu.memory_space<hbm>> -> memref<32768xf32, #tpu.memory_space<hbm>>
    tpu.enqueue_dma source(%dma_start3A_275 : memref<32768xf32, #tpu.memory_space<hbm>>) target(%arg10 : memref<32768xf32, #tpu.memory_space<vmem>>) target_semaphore(%arg18 : memref<!tpu.dma_semaphore, #tpu.memory_space<semaphore_mem>>)
    %dma_wait3A_276 = tpu.memref_slice %arg2[%add3A_258] : memref<16777216xf32, #tpu.memory_space<hbm>> -> memref<32768xf32, #tpu.memory_space<hbm>>
    %dma_wait3A_277 = tpu.memref_slice %arg2[%add3A_258] : memref<16777216xf32, #tpu.memory_space<hbm>> -> memref<32768xf32, #tpu.memory_space<hbm>>
    tpu.wait_dma2 semaphore(%arg17 : memref<!tpu.dma_semaphore, #tpu.memory_space<semaphore_mem>>) src(%dma_wait3A_277 : memref<32768xf32, #tpu.memory_space<hbm>>) dst(%arg9 : memref<32768xf32, #tpu.memory_space<vmem>>)
    %parallel_loop3A_278 = arith.constant 0 : i32
    %parallel_loop3A_279 = arith.constant 2048 : i32
    %parallel_loop3A_280 = arith.constant 1 : i32
    scf.for %parallel_loop3A_465 = %parallel_loop3A_278 to %parallel_loop3A_279 step %parallel_loop3A_280  : i32 {
      %parallel_loop3A_466 = arith.constant 16 : i32
      %parallel_loop3A_467 = arith.muli %parallel_loop3A_465, %parallel_loop3A_466 : i32
      %parallel_loop3A_468 = arith.index_cast %parallel_loop3A_467 : i32 to index
      %parallel_loop3A_469 = tpu.vector_load %arg9[%parallel_loop3A_468] {strides = array<i32>} : memref<32768xf32, #tpu.memory_space<vmem>>, vector<16xf32>,
      %parallel_loop3A_470 = arith.subf %parallel_loop3A_469, %broadcast_in_dim3A : vector<16xf32>
      %parallel_loop3A_471 = arith.mulf %parallel_loop3A_470, %select_n3A_207 : vector<16xf32>
      %parallel_loop3A_472 = arith.fptosi %parallel_loop3A_471 : vector<16xf32> to vector<16xi32>
      tpu.vector_store_idx %arg12[%parallel_loop3A_472], %broadcast_in_dim3A_209 {add = true} : memref<2064xf32, #tpu.memory_space<vmem>>[vector<16xi32>], vector<16xf32>,
    } {sc.loop_unroll_factor = 4 : i64, sc.parallel_access}
    %add3A_281 = arith.constant 98304 : i32
    %add3A_282 = arith.addi %mul3A_2, %add3A_281 : i32
    %dma_start3A_283 = tpu.memref_slice %arg6[%add3A_282] : memref<16777216xf32, #tpu.memory_space<hbm>> -> memref<32768xf32, #tpu.memory_space<hbm>>
    %dma_start3A_284 = tpu.memref_slice %arg6[%add3A_282] : memref<16777216xf32, #tpu.memory_space<hbm>> -> memref<32768xf32, #tpu.memory_space<hbm>>
    tpu.enqueue_dma source(%arg9 : memref<32768xf32, #tpu.memory_space<vmem>>) target(%dma_start3A_284 : memref<32768xf32, #tpu.memory_space<hbm>>) target_semaphore(%arg20 : memref<!tpu.dma_semaphore, #tpu.memory_space<semaphore_mem>>)
    %dma_wait3A_285 = tpu.memref_slice %arg6[%add3A_267] : memref<16777216xf32, #tpu.memory_space<hbm>> -> memref<32768xf32, #tpu.memory_space<hbm>>
    %dma_wait3A_286 = tpu.memref_slice %arg6[%add3A_267] : memref<16777216xf32, #tpu.memory_space<hbm>> -> memref<32768xf32, #tpu.memory_space<hbm>>
    tpu.wait_dma2 semaphore(%arg22 : memref<!tpu.dma_semaphore, #tpu.memory_space<semaphore_mem>>) src(%arg11 : memref<32768xf32, #tpu.memory_space<vmem>>) dst(%dma_wait3A_286 : memref<32768xf32, #tpu.memory_space<hbm>>)
    %add3A_287 = arith.constant 163840 : i32
    %add3A_288 = arith.addi %mul3A_2, %add3A_287 : i32
    %dma_start3A_289 = tpu.memref_slice %arg2[%add3A_288] : memref<16777216xf32, #tpu.memory_space<hbm>> -> memref<32768xf32, #tpu.memory_space<hbm>>
    %dma_start3A_290 = tpu.memref_slice %arg2[%add3A_288] : memref<16777216xf32, #tpu.memory_space<hbm>> -> memref<32768xf32, #tpu.memory_space<hbm>>
    tpu.enqueue_dma source(%dma_start3A_290 : memref<32768xf32, #tpu.memory_space<hbm>>) target(%arg11 : memref<32768xf32, #tpu.memory_space<vmem>>) target_semaphore(%arg19 : memref<!tpu.dma_semaphore, #tpu.memory_space<semaphore_mem>>)
    %dma_wait3A_291 = tpu.memref_slice %arg2[%add3A_273] : memref<16777216xf32, #tpu.memory_space<hbm>> -> memref<32768xf32, #tpu.memory_space<hbm>>
    %dma_wait3A_292 = tpu.memref_slice %arg2[%add3A_273] : memref<16777216xf32, #tpu.memory_space<hbm>> -> memref<32768xf32, #tpu.memory_space<hbm>>
    tpu.wait_dma2 semaphore(%arg18 : memref<!tpu.dma_semaphore, #tpu.memory_space<semaphore_mem>>) src(%dma_wait3A_292 : memref<32768xf32, #tpu.memory_space<hbm>>) dst(%arg10 : memref<32768xf32, #tpu.memory_space<vmem>>)
    %parallel_loop3A_293 = arith.constant 0 : i32
    %parallel_loop3A_294 = arith.constant 2048 : i32
    %parallel_loop3A_295 = arith.constant 1 : i32
    scf.for %parallel_loop3A_465 = %parallel_loop3A_293 to %parallel_loop3A_294 step %parallel_loop3A_295  : i32 {
      %parallel_loop3A_466 = arith.constant 16 : i32
      %parallel_loop3A_467 = arith.muli %parallel_loop3A_465, %parallel_loop3A_466 : i32
      %parallel_loop3A_468 = arith.index_cast %parallel_loop3A_467 : i32 to index
      %parallel_loop3A_469 = tpu.vector_load %arg10[%parallel_loop3A_468] {strides = array<i32>} : memref<32768xf32, #tpu.memory_space<vmem>>, vector<16xf32>,
      %parallel_loop3A_470 = arith.subf %parallel_loop3A_469, %broadcast_in_dim3A : vector<16xf32>
      %parallel_loop3A_471 = arith.mulf %parallel_loop3A_470, %select_n3A_207 : vector<16xf32>
      %parallel_loop3A_472 = arith.fptosi %parallel_loop3A_471 : vector<16xf32> to vector<16xi32>
      tpu.vector_store_idx %arg12[%parallel_loop3A_472], %broadcast_in_dim3A_209 {add = true} : memref<2064xf32, #tpu.memory_space<vmem>>[vector<16xi32>], vector<16xf32>,
    } {sc.loop_unroll_factor = 4 : i64, sc.parallel_access}
    %add3A_296 = arith.constant 131072 : i32
    %add3A_297 = arith.addi %mul3A_2, %add3A_296 : i32
    %dma_start3A_298 = tpu.memref_slice %arg6[%add3A_297] : memref<16777216xf32, #tpu.memory_space<hbm>> -> memref<32768xf32, #tpu.memory_space<hbm>>
    %dma_start3A_299 = tpu.memref_slice %arg6[%add3A_297] : memref<16777216xf32, #tpu.memory_space<hbm>> -> memref<32768xf32, #tpu.memory_space<hbm>>
    tpu.enqueue_dma source(%arg10 : memref<32768xf32, #tpu.memory_space<vmem>>) target(%dma_start3A_299 : memref<32768xf32, #tpu.memory_space<hbm>>) target_semaphore(%arg21 : memref<!tpu.dma_semaphore, #tpu.memory_space<semaphore_mem>>)
    %dma_wait3A_300 = tpu.memref_slice %arg6[%add3A_282] : memref<16777216xf32, #tpu.memory_space<hbm>> -> memref<32768xf32, #tpu.memory_space<hbm>>
    %dma_wait3A_301 = tpu.memref_slice %arg6[%add3A_282] : memref<16777216xf32, #tpu.memory_space<hbm>> -> memref<32768xf32, #tpu.memory_space<hbm>>
    tpu.wait_dma2 semaphore(%arg20 : memref<!tpu.dma_semaphore, #tpu.memory_space<semaphore_mem>>) src(%arg9 : memref<32768xf32, #tpu.memory_space<vmem>>) dst(%dma_wait3A_301 : memref<32768xf32, #tpu.memory_space<hbm>>)
    %add3A_302 = arith.constant 196608 : i32
    %add3A_303 = arith.addi %mul3A_2, %add3A_302 : i32
    %dma_start3A_304 = tpu.memref_slice %arg2[%add3A_303] : memref<16777216xf32, #tpu.memory_space<hbm>> -> memref<32768xf32, #tpu.memory_space<hbm>>
    %dma_start3A_305 = tpu.memref_slice %arg2[%add3A_303] : memref<16777216xf32, #tpu.memory_space<hbm>> -> memref<32768xf32, #tpu.memory_space<hbm>>
    tpu.enqueue_dma source(%dma_start3A_305 : memref<32768xf32, #tpu.memory_space<hbm>>) target(%arg9 : memref<32768xf32, #tpu.memory_space<vmem>>) target_semaphore(%arg17 : memref<!tpu.dma_semaphore, #tpu.memory_space<semaphore_mem>>)
    %dma_wait3A_306 = tpu.memref_slice %arg2[%add3A_288] : memref<16777216xf32, #tpu.memory_space<hbm>> -> memref<32768xf32, #tpu.memory_space<hbm>>
    %dma_wait3A_307 = tpu.memref_slice %arg2[%add3A_288] : memref<16777216xf32, #tpu.memory_space<hbm>> -> memref<32768xf32, #tpu.memory_space<hbm>>
    tpu.wait_dma2 semaphore(%arg19 : memref<!tpu.dma_semaphore, #tpu.memory_space<semaphore_mem>>) src(%dma_wait3A_307 : memref<32768xf32, #tpu.memory_space<hbm>>) dst(%arg11 : memref<32768xf32, #tpu.memory_space<vmem>>)
    %parallel_loop3A_308 = arith.constant 0 : i32
    %parallel_loop3A_309 = arith.constant 2048 : i32
    %parallel_loop3A_310 = arith.constant 1 : i32
    scf.for %parallel_loop3A_465 = %parallel_loop3A_308 to %parallel_loop3A_309 step %parallel_loop3A_310  : i32 {
      %parallel_loop3A_466 = arith.constant 16 : i32
      %parallel_loop3A_467 = arith.muli %parallel_loop3A_465, %parallel_loop3A_466 : i32
      %parallel_loop3A_468 = arith.index_cast %parallel_loop3A_467 : i32 to index
      %parallel_loop3A_469 = tpu.vector_load %arg11[%parallel_loop3A_468] {strides = array<i32>} : memref<32768xf32, #tpu.memory_space<vmem>>, vector<16xf32>,
      %parallel_loop3A_470 = arith.subf %parallel_loop3A_469, %broadcast_in_dim3A : vector<16xf32>
      %parallel_loop3A_471 = arith.mulf %parallel_loop3A_470, %select_n3A_207 : vector<16xf32>
      %parallel_loop3A_472 = arith.fptosi %parallel_loop3A_471 : vector<16xf32> to vector<16xi32>
      tpu.vector_store_idx %arg12[%parallel_loop3A_472], %broadcast_in_dim3A_209 {add = true} : memref<2064xf32, #tpu.memory_space<vmem>>[vector<16xi32>], vector<16xf32>,
    } {sc.loop_unroll_factor = 4 : i64, sc.parallel_access}
    %add3A_311 = arith.constant 163840 : i32
    %add3A_312 = arith.addi %mul3A_2, %add3A_311 : i32
    %dma_start3A_313 = tpu.memref_slice %arg6[%add3A_312] : memref<16777216xf32, #tpu.memory_space<hbm>> -> memref<32768xf32, #tpu.memory_space<hbm>>
    %dma_start3A_314 = tpu.memref_slice %arg6[%add3A_312] : memref<16777216xf32, #tpu.memory_space<hbm>> -> memref<32768xf32, #tpu.memory_space<hbm>>
    tpu.enqueue_dma source(%arg11 : memref<32768xf32, #tpu.memory_space<vmem>>) target(%dma_start3A_314 : memref<32768xf32, #tpu.memory_space<hbm>>) target_semaphore(%arg22 : memref<!tpu.dma_semaphore, #tpu.memory_space<semaphore_mem>>)
    %dma_wait3A_315 = tpu.memref_slice %arg6[%add3A_297] : memref<16777216xf32, #tpu.memory_space<hbm>> -> memref<32768xf32, #tpu.memory_space<hbm>>
    %dma_wait3A_316 = tpu.memref_slice %arg6[%add3A_297] : memref<16777216xf32, #tpu.memory_space<hbm>> -> memref<32768xf32, #tpu.memory_space<hbm>>
    tpu.wait_dma2 semaphore(%arg21 : memref<!tpu.dma_semaphore, #tpu.memory_space<semaphore_mem>>) src(%arg10 : memref<32768xf32, #tpu.memory_space<vmem>>) dst(%dma_wait3A_316 : memref<32768xf32, #tpu.memory_space<hbm>>)
    %add3A_317 = arith.constant 229376 : i32
    %add3A_318 = arith.addi %mul3A_2, %add3A_317 : i32
    %dma_start3A_319 = tpu.memref_slice %arg2[%add3A_318] : memref<16777216xf32, #tpu.memory_space<hbm>> -> memref<32768xf32, #tpu.memory_space<hbm>>
    %dma_start3A_320 = tpu.memref_slice %arg2[%add3A_318] : memref<16777216xf32, #tpu.memory_space<hbm>> -> memref<32768xf32, #tpu.memory_space<hbm>>
    tpu.enqueue_dma source(%dma_start3A_320 : memref<32768xf32, #tpu.memory_space<hbm>>) target(%arg10 : memref<32768xf32, #tpu.memory_space<vmem>>) target_semaphore(%arg18 : memref<!tpu.dma_semaphore, #tpu.memory_space<semaphore_mem>>)
    %dma_wait3A_321 = tpu.memref_slice %arg2[%add3A_303] : memref<16777216xf32, #tpu.memory_space<hbm>> -> memref<32768xf32, #tpu.memory_space<hbm>>
    %dma_wait3A_322 = tpu.memref_slice %arg2[%add3A_303] : memref<16777216xf32, #tpu.memory_space<hbm>> -> memref<32768xf32, #tpu.memory_space<hbm>>
    tpu.wait_dma2 semaphore(%arg17 : memref<!tpu.dma_semaphore, #tpu.memory_space<semaphore_mem>>) src(%dma_wait3A_322 : memref<32768xf32, #tpu.memory_space<hbm>>) dst(%arg9 : memref<32768xf32, #tpu.memory_space<vmem>>)
    %parallel_loop3A_323 = arith.constant 0 : i32
    %parallel_loop3A_324 = arith.constant 2048 : i32
    %parallel_loop3A_325 = arith.constant 1 : i32
    scf.for %parallel_loop3A_465 = %parallel_loop3A_323 to %parallel_loop3A_324 step %parallel_loop3A_325  : i32 {
      %parallel_loop3A_466 = arith.constant 16 : i32
      %parallel_loop3A_467 = arith.muli %parallel_loop3A_465, %parallel_loop3A_466 : i32
      %parallel_loop3A_468 = arith.index_cast %parallel_loop3A_467 : i32 to index
      %parallel_loop3A_469 = tpu.vector_load %arg9[%parallel_loop3A_468] {strides = array<i32>} : memref<32768xf32, #tpu.memory_space<vmem>>, vector<16xf32>,
      %parallel_loop3A_470 = arith.subf %parallel_loop3A_469, %broadcast_in_dim3A : vector<16xf32>
      %parallel_loop3A_471 = arith.mulf %parallel_loop3A_470, %select_n3A_207 : vector<16xf32>
      %parallel_loop3A_472 = arith.fptosi %parallel_loop3A_471 : vector<16xf32> to vector<16xi32>
      tpu.vector_store_idx %arg12[%parallel_loop3A_472], %broadcast_in_dim3A_209 {add = true} : memref<2064xf32, #tpu.memory_space<vmem>>[vector<16xi32>], vector<16xf32>,
    } {sc.loop_unroll_factor = 4 : i64, sc.parallel_access}
    %add3A_326 = arith.constant 196608 : i32
    %add3A_327 = arith.addi %mul3A_2, %add3A_326 : i32
    %dma_start3A_328 = tpu.memref_slice %arg6[%add3A_327] : memref<16777216xf32, #tpu.memory_space<hbm>> -> memref<32768xf32, #tpu.memory_space<hbm>>
    %dma_start3A_329 = tpu.memref_slice %arg6[%add3A_327] : memref<16777216xf32, #tpu.memory_space<hbm>> -> memref<32768xf32, #tpu.memory_space<hbm>>
    tpu.enqueue_dma source(%arg9 : memref<32768xf32, #tpu.memory_space<vmem>>) target(%dma_start3A_329 : memref<32768xf32, #tpu.memory_space<hbm>>) target_semaphore(%arg20 : memref<!tpu.dma_semaphore, #tpu.memory_space<semaphore_mem>>)
    %dma_wait3A_330 = tpu.memref_slice %arg6[%add3A_312] : memref<16777216xf32, #tpu.memory_space<hbm>> -> memref<32768xf32, #tpu.memory_space<hbm>>
    %dma_wait3A_331 = tpu.memref_slice %arg6[%add3A_312] : memref<16777216xf32, #tpu.memory_space<hbm>> -> memref<32768xf32, #tpu.memory_space<hbm>>
    tpu.wait_dma2 semaphore(%arg22 : memref<!tpu.dma_semaphore, #tpu.memory_space<semaphore_mem>>) src(%arg11 : memref<32768xf32, #tpu.memory_space<vmem>>) dst(%dma_wait3A_331 : memref<32768xf32, #tpu.memory_space<hbm>>)
    %add3A_332 = arith.constant 262144 : i32
    %add3A_333 = arith.addi %mul3A_2, %add3A_332 : i32
    %dma_start3A_334 = tpu.memref_slice %arg2[%add3A_333] : memref<16777216xf32, #tpu.memory_space<hbm>> -> memref<32768xf32, #tpu.memory_space<hbm>>
    %dma_start3A_335 = tpu.memref_slice %arg2[%add3A_333] : memref<16777216xf32, #tpu.memory_space<hbm>> -> memref<32768xf32, #tpu.memory_space<hbm>>
    tpu.enqueue_dma source(%dma_start3A_335 : memref<32768xf32, #tpu.memory_space<hbm>>) target(%arg11 : memref<32768xf32, #tpu.memory_space<vmem>>) target_semaphore(%arg19 : memref<!tpu.dma_semaphore, #tpu.memory_space<semaphore_mem>>)
    %dma_wait3A_336 = tpu.memref_slice %arg2[%add3A_318] : memref<16777216xf32, #tpu.memory_space<hbm>> -> memref<32768xf32, #tpu.memory_space<hbm>>
    %dma_wait3A_337 = tpu.memref_slice %arg2[%add3A_318] : memref<16777216xf32, #tpu.memory_space<hbm>> -> memref<32768xf32, #tpu.memory_space<hbm>>
    tpu.wait_dma2 semaphore(%arg18 : memref<!tpu.dma_semaphore, #tpu.memory_space<semaphore_mem>>) src(%dma_wait3A_337 : memref<32768xf32, #tpu.memory_space<hbm>>) dst(%arg10 : memref<32768xf32, #tpu.memory_space<vmem>>)
    %parallel_loop3A_338 = arith.constant 0 : i32
    %parallel_loop3A_339 = arith.constant 2048 : i32
    %parallel_loop3A_340 = arith.constant 1 : i32
    scf.for %parallel_loop3A_465 = %parallel_loop3A_338 to %parallel_loop3A_339 step %parallel_loop3A_340  : i32 {
      %parallel_loop3A_466 = arith.constant 16 : i32
      %parallel_loop3A_467 = arith.muli %parallel_loop3A_465, %parallel_loop3A_466 : i32
      %parallel_loop3A_468 = arith.index_cast %parallel_loop3A_467 : i32 to index
      %parallel_loop3A_469 = tpu.vector_load %arg10[%parallel_loop3A_468] {strides = array<i32>} : memref<32768xf32, #tpu.memory_space<vmem>>, vector<16xf32>,
      %parallel_loop3A_470 = arith.subf %parallel_loop3A_469, %broadcast_in_dim3A : vector<16xf32>
      %parallel_loop3A_471 = arith.mulf %parallel_loop3A_470, %select_n3A_207 : vector<16xf32>
      %parallel_loop3A_472 = arith.fptosi %parallel_loop3A_471 : vector<16xf32> to vector<16xi32>
      tpu.vector_store_idx %arg12[%parallel_loop3A_472], %broadcast_in_dim3A_209 {add = true} : memref<2064xf32, #tpu.memory_space<vmem>>[vector<16xi32>], vector<16xf32>,
    } {sc.loop_unroll_factor = 4 : i64, sc.parallel_access}
    %add3A_341 = arith.constant 229376 : i32
    %add3A_342 = arith.addi %mul3A_2, %add3A_341 : i32
    %dma_start3A_343 = tpu.memref_slice %arg6[%add3A_342] : memref<16777216xf32, #tpu.memory_space<hbm>> -> memref<32768xf32, #tpu.memory_space<hbm>>
    %dma_start3A_344 = tpu.memref_slice %arg6[%add3A_342] : memref<16777216xf32, #tpu.memory_space<hbm>> -> memref<32768xf32, #tpu.memory_space<hbm>>
    tpu.enqueue_dma source(%arg10 : memref<32768xf32, #tpu.memory_space<vmem>>) target(%dma_start3A_344 : memref<32768xf32, #tpu.memory_space<hbm>>) target_semaphore(%arg21 : memref<!tpu.dma_semaphore, #tpu.memory_space<semaphore_mem>>)
    %dma_wait3A_345 = tpu.memref_slice %arg6[%add3A_327] : memref<16777216xf32, #tpu.memory_space<hbm>> -> memref<32768xf32, #tpu.memory_space<hbm>>
    %dma_wait3A_346 = tpu.memref_slice %arg6[%add3A_327] : memref<16777216xf32, #tpu.memory_space<hbm>> -> memref<32768xf32, #tpu.memory_space<hbm>>
    tpu.wait_dma2 semaphore(%arg20 : memref<!tpu.dma_semaphore, #tpu.memory_space<semaphore_mem>>) src(%arg9 : memref<32768xf32, #tpu.memory_space<vmem>>) dst(%dma_wait3A_346 : memref<32768xf32, #tpu.memory_space<hbm>>)
    %add3A_347 = arith.constant 294912 : i32
    %add3A_348 = arith.addi %mul3A_2, %add3A_347 : i32
    %dma_start3A_349 = tpu.memref_slice %arg2[%add3A_348] : memref<16777216xf32, #tpu.memory_space<hbm>> -> memref<32768xf32, #tpu.memory_space<hbm>>
    %dma_start3A_350 = tpu.memref_slice %arg2[%add3A_348] : memref<16777216xf32, #tpu.memory_space<hbm>> -> memref<32768xf32, #tpu.memory_space<hbm>>
    tpu.enqueue_dma source(%dma_start3A_350 : memref<32768xf32, #tpu.memory_space<hbm>>) target(%arg9 : memref<32768xf32, #tpu.memory_space<vmem>>) target_semaphore(%arg17 : memref<!tpu.dma_semaphore, #tpu.memory_space<semaphore_mem>>)
    %dma_wait3A_351 = tpu.memref_slice %arg2[%add3A_333] : memref<16777216xf32, #tpu.memory_space<hbm>> -> memref<32768xf32, #tpu.memory_space<hbm>>
    %dma_wait3A_352 = tpu.memref_slice %arg2[%add3A_333] : memref<16777216xf32, #tpu.memory_space<hbm>> -> memref<32768xf32, #tpu.memory_space<hbm>>
    tpu.wait_dma2 semaphore(%arg19 : memref<!tpu.dma_semaphore, #tpu.memory_space<semaphore_mem>>) src(%dma_wait3A_352 : memref<32768xf32, #tpu.memory_space<hbm>>) dst(%arg11 : memref<32768xf32, #tpu.memory_space<vmem>>)
    %parallel_loop3A_353 = arith.constant 0 : i32
    %parallel_loop3A_354 = arith.constant 2048 : i32
    %parallel_loop3A_355 = arith.constant 1 : i32
    scf.for %parallel_loop3A_465 = %parallel_loop3A_353 to %parallel_loop3A_354 step %parallel_loop3A_355  : i32 {
      %parallel_loop3A_466 = arith.constant 16 : i32
      %parallel_loop3A_467 = arith.muli %parallel_loop3A_465, %parallel_loop3A_466 : i32
      %parallel_loop3A_468 = arith.index_cast %parallel_loop3A_467 : i32 to index
      %parallel_loop3A_469 = tpu.vector_load %arg11[%parallel_loop3A_468] {strides = array<i32>} : memref<32768xf32, #tpu.memory_space<vmem>>, vector<16xf32>,
      %parallel_loop3A_470 = arith.subf %parallel_loop3A_469, %broadcast_in_dim3A : vector<16xf32>
      %parallel_loop3A_471 = arith.mulf %parallel_loop3A_470, %select_n3A_207 : vector<16xf32>
      %parallel_loop3A_472 = arith.fptosi %parallel_loop3A_471 : vector<16xf32> to vector<16xi32>
      tpu.vector_store_idx %arg12[%parallel_loop3A_472], %broadcast_in_dim3A_209 {add = true} : memref<2064xf32, #tpu.memory_space<vmem>>[vector<16xi32>], vector<16xf32>,
    } {sc.loop_unroll_factor = 4 : i64, sc.parallel_access}
    %add3A_356 = arith.constant 262144 : i32
    %add3A_357 = arith.addi %mul3A_2, %add3A_356 : i32
    %dma_start3A_358 = tpu.memref_slice %arg6[%add3A_357] : memref<16777216xf32, #tpu.memory_space<hbm>> -> memref<32768xf32, #tpu.memory_space<hbm>>
    %dma_start3A_359 = tpu.memref_slice %arg6[%add3A_357] : memref<16777216xf32, #tpu.memory_space<hbm>> -> memref<32768xf32, #tpu.memory_space<hbm>>
    tpu.enqueue_dma source(%arg11 : memref<32768xf32, #tpu.memory_space<vmem>>) target(%dma_start3A_359 : memref<32768xf32, #tpu.memory_space<hbm>>) target_semaphore(%arg22 : memref<!tpu.dma_semaphore, #tpu.memory_space<semaphore_mem>>)
    %dma_wait3A_360 = tpu.memref_slice %arg6[%add3A_342] : memref<16777216xf32, #tpu.memory_space<hbm>> -> memref<32768xf32, #tpu.memory_space<hbm>>
    %dma_wait3A_361 = tpu.memref_slice %arg6[%add3A_342] : memref<16777216xf32, #tpu.memory_space<hbm>> -> memref<32768xf32, #tpu.memory_space<hbm>>
    tpu.wait_dma2 semaphore(%arg21 : memref<!tpu.dma_semaphore, #tpu.memory_space<semaphore_mem>>) src(%arg10 : memref<32768xf32, #tpu.memory_space<vmem>>) dst(%dma_wait3A_361 : memref<32768xf32, #tpu.memory_space<hbm>>)
    %add3A_362 = arith.constant 327680 : i32
    %add3A_363 = arith.addi %mul3A_2, %add3A_362 : i32
    %dma_start3A_364 = tpu.memref_slice %arg2[%add3A_363] : memref<16777216xf32, #tpu.memory_space<hbm>> -> memref<32768xf32, #tpu.memory_space<hbm>>
    %dma_start3A_365 = tpu.memref_slice %arg2[%add3A_363] : memref<16777216xf32, #tpu.memory_space<hbm>> -> memref<32768xf32, #tpu.memory_space<hbm>>
    tpu.enqueue_dma source(%dma_start3A_365 : memref<32768xf32, #tpu.memory_space<hbm>>) target(%arg10 : memref<32768xf32, #tpu.memory_space<vmem>>) target_semaphore(%arg18 : memref<!tpu.dma_semaphore, #tpu.memory_space<semaphore_mem>>)
    %dma_wait3A_366 = tpu.memref_slice %arg2[%add3A_348] : memref<16777216xf32, #tpu.memory_space<hbm>> -> memref<32768xf32, #tpu.memory_space<hbm>>
    %dma_wait3A_367 = tpu.memref_slice %arg2[%add3A_348] : memref<16777216xf32, #tpu.memory_space<hbm>> -> memref<32768xf32, #tpu.memory_space<hbm>>
    tpu.wait_dma2 semaphore(%arg17 : memref<!tpu.dma_semaphore, #tpu.memory_space<semaphore_mem>>) src(%dma_wait3A_367 : memref<32768xf32, #tpu.memory_space<hbm>>) dst(%arg9 : memref<32768xf32, #tpu.memory_space<vmem>>)
    %parallel_loop3A_368 = arith.constant 0 : i32
    %parallel_loop3A_369 = arith.constant 2048 : i32
    %parallel_loop3A_370 = arith.constant 1 : i32
    scf.for %parallel_loop3A_465 = %parallel_loop3A_368 to %parallel_loop3A_369 step %parallel_loop3A_370  : i32 {
      %parallel_loop3A_466 = arith.constant 16 : i32
      %parallel_loop3A_467 = arith.muli %parallel_loop3A_465, %parallel_loop3A_466 : i32
      %parallel_loop3A_468 = arith.index_cast %parallel_loop3A_467 : i32 to index
      %parallel_loop3A_469 = tpu.vector_load %arg9[%parallel_loop3A_468] {strides = array<i32>} : memref<32768xf32, #tpu.memory_space<vmem>>, vector<16xf32>,
      %parallel_loop3A_470 = arith.subf %parallel_loop3A_469, %broadcast_in_dim3A : vector<16xf32>
      %parallel_loop3A_471 = arith.mulf %parallel_loop3A_470, %select_n3A_207 : vector<16xf32>
      %parallel_loop3A_472 = arith.fptosi %parallel_loop3A_471 : vector<16xf32> to vector<16xi32>
      tpu.vector_store_idx %arg12[%parallel_loop3A_472], %broadcast_in_dim3A_209 {add = true} : memref<2064xf32, #tpu.memory_space<vmem>>[vector<16xi32>], vector<16xf32>,
    } {sc.loop_unroll_factor = 4 : i64, sc.parallel_access}
    %add3A_371 = arith.constant 294912 : i32
    %add3A_372 = arith.addi %mul3A_2, %add3A_371 : i32
    %dma_start3A_373 = tpu.memref_slice %arg6[%add3A_372] : memref<16777216xf32, #tpu.memory_space<hbm>> -> memref<32768xf32, #tpu.memory_space<hbm>>
    %dma_start3A_374 = tpu.memref_slice %arg6[%add3A_372] : memref<16777216xf32, #tpu.memory_space<hbm>> -> memref<32768xf32, #tpu.memory_space<hbm>>
    tpu.enqueue_dma source(%arg9 : memref<32768xf32, #tpu.memory_space<vmem>>) target(%dma_start3A_374 : memref<32768xf32, #tpu.memory_space<hbm>>) target_semaphore(%arg20 : memref<!tpu.dma_semaphore, #tpu.memory_space<semaphore_mem>>)
    %dma_wait3A_375 = tpu.memref_slice %arg6[%add3A_357] : memref<16777216xf32, #tpu.memory_space<hbm>> -> memref<32768xf32, #tpu.memory_space<hbm>>
    %dma_wait3A_376 = tpu.memref_slice %arg6[%add3A_357] : memref<16777216xf32, #tpu.memory_space<hbm>> -> memref<32768xf32, #tpu.memory_space<hbm>>
    tpu.wait_dma2 semaphore(%arg22 : memref<!tpu.dma_semaphore, #tpu.memory_space<semaphore_mem>>) src(%arg11 : memref<32768xf32, #tpu.memory_space<vmem>>) dst(%dma_wait3A_376 : memref<32768xf32, #tpu.memory_space<hbm>>)
    %add3A_377 = arith.constant 360448 : i32
    %add3A_378 = arith.addi %mul3A_2, %add3A_377 : i32
    %dma_start3A_379 = tpu.memref_slice %arg2[%add3A_378] : memref<16777216xf32, #tpu.memory_space<hbm>> -> memref<32768xf32, #tpu.memory_space<hbm>>
    %dma_start3A_380 = tpu.memref_slice %arg2[%add3A_378] : memref<16777216xf32, #tpu.memory_space<hbm>> -> memref<32768xf32, #tpu.memory_space<hbm>>
    tpu.enqueue_dma source(%dma_start3A_380 : memref<32768xf32, #tpu.memory_space<hbm>>) target(%arg11 : memref<32768xf32, #tpu.memory_space<vmem>>) target_semaphore(%arg19 : memref<!tpu.dma_semaphore, #tpu.memory_space<semaphore_mem>>)
    %dma_wait3A_381 = tpu.memref_slice %arg2[%add3A_363] : memref<16777216xf32, #tpu.memory_space<hbm>> -> memref<32768xf32, #tpu.memory_space<hbm>>
    %dma_wait3A_382 = tpu.memref_slice %arg2[%add3A_363] : memref<16777216xf32, #tpu.memory_space<hbm>> -> memref<32768xf32, #tpu.memory_space<hbm>>
    tpu.wait_dma2 semaphore(%arg18 : memref<!tpu.dma_semaphore, #tpu.memory_space<semaphore_mem>>) src(%dma_wait3A_382 : memref<32768xf32, #tpu.memory_space<hbm>>) dst(%arg10 : memref<32768xf32, #tpu.memory_space<vmem>>)
    %parallel_loop3A_383 = arith.constant 0 : i32
    %parallel_loop3A_384 = arith.constant 2048 : i32
    %parallel_loop3A_385 = arith.constant 1 : i32
    scf.for %parallel_loop3A_465 = %parallel_loop3A_383 to %parallel_loop3A_384 step %parallel_loop3A_385  : i32 {
      %parallel_loop3A_466 = arith.constant 16 : i32
      %parallel_loop3A_467 = arith.muli %parallel_loop3A_465, %parallel_loop3A_466 : i32
      %parallel_loop3A_468 = arith.index_cast %parallel_loop3A_467 : i32 to index
      %parallel_loop3A_469 = tpu.vector_load %arg10[%parallel_loop3A_468] {strides = array<i32>} : memref<32768xf32, #tpu.memory_space<vmem>>, vector<16xf32>,
      %parallel_loop3A_470 = arith.subf %parallel_loop3A_469, %broadcast_in_dim3A : vector<16xf32>
      %parallel_loop3A_471 = arith.mulf %parallel_loop3A_470, %select_n3A_207 : vector<16xf32>
      %parallel_loop3A_472 = arith.fptosi %parallel_loop3A_471 : vector<16xf32> to vector<16xi32>
      tpu.vector_store_idx %arg12[%parallel_loop3A_472], %broadcast_in_dim3A_209 {add = true} : memref<2064xf32, #tpu.memory_space<vmem>>[vector<16xi32>], vector<16xf32>,
    } {sc.loop_unroll_factor = 4 : i64, sc.parallel_access}
    %add3A_386 = arith.constant 327680 : i32
    %add3A_387 = arith.addi %mul3A_2, %add3A_386 : i32
    %dma_start3A_388 = tpu.memref_slice %arg6[%add3A_387] : memref<16777216xf32, #tpu.memory_space<hbm>> -> memref<32768xf32, #tpu.memory_space<hbm>>
    %dma_start3A_389 = tpu.memref_slice %arg6[%add3A_387] : memref<16777216xf32, #tpu.memory_space<hbm>> -> memref<32768xf32, #tpu.memory_space<hbm>>
    tpu.enqueue_dma source(%arg10 : memref<32768xf32, #tpu.memory_space<vmem>>) target(%dma_start3A_389 : memref<32768xf32, #tpu.memory_space<hbm>>) target_semaphore(%arg21 : memref<!tpu.dma_semaphore, #tpu.memory_space<semaphore_mem>>)
    %dma_wait3A_390 = tpu.memref_slice %arg6[%add3A_372] : memref<16777216xf32, #tpu.memory_space<hbm>> -> memref<32768xf32, #tpu.memory_space<hbm>>
    %dma_wait3A_391 = tpu.memref_slice %arg6[%add3A_372] : memref<16777216xf32, #tpu.memory_space<hbm>> -> memref<32768xf32, #tpu.memory_space<hbm>>
    tpu.wait_dma2 semaphore(%arg20 : memref<!tpu.dma_semaphore, #tpu.memory_space<semaphore_mem>>) src(%arg9 : memref<32768xf32, #tpu.memory_space<vmem>>) dst(%dma_wait3A_391 : memref<32768xf32, #tpu.memory_space<hbm>>)
    %add3A_392 = arith.constant 393216 : i32
    %add3A_393 = arith.addi %mul3A_2, %add3A_392 : i32
    %dma_start3A_394 = tpu.memref_slice %arg2[%add3A_393] : memref<16777216xf32, #tpu.memory_space<hbm>> -> memref<32768xf32, #tpu.memory_space<hbm>>
    %dma_start3A_395 = tpu.memref_slice %arg2[%add3A_393] : memref<16777216xf32, #tpu.memory_space<hbm>> -> memref<32768xf32, #tpu.memory_space<hbm>>
    tpu.enqueue_dma source(%dma_start3A_395 : memref<32768xf32, #tpu.memory_space<hbm>>) target(%arg9 : memref<32768xf32, #tpu.memory_space<vmem>>) target_semaphore(%arg17 : memref<!tpu.dma_semaphore, #tpu.memory_space<semaphore_mem>>)
    %dma_wait3A_396 = tpu.memref_slice %arg2[%add3A_378] : memref<16777216xf32, #tpu.memory_space<hbm>> -> memref<32768xf32, #tpu.memory_space<hbm>>
    %dma_wait3A_397 = tpu.memref_slice %arg2[%add3A_378] : memref<16777216xf32, #tpu.memory_space<hbm>> -> memref<32768xf32, #tpu.memory_space<hbm>>
    tpu.wait_dma2 semaphore(%arg19 : memref<!tpu.dma_semaphore, #tpu.memory_space<semaphore_mem>>) src(%dma_wait3A_397 : memref<32768xf32, #tpu.memory_space<hbm>>) dst(%arg11 : memref<32768xf32, #tpu.memory_space<vmem>>)
    %parallel_loop3A_398 = arith.constant 0 : i32
    %parallel_loop3A_399 = arith.constant 2048 : i32
    %parallel_loop3A_400 = arith.constant 1 : i32
    scf.for %parallel_loop3A_465 = %parallel_loop3A_398 to %parallel_loop3A_399 step %parallel_loop3A_400  : i32 {
      %parallel_loop3A_466 = arith.constant 16 : i32
      %parallel_loop3A_467 = arith.muli %parallel_loop3A_465, %parallel_loop3A_466 : i32
      %parallel_loop3A_468 = arith.index_cast %parallel_loop3A_467 : i32 to index
      %parallel_loop3A_469 = tpu.vector_load %arg11[%parallel_loop3A_468] {strides = array<i32>} : memref<32768xf32, #tpu.memory_space<vmem>>, vector<16xf32>,
      %parallel_loop3A_470 = arith.subf %parallel_loop3A_469, %broadcast_in_dim3A : vector<16xf32>
      %parallel_loop3A_471 = arith.mulf %parallel_loop3A_470, %select_n3A_207 : vector<16xf32>
      %parallel_loop3A_472 = arith.fptosi %parallel_loop3A_471 : vector<16xf32> to vector<16xi32>
      tpu.vector_store_idx %arg12[%parallel_loop3A_472], %broadcast_in_dim3A_209 {add = true} : memref<2064xf32, #tpu.memory_space<vmem>>[vector<16xi32>], vector<16xf32>,
    } {sc.loop_unroll_factor = 4 : i64, sc.parallel_access}
    %add3A_401 = arith.constant 360448 : i32
    %add3A_402 = arith.addi %mul3A_2, %add3A_401 : i32
    %dma_start3A_403 = tpu.memref_slice %arg6[%add3A_402] : memref<16777216xf32, #tpu.memory_space<hbm>> -> memref<32768xf32, #tpu.memory_space<hbm>>
    %dma_start3A_404 = tpu.memref_slice %arg6[%add3A_402] : memref<16777216xf32, #tpu.memory_space<hbm>> -> memref<32768xf32, #tpu.memory_space<hbm>>
    tpu.enqueue_dma source(%arg11 : memref<32768xf32, #tpu.memory_space<vmem>>) target(%dma_start3A_404 : memref<32768xf32, #tpu.memory_space<hbm>>) target_semaphore(%arg22 : memref<!tpu.dma_semaphore, #tpu.memory_space<semaphore_mem>>)
    %dma_wait3A_405 = tpu.memref_slice %arg6[%add3A_387] : memref<16777216xf32, #tpu.memory_space<hbm>> -> memref<32768xf32, #tpu.memory_space<hbm>>
    %dma_wait3A_406 = tpu.memref_slice %arg6[%add3A_387] : memref<16777216xf32, #tpu.memory_space<hbm>> -> memref<32768xf32, #tpu.memory_space<hbm>>
    tpu.wait_dma2 semaphore(%arg21 : memref<!tpu.dma_semaphore, #tpu.memory_space<semaphore_mem>>) src(%arg10 : memref<32768xf32, #tpu.memory_space<vmem>>) dst(%dma_wait3A_406 : memref<32768xf32, #tpu.memory_space<hbm>>)
    %add3A_407 = arith.constant 425984 : i32
    %add3A_408 = arith.addi %mul3A_2, %add3A_407 : i32
    %dma_start3A_409 = tpu.memref_slice %arg2[%add3A_408] : memref<16777216xf32, #tpu.memory_space<hbm>> -> memref<32768xf32, #tpu.memory_space<hbm>>
    %dma_start3A_410 = tpu.memref_slice %arg2[%add3A_408] : memref<16777216xf32, #tpu.memory_space<hbm>> -> memref<32768xf32, #tpu.memory_space<hbm>>
    tpu.enqueue_dma source(%dma_start3A_410 : memref<32768xf32, #tpu.memory_space<hbm>>) target(%arg10 : memref<32768xf32, #tpu.memory_space<vmem>>) target_semaphore(%arg18 : memref<!tpu.dma_semaphore, #tpu.memory_space<semaphore_mem>>)
    %dma_wait3A_411 = tpu.memref_slice %arg2[%add3A_393] : memref<16777216xf32, #tpu.memory_space<hbm>> -> memref<32768xf32, #tpu.memory_space<hbm>>
    %dma_wait3A_412 = tpu.memref_slice %arg2[%add3A_393] : memref<16777216xf32, #tpu.memory_space<hbm>> -> memref<32768xf32, #tpu.memory_space<hbm>>
    tpu.wait_dma2 semaphore(%arg17 : memref<!tpu.dma_semaphore, #tpu.memory_space<semaphore_mem>>) src(%dma_wait3A_412 : memref<32768xf32, #tpu.memory_space<hbm>>) dst(%arg9 : memref<32768xf32, #tpu.memory_space<vmem>>)
    %parallel_loop3A_413 = arith.constant 0 : i32
    %parallel_loop3A_414 = arith.constant 2048 : i32
    %parallel_loop3A_415 = arith.constant 1 : i32
    scf.for %parallel_loop3A_465 = %parallel_loop3A_413 to %parallel_loop3A_414 step %parallel_loop3A_415  : i32 {
      %parallel_loop3A_466 = arith.constant 16 : i32
      %parallel_loop3A_467 = arith.muli %parallel_loop3A_465, %parallel_loop3A_466 : i32
      %parallel_loop3A_468 = arith.index_cast %parallel_loop3A_467 : i32 to index
      %parallel_loop3A_469 = tpu.vector_load %arg9[%parallel_loop3A_468] {strides = array<i32>} : memref<32768xf32, #tpu.memory_space<vmem>>, vector<16xf32>,
      %parallel_loop3A_470 = arith.subf %parallel_loop3A_469, %broadcast_in_dim3A : vector<16xf32>
      %parallel_loop3A_471 = arith.mulf %parallel_loop3A_470, %select_n3A_207 : vector<16xf32>
      %parallel_loop3A_472 = arith.fptosi %parallel_loop3A_471 : vector<16xf32> to vector<16xi32>
      tpu.vector_store_idx %arg12[%parallel_loop3A_472], %broadcast_in_dim3A_209 {add = true} : memref<2064xf32, #tpu.memory_space<vmem>>[vector<16xi32>], vector<16xf32>,
    } {sc.loop_unroll_factor = 4 : i64, sc.parallel_access}
    %add3A_416 = arith.constant 393216 : i32
    %add3A_417 = arith.addi %mul3A_2, %add3A_416 : i32
    %dma_start3A_418 = tpu.memref_slice %arg6[%add3A_417] : memref<16777216xf32, #tpu.memory_space<hbm>> -> memref<32768xf32, #tpu.memory_space<hbm>>
    %dma_start3A_419 = tpu.memref_slice %arg6[%add3A_417] : memref<16777216xf32, #tpu.memory_space<hbm>> -> memref<32768xf32, #tpu.memory_space<hbm>>
    tpu.enqueue_dma source(%arg9 : memref<32768xf32, #tpu.memory_space<vmem>>) target(%dma_start3A_419 : memref<32768xf32, #tpu.memory_space<hbm>>) target_semaphore(%arg20 : memref<!tpu.dma_semaphore, #tpu.memory_space<semaphore_mem>>)
    %dma_wait3A_420 = tpu.memref_slice %arg6[%add3A_402] : memref<16777216xf32, #tpu.memory_space<hbm>> -> memref<32768xf32, #tpu.memory_space<hbm>>
    %dma_wait3A_421 = tpu.memref_slice %arg6[%add3A_402] : memref<16777216xf32, #tpu.memory_space<hbm>> -> memref<32768xf32, #tpu.memory_space<hbm>>
    tpu.wait_dma2 semaphore(%arg22 : memref<!tpu.dma_semaphore, #tpu.memory_space<semaphore_mem>>) src(%arg11 : memref<32768xf32, #tpu.memory_space<vmem>>) dst(%dma_wait3A_421 : memref<32768xf32, #tpu.memory_space<hbm>>)
    %add3A_422 = arith.constant 458752 : i32
    %add3A_423 = arith.addi %mul3A_2, %add3A_422 : i32
    %dma_start3A_424 = tpu.memref_slice %arg2[%add3A_423] : memref<16777216xf32, #tpu.memory_space<hbm>> -> memref<32768xf32, #tpu.memory_space<hbm>>
    %dma_start3A_425 = tpu.memref_slice %arg2[%add3A_423] : memref<16777216xf32, #tpu.memory_space<hbm>> -> memref<32768xf32, #tpu.memory_space<hbm>>
    tpu.enqueue_dma source(%dma_start3A_425 : memref<32768xf32, #tpu.memory_space<hbm>>) target(%arg11 : memref<32768xf32, #tpu.memory_space<vmem>>) target_semaphore(%arg19 : memref<!tpu.dma_semaphore, #tpu.memory_space<semaphore_mem>>)
    %dma_wait3A_426 = tpu.memref_slice %arg2[%add3A_408] : memref<16777216xf32, #tpu.memory_space<hbm>> -> memref<32768xf32, #tpu.memory_space<hbm>>
    %dma_wait3A_427 = tpu.memref_slice %arg2[%add3A_408] : memref<16777216xf32, #tpu.memory_space<hbm>> -> memref<32768xf32, #tpu.memory_space<hbm>>
    tpu.wait_dma2 semaphore(%arg18 : memref<!tpu.dma_semaphore, #tpu.memory_space<semaphore_mem>>) src(%dma_wait3A_427 : memref<32768xf32, #tpu.memory_space<hbm>>) dst(%arg10 : memref<32768xf32, #tpu.memory_space<vmem>>)
    %parallel_loop3A_428 = arith.constant 0 : i32
    %parallel_loop3A_429 = arith.constant 2048 : i32
    %parallel_loop3A_430 = arith.constant 1 : i32
    scf.for %parallel_loop3A_465 = %parallel_loop3A_428 to %parallel_loop3A_429 step %parallel_loop3A_430  : i32 {
      %parallel_loop3A_466 = arith.constant 16 : i32
      %parallel_loop3A_467 = arith.muli %parallel_loop3A_465, %parallel_loop3A_466 : i32
      %parallel_loop3A_468 = arith.index_cast %parallel_loop3A_467 : i32 to index
      %parallel_loop3A_469 = tpu.vector_load %arg10[%parallel_loop3A_468] {strides = array<i32>} : memref<32768xf32, #tpu.memory_space<vmem>>, vector<16xf32>,
      %parallel_loop3A_470 = arith.subf %parallel_loop3A_469, %broadcast_in_dim3A : vector<16xf32>
      %parallel_loop3A_471 = arith.mulf %parallel_loop3A_470, %select_n3A_207 : vector<16xf32>
      %parallel_loop3A_472 = arith.fptosi %parallel_loop3A_471 : vector<16xf32> to vector<16xi32>
      tpu.vector_store_idx %arg12[%parallel_loop3A_472], %broadcast_in_dim3A_209 {add = true} : memref<2064xf32, #tpu.memory_space<vmem>>[vector<16xi32>], vector<16xf32>,
    } {sc.loop_unroll_factor = 4 : i64, sc.parallel_access}
    %add3A_431 = arith.constant 425984 : i32
    %add3A_432 = arith.addi %mul3A_2, %add3A_431 : i32
    %dma_start3A_433 = tpu.memref_slice %arg6[%add3A_432] : memref<16777216xf32, #tpu.memory_space<hbm>> -> memref<32768xf32, #tpu.memory_space<hbm>>
    %dma_start3A_434 = tpu.memref_slice %arg6[%add3A_432] : memref<16777216xf32, #tpu.memory_space<hbm>> -> memref<32768xf32, #tpu.memory_space<hbm>>
    tpu.enqueue_dma source(%arg10 : memref<32768xf32, #tpu.memory_space<vmem>>) target(%dma_start3A_434 : memref<32768xf32, #tpu.memory_space<hbm>>) target_semaphore(%arg21 : memref<!tpu.dma_semaphore, #tpu.memory_space<semaphore_mem>>)
    %dma_wait3A_435 = tpu.memref_slice %arg6[%add3A_417] : memref<16777216xf32, #tpu.memory_space<hbm>> -> memref<32768xf32, #tpu.memory_space<hbm>>
    %dma_wait3A_436 = tpu.memref_slice %arg6[%add3A_417] : memref<16777216xf32, #tpu.memory_space<hbm>> -> memref<32768xf32, #tpu.memory_space<hbm>>
    tpu.wait_dma2 semaphore(%arg20 : memref<!tpu.dma_semaphore, #tpu.memory_space<semaphore_mem>>) src(%arg9 : memref<32768xf32, #tpu.memory_space<vmem>>) dst(%dma_wait3A_436 : memref<32768xf32, #tpu.memory_space<hbm>>)
    %add3A_437 = arith.constant 491520 : i32
    %add3A_438 = arith.addi %mul3A_2, %add3A_437 : i32
    %dma_start3A_439 = tpu.memref_slice %arg2[%add3A_438] : memref<16777216xf32, #tpu.memory_space<hbm>> -> memref<32768xf32, #tpu.memory_space<hbm>>
    %dma_start3A_440 = tpu.memref_slice %arg2[%add3A_438] : memref<16777216xf32, #tpu.memory_space<hbm>> -> memref<32768xf32, #tpu.memory_space<hbm>>
    tpu.enqueue_dma source(%dma_start3A_440 : memref<32768xf32, #tpu.memory_space<hbm>>) target(%arg9 : memref<32768xf32, #tpu.memory_space<vmem>>) target_semaphore(%arg17 : memref<!tpu.dma_semaphore, #tpu.memory_space<semaphore_mem>>)
    %dma_wait3A_441 = tpu.memref_slice %arg2[%add3A_423] : memref<16777216xf32, #tpu.memory_space<hbm>> -> memref<32768xf32, #tpu.memory_space<hbm>>
    %dma_wait3A_442 = tpu.memref_slice %arg2[%add3A_423] : memref<16777216xf32, #tpu.memory_space<hbm>> -> memref<32768xf32, #tpu.memory_space<hbm>>
    tpu.wait_dma2 semaphore(%arg19 : memref<!tpu.dma_semaphore, #tpu.memory_space<semaphore_mem>>) src(%dma_wait3A_442 : memref<32768xf32, #tpu.memory_space<hbm>>) dst(%arg11 : memref<32768xf32, #tpu.memory_space<vmem>>)
    %parallel_loop3A_443 = arith.constant 0 : i32
    %parallel_loop3A_444 = arith.constant 2048 : i32
    %parallel_loop3A_445 = arith.constant 1 : i32
    scf.for %parallel_loop3A_465 = %parallel_loop3A_443 to %parallel_loop3A_444 step %parallel_loop3A_445  : i32 {
      %parallel_loop3A_466 = arith.constant 16 : i32
      %parallel_loop3A_467 = arith.muli %parallel_loop3A_465, %parallel_loop3A_466 : i32
      %parallel_loop3A_468 = arith.index_cast %parallel_loop3A_467 : i32 to index
      %parallel_loop3A_469 = tpu.vector_load %arg11[%parallel_loop3A_468] {strides = array<i32>} : memref<32768xf32, #tpu.memory_space<vmem>>, vector<16xf32>,
      %parallel_loop3A_470 = arith.subf %parallel_loop3A_469, %broadcast_in_dim3A : vector<16xf32>
      %parallel_loop3A_471 = arith.mulf %parallel_loop3A_470, %select_n3A_207 : vector<16xf32>
      %parallel_loop3A_472 = arith.fptosi %parallel_loop3A_471 : vector<16xf32> to vector<16xi32>
      tpu.vector_store_idx %arg12[%parallel_loop3A_472], %broadcast_in_dim3A_209 {add = true} : memref<2064xf32, #tpu.memory_space<vmem>>[vector<16xi32>], vector<16xf32>,
    } {sc.loop_unroll_factor = 4 : i64, sc.parallel_access}
    %add3A_446 = arith.constant 458752 : i32
    %add3A_447 = arith.addi %mul3A_2, %add3A_446 : i32
    %dma_start3A_448 = tpu.memref_slice %arg6[%add3A_447] : memref<16777216xf32, #tpu.memory_space<hbm>> -> memref<32768xf32, #tpu.memory_space<hbm>>
    %dma_start3A_449 = tpu.memref_slice %arg6[%add3A_447] : memref<16777216xf32, #tpu.memory_space<hbm>> -> memref<32768xf32, #tpu.memory_space<hbm>>
    tpu.enqueue_dma source(%arg11 : memref<32768xf32, #tpu.memory_space<vmem>>) target(%dma_start3A_449 : memref<32768xf32, #tpu.memory_space<hbm>>) target_semaphore(%arg22 : memref<!tpu.dma_semaphore, #tpu.memory_space<semaphore_mem>>)
    %dma_wait3A_450 = tpu.memref_slice %arg2[%add3A_438] : memref<16777216xf32, #tpu.memory_space<hbm>> -> memref<32768xf32, #tpu.memory_space<hbm>>
    %dma_wait3A_451 = tpu.memref_slice %arg2[%add3A_438] : memref<16777216xf32, #tpu.memory_space<hbm>> -> memref<32768xf32, #tpu.memory_space<hbm>>
    tpu.wait_dma2 semaphore(%arg17 : memref<!tpu.dma_semaphore, #tpu.memory_space<semaphore_mem>>) src(%dma_wait3A_451 : memref<32768xf32, #tpu.memory_space<hbm>>) dst(%arg9 : memref<32768xf32, #tpu.memory_space<vmem>>)
    %parallel_loop3A_452 = arith.constant 0 : i32
    %parallel_loop3A_453 = arith.constant 2048 : i32
    %parallel_loop3A_454 = arith.constant 1 : i32
    scf.for %parallel_loop3A_465 = %parallel_loop3A_452 to %parallel_loop3A_453 step %parallel_loop3A_454  : i32 {
      %parallel_loop3A_466 = arith.constant 16 : i32
      %parallel_loop3A_467 = arith.muli %parallel_loop3A_465, %parallel_loop3A_466 : i32
      %parallel_loop3A_468 = arith.index_cast %parallel_loop3A_467 : i32 to index
      %parallel_loop3A_469 = tpu.vector_load %arg9[%parallel_loop3A_468] {strides = array<i32>} : memref<32768xf32, #tpu.memory_space<vmem>>, vector<16xf32>,
      %parallel_loop3A_470 = arith.subf %parallel_loop3A_469, %broadcast_in_dim3A : vector<16xf32>
      %parallel_loop3A_471 = arith.mulf %parallel_loop3A_470, %select_n3A_207 : vector<16xf32>
      %parallel_loop3A_472 = arith.fptosi %parallel_loop3A_471 : vector<16xf32> to vector<16xi32>
      tpu.vector_store_idx %arg12[%parallel_loop3A_472], %broadcast_in_dim3A_209 {add = true} : memref<2064xf32, #tpu.memory_space<vmem>>[vector<16xi32>], vector<16xf32>,
    } {sc.loop_unroll_factor = 4 : i64, sc.parallel_access}
    %add3A_455 = arith.constant 491520 : i32
    %add3A_456 = arith.addi %mul3A_2, %add3A_455 : i32
    %dma_start3A_457 = tpu.memref_slice %arg6[%add3A_456] : memref<16777216xf32, #tpu.memory_space<hbm>> -> memref<32768xf32, #tpu.memory_space<hbm>>
    %dma_start3A_458 = tpu.memref_slice %arg6[%add3A_456] : memref<16777216xf32, #tpu.memory_space<hbm>> -> memref<32768xf32, #tpu.memory_space<hbm>>
    tpu.enqueue_dma source(%arg9 : memref<32768xf32, #tpu.memory_space<vmem>>) target(%dma_start3A_458 : memref<32768xf32, #tpu.memory_space<hbm>>) target_semaphore(%arg20 : memref<!tpu.dma_semaphore, #tpu.memory_space<semaphore_mem>>)
    %dma_wait3A_459 = tpu.memref_slice %arg6[%add3A_456] : memref<16777216xf32, #tpu.memory_space<hbm>> -> memref<32768xf32, #tpu.memory_space<hbm>>
    %dma_wait3A_460 = tpu.memref_slice %arg6[%add3A_456] : memref<16777216xf32, #tpu.memory_space<hbm>> -> memref<32768xf32, #tpu.memory_space<hbm>>
    tpu.wait_dma2 semaphore(%arg20 : memref<!tpu.dma_semaphore, #tpu.memory_space<semaphore_mem>>) src(%arg9 : memref<32768xf32, #tpu.memory_space<vmem>>) dst(%dma_wait3A_460 : memref<32768xf32, #tpu.memory_space<hbm>>)
    %dma_wait3A_461 = tpu.memref_slice %arg6[%add3A_432] : memref<16777216xf32, #tpu.memory_space<hbm>> -> memref<32768xf32, #tpu.memory_space<hbm>>
    %dma_wait3A_462 = tpu.memref_slice %arg6[%add3A_432] : memref<16777216xf32, #tpu.memory_space<hbm>> -> memref<32768xf32, #tpu.memory_space<hbm>>
    tpu.wait_dma2 semaphore(%arg21 : memref<!tpu.dma_semaphore, #tpu.memory_space<semaphore_mem>>) src(%arg10 : memref<32768xf32, #tpu.memory_space<vmem>>) dst(%dma_wait3A_462 : memref<32768xf32, #tpu.memory_space<hbm>>)
    %dma_wait3A_463 = tpu.memref_slice %arg6[%add3A_447] : memref<16777216xf32, #tpu.memory_space<hbm>> -> memref<32768xf32, #tpu.memory_space<hbm>>
    %dma_wait3A_464 = tpu.memref_slice %arg6[%add3A_447] : memref<16777216xf32, #tpu.memory_space<hbm>> -> memref<32768xf32, #tpu.memory_space<hbm>>
    tpu.wait_dma2 semaphore(%arg22 : memref<!tpu.dma_semaphore, #tpu.memory_space<semaphore_mem>>) src(%arg11 : memref<32768xf32, #tpu.memory_space<vmem>>) dst(%dma_wait3A_464 : memref<32768xf32, #tpu.memory_space<hbm>>)
    "tpu.region"() ({
      %run_scoped3A = tpu.sem_alloc : memref<!tpu.dma_semaphore, #tpu.memory_space<semaphore_mem>>
      %dma_start3A_465 = arith.constant 0 : i32
      %dma_start3A_466 = tpu.memref_slice %arg5[%add3A, %dma_start3A_465] : memref<32x2064xf32, #tpu.memory_space<hbm>> -> memref<1x2064xf32, #tpu.memory_space<hbm>>
      %dma_start3A_467 = tpu.memref_squeeze %dma_start3A_466 : memref<1x2064xf32, #tpu.memory_space<hbm>> -> memref<2064xf32, #tpu.memory_space<hbm>>
      %dma_start3A_468 = arith.constant 0 : i32
      %dma_start3A_469 = tpu.memref_slice %arg5[%add3A, %dma_start3A_468] : memref<32x2064xf32, #tpu.memory_space<hbm>> -> memref<1x2064xf32, #tpu.memory_space<hbm>>
      %dma_start3A_470 = tpu.memref_squeeze %dma_start3A_469 : memref<1x2064xf32, #tpu.memory_space<hbm>> -> memref<2064xf32, #tpu.memory_space<hbm>>
      tpu.enqueue_dma source(%arg12 : memref<2064xf32, #tpu.memory_space<vmem>>) target(%dma_start3A_470 : memref<2064xf32, #tpu.memory_space<hbm>>) target_semaphore(%run_scoped3A : memref<!tpu.dma_semaphore, #tpu.memory_space<semaphore_mem>>)
      %dma_wait3A_471 = arith.constant 0 : i32
      %dma_wait3A_472 = tpu.memref_slice %arg5[%add3A, %dma_wait3A_471] : memref<32x2064xf32, #tpu.memory_space<hbm>> -> memref<1x2064xf32, #tpu.memory_space<hbm>>
      %dma_wait3A_473 = tpu.memref_squeeze %dma_wait3A_472 : memref<1x2064xf32, #tpu.memory_space<hbm>> -> memref<2064xf32, #tpu.memory_space<hbm>>
      %dma_wait3A_474 = arith.constant 0 : i32
      %dma_wait3A_475 = tpu.memref_slice %arg5[%add3A, %dma_wait3A_474] : memref<32x2064xf32, #tpu.memory_space<hbm>> -> memref<1x2064xf32, #tpu.memory_space<hbm>>
      %dma_wait3A_476 = tpu.memref_squeeze %dma_wait3A_475 : memref<1x2064xf32, #tpu.memory_space<hbm>> -> memref<2064xf32, #tpu.memory_space<hbm>>
      tpu.wait_dma2 semaphore(%run_scoped3A : memref<!tpu.dma_semaphore, #tpu.memory_space<semaphore_mem>>) src(%arg12 : memref<2064xf32, #tpu.memory_space<vmem>>) dst(%dma_wait3A_476 : memref<2064xf32, #tpu.memory_space<hbm>>)
      tpu.yield
    }) : () -> ()
    return
  }
}

#map = affine_map<(d0, d1) -> (0)>
module attributes {stable_mosaic.version = 14 : i64} {
  func.func @_sc_minmax(%arg0: i32, %arg1: i32, %arg2: memref<16777216xf32, #tpu.memory_space<hbm>>, %arg3: memref<512xf32, #tpu.memory_space<hbm>>, %arg4: memref<512xf32, #tpu.memory_space<hbm>>, %arg5: memref<32768xf32, #tpu.memory_space<vmem>>, %arg6: memref<32768xf32, #tpu.memory_space<vmem>>, %arg7: memref<16xf32, #tpu.memory_space<vmem>>, %arg8: memref<16xf32, #tpu.memory_space<vmem>>, %arg9: memref<!tpu.dma_semaphore, #tpu.memory_space<semaphore_mem>>, %arg10: memref<!tpu.dma_semaphore, #tpu.memory_space<semaphore_mem>>) attributes {dimension_semantics = [#tpu.dimension_semantics<core_parallel>, #tpu.dimension_semantics<subcore_parallel>], iteration_bounds = array<i64: 2, 16>, scalar_prefetch = 0 : i64, scratch_operands = 6 : i64, tpu.core_type = #tpu.core_type<sc_vector_subcore>, window_params = [{transform_indices = #map}, {transform_indices = #map}, {transform_indices = #map}]} {
    %mul3A = arith.constant 2 : i32
    %mul3A_0 = arith.muli %arg1, %mul3A : i32
    %add3A = arith.addi %mul3A_0, %arg0 : i32
    %mul3A_1 = arith.constant 524288 : i32
    %mul3A_2 = arith.muli %add3A, %mul3A_1 : i32
    %add3A_3 = arith.constant 0 : i32
    %add3A_4 = arith.addi %mul3A_2, %add3A_3 : i32
    %dma_start3A = tpu.memref_slice %arg2[%add3A_4] : memref<16777216xf32, #tpu.memory_space<hbm>> -> memref<32768xf32, #tpu.memory_space<hbm>>
    %dma_start3A_5 = tpu.memref_slice %arg2[%add3A_4] : memref<16777216xf32, #tpu.memory_space<hbm>> -> memref<32768xf32, #tpu.memory_space<hbm>>
    tpu.enqueue_dma source(%dma_start3A_5 : memref<32768xf32, #tpu.memory_space<hbm>>) target(%arg5 : memref<32768xf32, #tpu.memory_space<vmem>>) target_semaphore(%arg9 : memref<!tpu.dma_semaphore, #tpu.memory_space<semaphore_mem>>)
    %add3A_6 = arith.constant 32768 : i32
    %add3A_7 = arith.addi %mul3A_2, %add3A_6 : i32
    %dma_start3A_8 = tpu.memref_slice %arg2[%add3A_7] : memref<16777216xf32, #tpu.memory_space<hbm>> -> memref<32768xf32, #tpu.memory_space<hbm>>
    %dma_start3A_9 = tpu.memref_slice %arg2[%add3A_7] : memref<16777216xf32, #tpu.memory_space<hbm>> -> memref<32768xf32, #tpu.memory_space<hbm>>
    tpu.enqueue_dma source(%dma_start3A_9 : memref<32768xf32, #tpu.memory_space<hbm>>) target(%arg6 : memref<32768xf32, #tpu.memory_space<vmem>>) target_semaphore(%arg10 : memref<!tpu.dma_semaphore, #tpu.memory_space<semaphore_mem>>)
    %dma_wait3A = tpu.memref_slice %arg2[%add3A_4] : memref<16777216xf32, #tpu.memory_space<hbm>> -> memref<32768xf32, #tpu.memory_space<hbm>>
    %dma_wait3A_10 = tpu.memref_slice %arg2[%add3A_4] : memref<16777216xf32, #tpu.memory_space<hbm>> -> memref<32768xf32, #tpu.memory_space<hbm>>
    tpu.wait_dma2 semaphore(%arg9 : memref<!tpu.dma_semaphore, #tpu.memory_space<semaphore_mem>>) src(%dma_wait3A_10 : memref<32768xf32, #tpu.memory_space<hbm>>) dst(%arg5 : memref<32768xf32, #tpu.memory_space<vmem>>)
    %get3A = arith.constant 0 : index
    %get3A_11 = tpu.vector_load %arg5[%get3A] {strides = array<i32>} : memref<32768xf32, #tpu.memory_space<vmem>>, vector<16xf32>,
    %get3A_12 = arith.constant 16 : index
    %get3A_13 = tpu.vector_load %arg5[%get3A_12] {strides = array<i32>} : memref<32768xf32, #tpu.memory_space<vmem>>, vector<16xf32>,
    %get3A_14 = arith.constant 32 : index
    %get3A_15 = tpu.vector_load %arg5[%get3A_14] {strides = array<i32>} : memref<32768xf32, #tpu.memory_space<vmem>>, vector<16xf32>,
    %get3A_16 = arith.constant 48 : index
    %get3A_17 = tpu.vector_load %arg5[%get3A_16] {strides = array<i32>} : memref<32768xf32, #tpu.memory_space<vmem>>, vector<16xf32>,
    %get3A_18 = arith.constant 64 : index
    %get3A_19 = tpu.vector_load %arg5[%get3A_18] {strides = array<i32>} : memref<32768xf32, #tpu.memory_space<vmem>>, vector<16xf32>,
    %get3A_20 = arith.constant 80 : index
    %get3A_21 = tpu.vector_load %arg5[%get3A_20] {strides = array<i32>} : memref<32768xf32, #tpu.memory_space<vmem>>, vector<16xf32>,
    %get3A_22 = arith.constant 96 : index
    %get3A_23 = tpu.vector_load %arg5[%get3A_22] {strides = array<i32>} : memref<32768xf32, #tpu.memory_space<vmem>>, vector<16xf32>,
    %get3A_24 = arith.constant 112 : index
    %get3A_25 = tpu.vector_load %arg5[%get3A_24] {strides = array<i32>} : memref<32768xf32, #tpu.memory_space<vmem>>, vector<16xf32>,
    %scan3A = arith.constant 0 : i32
    %scan3A_26 = arith.constant 256 : i32
    %scan3A_27 = arith.addi %scan3A, %scan3A_26 : i32
    %scan3A_28 = arith.constant 1 : i32
    %scan3A_29:16 = scf.for %scan3A_226 = %scan3A to %scan3A_27 step %scan3A_28 iter_args(%scan3A_227 = %get3A_11, %scan3A_228 = %get3A_13, %scan3A_229 = %get3A_15, %scan3A_230 = %get3A_17, %scan3A_231 = %get3A_19, %scan3A_232 = %get3A_21, %scan3A_233 = %get3A_23, %scan3A_234 = %get3A_25, %scan3A_235 = %get3A_11, %scan3A_236 = %get3A_13, %scan3A_237 = %get3A_15, %scan3A_238 = %get3A_17, %scan3A_239 = %get3A_19, %scan3A_240 = %get3A_21, %scan3A_241 = %get3A_23, %scan3A_242 = %get3A_25) -> (vector<16xf32>, vector<16xf32>, vector<16xf32>, vector<16xf32>, vector<16xf32>, vector<16xf32>, vector<16xf32>, vector<16xf32>, vector<16xf32>, vector<16xf32>, vector<16xf32>, vector<16xf32>, vector<16xf32>, vector<16xf32>, vector<16xf32>, vector<16xf32>)  : i32 {
      %mul3A_243 = arith.constant 1 : i32
      %mul3A_244 = arith.muli %scan3A_226, %mul3A_243 : i32
      %add3A_245 = arith.constant 0 : i32
      %add3A_246 = arith.addi %add3A_245, %mul3A_244 : i32
      %mul3A_247 = arith.constant 8 : i32
      %mul3A_248 = arith.muli %add3A_246, %mul3A_247 : i32
      %add3A_249 = arith.constant 0 : i32
      %add3A_250 = arith.addi %mul3A_248, %add3A_249 : i32
      %mul3A_251 = arith.constant 16 : i32
      %mul3A_252 = arith.muli %add3A_250, %mul3A_251 : i32
      %get3A_253 = arith.index_cast %mul3A_252 : i32 to index
      %get3A_254 = tpu.vector_load %arg5[%get3A_253] {strides = array<i32>} : memref<32768xf32, #tpu.memory_space<vmem>>, vector<16xf32>,
      %min3A_255 = arith.minimumf %scan3A_227, %get3A_254 : vector<16xf32>
      %max3A_256 = arith.maximumf %scan3A_235, %get3A_254 : vector<16xf32>
      %mul3A_257 = arith.constant 8 : i32
      %mul3A_258 = arith.muli %add3A_246, %mul3A_257 : i32
      %add3A_259 = arith.constant 1 : i32
      %add3A_260 = arith.addi %mul3A_258, %add3A_259 : i32
      %mul3A_261 = arith.constant 16 : i32
      %mul3A_262 = arith.muli %add3A_260, %mul3A_261 : i32
      %get3A_263 = arith.index_cast %mul3A_262 : i32 to index
      %get3A_264 = tpu.vector_load %arg5[%get3A_263] {strides = array<i32>} : memref<32768xf32, #tpu.memory_space<vmem>>, vector<16xf32>,
      %min3A_265 = arith.minimumf %scan3A_228, %get3A_264 : vector<16xf32>
      %max3A_266 = arith.maximumf %scan3A_236, %get3A_264 : vector<16xf32>
      %mul3A_267 = arith.constant 8 : i32
      %mul3A_268 = arith.muli %add3A_246, %mul3A_267 : i32
      %add3A_269 = arith.constant 2 : i32
      %add3A_270 = arith.addi %mul3A_268, %add3A_269 : i32
      %mul3A_271 = arith.constant 16 : i32
      %mul3A_272 = arith.muli %add3A_270, %mul3A_271 : i32
      %get3A_273 = arith.index_cast %mul3A_272 : i32 to index
      %get3A_274 = tpu.vector_load %arg5[%get3A_273] {strides = array<i32>} : memref<32768xf32, #tpu.memory_space<vmem>>, vector<16xf32>,
      %min3A_275 = arith.minimumf %scan3A_229, %get3A_274 : vector<16xf32>
      %max3A_276 = arith.maximumf %scan3A_237, %get3A_274 : vector<16xf32>
      %mul3A_277 = arith.constant 8 : i32
      %mul3A_278 = arith.muli %add3A_246, %mul3A_277 : i32
      %add3A_279 = arith.constant 3 : i32
      %add3A_280 = arith.addi %mul3A_278, %add3A_279 : i32
      %mul3A_281 = arith.constant 16 : i32
      %mul3A_282 = arith.muli %add3A_280, %mul3A_281 : i32
      %get3A_283 = arith.index_cast %mul3A_282 : i32 to index
      %get3A_284 = tpu.vector_load %arg5[%get3A_283] {strides = array<i32>} : memref<32768xf32, #tpu.memory_space<vmem>>, vector<16xf32>,
      %min3A_285 = arith.minimumf %scan3A_230, %get3A_284 : vector<16xf32>
      %max3A_286 = arith.maximumf %scan3A_238, %get3A_284 : vector<16xf32>
      %mul3A_287 = arith.constant 8 : i32
      %mul3A_288 = arith.muli %add3A_246, %mul3A_287 : i32
      %add3A_289 = arith.constant 4 : i32
      %add3A_290 = arith.addi %mul3A_288, %add3A_289 : i32
      %mul3A_291 = arith.constant 16 : i32
      %mul3A_292 = arith.muli %add3A_290, %mul3A_291 : i32
      %get3A_293 = arith.index_cast %mul3A_292 : i32 to index
      %get3A_294 = tpu.vector_load %arg5[%get3A_293] {strides = array<i32>} : memref<32768xf32, #tpu.memory_space<vmem>>, vector<16xf32>,
      %min3A_295 = arith.minimumf %scan3A_231, %get3A_294 : vector<16xf32>
      %max3A_296 = arith.maximumf %scan3A_239, %get3A_294 : vector<16xf32>
      %mul3A_297 = arith.constant 8 : i32
      %mul3A_298 = arith.muli %add3A_246, %mul3A_297 : i32
      %add3A_299 = arith.constant 5 : i32
      %add3A_300 = arith.addi %mul3A_298, %add3A_299 : i32
      %mul3A_301 = arith.constant 16 : i32
      %mul3A_302 = arith.muli %add3A_300, %mul3A_301 : i32
      %get3A_303 = arith.index_cast %mul3A_302 : i32 to index
      %get3A_304 = tpu.vector_load %arg5[%get3A_303] {strides = array<i32>} : memref<32768xf32, #tpu.memory_space<vmem>>, vector<16xf32>,
      %min3A_305 = arith.minimumf %scan3A_232, %get3A_304 : vector<16xf32>
      %max3A_306 = arith.maximumf %scan3A_240, %get3A_304 : vector<16xf32>
      %mul3A_307 = arith.constant 8 : i32
      %mul3A_308 = arith.muli %add3A_246, %mul3A_307 : i32
      %add3A_309 = arith.constant 6 : i32
      %add3A_310 = arith.addi %mul3A_308, %add3A_309 : i32
      %mul3A_311 = arith.constant 16 : i32
      %mul3A_312 = arith.muli %add3A_310, %mul3A_311 : i32
      %get3A_313 = arith.index_cast %mul3A_312 : i32 to index
      %get3A_314 = tpu.vector_load %arg5[%get3A_313] {strides = array<i32>} : memref<32768xf32, #tpu.memory_space<vmem>>, vector<16xf32>,
      %min3A_315 = arith.minimumf %scan3A_233, %get3A_314 : vector<16xf32>
      %max3A_316 = arith.maximumf %scan3A_241, %get3A_314 : vector<16xf32>
      %mul3A_317 = arith.constant 8 : i32
      %mul3A_318 = arith.muli %add3A_246, %mul3A_317 : i32
      %add3A_319 = arith.constant 7 : i32
      %add3A_320 = arith.addi %mul3A_318, %add3A_319 : i32
      %mul3A_321 = arith.constant 16 : i32
      %mul3A_322 = arith.muli %add3A_320, %mul3A_321 : i32
      %get3A_323 = arith.index_cast %mul3A_322 : i32 to index
      %get3A_324 = tpu.vector_load %arg5[%get3A_323] {strides = array<i32>} : memref<32768xf32, #tpu.memory_space<vmem>>, vector<16xf32>,
      %min3A_325 = arith.minimumf %scan3A_234, %get3A_324 : vector<16xf32>
      %max3A_326 = arith.maximumf %scan3A_242, %get3A_324 : vector<16xf32>
      scf.yield %min3A_255, %min3A_265, %min3A_275, %min3A_285, %min3A_295, %min3A_305, %min3A_315, %min3A_325, %max3A_256, %max3A_266, %max3A_276, %max3A_286, %max3A_296, %max3A_306, %max3A_316, %max3A_326 : vector<16xf32>, vector<16xf32>, vector<16xf32>, vector<16xf32>, vector<16xf32>, vector<16xf32>, vector<16xf32>, vector<16xf32>, vector<16xf32>, vector<16xf32>, vector<16xf32>, vector<16xf32>, vector<16xf32>, vector<16xf32>, vector<16xf32>, vector<16xf32>
    }
    %scan3A_30 = arith.constant 256 : i32
    %add3A_31 = arith.constant 65536 : i32
    %add3A_32 = arith.addi %mul3A_2, %add3A_31 : i32
    %dma_start3A_33 = tpu.memref_slice %arg2[%add3A_32] : memref<16777216xf32, #tpu.memory_space<hbm>> -> memref<32768xf32, #tpu.memory_space<hbm>>
    %dma_start3A_34 = tpu.memref_slice %arg2[%add3A_32] : memref<16777216xf32, #tpu.memory_space<hbm>> -> memref<32768xf32, #tpu.memory_space<hbm>>
    tpu.enqueue_dma source(%dma_start3A_34 : memref<32768xf32, #tpu.memory_space<hbm>>) target(%arg5 : memref<32768xf32, #tpu.memory_space<vmem>>) target_semaphore(%arg9 : memref<!tpu.dma_semaphore, #tpu.memory_space<semaphore_mem>>)
    %dma_wait3A_35 = tpu.memref_slice %arg2[%add3A_7] : memref<16777216xf32, #tpu.memory_space<hbm>> -> memref<32768xf32, #tpu.memory_space<hbm>>
    %dma_wait3A_36 = tpu.memref_slice %arg2[%add3A_7] : memref<16777216xf32, #tpu.memory_space<hbm>> -> memref<32768xf32, #tpu.memory_space<hbm>>
    tpu.wait_dma2 semaphore(%arg10 : memref<!tpu.dma_semaphore, #tpu.memory_space<semaphore_mem>>) src(%dma_wait3A_36 : memref<32768xf32, #tpu.memory_space<hbm>>) dst(%arg6 : memref<32768xf32, #tpu.memory_space<vmem>>)
    %scan3A_37 = arith.constant 0 : i32
    %scan3A_38 = arith.constant 256 : i32
    %scan3A_39 = arith.addi %scan3A_37, %scan3A_38 : i32
    %scan3A_40 = arith.constant 1 : i32
    %scan3A_41:16 = scf.for %scan3A_226 = %scan3A_37 to %scan3A_39 step %scan3A_40 iter_args(%scan3A_227 = %scan3A_29#0, %scan3A_228 = %scan3A_29#1, %scan3A_229 = %scan3A_29#2, %scan3A_230 = %scan3A_29#3, %scan3A_231 = %scan3A_29#4, %scan3A_232 = %scan3A_29#5, %scan3A_233 = %scan3A_29#6, %scan3A_234 = %scan3A_29#7, %scan3A_235 = %scan3A_29#8, %scan3A_236 = %scan3A_29#9, %scan3A_237 = %scan3A_29#10, %scan3A_238 = %scan3A_29#11, %scan3A_239 = %scan3A_29#12, %scan3A_240 = %scan3A_29#13, %scan3A_241 = %scan3A_29#14, %scan3A_242 = %scan3A_29#15) -> (vector<16xf32>, vector<16xf32>, vector<16xf32>, vector<16xf32>, vector<16xf32>, vector<16xf32>, vector<16xf32>, vector<16xf32>, vector<16xf32>, vector<16xf32>, vector<16xf32>, vector<16xf32>, vector<16xf32>, vector<16xf32>, vector<16xf32>, vector<16xf32>)  : i32 {
      %mul3A_243 = arith.constant 1 : i32
      %mul3A_244 = arith.muli %scan3A_226, %mul3A_243 : i32
      %add3A_245 = arith.constant 0 : i32
      %add3A_246 = arith.addi %add3A_245, %mul3A_244 : i32
      %mul3A_247 = arith.constant 8 : i32
      %mul3A_248 = arith.muli %add3A_246, %mul3A_247 : i32
      %add3A_249 = arith.constant 0 : i32
      %add3A_250 = arith.addi %mul3A_248, %add3A_249 : i32
      %mul3A_251 = arith.constant 16 : i32
      %mul3A_252 = arith.muli %add3A_250, %mul3A_251 : i32
      %get3A_253 = arith.index_cast %mul3A_252 : i32 to index
      %get3A_254 = tpu.vector_load %arg6[%get3A_253] {strides = array<i32>} : memref<32768xf32, #tpu.memory_space<vmem>>, vector<16xf32>,
      %min3A_255 = arith.minimumf %scan3A_227, %get3A_254 : vector<16xf32>
      %max3A_256 = arith.maximumf %scan3A_235, %get3A_254 : vector<16xf32>
      %mul3A_257 = arith.constant 8 : i32
      %mul3A_258 = arith.muli %add3A_246, %mul3A_257 : i32
      %add3A_259 = arith.constant 1 : i32
      %add3A_260 = arith.addi %mul3A_258, %add3A_259 : i32
      %mul3A_261 = arith.constant 16 : i32
      %mul3A_262 = arith.muli %add3A_260, %mul3A_261 : i32
      %get3A_263 = arith.index_cast %mul3A_262 : i32 to index
      %get3A_264 = tpu.vector_load %arg6[%get3A_263] {strides = array<i32>} : memref<32768xf32, #tpu.memory_space<vmem>>, vector<16xf32>,
      %min3A_265 = arith.minimumf %scan3A_228, %get3A_264 : vector<16xf32>
      %max3A_266 = arith.maximumf %scan3A_236, %get3A_264 : vector<16xf32>
      %mul3A_267 = arith.constant 8 : i32
      %mul3A_268 = arith.muli %add3A_246, %mul3A_267 : i32
      %add3A_269 = arith.constant 2 : i32
      %add3A_270 = arith.addi %mul3A_268, %add3A_269 : i32
      %mul3A_271 = arith.constant 16 : i32
      %mul3A_272 = arith.muli %add3A_270, %mul3A_271 : i32
      %get3A_273 = arith.index_cast %mul3A_272 : i32 to index
      %get3A_274 = tpu.vector_load %arg6[%get3A_273] {strides = array<i32>} : memref<32768xf32, #tpu.memory_space<vmem>>, vector<16xf32>,
      %min3A_275 = arith.minimumf %scan3A_229, %get3A_274 : vector<16xf32>
      %max3A_276 = arith.maximumf %scan3A_237, %get3A_274 : vector<16xf32>
      %mul3A_277 = arith.constant 8 : i32
      %mul3A_278 = arith.muli %add3A_246, %mul3A_277 : i32
      %add3A_279 = arith.constant 3 : i32
      %add3A_280 = arith.addi %mul3A_278, %add3A_279 : i32
      %mul3A_281 = arith.constant 16 : i32
      %mul3A_282 = arith.muli %add3A_280, %mul3A_281 : i32
      %get3A_283 = arith.index_cast %mul3A_282 : i32 to index
      %get3A_284 = tpu.vector_load %arg6[%get3A_283] {strides = array<i32>} : memref<32768xf32, #tpu.memory_space<vmem>>, vector<16xf32>,
      %min3A_285 = arith.minimumf %scan3A_230, %get3A_284 : vector<16xf32>
      %max3A_286 = arith.maximumf %scan3A_238, %get3A_284 : vector<16xf32>
      %mul3A_287 = arith.constant 8 : i32
      %mul3A_288 = arith.muli %add3A_246, %mul3A_287 : i32
      %add3A_289 = arith.constant 4 : i32
      %add3A_290 = arith.addi %mul3A_288, %add3A_289 : i32
      %mul3A_291 = arith.constant 16 : i32
      %mul3A_292 = arith.muli %add3A_290, %mul3A_291 : i32
      %get3A_293 = arith.index_cast %mul3A_292 : i32 to index
      %get3A_294 = tpu.vector_load %arg6[%get3A_293] {strides = array<i32>} : memref<32768xf32, #tpu.memory_space<vmem>>, vector<16xf32>,
      %min3A_295 = arith.minimumf %scan3A_231, %get3A_294 : vector<16xf32>
      %max3A_296 = arith.maximumf %scan3A_239, %get3A_294 : vector<16xf32>
      %mul3A_297 = arith.constant 8 : i32
      %mul3A_298 = arith.muli %add3A_246, %mul3A_297 : i32
      %add3A_299 = arith.constant 5 : i32
      %add3A_300 = arith.addi %mul3A_298, %add3A_299 : i32
      %mul3A_301 = arith.constant 16 : i32
      %mul3A_302 = arith.muli %add3A_300, %mul3A_301 : i32
      %get3A_303 = arith.index_cast %mul3A_302 : i32 to index
      %get3A_304 = tpu.vector_load %arg6[%get3A_303] {strides = array<i32>} : memref<32768xf32, #tpu.memory_space<vmem>>, vector<16xf32>,
      %min3A_305 = arith.minimumf %scan3A_232, %get3A_304 : vector<16xf32>
      %max3A_306 = arith.maximumf %scan3A_240, %get3A_304 : vector<16xf32>
      %mul3A_307 = arith.constant 8 : i32
      %mul3A_308 = arith.muli %add3A_246, %mul3A_307 : i32
      %add3A_309 = arith.constant 6 : i32
      %add3A_310 = arith.addi %mul3A_308, %add3A_309 : i32
      %mul3A_311 = arith.constant 16 : i32
      %mul3A_312 = arith.muli %add3A_310, %mul3A_311 : i32
      %get3A_313 = arith.index_cast %mul3A_312 : i32 to index
      %get3A_314 = tpu.vector_load %arg6[%get3A_313] {strides = array<i32>} : memref<32768xf32, #tpu.memory_space<vmem>>, vector<16xf32>,
      %min3A_315 = arith.minimumf %scan3A_233, %get3A_314 : vector<16xf32>
      %max3A_316 = arith.maximumf %scan3A_241, %get3A_314 : vector<16xf32>
      %mul3A_317 = arith.constant 8 : i32
      %mul3A_318 = arith.muli %add3A_246, %mul3A_317 : i32
      %add3A_319 = arith.constant 7 : i32
      %add3A_320 = arith.addi %mul3A_318, %add3A_319 : i32
      %mul3A_321 = arith.constant 16 : i32
      %mul3A_322 = arith.muli %add3A_320, %mul3A_321 : i32
      %get3A_323 = arith.index_cast %mul3A_322 : i32 to index
      %get3A_324 = tpu.vector_load %arg6[%get3A_323] {strides = array<i32>} : memref<32768xf32, #tpu.memory_space<vmem>>, vector<16xf32>,
      %min3A_325 = arith.minimumf %scan3A_234, %get3A_324 : vector<16xf32>
      %max3A_326 = arith.maximumf %scan3A_242, %get3A_324 : vector<16xf32>
      scf.yield %min3A_255, %min3A_265, %min3A_275, %min3A_285, %min3A_295, %min3A_305, %min3A_315, %min3A_325, %max3A_256, %max3A_266, %max3A_276, %max3A_286, %max3A_296, %max3A_306, %max3A_316, %max3A_326 : vector<16xf32>, vector<16xf32>, vector<16xf32>, vector<16xf32>, vector<16xf32>, vector<16xf32>, vector<16xf32>, vector<16xf32>, vector<16xf32>, vector<16xf32>, vector<16xf32>, vector<16xf32>, vector<16xf32>, vector<16xf32>, vector<16xf32>, vector<16xf32>
    }
    %scan3A_42 = arith.constant 256 : i32
    %add3A_43 = arith.constant 98304 : i32
    %add3A_44 = arith.addi %mul3A_2, %add3A_43 : i32
    %dma_start3A_45 = tpu.memref_slice %arg2[%add3A_44] : memref<16777216xf32, #tpu.memory_space<hbm>> -> memref<32768xf32, #tpu.memory_space<hbm>>
    %dma_start3A_46 = tpu.memref_slice %arg2[%add3A_44] : memref<16777216xf32, #tpu.memory_space<hbm>> -> memref<32768xf32, #tpu.memory_space<hbm>>
    tpu.enqueue_dma source(%dma_start3A_46 : memref<32768xf32, #tpu.memory_space<hbm>>) target(%arg6 : memref<32768xf32, #tpu.memory_space<vmem>>) target_semaphore(%arg10 : memref<!tpu.dma_semaphore, #tpu.memory_space<semaphore_mem>>)
    %dma_wait3A_47 = tpu.memref_slice %arg2[%add3A_32] : memref<16777216xf32, #tpu.memory_space<hbm>> -> memref<32768xf32, #tpu.memory_space<hbm>>
    %dma_wait3A_48 = tpu.memref_slice %arg2[%add3A_32] : memref<16777216xf32, #tpu.memory_space<hbm>> -> memref<32768xf32, #tpu.memory_space<hbm>>
    tpu.wait_dma2 semaphore(%arg9 : memref<!tpu.dma_semaphore, #tpu.memory_space<semaphore_mem>>) src(%dma_wait3A_48 : memref<32768xf32, #tpu.memory_space<hbm>>) dst(%arg5 : memref<32768xf32, #tpu.memory_space<vmem>>)
    %scan3A_49 = arith.constant 0 : i32
    %scan3A_50 = arith.constant 256 : i32
    %scan3A_51 = arith.addi %scan3A_49, %scan3A_50 : i32
    %scan3A_52 = arith.constant 1 : i32
    %scan3A_53:16 = scf.for %scan3A_226 = %scan3A_49 to %scan3A_51 step %scan3A_52 iter_args(%scan3A_227 = %scan3A_41#0, %scan3A_228 = %scan3A_41#1, %scan3A_229 = %scan3A_41#2, %scan3A_230 = %scan3A_41#3, %scan3A_231 = %scan3A_41#4, %scan3A_232 = %scan3A_41#5, %scan3A_233 = %scan3A_41#6, %scan3A_234 = %scan3A_41#7, %scan3A_235 = %scan3A_41#8, %scan3A_236 = %scan3A_41#9, %scan3A_237 = %scan3A_41#10, %scan3A_238 = %scan3A_41#11, %scan3A_239 = %scan3A_41#12, %scan3A_240 = %scan3A_41#13, %scan3A_241 = %scan3A_41#14, %scan3A_242 = %scan3A_41#15) -> (vector<16xf32>, vector<16xf32>, vector<16xf32>, vector<16xf32>, vector<16xf32>, vector<16xf32>, vector<16xf32>, vector<16xf32>, vector<16xf32>, vector<16xf32>, vector<16xf32>, vector<16xf32>, vector<16xf32>, vector<16xf32>, vector<16xf32>, vector<16xf32>)  : i32 {
      %mul3A_243 = arith.constant 1 : i32
      %mul3A_244 = arith.muli %scan3A_226, %mul3A_243 : i32
      %add3A_245 = arith.constant 0 : i32
      %add3A_246 = arith.addi %add3A_245, %mul3A_244 : i32
      %mul3A_247 = arith.constant 8 : i32
      %mul3A_248 = arith.muli %add3A_246, %mul3A_247 : i32
      %add3A_249 = arith.constant 0 : i32
      %add3A_250 = arith.addi %mul3A_248, %add3A_249 : i32
      %mul3A_251 = arith.constant 16 : i32
      %mul3A_252 = arith.muli %add3A_250, %mul3A_251 : i32
      %get3A_253 = arith.index_cast %mul3A_252 : i32 to index
      %get3A_254 = tpu.vector_load %arg5[%get3A_253] {strides = array<i32>} : memref<32768xf32, #tpu.memory_space<vmem>>, vector<16xf32>,
      %min3A_255 = arith.minimumf %scan3A_227, %get3A_254 : vector<16xf32>
      %max3A_256 = arith.maximumf %scan3A_235, %get3A_254 : vector<16xf32>
      %mul3A_257 = arith.constant 8 : i32
      %mul3A_258 = arith.muli %add3A_246, %mul3A_257 : i32
      %add3A_259 = arith.constant 1 : i32
      %add3A_260 = arith.addi %mul3A_258, %add3A_259 : i32
      %mul3A_261 = arith.constant 16 : i32
      %mul3A_262 = arith.muli %add3A_260, %mul3A_261 : i32
      %get3A_263 = arith.index_cast %mul3A_262 : i32 to index
      %get3A_264 = tpu.vector_load %arg5[%get3A_263] {strides = array<i32>} : memref<32768xf32, #tpu.memory_space<vmem>>, vector<16xf32>,
      %min3A_265 = arith.minimumf %scan3A_228, %get3A_264 : vector<16xf32>
      %max3A_266 = arith.maximumf %scan3A_236, %get3A_264 : vector<16xf32>
      %mul3A_267 = arith.constant 8 : i32
      %mul3A_268 = arith.muli %add3A_246, %mul3A_267 : i32
      %add3A_269 = arith.constant 2 : i32
      %add3A_270 = arith.addi %mul3A_268, %add3A_269 : i32
      %mul3A_271 = arith.constant 16 : i32
      %mul3A_272 = arith.muli %add3A_270, %mul3A_271 : i32
      %get3A_273 = arith.index_cast %mul3A_272 : i32 to index
      %get3A_274 = tpu.vector_load %arg5[%get3A_273] {strides = array<i32>} : memref<32768xf32, #tpu.memory_space<vmem>>, vector<16xf32>,
      %min3A_275 = arith.minimumf %scan3A_229, %get3A_274 : vector<16xf32>
      %max3A_276 = arith.maximumf %scan3A_237, %get3A_274 : vector<16xf32>
      %mul3A_277 = arith.constant 8 : i32
      %mul3A_278 = arith.muli %add3A_246, %mul3A_277 : i32
      %add3A_279 = arith.constant 3 : i32
      %add3A_280 = arith.addi %mul3A_278, %add3A_279 : i32
      %mul3A_281 = arith.constant 16 : i32
      %mul3A_282 = arith.muli %add3A_280, %mul3A_281 : i32
      %get3A_283 = arith.index_cast %mul3A_282 : i32 to index
      %get3A_284 = tpu.vector_load %arg5[%get3A_283] {strides = array<i32>} : memref<32768xf32, #tpu.memory_space<vmem>>, vector<16xf32>,
      %min3A_285 = arith.minimumf %scan3A_230, %get3A_284 : vector<16xf32>
      %max3A_286 = arith.maximumf %scan3A_238, %get3A_284 : vector<16xf32>
      %mul3A_287 = arith.constant 8 : i32
      %mul3A_288 = arith.muli %add3A_246, %mul3A_287 : i32
      %add3A_289 = arith.constant 4 : i32
      %add3A_290 = arith.addi %mul3A_288, %add3A_289 : i32
      %mul3A_291 = arith.constant 16 : i32
      %mul3A_292 = arith.muli %add3A_290, %mul3A_291 : i32
      %get3A_293 = arith.index_cast %mul3A_292 : i32 to index
      %get3A_294 = tpu.vector_load %arg5[%get3A_293] {strides = array<i32>} : memref<32768xf32, #tpu.memory_space<vmem>>, vector<16xf32>,
      %min3A_295 = arith.minimumf %scan3A_231, %get3A_294 : vector<16xf32>
      %max3A_296 = arith.maximumf %scan3A_239, %get3A_294 : vector<16xf32>
      %mul3A_297 = arith.constant 8 : i32
      %mul3A_298 = arith.muli %add3A_246, %mul3A_297 : i32
      %add3A_299 = arith.constant 5 : i32
      %add3A_300 = arith.addi %mul3A_298, %add3A_299 : i32
      %mul3A_301 = arith.constant 16 : i32
      %mul3A_302 = arith.muli %add3A_300, %mul3A_301 : i32
      %get3A_303 = arith.index_cast %mul3A_302 : i32 to index
      %get3A_304 = tpu.vector_load %arg5[%get3A_303] {strides = array<i32>} : memref<32768xf32, #tpu.memory_space<vmem>>, vector<16xf32>,
      %min3A_305 = arith.minimumf %scan3A_232, %get3A_304 : vector<16xf32>
      %max3A_306 = arith.maximumf %scan3A_240, %get3A_304 : vector<16xf32>
      %mul3A_307 = arith.constant 8 : i32
      %mul3A_308 = arith.muli %add3A_246, %mul3A_307 : i32
      %add3A_309 = arith.constant 6 : i32
      %add3A_310 = arith.addi %mul3A_308, %add3A_309 : i32
      %mul3A_311 = arith.constant 16 : i32
      %mul3A_312 = arith.muli %add3A_310, %mul3A_311 : i32
      %get3A_313 = arith.index_cast %mul3A_312 : i32 to index
      %get3A_314 = tpu.vector_load %arg5[%get3A_313] {strides = array<i32>} : memref<32768xf32, #tpu.memory_space<vmem>>, vector<16xf32>,
      %min3A_315 = arith.minimumf %scan3A_233, %get3A_314 : vector<16xf32>
      %max3A_316 = arith.maximumf %scan3A_241, %get3A_314 : vector<16xf32>
      %mul3A_317 = arith.constant 8 : i32
      %mul3A_318 = arith.muli %add3A_246, %mul3A_317 : i32
      %add3A_319 = arith.constant 7 : i32
      %add3A_320 = arith.addi %mul3A_318, %add3A_319 : i32
      %mul3A_321 = arith.constant 16 : i32
      %mul3A_322 = arith.muli %add3A_320, %mul3A_321 : i32
      %get3A_323 = arith.index_cast %mul3A_322 : i32 to index
      %get3A_324 = tpu.vector_load %arg5[%get3A_323] {strides = array<i32>} : memref<32768xf32, #tpu.memory_space<vmem>>, vector<16xf32>,
      %min3A_325 = arith.minimumf %scan3A_234, %get3A_324 : vector<16xf32>
      %max3A_326 = arith.maximumf %scan3A_242, %get3A_324 : vector<16xf32>
      scf.yield %min3A_255, %min3A_265, %min3A_275, %min3A_285, %min3A_295, %min3A_305, %min3A_315, %min3A_325, %max3A_256, %max3A_266, %max3A_276, %max3A_286, %max3A_296, %max3A_306, %max3A_316, %max3A_326 : vector<16xf32>, vector<16xf32>, vector<16xf32>, vector<16xf32>, vector<16xf32>, vector<16xf32>, vector<16xf32>, vector<16xf32>, vector<16xf32>, vector<16xf32>, vector<16xf32>, vector<16xf32>, vector<16xf32>, vector<16xf32>, vector<16xf32>, vector<16xf32>
    }
    %scan3A_54 = arith.constant 256 : i32
    %add3A_55 = arith.constant 131072 : i32
    %add3A_56 = arith.addi %mul3A_2, %add3A_55 : i32
    %dma_start3A_57 = tpu.memref_slice %arg2[%add3A_56] : memref<16777216xf32, #tpu.memory_space<hbm>> -> memref<32768xf32, #tpu.memory_space<hbm>>
    %dma_start3A_58 = tpu.memref_slice %arg2[%add3A_56] : memref<16777216xf32, #tpu.memory_space<hbm>> -> memref<32768xf32, #tpu.memory_space<hbm>>
    tpu.enqueue_dma source(%dma_start3A_58 : memref<32768xf32, #tpu.memory_space<hbm>>) target(%arg5 : memref<32768xf32, #tpu.memory_space<vmem>>) target_semaphore(%arg9 : memref<!tpu.dma_semaphore, #tpu.memory_space<semaphore_mem>>)
    %dma_wait3A_59 = tpu.memref_slice %arg2[%add3A_44] : memref<16777216xf32, #tpu.memory_space<hbm>> -> memref<32768xf32, #tpu.memory_space<hbm>>
    %dma_wait3A_60 = tpu.memref_slice %arg2[%add3A_44] : memref<16777216xf32, #tpu.memory_space<hbm>> -> memref<32768xf32, #tpu.memory_space<hbm>>
    tpu.wait_dma2 semaphore(%arg10 : memref<!tpu.dma_semaphore, #tpu.memory_space<semaphore_mem>>) src(%dma_wait3A_60 : memref<32768xf32, #tpu.memory_space<hbm>>) dst(%arg6 : memref<32768xf32, #tpu.memory_space<vmem>>)
    %scan3A_61 = arith.constant 0 : i32
    %scan3A_62 = arith.constant 256 : i32
    %scan3A_63 = arith.addi %scan3A_61, %scan3A_62 : i32
    %scan3A_64 = arith.constant 1 : i32
    %scan3A_65:16 = scf.for %scan3A_226 = %scan3A_61 to %scan3A_63 step %scan3A_64 iter_args(%scan3A_227 = %scan3A_53#0, %scan3A_228 = %scan3A_53#1, %scan3A_229 = %scan3A_53#2, %scan3A_230 = %scan3A_53#3, %scan3A_231 = %scan3A_53#4, %scan3A_232 = %scan3A_53#5, %scan3A_233 = %scan3A_53#6, %scan3A_234 = %scan3A_53#7, %scan3A_235 = %scan3A_53#8, %scan3A_236 = %scan3A_53#9, %scan3A_237 = %scan3A_53#10, %scan3A_238 = %scan3A_53#11, %scan3A_239 = %scan3A_53#12, %scan3A_240 = %scan3A_53#13, %scan3A_241 = %scan3A_53#14, %scan3A_242 = %scan3A_53#15) -> (vector<16xf32>, vector<16xf32>, vector<16xf32>, vector<16xf32>, vector<16xf32>, vector<16xf32>, vector<16xf32>, vector<16xf32>, vector<16xf32>, vector<16xf32>, vector<16xf32>, vector<16xf32>, vector<16xf32>, vector<16xf32>, vector<16xf32>, vector<16xf32>)  : i32 {
      %mul3A_243 = arith.constant 1 : i32
      %mul3A_244 = arith.muli %scan3A_226, %mul3A_243 : i32
      %add3A_245 = arith.constant 0 : i32
      %add3A_246 = arith.addi %add3A_245, %mul3A_244 : i32
      %mul3A_247 = arith.constant 8 : i32
      %mul3A_248 = arith.muli %add3A_246, %mul3A_247 : i32
      %add3A_249 = arith.constant 0 : i32
      %add3A_250 = arith.addi %mul3A_248, %add3A_249 : i32
      %mul3A_251 = arith.constant 16 : i32
      %mul3A_252 = arith.muli %add3A_250, %mul3A_251 : i32
      %get3A_253 = arith.index_cast %mul3A_252 : i32 to index
      %get3A_254 = tpu.vector_load %arg6[%get3A_253] {strides = array<i32>} : memref<32768xf32, #tpu.memory_space<vmem>>, vector<16xf32>,
      %min3A_255 = arith.minimumf %scan3A_227, %get3A_254 : vector<16xf32>
      %max3A_256 = arith.maximumf %scan3A_235, %get3A_254 : vector<16xf32>
      %mul3A_257 = arith.constant 8 : i32
      %mul3A_258 = arith.muli %add3A_246, %mul3A_257 : i32
      %add3A_259 = arith.constant 1 : i32
      %add3A_260 = arith.addi %mul3A_258, %add3A_259 : i32
      %mul3A_261 = arith.constant 16 : i32
      %mul3A_262 = arith.muli %add3A_260, %mul3A_261 : i32
      %get3A_263 = arith.index_cast %mul3A_262 : i32 to index
      %get3A_264 = tpu.vector_load %arg6[%get3A_263] {strides = array<i32>} : memref<32768xf32, #tpu.memory_space<vmem>>, vector<16xf32>,
      %min3A_265 = arith.minimumf %scan3A_228, %get3A_264 : vector<16xf32>
      %max3A_266 = arith.maximumf %scan3A_236, %get3A_264 : vector<16xf32>
      %mul3A_267 = arith.constant 8 : i32
      %mul3A_268 = arith.muli %add3A_246, %mul3A_267 : i32
      %add3A_269 = arith.constant 2 : i32
      %add3A_270 = arith.addi %mul3A_268, %add3A_269 : i32
      %mul3A_271 = arith.constant 16 : i32
      %mul3A_272 = arith.muli %add3A_270, %mul3A_271 : i32
      %get3A_273 = arith.index_cast %mul3A_272 : i32 to index
      %get3A_274 = tpu.vector_load %arg6[%get3A_273] {strides = array<i32>} : memref<32768xf32, #tpu.memory_space<vmem>>, vector<16xf32>,
      %min3A_275 = arith.minimumf %scan3A_229, %get3A_274 : vector<16xf32>
      %max3A_276 = arith.maximumf %scan3A_237, %get3A_274 : vector<16xf32>
      %mul3A_277 = arith.constant 8 : i32
      %mul3A_278 = arith.muli %add3A_246, %mul3A_277 : i32
      %add3A_279 = arith.constant 3 : i32
      %add3A_280 = arith.addi %mul3A_278, %add3A_279 : i32
      %mul3A_281 = arith.constant 16 : i32
      %mul3A_282 = arith.muli %add3A_280, %mul3A_281 : i32
      %get3A_283 = arith.index_cast %mul3A_282 : i32 to index
      %get3A_284 = tpu.vector_load %arg6[%get3A_283] {strides = array<i32>} : memref<32768xf32, #tpu.memory_space<vmem>>, vector<16xf32>,
      %min3A_285 = arith.minimumf %scan3A_230, %get3A_284 : vector<16xf32>
      %max3A_286 = arith.maximumf %scan3A_238, %get3A_284 : vector<16xf32>
      %mul3A_287 = arith.constant 8 : i32
      %mul3A_288 = arith.muli %add3A_246, %mul3A_287 : i32
      %add3A_289 = arith.constant 4 : i32
      %add3A_290 = arith.addi %mul3A_288, %add3A_289 : i32
      %mul3A_291 = arith.constant 16 : i32
      %mul3A_292 = arith.muli %add3A_290, %mul3A_291 : i32
      %get3A_293 = arith.index_cast %mul3A_292 : i32 to index
      %get3A_294 = tpu.vector_load %arg6[%get3A_293] {strides = array<i32>} : memref<32768xf32, #tpu.memory_space<vmem>>, vector<16xf32>,
      %min3A_295 = arith.minimumf %scan3A_231, %get3A_294 : vector<16xf32>
      %max3A_296 = arith.maximumf %scan3A_239, %get3A_294 : vector<16xf32>
      %mul3A_297 = arith.constant 8 : i32
      %mul3A_298 = arith.muli %add3A_246, %mul3A_297 : i32
      %add3A_299 = arith.constant 5 : i32
      %add3A_300 = arith.addi %mul3A_298, %add3A_299 : i32
      %mul3A_301 = arith.constant 16 : i32
      %mul3A_302 = arith.muli %add3A_300, %mul3A_301 : i32
      %get3A_303 = arith.index_cast %mul3A_302 : i32 to index
      %get3A_304 = tpu.vector_load %arg6[%get3A_303] {strides = array<i32>} : memref<32768xf32, #tpu.memory_space<vmem>>, vector<16xf32>,
      %min3A_305 = arith.minimumf %scan3A_232, %get3A_304 : vector<16xf32>
      %max3A_306 = arith.maximumf %scan3A_240, %get3A_304 : vector<16xf32>
      %mul3A_307 = arith.constant 8 : i32
      %mul3A_308 = arith.muli %add3A_246, %mul3A_307 : i32
      %add3A_309 = arith.constant 6 : i32
      %add3A_310 = arith.addi %mul3A_308, %add3A_309 : i32
      %mul3A_311 = arith.constant 16 : i32
      %mul3A_312 = arith.muli %add3A_310, %mul3A_311 : i32
      %get3A_313 = arith.index_cast %mul3A_312 : i32 to index
      %get3A_314 = tpu.vector_load %arg6[%get3A_313] {strides = array<i32>} : memref<32768xf32, #tpu.memory_space<vmem>>, vector<16xf32>,
      %min3A_315 = arith.minimumf %scan3A_233, %get3A_314 : vector<16xf32>
      %max3A_316 = arith.maximumf %scan3A_241, %get3A_314 : vector<16xf32>
      %mul3A_317 = arith.constant 8 : i32
      %mul3A_318 = arith.muli %add3A_246, %mul3A_317 : i32
      %add3A_319 = arith.constant 7 : i32
      %add3A_320 = arith.addi %mul3A_318, %add3A_319 : i32
      %mul3A_321 = arith.constant 16 : i32
      %mul3A_322 = arith.muli %add3A_320, %mul3A_321 : i32
      %get3A_323 = arith.index_cast %mul3A_322 : i32 to index
      %get3A_324 = tpu.vector_load %arg6[%get3A_323] {strides = array<i32>} : memref<32768xf32, #tpu.memory_space<vmem>>, vector<16xf32>,
      %min3A_325 = arith.minimumf %scan3A_234, %get3A_324 : vector<16xf32>
      %max3A_326 = arith.maximumf %scan3A_242, %get3A_324 : vector<16xf32>
      scf.yield %min3A_255, %min3A_265, %min3A_275, %min3A_285, %min3A_295, %min3A_305, %min3A_315, %min3A_325, %max3A_256, %max3A_266, %max3A_276, %max3A_286, %max3A_296, %max3A_306, %max3A_316, %max3A_326 : vector<16xf32>, vector<16xf32>, vector<16xf32>, vector<16xf32>, vector<16xf32>, vector<16xf32>, vector<16xf32>, vector<16xf32>, vector<16xf32>, vector<16xf32>, vector<16xf32>, vector<16xf32>, vector<16xf32>, vector<16xf32>, vector<16xf32>, vector<16xf32>
    }
    %scan3A_66 = arith.constant 256 : i32
    %add3A_67 = arith.constant 163840 : i32
    %add3A_68 = arith.addi %mul3A_2, %add3A_67 : i32
    %dma_start3A_69 = tpu.memref_slice %arg2[%add3A_68] : memref<16777216xf32, #tpu.memory_space<hbm>> -> memref<32768xf32, #tpu.memory_space<hbm>>
    %dma_start3A_70 = tpu.memref_slice %arg2[%add3A_68] : memref<16777216xf32, #tpu.memory_space<hbm>> -> memref<32768xf32, #tpu.memory_space<hbm>>
    tpu.enqueue_dma source(%dma_start3A_70 : memref<32768xf32, #tpu.memory_space<hbm>>) target(%arg6 : memref<32768xf32, #tpu.memory_space<vmem>>) target_semaphore(%arg10 : memref<!tpu.dma_semaphore, #tpu.memory_space<semaphore_mem>>)
    %dma_wait3A_71 = tpu.memref_slice %arg2[%add3A_56] : memref<16777216xf32, #tpu.memory_space<hbm>> -> memref<32768xf32, #tpu.memory_space<hbm>>
    %dma_wait3A_72 = tpu.memref_slice %arg2[%add3A_56] : memref<16777216xf32, #tpu.memory_space<hbm>> -> memref<32768xf32, #tpu.memory_space<hbm>>
    tpu.wait_dma2 semaphore(%arg9 : memref<!tpu.dma_semaphore, #tpu.memory_space<semaphore_mem>>) src(%dma_wait3A_72 : memref<32768xf32, #tpu.memory_space<hbm>>) dst(%arg5 : memref<32768xf32, #tpu.memory_space<vmem>>)
    %scan3A_73 = arith.constant 0 : i32
    %scan3A_74 = arith.constant 256 : i32
    %scan3A_75 = arith.addi %scan3A_73, %scan3A_74 : i32
    %scan3A_76 = arith.constant 1 : i32
    %scan3A_77:16 = scf.for %scan3A_226 = %scan3A_73 to %scan3A_75 step %scan3A_76 iter_args(%scan3A_227 = %scan3A_65#0, %scan3A_228 = %scan3A_65#1, %scan3A_229 = %scan3A_65#2, %scan3A_230 = %scan3A_65#3, %scan3A_231 = %scan3A_65#4, %scan3A_232 = %scan3A_65#5, %scan3A_233 = %scan3A_65#6, %scan3A_234 = %scan3A_65#7, %scan3A_235 = %scan3A_65#8, %scan3A_236 = %scan3A_65#9, %scan3A_237 = %scan3A_65#10, %scan3A_238 = %scan3A_65#11, %scan3A_239 = %scan3A_65#12, %scan3A_240 = %scan3A_65#13, %scan3A_241 = %scan3A_65#14, %scan3A_242 = %scan3A_65#15) -> (vector<16xf32>, vector<16xf32>, vector<16xf32>, vector<16xf32>, vector<16xf32>, vector<16xf32>, vector<16xf32>, vector<16xf32>, vector<16xf32>, vector<16xf32>, vector<16xf32>, vector<16xf32>, vector<16xf32>, vector<16xf32>, vector<16xf32>, vector<16xf32>)  : i32 {
      %mul3A_243 = arith.constant 1 : i32
      %mul3A_244 = arith.muli %scan3A_226, %mul3A_243 : i32
      %add3A_245 = arith.constant 0 : i32
      %add3A_246 = arith.addi %add3A_245, %mul3A_244 : i32
      %mul3A_247 = arith.constant 8 : i32
      %mul3A_248 = arith.muli %add3A_246, %mul3A_247 : i32
      %add3A_249 = arith.constant 0 : i32
      %add3A_250 = arith.addi %mul3A_248, %add3A_249 : i32
      %mul3A_251 = arith.constant 16 : i32
      %mul3A_252 = arith.muli %add3A_250, %mul3A_251 : i32
      %get3A_253 = arith.index_cast %mul3A_252 : i32 to index
      %get3A_254 = tpu.vector_load %arg5[%get3A_253] {strides = array<i32>} : memref<32768xf32, #tpu.memory_space<vmem>>, vector<16xf32>,
      %min3A_255 = arith.minimumf %scan3A_227, %get3A_254 : vector<16xf32>
      %max3A_256 = arith.maximumf %scan3A_235, %get3A_254 : vector<16xf32>
      %mul3A_257 = arith.constant 8 : i32
      %mul3A_258 = arith.muli %add3A_246, %mul3A_257 : i32
      %add3A_259 = arith.constant 1 : i32
      %add3A_260 = arith.addi %mul3A_258, %add3A_259 : i32
      %mul3A_261 = arith.constant 16 : i32
      %mul3A_262 = arith.muli %add3A_260, %mul3A_261 : i32
      %get3A_263 = arith.index_cast %mul3A_262 : i32 to index
      %get3A_264 = tpu.vector_load %arg5[%get3A_263] {strides = array<i32>} : memref<32768xf32, #tpu.memory_space<vmem>>, vector<16xf32>,
      %min3A_265 = arith.minimumf %scan3A_228, %get3A_264 : vector<16xf32>
      %max3A_266 = arith.maximumf %scan3A_236, %get3A_264 : vector<16xf32>
      %mul3A_267 = arith.constant 8 : i32
      %mul3A_268 = arith.muli %add3A_246, %mul3A_267 : i32
      %add3A_269 = arith.constant 2 : i32
      %add3A_270 = arith.addi %mul3A_268, %add3A_269 : i32
      %mul3A_271 = arith.constant 16 : i32
      %mul3A_272 = arith.muli %add3A_270, %mul3A_271 : i32
      %get3A_273 = arith.index_cast %mul3A_272 : i32 to index
      %get3A_274 = tpu.vector_load %arg5[%get3A_273] {strides = array<i32>} : memref<32768xf32, #tpu.memory_space<vmem>>, vector<16xf32>,
      %min3A_275 = arith.minimumf %scan3A_229, %get3A_274 : vector<16xf32>
      %max3A_276 = arith.maximumf %scan3A_237, %get3A_274 : vector<16xf32>
      %mul3A_277 = arith.constant 8 : i32
      %mul3A_278 = arith.muli %add3A_246, %mul3A_277 : i32
      %add3A_279 = arith.constant 3 : i32
      %add3A_280 = arith.addi %mul3A_278, %add3A_279 : i32
      %mul3A_281 = arith.constant 16 : i32
      %mul3A_282 = arith.muli %add3A_280, %mul3A_281 : i32
      %get3A_283 = arith.index_cast %mul3A_282 : i32 to index
      %get3A_284 = tpu.vector_load %arg5[%get3A_283] {strides = array<i32>} : memref<32768xf32, #tpu.memory_space<vmem>>, vector<16xf32>,
      %min3A_285 = arith.minimumf %scan3A_230, %get3A_284 : vector<16xf32>
      %max3A_286 = arith.maximumf %scan3A_238, %get3A_284 : vector<16xf32>
      %mul3A_287 = arith.constant 8 : i32
      %mul3A_288 = arith.muli %add3A_246, %mul3A_287 : i32
      %add3A_289 = arith.constant 4 : i32
      %add3A_290 = arith.addi %mul3A_288, %add3A_289 : i32
      %mul3A_291 = arith.constant 16 : i32
      %mul3A_292 = arith.muli %add3A_290, %mul3A_291 : i32
      %get3A_293 = arith.index_cast %mul3A_292 : i32 to index
      %get3A_294 = tpu.vector_load %arg5[%get3A_293] {strides = array<i32>} : memref<32768xf32, #tpu.memory_space<vmem>>, vector<16xf32>,
      %min3A_295 = arith.minimumf %scan3A_231, %get3A_294 : vector<16xf32>
      %max3A_296 = arith.maximumf %scan3A_239, %get3A_294 : vector<16xf32>
      %mul3A_297 = arith.constant 8 : i32
      %mul3A_298 = arith.muli %add3A_246, %mul3A_297 : i32
      %add3A_299 = arith.constant 5 : i32
      %add3A_300 = arith.addi %mul3A_298, %add3A_299 : i32
      %mul3A_301 = arith.constant 16 : i32
      %mul3A_302 = arith.muli %add3A_300, %mul3A_301 : i32
      %get3A_303 = arith.index_cast %mul3A_302 : i32 to index
      %get3A_304 = tpu.vector_load %arg5[%get3A_303] {strides = array<i32>} : memref<32768xf32, #tpu.memory_space<vmem>>, vector<16xf32>,
      %min3A_305 = arith.minimumf %scan3A_232, %get3A_304 : vector<16xf32>
      %max3A_306 = arith.maximumf %scan3A_240, %get3A_304 : vector<16xf32>
      %mul3A_307 = arith.constant 8 : i32
      %mul3A_308 = arith.muli %add3A_246, %mul3A_307 : i32
      %add3A_309 = arith.constant 6 : i32
      %add3A_310 = arith.addi %mul3A_308, %add3A_309 : i32
      %mul3A_311 = arith.constant 16 : i32
      %mul3A_312 = arith.muli %add3A_310, %mul3A_311 : i32
      %get3A_313 = arith.index_cast %mul3A_312 : i32 to index
      %get3A_314 = tpu.vector_load %arg5[%get3A_313] {strides = array<i32>} : memref<32768xf32, #tpu.memory_space<vmem>>, vector<16xf32>,
      %min3A_315 = arith.minimumf %scan3A_233, %get3A_314 : vector<16xf32>
      %max3A_316 = arith.maximumf %scan3A_241, %get3A_314 : vector<16xf32>
      %mul3A_317 = arith.constant 8 : i32
      %mul3A_318 = arith.muli %add3A_246, %mul3A_317 : i32
      %add3A_319 = arith.constant 7 : i32
      %add3A_320 = arith.addi %mul3A_318, %add3A_319 : i32
      %mul3A_321 = arith.constant 16 : i32
      %mul3A_322 = arith.muli %add3A_320, %mul3A_321 : i32
      %get3A_323 = arith.index_cast %mul3A_322 : i32 to index
      %get3A_324 = tpu.vector_load %arg5[%get3A_323] {strides = array<i32>} : memref<32768xf32, #tpu.memory_space<vmem>>, vector<16xf32>,
      %min3A_325 = arith.minimumf %scan3A_234, %get3A_324 : vector<16xf32>
      %max3A_326 = arith.maximumf %scan3A_242, %get3A_324 : vector<16xf32>
      scf.yield %min3A_255, %min3A_265, %min3A_275, %min3A_285, %min3A_295, %min3A_305, %min3A_315, %min3A_325, %max3A_256, %max3A_266, %max3A_276, %max3A_286, %max3A_296, %max3A_306, %max3A_316, %max3A_326 : vector<16xf32>, vector<16xf32>, vector<16xf32>, vector<16xf32>, vector<16xf32>, vector<16xf32>, vector<16xf32>, vector<16xf32>, vector<16xf32>, vector<16xf32>, vector<16xf32>, vector<16xf32>, vector<16xf32>, vector<16xf32>, vector<16xf32>, vector<16xf32>
    }
    %scan3A_78 = arith.constant 256 : i32
    %add3A_79 = arith.constant 196608 : i32
    %add3A_80 = arith.addi %mul3A_2, %add3A_79 : i32
    %dma_start3A_81 = tpu.memref_slice %arg2[%add3A_80] : memref<16777216xf32, #tpu.memory_space<hbm>> -> memref<32768xf32, #tpu.memory_space<hbm>>
    %dma_start3A_82 = tpu.memref_slice %arg2[%add3A_80] : memref<16777216xf32, #tpu.memory_space<hbm>> -> memref<32768xf32, #tpu.memory_space<hbm>>
    tpu.enqueue_dma source(%dma_start3A_82 : memref<32768xf32, #tpu.memory_space<hbm>>) target(%arg5 : memref<32768xf32, #tpu.memory_space<vmem>>) target_semaphore(%arg9 : memref<!tpu.dma_semaphore, #tpu.memory_space<semaphore_mem>>)
    %dma_wait3A_83 = tpu.memref_slice %arg2[%add3A_68] : memref<16777216xf32, #tpu.memory_space<hbm>> -> memref<32768xf32, #tpu.memory_space<hbm>>
    %dma_wait3A_84 = tpu.memref_slice %arg2[%add3A_68] : memref<16777216xf32, #tpu.memory_space<hbm>> -> memref<32768xf32, #tpu.memory_space<hbm>>
    tpu.wait_dma2 semaphore(%arg10 : memref<!tpu.dma_semaphore, #tpu.memory_space<semaphore_mem>>) src(%dma_wait3A_84 : memref<32768xf32, #tpu.memory_space<hbm>>) dst(%arg6 : memref<32768xf32, #tpu.memory_space<vmem>>)
    %scan3A_85 = arith.constant 0 : i32
    %scan3A_86 = arith.constant 256 : i32
    %scan3A_87 = arith.addi %scan3A_85, %scan3A_86 : i32
    %scan3A_88 = arith.constant 1 : i32
    %scan3A_89:16 = scf.for %scan3A_226 = %scan3A_85 to %scan3A_87 step %scan3A_88 iter_args(%scan3A_227 = %scan3A_77#0, %scan3A_228 = %scan3A_77#1, %scan3A_229 = %scan3A_77#2, %scan3A_230 = %scan3A_77#3, %scan3A_231 = %scan3A_77#4, %scan3A_232 = %scan3A_77#5, %scan3A_233 = %scan3A_77#6, %scan3A_234 = %scan3A_77#7, %scan3A_235 = %scan3A_77#8, %scan3A_236 = %scan3A_77#9, %scan3A_237 = %scan3A_77#10, %scan3A_238 = %scan3A_77#11, %scan3A_239 = %scan3A_77#12, %scan3A_240 = %scan3A_77#13, %scan3A_241 = %scan3A_77#14, %scan3A_242 = %scan3A_77#15) -> (vector<16xf32>, vector<16xf32>, vector<16xf32>, vector<16xf32>, vector<16xf32>, vector<16xf32>, vector<16xf32>, vector<16xf32>, vector<16xf32>, vector<16xf32>, vector<16xf32>, vector<16xf32>, vector<16xf32>, vector<16xf32>, vector<16xf32>, vector<16xf32>)  : i32 {
      %mul3A_243 = arith.constant 1 : i32
      %mul3A_244 = arith.muli %scan3A_226, %mul3A_243 : i32
      %add3A_245 = arith.constant 0 : i32
      %add3A_246 = arith.addi %add3A_245, %mul3A_244 : i32
      %mul3A_247 = arith.constant 8 : i32
      %mul3A_248 = arith.muli %add3A_246, %mul3A_247 : i32
      %add3A_249 = arith.constant 0 : i32
      %add3A_250 = arith.addi %mul3A_248, %add3A_249 : i32
      %mul3A_251 = arith.constant 16 : i32
      %mul3A_252 = arith.muli %add3A_250, %mul3A_251 : i32
      %get3A_253 = arith.index_cast %mul3A_252 : i32 to index
      %get3A_254 = tpu.vector_load %arg6[%get3A_253] {strides = array<i32>} : memref<32768xf32, #tpu.memory_space<vmem>>, vector<16xf32>,
      %min3A_255 = arith.minimumf %scan3A_227, %get3A_254 : vector<16xf32>
      %max3A_256 = arith.maximumf %scan3A_235, %get3A_254 : vector<16xf32>
      %mul3A_257 = arith.constant 8 : i32
      %mul3A_258 = arith.muli %add3A_246, %mul3A_257 : i32
      %add3A_259 = arith.constant 1 : i32
      %add3A_260 = arith.addi %mul3A_258, %add3A_259 : i32
      %mul3A_261 = arith.constant 16 : i32
      %mul3A_262 = arith.muli %add3A_260, %mul3A_261 : i32
      %get3A_263 = arith.index_cast %mul3A_262 : i32 to index
      %get3A_264 = tpu.vector_load %arg6[%get3A_263] {strides = array<i32>} : memref<32768xf32, #tpu.memory_space<vmem>>, vector<16xf32>,
      %min3A_265 = arith.minimumf %scan3A_228, %get3A_264 : vector<16xf32>
      %max3A_266 = arith.maximumf %scan3A_236, %get3A_264 : vector<16xf32>
      %mul3A_267 = arith.constant 8 : i32
      %mul3A_268 = arith.muli %add3A_246, %mul3A_267 : i32
      %add3A_269 = arith.constant 2 : i32
      %add3A_270 = arith.addi %mul3A_268, %add3A_269 : i32
      %mul3A_271 = arith.constant 16 : i32
      %mul3A_272 = arith.muli %add3A_270, %mul3A_271 : i32
      %get3A_273 = arith.index_cast %mul3A_272 : i32 to index
      %get3A_274 = tpu.vector_load %arg6[%get3A_273] {strides = array<i32>} : memref<32768xf32, #tpu.memory_space<vmem>>, vector<16xf32>,
      %min3A_275 = arith.minimumf %scan3A_229, %get3A_274 : vector<16xf32>
      %max3A_276 = arith.maximumf %scan3A_237, %get3A_274 : vector<16xf32>
      %mul3A_277 = arith.constant 8 : i32
      %mul3A_278 = arith.muli %add3A_246, %mul3A_277 : i32
      %add3A_279 = arith.constant 3 : i32
      %add3A_280 = arith.addi %mul3A_278, %add3A_279 : i32
      %mul3A_281 = arith.constant 16 : i32
      %mul3A_282 = arith.muli %add3A_280, %mul3A_281 : i32
      %get3A_283 = arith.index_cast %mul3A_282 : i32 to index
      %get3A_284 = tpu.vector_load %arg6[%get3A_283] {strides = array<i32>} : memref<32768xf32, #tpu.memory_space<vmem>>, vector<16xf32>,
      %min3A_285 = arith.minimumf %scan3A_230, %get3A_284 : vector<16xf32>
      %max3A_286 = arith.maximumf %scan3A_238, %get3A_284 : vector<16xf32>
      %mul3A_287 = arith.constant 8 : i32
      %mul3A_288 = arith.muli %add3A_246, %mul3A_287 : i32
      %add3A_289 = arith.constant 4 : i32
      %add3A_290 = arith.addi %mul3A_288, %add3A_289 : i32
      %mul3A_291 = arith.constant 16 : i32
      %mul3A_292 = arith.muli %add3A_290, %mul3A_291 : i32
      %get3A_293 = arith.index_cast %mul3A_292 : i32 to index
      %get3A_294 = tpu.vector_load %arg6[%get3A_293] {strides = array<i32>} : memref<32768xf32, #tpu.memory_space<vmem>>, vector<16xf32>,
      %min3A_295 = arith.minimumf %scan3A_231, %get3A_294 : vector<16xf32>
      %max3A_296 = arith.maximumf %scan3A_239, %get3A_294 : vector<16xf32>
      %mul3A_297 = arith.constant 8 : i32
      %mul3A_298 = arith.muli %add3A_246, %mul3A_297 : i32
      %add3A_299 = arith.constant 5 : i32
      %add3A_300 = arith.addi %mul3A_298, %add3A_299 : i32
      %mul3A_301 = arith.constant 16 : i32
      %mul3A_302 = arith.muli %add3A_300, %mul3A_301 : i32
      %get3A_303 = arith.index_cast %mul3A_302 : i32 to index
      %get3A_304 = tpu.vector_load %arg6[%get3A_303] {strides = array<i32>} : memref<32768xf32, #tpu.memory_space<vmem>>, vector<16xf32>,
      %min3A_305 = arith.minimumf %scan3A_232, %get3A_304 : vector<16xf32>
      %max3A_306 = arith.maximumf %scan3A_240, %get3A_304 : vector<16xf32>
      %mul3A_307 = arith.constant 8 : i32
      %mul3A_308 = arith.muli %add3A_246, %mul3A_307 : i32
      %add3A_309 = arith.constant 6 : i32
      %add3A_310 = arith.addi %mul3A_308, %add3A_309 : i32
      %mul3A_311 = arith.constant 16 : i32
      %mul3A_312 = arith.muli %add3A_310, %mul3A_311 : i32
      %get3A_313 = arith.index_cast %mul3A_312 : i32 to index
      %get3A_314 = tpu.vector_load %arg6[%get3A_313] {strides = array<i32>} : memref<32768xf32, #tpu.memory_space<vmem>>, vector<16xf32>,
      %min3A_315 = arith.minimumf %scan3A_233, %get3A_314 : vector<16xf32>
      %max3A_316 = arith.maximumf %scan3A_241, %get3A_314 : vector<16xf32>
      %mul3A_317 = arith.constant 8 : i32
      %mul3A_318 = arith.muli %add3A_246, %mul3A_317 : i32
      %add3A_319 = arith.constant 7 : i32
      %add3A_320 = arith.addi %mul3A_318, %add3A_319 : i32
      %mul3A_321 = arith.constant 16 : i32
      %mul3A_322 = arith.muli %add3A_320, %mul3A_321 : i32
      %get3A_323 = arith.index_cast %mul3A_322 : i32 to index
      %get3A_324 = tpu.vector_load %arg6[%get3A_323] {strides = array<i32>} : memref<32768xf32, #tpu.memory_space<vmem>>, vector<16xf32>,
      %min3A_325 = arith.minimumf %scan3A_234, %get3A_324 : vector<16xf32>
      %max3A_326 = arith.maximumf %scan3A_242, %get3A_324 : vector<16xf32>
      scf.yield %min3A_255, %min3A_265, %min3A_275, %min3A_285, %min3A_295, %min3A_305, %min3A_315, %min3A_325, %max3A_256, %max3A_266, %max3A_276, %max3A_286, %max3A_296, %max3A_306, %max3A_316, %max3A_326 : vector<16xf32>, vector<16xf32>, vector<16xf32>, vector<16xf32>, vector<16xf32>, vector<16xf32>, vector<16xf32>, vector<16xf32>, vector<16xf32>, vector<16xf32>, vector<16xf32>, vector<16xf32>, vector<16xf32>, vector<16xf32>, vector<16xf32>, vector<16xf32>
    }
    %scan3A_90 = arith.constant 256 : i32
    %add3A_91 = arith.constant 229376 : i32
    %add3A_92 = arith.addi %mul3A_2, %add3A_91 : i32
    %dma_start3A_93 = tpu.memref_slice %arg2[%add3A_92] : memref<16777216xf32, #tpu.memory_space<hbm>> -> memref<32768xf32, #tpu.memory_space<hbm>>
    %dma_start3A_94 = tpu.memref_slice %arg2[%add3A_92] : memref<16777216xf32, #tpu.memory_space<hbm>> -> memref<32768xf32, #tpu.memory_space<hbm>>
    tpu.enqueue_dma source(%dma_start3A_94 : memref<32768xf32, #tpu.memory_space<hbm>>) target(%arg6 : memref<32768xf32, #tpu.memory_space<vmem>>) target_semaphore(%arg10 : memref<!tpu.dma_semaphore, #tpu.memory_space<semaphore_mem>>)
    %dma_wait3A_95 = tpu.memref_slice %arg2[%add3A_80] : memref<16777216xf32, #tpu.memory_space<hbm>> -> memref<32768xf32, #tpu.memory_space<hbm>>
    %dma_wait3A_96 = tpu.memref_slice %arg2[%add3A_80] : memref<16777216xf32, #tpu.memory_space<hbm>> -> memref<32768xf32, #tpu.memory_space<hbm>>
    tpu.wait_dma2 semaphore(%arg9 : memref<!tpu.dma_semaphore, #tpu.memory_space<semaphore_mem>>) src(%dma_wait3A_96 : memref<32768xf32, #tpu.memory_space<hbm>>) dst(%arg5 : memref<32768xf32, #tpu.memory_space<vmem>>)
    %scan3A_97 = arith.constant 0 : i32
    %scan3A_98 = arith.constant 256 : i32
    %scan3A_99 = arith.addi %scan3A_97, %scan3A_98 : i32
    %scan3A_100 = arith.constant 1 : i32
    %scan3A_101:16 = scf.for %scan3A_226 = %scan3A_97 to %scan3A_99 step %scan3A_100 iter_args(%scan3A_227 = %scan3A_89#0, %scan3A_228 = %scan3A_89#1, %scan3A_229 = %scan3A_89#2, %scan3A_230 = %scan3A_89#3, %scan3A_231 = %scan3A_89#4, %scan3A_232 = %scan3A_89#5, %scan3A_233 = %scan3A_89#6, %scan3A_234 = %scan3A_89#7, %scan3A_235 = %scan3A_89#8, %scan3A_236 = %scan3A_89#9, %scan3A_237 = %scan3A_89#10, %scan3A_238 = %scan3A_89#11, %scan3A_239 = %scan3A_89#12, %scan3A_240 = %scan3A_89#13, %scan3A_241 = %scan3A_89#14, %scan3A_242 = %scan3A_89#15) -> (vector<16xf32>, vector<16xf32>, vector<16xf32>, vector<16xf32>, vector<16xf32>, vector<16xf32>, vector<16xf32>, vector<16xf32>, vector<16xf32>, vector<16xf32>, vector<16xf32>, vector<16xf32>, vector<16xf32>, vector<16xf32>, vector<16xf32>, vector<16xf32>)  : i32 {
      %mul3A_243 = arith.constant 1 : i32
      %mul3A_244 = arith.muli %scan3A_226, %mul3A_243 : i32
      %add3A_245 = arith.constant 0 : i32
      %add3A_246 = arith.addi %add3A_245, %mul3A_244 : i32
      %mul3A_247 = arith.constant 8 : i32
      %mul3A_248 = arith.muli %add3A_246, %mul3A_247 : i32
      %add3A_249 = arith.constant 0 : i32
      %add3A_250 = arith.addi %mul3A_248, %add3A_249 : i32
      %mul3A_251 = arith.constant 16 : i32
      %mul3A_252 = arith.muli %add3A_250, %mul3A_251 : i32
      %get3A_253 = arith.index_cast %mul3A_252 : i32 to index
      %get3A_254 = tpu.vector_load %arg5[%get3A_253] {strides = array<i32>} : memref<32768xf32, #tpu.memory_space<vmem>>, vector<16xf32>,
      %min3A_255 = arith.minimumf %scan3A_227, %get3A_254 : vector<16xf32>
      %max3A_256 = arith.maximumf %scan3A_235, %get3A_254 : vector<16xf32>
      %mul3A_257 = arith.constant 8 : i32
      %mul3A_258 = arith.muli %add3A_246, %mul3A_257 : i32
      %add3A_259 = arith.constant 1 : i32
      %add3A_260 = arith.addi %mul3A_258, %add3A_259 : i32
      %mul3A_261 = arith.constant 16 : i32
      %mul3A_262 = arith.muli %add3A_260, %mul3A_261 : i32
      %get3A_263 = arith.index_cast %mul3A_262 : i32 to index
      %get3A_264 = tpu.vector_load %arg5[%get3A_263] {strides = array<i32>} : memref<32768xf32, #tpu.memory_space<vmem>>, vector<16xf32>,
      %min3A_265 = arith.minimumf %scan3A_228, %get3A_264 : vector<16xf32>
      %max3A_266 = arith.maximumf %scan3A_236, %get3A_264 : vector<16xf32>
      %mul3A_267 = arith.constant 8 : i32
      %mul3A_268 = arith.muli %add3A_246, %mul3A_267 : i32
      %add3A_269 = arith.constant 2 : i32
      %add3A_270 = arith.addi %mul3A_268, %add3A_269 : i32
      %mul3A_271 = arith.constant 16 : i32
      %mul3A_272 = arith.muli %add3A_270, %mul3A_271 : i32
      %get3A_273 = arith.index_cast %mul3A_272 : i32 to index
      %get3A_274 = tpu.vector_load %arg5[%get3A_273] {strides = array<i32>} : memref<32768xf32, #tpu.memory_space<vmem>>, vector<16xf32>,
      %min3A_275 = arith.minimumf %scan3A_229, %get3A_274 : vector<16xf32>
      %max3A_276 = arith.maximumf %scan3A_237, %get3A_274 : vector<16xf32>
      %mul3A_277 = arith.constant 8 : i32
      %mul3A_278 = arith.muli %add3A_246, %mul3A_277 : i32
      %add3A_279 = arith.constant 3 : i32
      %add3A_280 = arith.addi %mul3A_278, %add3A_279 : i32
      %mul3A_281 = arith.constant 16 : i32
      %mul3A_282 = arith.muli %add3A_280, %mul3A_281 : i32
      %get3A_283 = arith.index_cast %mul3A_282 : i32 to index
      %get3A_284 = tpu.vector_load %arg5[%get3A_283] {strides = array<i32>} : memref<32768xf32, #tpu.memory_space<vmem>>, vector<16xf32>,
      %min3A_285 = arith.minimumf %scan3A_230, %get3A_284 : vector<16xf32>
      %max3A_286 = arith.maximumf %scan3A_238, %get3A_284 : vector<16xf32>
      %mul3A_287 = arith.constant 8 : i32
      %mul3A_288 = arith.muli %add3A_246, %mul3A_287 : i32
      %add3A_289 = arith.constant 4 : i32
      %add3A_290 = arith.addi %mul3A_288, %add3A_289 : i32
      %mul3A_291 = arith.constant 16 : i32
      %mul3A_292 = arith.muli %add3A_290, %mul3A_291 : i32
      %get3A_293 = arith.index_cast %mul3A_292 : i32 to index
      %get3A_294 = tpu.vector_load %arg5[%get3A_293] {strides = array<i32>} : memref<32768xf32, #tpu.memory_space<vmem>>, vector<16xf32>,
      %min3A_295 = arith.minimumf %scan3A_231, %get3A_294 : vector<16xf32>
      %max3A_296 = arith.maximumf %scan3A_239, %get3A_294 : vector<16xf32>
      %mul3A_297 = arith.constant 8 : i32
      %mul3A_298 = arith.muli %add3A_246, %mul3A_297 : i32
      %add3A_299 = arith.constant 5 : i32
      %add3A_300 = arith.addi %mul3A_298, %add3A_299 : i32
      %mul3A_301 = arith.constant 16 : i32
      %mul3A_302 = arith.muli %add3A_300, %mul3A_301 : i32
      %get3A_303 = arith.index_cast %mul3A_302 : i32 to index
      %get3A_304 = tpu.vector_load %arg5[%get3A_303] {strides = array<i32>} : memref<32768xf32, #tpu.memory_space<vmem>>, vector<16xf32>,
      %min3A_305 = arith.minimumf %scan3A_232, %get3A_304 : vector<16xf32>
      %max3A_306 = arith.maximumf %scan3A_240, %get3A_304 : vector<16xf32>
      %mul3A_307 = arith.constant 8 : i32
      %mul3A_308 = arith.muli %add3A_246, %mul3A_307 : i32
      %add3A_309 = arith.constant 6 : i32
      %add3A_310 = arith.addi %mul3A_308, %add3A_309 : i32
      %mul3A_311 = arith.constant 16 : i32
      %mul3A_312 = arith.muli %add3A_310, %mul3A_311 : i32
      %get3A_313 = arith.index_cast %mul3A_312 : i32 to index
      %get3A_314 = tpu.vector_load %arg5[%get3A_313] {strides = array<i32>} : memref<32768xf32, #tpu.memory_space<vmem>>, vector<16xf32>,
      %min3A_315 = arith.minimumf %scan3A_233, %get3A_314 : vector<16xf32>
      %max3A_316 = arith.maximumf %scan3A_241, %get3A_314 : vector<16xf32>
      %mul3A_317 = arith.constant 8 : i32
      %mul3A_318 = arith.muli %add3A_246, %mul3A_317 : i32
      %add3A_319 = arith.constant 7 : i32
      %add3A_320 = arith.addi %mul3A_318, %add3A_319 : i32
      %mul3A_321 = arith.constant 16 : i32
      %mul3A_322 = arith.muli %add3A_320, %mul3A_321 : i32
      %get3A_323 = arith.index_cast %mul3A_322 : i32 to index
      %get3A_324 = tpu.vector_load %arg5[%get3A_323] {strides = array<i32>} : memref<32768xf32, #tpu.memory_space<vmem>>, vector<16xf32>,
      %min3A_325 = arith.minimumf %scan3A_234, %get3A_324 : vector<16xf32>
      %max3A_326 = arith.maximumf %scan3A_242, %get3A_324 : vector<16xf32>
      scf.yield %min3A_255, %min3A_265, %min3A_275, %min3A_285, %min3A_295, %min3A_305, %min3A_315, %min3A_325, %max3A_256, %max3A_266, %max3A_276, %max3A_286, %max3A_296, %max3A_306, %max3A_316, %max3A_326 : vector<16xf32>, vector<16xf32>, vector<16xf32>, vector<16xf32>, vector<16xf32>, vector<16xf32>, vector<16xf32>, vector<16xf32>, vector<16xf32>, vector<16xf32>, vector<16xf32>, vector<16xf32>, vector<16xf32>, vector<16xf32>, vector<16xf32>, vector<16xf32>
    }
    %scan3A_102 = arith.constant 256 : i32
    %add3A_103 = arith.constant 262144 : i32
    %add3A_104 = arith.addi %mul3A_2, %add3A_103 : i32
    %dma_start3A_105 = tpu.memref_slice %arg2[%add3A_104] : memref<16777216xf32, #tpu.memory_space<hbm>> -> memref<32768xf32, #tpu.memory_space<hbm>>
    %dma_start3A_106 = tpu.memref_slice %arg2[%add3A_104] : memref<16777216xf32, #tpu.memory_space<hbm>> -> memref<32768xf32, #tpu.memory_space<hbm>>
    tpu.enqueue_dma source(%dma_start3A_106 : memref<32768xf32, #tpu.memory_space<hbm>>) target(%arg5 : memref<32768xf32, #tpu.memory_space<vmem>>) target_semaphore(%arg9 : memref<!tpu.dma_semaphore, #tpu.memory_space<semaphore_mem>>)
    %dma_wait3A_107 = tpu.memref_slice %arg2[%add3A_92] : memref<16777216xf32, #tpu.memory_space<hbm>> -> memref<32768xf32, #tpu.memory_space<hbm>>
    %dma_wait3A_108 = tpu.memref_slice %arg2[%add3A_92] : memref<16777216xf32, #tpu.memory_space<hbm>> -> memref<32768xf32, #tpu.memory_space<hbm>>
    tpu.wait_dma2 semaphore(%arg10 : memref<!tpu.dma_semaphore, #tpu.memory_space<semaphore_mem>>) src(%dma_wait3A_108 : memref<32768xf32, #tpu.memory_space<hbm>>) dst(%arg6 : memref<32768xf32, #tpu.memory_space<vmem>>)
    %scan3A_109 = arith.constant 0 : i32
    %scan3A_110 = arith.constant 256 : i32
    %scan3A_111 = arith.addi %scan3A_109, %scan3A_110 : i32
    %scan3A_112 = arith.constant 1 : i32
    %scan3A_113:16 = scf.for %scan3A_226 = %scan3A_109 to %scan3A_111 step %scan3A_112 iter_args(%scan3A_227 = %scan3A_101#0, %scan3A_228 = %scan3A_101#1, %scan3A_229 = %scan3A_101#2, %scan3A_230 = %scan3A_101#3, %scan3A_231 = %scan3A_101#4, %scan3A_232 = %scan3A_101#5, %scan3A_233 = %scan3A_101#6, %scan3A_234 = %scan3A_101#7, %scan3A_235 = %scan3A_101#8, %scan3A_236 = %scan3A_101#9, %scan3A_237 = %scan3A_101#10, %scan3A_238 = %scan3A_101#11, %scan3A_239 = %scan3A_101#12, %scan3A_240 = %scan3A_101#13, %scan3A_241 = %scan3A_101#14, %scan3A_242 = %scan3A_101#15) -> (vector<16xf32>, vector<16xf32>, vector<16xf32>, vector<16xf32>, vector<16xf32>, vector<16xf32>, vector<16xf32>, vector<16xf32>, vector<16xf32>, vector<16xf32>, vector<16xf32>, vector<16xf32>, vector<16xf32>, vector<16xf32>, vector<16xf32>, vector<16xf32>)  : i32 {
      %mul3A_243 = arith.constant 1 : i32
      %mul3A_244 = arith.muli %scan3A_226, %mul3A_243 : i32
      %add3A_245 = arith.constant 0 : i32
      %add3A_246 = arith.addi %add3A_245, %mul3A_244 : i32
      %mul3A_247 = arith.constant 8 : i32
      %mul3A_248 = arith.muli %add3A_246, %mul3A_247 : i32
      %add3A_249 = arith.constant 0 : i32
      %add3A_250 = arith.addi %mul3A_248, %add3A_249 : i32
      %mul3A_251 = arith.constant 16 : i32
      %mul3A_252 = arith.muli %add3A_250, %mul3A_251 : i32
      %get3A_253 = arith.index_cast %mul3A_252 : i32 to index
      %get3A_254 = tpu.vector_load %arg6[%get3A_253] {strides = array<i32>} : memref<32768xf32, #tpu.memory_space<vmem>>, vector<16xf32>,
      %min3A_255 = arith.minimumf %scan3A_227, %get3A_254 : vector<16xf32>
      %max3A_256 = arith.maximumf %scan3A_235, %get3A_254 : vector<16xf32>
      %mul3A_257 = arith.constant 8 : i32
      %mul3A_258 = arith.muli %add3A_246, %mul3A_257 : i32
      %add3A_259 = arith.constant 1 : i32
      %add3A_260 = arith.addi %mul3A_258, %add3A_259 : i32
      %mul3A_261 = arith.constant 16 : i32
      %mul3A_262 = arith.muli %add3A_260, %mul3A_261 : i32
      %get3A_263 = arith.index_cast %mul3A_262 : i32 to index
      %get3A_264 = tpu.vector_load %arg6[%get3A_263] {strides = array<i32>} : memref<32768xf32, #tpu.memory_space<vmem>>, vector<16xf32>,
      %min3A_265 = arith.minimumf %scan3A_228, %get3A_264 : vector<16xf32>
      %max3A_266 = arith.maximumf %scan3A_236, %get3A_264 : vector<16xf32>
      %mul3A_267 = arith.constant 8 : i32
      %mul3A_268 = arith.muli %add3A_246, %mul3A_267 : i32
      %add3A_269 = arith.constant 2 : i32
      %add3A_270 = arith.addi %mul3A_268, %add3A_269 : i32
      %mul3A_271 = arith.constant 16 : i32
      %mul3A_272 = arith.muli %add3A_270, %mul3A_271 : i32
      %get3A_273 = arith.index_cast %mul3A_272 : i32 to index
      %get3A_274 = tpu.vector_load %arg6[%get3A_273] {strides = array<i32>} : memref<32768xf32, #tpu.memory_space<vmem>>, vector<16xf32>,
      %min3A_275 = arith.minimumf %scan3A_229, %get3A_274 : vector<16xf32>
      %max3A_276 = arith.maximumf %scan3A_237, %get3A_274 : vector<16xf32>
      %mul3A_277 = arith.constant 8 : i32
      %mul3A_278 = arith.muli %add3A_246, %mul3A_277 : i32
      %add3A_279 = arith.constant 3 : i32
      %add3A_280 = arith.addi %mul3A_278, %add3A_279 : i32
      %mul3A_281 = arith.constant 16 : i32
      %mul3A_282 = arith.muli %add3A_280, %mul3A_281 : i32
      %get3A_283 = arith.index_cast %mul3A_282 : i32 to index
      %get3A_284 = tpu.vector_load %arg6[%get3A_283] {strides = array<i32>} : memref<32768xf32, #tpu.memory_space<vmem>>, vector<16xf32>,
      %min3A_285 = arith.minimumf %scan3A_230, %get3A_284 : vector<16xf32>
      %max3A_286 = arith.maximumf %scan3A_238, %get3A_284 : vector<16xf32>
      %mul3A_287 = arith.constant 8 : i32
      %mul3A_288 = arith.muli %add3A_246, %mul3A_287 : i32
      %add3A_289 = arith.constant 4 : i32
      %add3A_290 = arith.addi %mul3A_288, %add3A_289 : i32
      %mul3A_291 = arith.constant 16 : i32
      %mul3A_292 = arith.muli %add3A_290, %mul3A_291 : i32
      %get3A_293 = arith.index_cast %mul3A_292 : i32 to index
      %get3A_294 = tpu.vector_load %arg6[%get3A_293] {strides = array<i32>} : memref<32768xf32, #tpu.memory_space<vmem>>, vector<16xf32>,
      %min3A_295 = arith.minimumf %scan3A_231, %get3A_294 : vector<16xf32>
      %max3A_296 = arith.maximumf %scan3A_239, %get3A_294 : vector<16xf32>
      %mul3A_297 = arith.constant 8 : i32
      %mul3A_298 = arith.muli %add3A_246, %mul3A_297 : i32
      %add3A_299 = arith.constant 5 : i32
      %add3A_300 = arith.addi %mul3A_298, %add3A_299 : i32
      %mul3A_301 = arith.constant 16 : i32
      %mul3A_302 = arith.muli %add3A_300, %mul3A_301 : i32
      %get3A_303 = arith.index_cast %mul3A_302 : i32 to index
      %get3A_304 = tpu.vector_load %arg6[%get3A_303] {strides = array<i32>} : memref<32768xf32, #tpu.memory_space<vmem>>, vector<16xf32>,
      %min3A_305 = arith.minimumf %scan3A_232, %get3A_304 : vector<16xf32>
      %max3A_306 = arith.maximumf %scan3A_240, %get3A_304 : vector<16xf32>
      %mul3A_307 = arith.constant 8 : i32
      %mul3A_308 = arith.muli %add3A_246, %mul3A_307 : i32
      %add3A_309 = arith.constant 6 : i32
      %add3A_310 = arith.addi %mul3A_308, %add3A_309 : i32
      %mul3A_311 = arith.constant 16 : i32
      %mul3A_312 = arith.muli %add3A_310, %mul3A_311 : i32
      %get3A_313 = arith.index_cast %mul3A_312 : i32 to index
      %get3A_314 = tpu.vector_load %arg6[%get3A_313] {strides = array<i32>} : memref<32768xf32, #tpu.memory_space<vmem>>, vector<16xf32>,
      %min3A_315 = arith.minimumf %scan3A_233, %get3A_314 : vector<16xf32>
      %max3A_316 = arith.maximumf %scan3A_241, %get3A_314 : vector<16xf32>
      %mul3A_317 = arith.constant 8 : i32
      %mul3A_318 = arith.muli %add3A_246, %mul3A_317 : i32
      %add3A_319 = arith.constant 7 : i32
      %add3A_320 = arith.addi %mul3A_318, %add3A_319 : i32
      %mul3A_321 = arith.constant 16 : i32
      %mul3A_322 = arith.muli %add3A_320, %mul3A_321 : i32
      %get3A_323 = arith.index_cast %mul3A_322 : i32 to index
      %get3A_324 = tpu.vector_load %arg6[%get3A_323] {strides = array<i32>} : memref<32768xf32, #tpu.memory_space<vmem>>, vector<16xf32>,
      %min3A_325 = arith.minimumf %scan3A_234, %get3A_324 : vector<16xf32>
      %max3A_326 = arith.maximumf %scan3A_242, %get3A_324 : vector<16xf32>
      scf.yield %min3A_255, %min3A_265, %min3A_275, %min3A_285, %min3A_295, %min3A_305, %min3A_315, %min3A_325, %max3A_256, %max3A_266, %max3A_276, %max3A_286, %max3A_296, %max3A_306, %max3A_316, %max3A_326 : vector<16xf32>, vector<16xf32>, vector<16xf32>, vector<16xf32>, vector<16xf32>, vector<16xf32>, vector<16xf32>, vector<16xf32>, vector<16xf32>, vector<16xf32>, vector<16xf32>, vector<16xf32>, vector<16xf32>, vector<16xf32>, vector<16xf32>, vector<16xf32>
    }
    %scan3A_114 = arith.constant 256 : i32
    %add3A_115 = arith.constant 294912 : i32
    %add3A_116 = arith.addi %mul3A_2, %add3A_115 : i32
    %dma_start3A_117 = tpu.memref_slice %arg2[%add3A_116] : memref<16777216xf32, #tpu.memory_space<hbm>> -> memref<32768xf32, #tpu.memory_space<hbm>>
    %dma_start3A_118 = tpu.memref_slice %arg2[%add3A_116] : memref<16777216xf32, #tpu.memory_space<hbm>> -> memref<32768xf32, #tpu.memory_space<hbm>>
    tpu.enqueue_dma source(%dma_start3A_118 : memref<32768xf32, #tpu.memory_space<hbm>>) target(%arg6 : memref<32768xf32, #tpu.memory_space<vmem>>) target_semaphore(%arg10 : memref<!tpu.dma_semaphore, #tpu.memory_space<semaphore_mem>>)
    %dma_wait3A_119 = tpu.memref_slice %arg2[%add3A_104] : memref<16777216xf32, #tpu.memory_space<hbm>> -> memref<32768xf32, #tpu.memory_space<hbm>>
    %dma_wait3A_120 = tpu.memref_slice %arg2[%add3A_104] : memref<16777216xf32, #tpu.memory_space<hbm>> -> memref<32768xf32, #tpu.memory_space<hbm>>
    tpu.wait_dma2 semaphore(%arg9 : memref<!tpu.dma_semaphore, #tpu.memory_space<semaphore_mem>>) src(%dma_wait3A_120 : memref<32768xf32, #tpu.memory_space<hbm>>) dst(%arg5 : memref<32768xf32, #tpu.memory_space<vmem>>)
    %scan3A_121 = arith.constant 0 : i32
    %scan3A_122 = arith.constant 256 : i32
    %scan3A_123 = arith.addi %scan3A_121, %scan3A_122 : i32
    %scan3A_124 = arith.constant 1 : i32
    %scan3A_125:16 = scf.for %scan3A_226 = %scan3A_121 to %scan3A_123 step %scan3A_124 iter_args(%scan3A_227 = %scan3A_113#0, %scan3A_228 = %scan3A_113#1, %scan3A_229 = %scan3A_113#2, %scan3A_230 = %scan3A_113#3, %scan3A_231 = %scan3A_113#4, %scan3A_232 = %scan3A_113#5, %scan3A_233 = %scan3A_113#6, %scan3A_234 = %scan3A_113#7, %scan3A_235 = %scan3A_113#8, %scan3A_236 = %scan3A_113#9, %scan3A_237 = %scan3A_113#10, %scan3A_238 = %scan3A_113#11, %scan3A_239 = %scan3A_113#12, %scan3A_240 = %scan3A_113#13, %scan3A_241 = %scan3A_113#14, %scan3A_242 = %scan3A_113#15) -> (vector<16xf32>, vector<16xf32>, vector<16xf32>, vector<16xf32>, vector<16xf32>, vector<16xf32>, vector<16xf32>, vector<16xf32>, vector<16xf32>, vector<16xf32>, vector<16xf32>, vector<16xf32>, vector<16xf32>, vector<16xf32>, vector<16xf32>, vector<16xf32>)  : i32 {
      %mul3A_243 = arith.constant 1 : i32
      %mul3A_244 = arith.muli %scan3A_226, %mul3A_243 : i32
      %add3A_245 = arith.constant 0 : i32
      %add3A_246 = arith.addi %add3A_245, %mul3A_244 : i32
      %mul3A_247 = arith.constant 8 : i32
      %mul3A_248 = arith.muli %add3A_246, %mul3A_247 : i32
      %add3A_249 = arith.constant 0 : i32
      %add3A_250 = arith.addi %mul3A_248, %add3A_249 : i32
      %mul3A_251 = arith.constant 16 : i32
      %mul3A_252 = arith.muli %add3A_250, %mul3A_251 : i32
      %get3A_253 = arith.index_cast %mul3A_252 : i32 to index
      %get3A_254 = tpu.vector_load %arg5[%get3A_253] {strides = array<i32>} : memref<32768xf32, #tpu.memory_space<vmem>>, vector<16xf32>,
      %min3A_255 = arith.minimumf %scan3A_227, %get3A_254 : vector<16xf32>
      %max3A_256 = arith.maximumf %scan3A_235, %get3A_254 : vector<16xf32>
      %mul3A_257 = arith.constant 8 : i32
      %mul3A_258 = arith.muli %add3A_246, %mul3A_257 : i32
      %add3A_259 = arith.constant 1 : i32
      %add3A_260 = arith.addi %mul3A_258, %add3A_259 : i32
      %mul3A_261 = arith.constant 16 : i32
      %mul3A_262 = arith.muli %add3A_260, %mul3A_261 : i32
      %get3A_263 = arith.index_cast %mul3A_262 : i32 to index
      %get3A_264 = tpu.vector_load %arg5[%get3A_263] {strides = array<i32>} : memref<32768xf32, #tpu.memory_space<vmem>>, vector<16xf32>,
      %min3A_265 = arith.minimumf %scan3A_228, %get3A_264 : vector<16xf32>
      %max3A_266 = arith.maximumf %scan3A_236, %get3A_264 : vector<16xf32>
      %mul3A_267 = arith.constant 8 : i32
      %mul3A_268 = arith.muli %add3A_246, %mul3A_267 : i32
      %add3A_269 = arith.constant 2 : i32
      %add3A_270 = arith.addi %mul3A_268, %add3A_269 : i32
      %mul3A_271 = arith.constant 16 : i32
      %mul3A_272 = arith.muli %add3A_270, %mul3A_271 : i32
      %get3A_273 = arith.index_cast %mul3A_272 : i32 to index
      %get3A_274 = tpu.vector_load %arg5[%get3A_273] {strides = array<i32>} : memref<32768xf32, #tpu.memory_space<vmem>>, vector<16xf32>,
      %min3A_275 = arith.minimumf %scan3A_229, %get3A_274 : vector<16xf32>
      %max3A_276 = arith.maximumf %scan3A_237, %get3A_274 : vector<16xf32>
      %mul3A_277 = arith.constant 8 : i32
      %mul3A_278 = arith.muli %add3A_246, %mul3A_277 : i32
      %add3A_279 = arith.constant 3 : i32
      %add3A_280 = arith.addi %mul3A_278, %add3A_279 : i32
      %mul3A_281 = arith.constant 16 : i32
      %mul3A_282 = arith.muli %add3A_280, %mul3A_281 : i32
      %get3A_283 = arith.index_cast %mul3A_282 : i32 to index
      %get3A_284 = tpu.vector_load %arg5[%get3A_283] {strides = array<i32>} : memref<32768xf32, #tpu.memory_space<vmem>>, vector<16xf32>,
      %min3A_285 = arith.minimumf %scan3A_230, %get3A_284 : vector<16xf32>
      %max3A_286 = arith.maximumf %scan3A_238, %get3A_284 : vector<16xf32>
      %mul3A_287 = arith.constant 8 : i32
      %mul3A_288 = arith.muli %add3A_246, %mul3A_287 : i32
      %add3A_289 = arith.constant 4 : i32
      %add3A_290 = arith.addi %mul3A_288, %add3A_289 : i32
      %mul3A_291 = arith.constant 16 : i32
      %mul3A_292 = arith.muli %add3A_290, %mul3A_291 : i32
      %get3A_293 = arith.index_cast %mul3A_292 : i32 to index
      %get3A_294 = tpu.vector_load %arg5[%get3A_293] {strides = array<i32>} : memref<32768xf32, #tpu.memory_space<vmem>>, vector<16xf32>,
      %min3A_295 = arith.minimumf %scan3A_231, %get3A_294 : vector<16xf32>
      %max3A_296 = arith.maximumf %scan3A_239, %get3A_294 : vector<16xf32>
      %mul3A_297 = arith.constant 8 : i32
      %mul3A_298 = arith.muli %add3A_246, %mul3A_297 : i32
      %add3A_299 = arith.constant 5 : i32
      %add3A_300 = arith.addi %mul3A_298, %add3A_299 : i32
      %mul3A_301 = arith.constant 16 : i32
      %mul3A_302 = arith.muli %add3A_300, %mul3A_301 : i32
      %get3A_303 = arith.index_cast %mul3A_302 : i32 to index
      %get3A_304 = tpu.vector_load %arg5[%get3A_303] {strides = array<i32>} : memref<32768xf32, #tpu.memory_space<vmem>>, vector<16xf32>,
      %min3A_305 = arith.minimumf %scan3A_232, %get3A_304 : vector<16xf32>
      %max3A_306 = arith.maximumf %scan3A_240, %get3A_304 : vector<16xf32>
      %mul3A_307 = arith.constant 8 : i32
      %mul3A_308 = arith.muli %add3A_246, %mul3A_307 : i32
      %add3A_309 = arith.constant 6 : i32
      %add3A_310 = arith.addi %mul3A_308, %add3A_309 : i32
      %mul3A_311 = arith.constant 16 : i32
      %mul3A_312 = arith.muli %add3A_310, %mul3A_311 : i32
      %get3A_313 = arith.index_cast %mul3A_312 : i32 to index
      %get3A_314 = tpu.vector_load %arg5[%get3A_313] {strides = array<i32>} : memref<32768xf32, #tpu.memory_space<vmem>>, vector<16xf32>,
      %min3A_315 = arith.minimumf %scan3A_233, %get3A_314 : vector<16xf32>
      %max3A_316 = arith.maximumf %scan3A_241, %get3A_314 : vector<16xf32>
      %mul3A_317 = arith.constant 8 : i32
      %mul3A_318 = arith.muli %add3A_246, %mul3A_317 : i32
      %add3A_319 = arith.constant 7 : i32
      %add3A_320 = arith.addi %mul3A_318, %add3A_319 : i32
      %mul3A_321 = arith.constant 16 : i32
      %mul3A_322 = arith.muli %add3A_320, %mul3A_321 : i32
      %get3A_323 = arith.index_cast %mul3A_322 : i32 to index
      %get3A_324 = tpu.vector_load %arg5[%get3A_323] {strides = array<i32>} : memref<32768xf32, #tpu.memory_space<vmem>>, vector<16xf32>,
      %min3A_325 = arith.minimumf %scan3A_234, %get3A_324 : vector<16xf32>
      %max3A_326 = arith.maximumf %scan3A_242, %get3A_324 : vector<16xf32>
      scf.yield %min3A_255, %min3A_265, %min3A_275, %min3A_285, %min3A_295, %min3A_305, %min3A_315, %min3A_325, %max3A_256, %max3A_266, %max3A_276, %max3A_286, %max3A_296, %max3A_306, %max3A_316, %max3A_326 : vector<16xf32>, vector<16xf32>, vector<16xf32>, vector<16xf32>, vector<16xf32>, vector<16xf32>, vector<16xf32>, vector<16xf32>, vector<16xf32>, vector<16xf32>, vector<16xf32>, vector<16xf32>, vector<16xf32>, vector<16xf32>, vector<16xf32>, vector<16xf32>
    }
    %scan3A_126 = arith.constant 256 : i32
    %add3A_127 = arith.constant 327680 : i32
    %add3A_128 = arith.addi %mul3A_2, %add3A_127 : i32
    %dma_start3A_129 = tpu.memref_slice %arg2[%add3A_128] : memref<16777216xf32, #tpu.memory_space<hbm>> -> memref<32768xf32, #tpu.memory_space<hbm>>
    %dma_start3A_130 = tpu.memref_slice %arg2[%add3A_128] : memref<16777216xf32, #tpu.memory_space<hbm>> -> memref<32768xf32, #tpu.memory_space<hbm>>
    tpu.enqueue_dma source(%dma_start3A_130 : memref<32768xf32, #tpu.memory_space<hbm>>) target(%arg5 : memref<32768xf32, #tpu.memory_space<vmem>>) target_semaphore(%arg9 : memref<!tpu.dma_semaphore, #tpu.memory_space<semaphore_mem>>)
    %dma_wait3A_131 = tpu.memref_slice %arg2[%add3A_116] : memref<16777216xf32, #tpu.memory_space<hbm>> -> memref<32768xf32, #tpu.memory_space<hbm>>
    %dma_wait3A_132 = tpu.memref_slice %arg2[%add3A_116] : memref<16777216xf32, #tpu.memory_space<hbm>> -> memref<32768xf32, #tpu.memory_space<hbm>>
    tpu.wait_dma2 semaphore(%arg10 : memref<!tpu.dma_semaphore, #tpu.memory_space<semaphore_mem>>) src(%dma_wait3A_132 : memref<32768xf32, #tpu.memory_space<hbm>>) dst(%arg6 : memref<32768xf32, #tpu.memory_space<vmem>>)
    %scan3A_133 = arith.constant 0 : i32
    %scan3A_134 = arith.constant 256 : i32
    %scan3A_135 = arith.addi %scan3A_133, %scan3A_134 : i32
    %scan3A_136 = arith.constant 1 : i32
    %scan3A_137:16 = scf.for %scan3A_226 = %scan3A_133 to %scan3A_135 step %scan3A_136 iter_args(%scan3A_227 = %scan3A_125#0, %scan3A_228 = %scan3A_125#1, %scan3A_229 = %scan3A_125#2, %scan3A_230 = %scan3A_125#3, %scan3A_231 = %scan3A_125#4, %scan3A_232 = %scan3A_125#5, %scan3A_233 = %scan3A_125#6, %scan3A_234 = %scan3A_125#7, %scan3A_235 = %scan3A_125#8, %scan3A_236 = %scan3A_125#9, %scan3A_237 = %scan3A_125#10, %scan3A_238 = %scan3A_125#11, %scan3A_239 = %scan3A_125#12, %scan3A_240 = %scan3A_125#13, %scan3A_241 = %scan3A_125#14, %scan3A_242 = %scan3A_125#15) -> (vector<16xf32>, vector<16xf32>, vector<16xf32>, vector<16xf32>, vector<16xf32>, vector<16xf32>, vector<16xf32>, vector<16xf32>, vector<16xf32>, vector<16xf32>, vector<16xf32>, vector<16xf32>, vector<16xf32>, vector<16xf32>, vector<16xf32>, vector<16xf32>)  : i32 {
      %mul3A_243 = arith.constant 1 : i32
      %mul3A_244 = arith.muli %scan3A_226, %mul3A_243 : i32
      %add3A_245 = arith.constant 0 : i32
      %add3A_246 = arith.addi %add3A_245, %mul3A_244 : i32
      %mul3A_247 = arith.constant 8 : i32
      %mul3A_248 = arith.muli %add3A_246, %mul3A_247 : i32
      %add3A_249 = arith.constant 0 : i32
      %add3A_250 = arith.addi %mul3A_248, %add3A_249 : i32
      %mul3A_251 = arith.constant 16 : i32
      %mul3A_252 = arith.muli %add3A_250, %mul3A_251 : i32
      %get3A_253 = arith.index_cast %mul3A_252 : i32 to index
      %get3A_254 = tpu.vector_load %arg6[%get3A_253] {strides = array<i32>} : memref<32768xf32, #tpu.memory_space<vmem>>, vector<16xf32>,
      %min3A_255 = arith.minimumf %scan3A_227, %get3A_254 : vector<16xf32>
      %max3A_256 = arith.maximumf %scan3A_235, %get3A_254 : vector<16xf32>
      %mul3A_257 = arith.constant 8 : i32
      %mul3A_258 = arith.muli %add3A_246, %mul3A_257 : i32
      %add3A_259 = arith.constant 1 : i32
      %add3A_260 = arith.addi %mul3A_258, %add3A_259 : i32
      %mul3A_261 = arith.constant 16 : i32
      %mul3A_262 = arith.muli %add3A_260, %mul3A_261 : i32
      %get3A_263 = arith.index_cast %mul3A_262 : i32 to index
      %get3A_264 = tpu.vector_load %arg6[%get3A_263] {strides = array<i32>} : memref<32768xf32, #tpu.memory_space<vmem>>, vector<16xf32>,
      %min3A_265 = arith.minimumf %scan3A_228, %get3A_264 : vector<16xf32>
      %max3A_266 = arith.maximumf %scan3A_236, %get3A_264 : vector<16xf32>
      %mul3A_267 = arith.constant 8 : i32
      %mul3A_268 = arith.muli %add3A_246, %mul3A_267 : i32
      %add3A_269 = arith.constant 2 : i32
      %add3A_270 = arith.addi %mul3A_268, %add3A_269 : i32
      %mul3A_271 = arith.constant 16 : i32
      %mul3A_272 = arith.muli %add3A_270, %mul3A_271 : i32
      %get3A_273 = arith.index_cast %mul3A_272 : i32 to index
      %get3A_274 = tpu.vector_load %arg6[%get3A_273] {strides = array<i32>} : memref<32768xf32, #tpu.memory_space<vmem>>, vector<16xf32>,
      %min3A_275 = arith.minimumf %scan3A_229, %get3A_274 : vector<16xf32>
      %max3A_276 = arith.maximumf %scan3A_237, %get3A_274 : vector<16xf32>
      %mul3A_277 = arith.constant 8 : i32
      %mul3A_278 = arith.muli %add3A_246, %mul3A_277 : i32
      %add3A_279 = arith.constant 3 : i32
      %add3A_280 = arith.addi %mul3A_278, %add3A_279 : i32
      %mul3A_281 = arith.constant 16 : i32
      %mul3A_282 = arith.muli %add3A_280, %mul3A_281 : i32
      %get3A_283 = arith.index_cast %mul3A_282 : i32 to index
      %get3A_284 = tpu.vector_load %arg6[%get3A_283] {strides = array<i32>} : memref<32768xf32, #tpu.memory_space<vmem>>, vector<16xf32>,
      %min3A_285 = arith.minimumf %scan3A_230, %get3A_284 : vector<16xf32>
      %max3A_286 = arith.maximumf %scan3A_238, %get3A_284 : vector<16xf32>
      %mul3A_287 = arith.constant 8 : i32
      %mul3A_288 = arith.muli %add3A_246, %mul3A_287 : i32
      %add3A_289 = arith.constant 4 : i32
      %add3A_290 = arith.addi %mul3A_288, %add3A_289 : i32
      %mul3A_291 = arith.constant 16 : i32
      %mul3A_292 = arith.muli %add3A_290, %mul3A_291 : i32
      %get3A_293 = arith.index_cast %mul3A_292 : i32 to index
      %get3A_294 = tpu.vector_load %arg6[%get3A_293] {strides = array<i32>} : memref<32768xf32, #tpu.memory_space<vmem>>, vector<16xf32>,
      %min3A_295 = arith.minimumf %scan3A_231, %get3A_294 : vector<16xf32>
      %max3A_296 = arith.maximumf %scan3A_239, %get3A_294 : vector<16xf32>
      %mul3A_297 = arith.constant 8 : i32
      %mul3A_298 = arith.muli %add3A_246, %mul3A_297 : i32
      %add3A_299 = arith.constant 5 : i32
      %add3A_300 = arith.addi %mul3A_298, %add3A_299 : i32
      %mul3A_301 = arith.constant 16 : i32
      %mul3A_302 = arith.muli %add3A_300, %mul3A_301 : i32
      %get3A_303 = arith.index_cast %mul3A_302 : i32 to index
      %get3A_304 = tpu.vector_load %arg6[%get3A_303] {strides = array<i32>} : memref<32768xf32, #tpu.memory_space<vmem>>, vector<16xf32>,
      %min3A_305 = arith.minimumf %scan3A_232, %get3A_304 : vector<16xf32>
      %max3A_306 = arith.maximumf %scan3A_240, %get3A_304 : vector<16xf32>
      %mul3A_307 = arith.constant 8 : i32
      %mul3A_308 = arith.muli %add3A_246, %mul3A_307 : i32
      %add3A_309 = arith.constant 6 : i32
      %add3A_310 = arith.addi %mul3A_308, %add3A_309 : i32
      %mul3A_311 = arith.constant 16 : i32
      %mul3A_312 = arith.muli %add3A_310, %mul3A_311 : i32
      %get3A_313 = arith.index_cast %mul3A_312 : i32 to index
      %get3A_314 = tpu.vector_load %arg6[%get3A_313] {strides = array<i32>} : memref<32768xf32, #tpu.memory_space<vmem>>, vector<16xf32>,
      %min3A_315 = arith.minimumf %scan3A_233, %get3A_314 : vector<16xf32>
      %max3A_316 = arith.maximumf %scan3A_241, %get3A_314 : vector<16xf32>
      %mul3A_317 = arith.constant 8 : i32
      %mul3A_318 = arith.muli %add3A_246, %mul3A_317 : i32
      %add3A_319 = arith.constant 7 : i32
      %add3A_320 = arith.addi %mul3A_318, %add3A_319 : i32
      %mul3A_321 = arith.constant 16 : i32
      %mul3A_322 = arith.muli %add3A_320, %mul3A_321 : i32
      %get3A_323 = arith.index_cast %mul3A_322 : i32 to index
      %get3A_324 = tpu.vector_load %arg6[%get3A_323] {strides = array<i32>} : memref<32768xf32, #tpu.memory_space<vmem>>, vector<16xf32>,
      %min3A_325 = arith.minimumf %scan3A_234, %get3A_324 : vector<16xf32>
      %max3A_326 = arith.maximumf %scan3A_242, %get3A_324 : vector<16xf32>
      scf.yield %min3A_255, %min3A_265, %min3A_275, %min3A_285, %min3A_295, %min3A_305, %min3A_315, %min3A_325, %max3A_256, %max3A_266, %max3A_276, %max3A_286, %max3A_296, %max3A_306, %max3A_316, %max3A_326 : vector<16xf32>, vector<16xf32>, vector<16xf32>, vector<16xf32>, vector<16xf32>, vector<16xf32>, vector<16xf32>, vector<16xf32>, vector<16xf32>, vector<16xf32>, vector<16xf32>, vector<16xf32>, vector<16xf32>, vector<16xf32>, vector<16xf32>, vector<16xf32>
    }
    %scan3A_138 = arith.constant 256 : i32
    %add3A_139 = arith.constant 360448 : i32
    %add3A_140 = arith.addi %mul3A_2, %add3A_139 : i32
    %dma_start3A_141 = tpu.memref_slice %arg2[%add3A_140] : memref<16777216xf32, #tpu.memory_space<hbm>> -> memref<32768xf32, #tpu.memory_space<hbm>>
    %dma_start3A_142 = tpu.memref_slice %arg2[%add3A_140] : memref<16777216xf32, #tpu.memory_space<hbm>> -> memref<32768xf32, #tpu.memory_space<hbm>>
    tpu.enqueue_dma source(%dma_start3A_142 : memref<32768xf32, #tpu.memory_space<hbm>>) target(%arg6 : memref<32768xf32, #tpu.memory_space<vmem>>) target_semaphore(%arg10 : memref<!tpu.dma_semaphore, #tpu.memory_space<semaphore_mem>>)
    %dma_wait3A_143 = tpu.memref_slice %arg2[%add3A_128] : memref<16777216xf32, #tpu.memory_space<hbm>> -> memref<32768xf32, #tpu.memory_space<hbm>>
    %dma_wait3A_144 = tpu.memref_slice %arg2[%add3A_128] : memref<16777216xf32, #tpu.memory_space<hbm>> -> memref<32768xf32, #tpu.memory_space<hbm>>
    tpu.wait_dma2 semaphore(%arg9 : memref<!tpu.dma_semaphore, #tpu.memory_space<semaphore_mem>>) src(%dma_wait3A_144 : memref<32768xf32, #tpu.memory_space<hbm>>) dst(%arg5 : memref<32768xf32, #tpu.memory_space<vmem>>)
    %scan3A_145 = arith.constant 0 : i32
    %scan3A_146 = arith.constant 256 : i32
    %scan3A_147 = arith.addi %scan3A_145, %scan3A_146 : i32
    %scan3A_148 = arith.constant 1 : i32
    %scan3A_149:16 = scf.for %scan3A_226 = %scan3A_145 to %scan3A_147 step %scan3A_148 iter_args(%scan3A_227 = %scan3A_137#0, %scan3A_228 = %scan3A_137#1, %scan3A_229 = %scan3A_137#2, %scan3A_230 = %scan3A_137#3, %scan3A_231 = %scan3A_137#4, %scan3A_232 = %scan3A_137#5, %scan3A_233 = %scan3A_137#6, %scan3A_234 = %scan3A_137#7, %scan3A_235 = %scan3A_137#8, %scan3A_236 = %scan3A_137#9, %scan3A_237 = %scan3A_137#10, %scan3A_238 = %scan3A_137#11, %scan3A_239 = %scan3A_137#12, %scan3A_240 = %scan3A_137#13, %scan3A_241 = %scan3A_137#14, %scan3A_242 = %scan3A_137#15) -> (vector<16xf32>, vector<16xf32>, vector<16xf32>, vector<16xf32>, vector<16xf32>, vector<16xf32>, vector<16xf32>, vector<16xf32>, vector<16xf32>, vector<16xf32>, vector<16xf32>, vector<16xf32>, vector<16xf32>, vector<16xf32>, vector<16xf32>, vector<16xf32>)  : i32 {
      %mul3A_243 = arith.constant 1 : i32
      %mul3A_244 = arith.muli %scan3A_226, %mul3A_243 : i32
      %add3A_245 = arith.constant 0 : i32
      %add3A_246 = arith.addi %add3A_245, %mul3A_244 : i32
      %mul3A_247 = arith.constant 8 : i32
      %mul3A_248 = arith.muli %add3A_246, %mul3A_247 : i32
      %add3A_249 = arith.constant 0 : i32
      %add3A_250 = arith.addi %mul3A_248, %add3A_249 : i32
      %mul3A_251 = arith.constant 16 : i32
      %mul3A_252 = arith.muli %add3A_250, %mul3A_251 : i32
      %get3A_253 = arith.index_cast %mul3A_252 : i32 to index
      %get3A_254 = tpu.vector_load %arg5[%get3A_253] {strides = array<i32>} : memref<32768xf32, #tpu.memory_space<vmem>>, vector<16xf32>,
      %min3A_255 = arith.minimumf %scan3A_227, %get3A_254 : vector<16xf32>
      %max3A_256 = arith.maximumf %scan3A_235, %get3A_254 : vector<16xf32>
      %mul3A_257 = arith.constant 8 : i32
      %mul3A_258 = arith.muli %add3A_246, %mul3A_257 : i32
      %add3A_259 = arith.constant 1 : i32
      %add3A_260 = arith.addi %mul3A_258, %add3A_259 : i32
      %mul3A_261 = arith.constant 16 : i32
      %mul3A_262 = arith.muli %add3A_260, %mul3A_261 : i32
      %get3A_263 = arith.index_cast %mul3A_262 : i32 to index
      %get3A_264 = tpu.vector_load %arg5[%get3A_263] {strides = array<i32>} : memref<32768xf32, #tpu.memory_space<vmem>>, vector<16xf32>,
      %min3A_265 = arith.minimumf %scan3A_228, %get3A_264 : vector<16xf32>
      %max3A_266 = arith.maximumf %scan3A_236, %get3A_264 : vector<16xf32>
      %mul3A_267 = arith.constant 8 : i32
      %mul3A_268 = arith.muli %add3A_246, %mul3A_267 : i32
      %add3A_269 = arith.constant 2 : i32
      %add3A_270 = arith.addi %mul3A_268, %add3A_269 : i32
      %mul3A_271 = arith.constant 16 : i32
      %mul3A_272 = arith.muli %add3A_270, %mul3A_271 : i32
      %get3A_273 = arith.index_cast %mul3A_272 : i32 to index
      %get3A_274 = tpu.vector_load %arg5[%get3A_273] {strides = array<i32>} : memref<32768xf32, #tpu.memory_space<vmem>>, vector<16xf32>,
      %min3A_275 = arith.minimumf %scan3A_229, %get3A_274 : vector<16xf32>
      %max3A_276 = arith.maximumf %scan3A_237, %get3A_274 : vector<16xf32>
      %mul3A_277 = arith.constant 8 : i32
      %mul3A_278 = arith.muli %add3A_246, %mul3A_277 : i32
      %add3A_279 = arith.constant 3 : i32
      %add3A_280 = arith.addi %mul3A_278, %add3A_279 : i32
      %mul3A_281 = arith.constant 16 : i32
      %mul3A_282 = arith.muli %add3A_280, %mul3A_281 : i32
      %get3A_283 = arith.index_cast %mul3A_282 : i32 to index
      %get3A_284 = tpu.vector_load %arg5[%get3A_283] {strides = array<i32>} : memref<32768xf32, #tpu.memory_space<vmem>>, vector<16xf32>,
      %min3A_285 = arith.minimumf %scan3A_230, %get3A_284 : vector<16xf32>
      %max3A_286 = arith.maximumf %scan3A_238, %get3A_284 : vector<16xf32>
      %mul3A_287 = arith.constant 8 : i32
      %mul3A_288 = arith.muli %add3A_246, %mul3A_287 : i32
      %add3A_289 = arith.constant 4 : i32
      %add3A_290 = arith.addi %mul3A_288, %add3A_289 : i32
      %mul3A_291 = arith.constant 16 : i32
      %mul3A_292 = arith.muli %add3A_290, %mul3A_291 : i32
      %get3A_293 = arith.index_cast %mul3A_292 : i32 to index
      %get3A_294 = tpu.vector_load %arg5[%get3A_293] {strides = array<i32>} : memref<32768xf32, #tpu.memory_space<vmem>>, vector<16xf32>,
      %min3A_295 = arith.minimumf %scan3A_231, %get3A_294 : vector<16xf32>
      %max3A_296 = arith.maximumf %scan3A_239, %get3A_294 : vector<16xf32>
      %mul3A_297 = arith.constant 8 : i32
      %mul3A_298 = arith.muli %add3A_246, %mul3A_297 : i32
      %add3A_299 = arith.constant 5 : i32
      %add3A_300 = arith.addi %mul3A_298, %add3A_299 : i32
      %mul3A_301 = arith.constant 16 : i32
      %mul3A_302 = arith.muli %add3A_300, %mul3A_301 : i32
      %get3A_303 = arith.index_cast %mul3A_302 : i32 to index
      %get3A_304 = tpu.vector_load %arg5[%get3A_303] {strides = array<i32>} : memref<32768xf32, #tpu.memory_space<vmem>>, vector<16xf32>,
      %min3A_305 = arith.minimumf %scan3A_232, %get3A_304 : vector<16xf32>
      %max3A_306 = arith.maximumf %scan3A_240, %get3A_304 : vector<16xf32>
      %mul3A_307 = arith.constant 8 : i32
      %mul3A_308 = arith.muli %add3A_246, %mul3A_307 : i32
      %add3A_309 = arith.constant 6 : i32
      %add3A_310 = arith.addi %mul3A_308, %add3A_309 : i32
      %mul3A_311 = arith.constant 16 : i32
      %mul3A_312 = arith.muli %add3A_310, %mul3A_311 : i32
      %get3A_313 = arith.index_cast %mul3A_312 : i32 to index
      %get3A_314 = tpu.vector_load %arg5[%get3A_313] {strides = array<i32>} : memref<32768xf32, #tpu.memory_space<vmem>>, vector<16xf32>,
      %min3A_315 = arith.minimumf %scan3A_233, %get3A_314 : vector<16xf32>
      %max3A_316 = arith.maximumf %scan3A_241, %get3A_314 : vector<16xf32>
      %mul3A_317 = arith.constant 8 : i32
      %mul3A_318 = arith.muli %add3A_246, %mul3A_317 : i32
      %add3A_319 = arith.constant 7 : i32
      %add3A_320 = arith.addi %mul3A_318, %add3A_319 : i32
      %mul3A_321 = arith.constant 16 : i32
      %mul3A_322 = arith.muli %add3A_320, %mul3A_321 : i32
      %get3A_323 = arith.index_cast %mul3A_322 : i32 to index
      %get3A_324 = tpu.vector_load %arg5[%get3A_323] {strides = array<i32>} : memref<32768xf32, #tpu.memory_space<vmem>>, vector<16xf32>,
      %min3A_325 = arith.minimumf %scan3A_234, %get3A_324 : vector<16xf32>
      %max3A_326 = arith.maximumf %scan3A_242, %get3A_324 : vector<16xf32>
      scf.yield %min3A_255, %min3A_265, %min3A_275, %min3A_285, %min3A_295, %min3A_305, %min3A_315, %min3A_325, %max3A_256, %max3A_266, %max3A_276, %max3A_286, %max3A_296, %max3A_306, %max3A_316, %max3A_326 : vector<16xf32>, vector<16xf32>, vector<16xf32>, vector<16xf32>, vector<16xf32>, vector<16xf32>, vector<16xf32>, vector<16xf32>, vector<16xf32>, vector<16xf32>, vector<16xf32>, vector<16xf32>, vector<16xf32>, vector<16xf32>, vector<16xf32>, vector<16xf32>
    }
    %scan3A_150 = arith.constant 256 : i32
    %add3A_151 = arith.constant 393216 : i32
    %add3A_152 = arith.addi %mul3A_2, %add3A_151 : i32
    %dma_start3A_153 = tpu.memref_slice %arg2[%add3A_152] : memref<16777216xf32, #tpu.memory_space<hbm>> -> memref<32768xf32, #tpu.memory_space<hbm>>
    %dma_start3A_154 = tpu.memref_slice %arg2[%add3A_152] : memref<16777216xf32, #tpu.memory_space<hbm>> -> memref<32768xf32, #tpu.memory_space<hbm>>
    tpu.enqueue_dma source(%dma_start3A_154 : memref<32768xf32, #tpu.memory_space<hbm>>) target(%arg5 : memref<32768xf32, #tpu.memory_space<vmem>>) target_semaphore(%arg9 : memref<!tpu.dma_semaphore, #tpu.memory_space<semaphore_mem>>)
    %dma_wait3A_155 = tpu.memref_slice %arg2[%add3A_140] : memref<16777216xf32, #tpu.memory_space<hbm>> -> memref<32768xf32, #tpu.memory_space<hbm>>
    %dma_wait3A_156 = tpu.memref_slice %arg2[%add3A_140] : memref<16777216xf32, #tpu.memory_space<hbm>> -> memref<32768xf32, #tpu.memory_space<hbm>>
    tpu.wait_dma2 semaphore(%arg10 : memref<!tpu.dma_semaphore, #tpu.memory_space<semaphore_mem>>) src(%dma_wait3A_156 : memref<32768xf32, #tpu.memory_space<hbm>>) dst(%arg6 : memref<32768xf32, #tpu.memory_space<vmem>>)
    %scan3A_157 = arith.constant 0 : i32
    %scan3A_158 = arith.constant 256 : i32
    %scan3A_159 = arith.addi %scan3A_157, %scan3A_158 : i32
    %scan3A_160 = arith.constant 1 : i32
    %scan3A_161:16 = scf.for %scan3A_226 = %scan3A_157 to %scan3A_159 step %scan3A_160 iter_args(%scan3A_227 = %scan3A_149#0, %scan3A_228 = %scan3A_149#1, %scan3A_229 = %scan3A_149#2, %scan3A_230 = %scan3A_149#3, %scan3A_231 = %scan3A_149#4, %scan3A_232 = %scan3A_149#5, %scan3A_233 = %scan3A_149#6, %scan3A_234 = %scan3A_149#7, %scan3A_235 = %scan3A_149#8, %scan3A_236 = %scan3A_149#9, %scan3A_237 = %scan3A_149#10, %scan3A_238 = %scan3A_149#11, %scan3A_239 = %scan3A_149#12, %scan3A_240 = %scan3A_149#13, %scan3A_241 = %scan3A_149#14, %scan3A_242 = %scan3A_149#15) -> (vector<16xf32>, vector<16xf32>, vector<16xf32>, vector<16xf32>, vector<16xf32>, vector<16xf32>, vector<16xf32>, vector<16xf32>, vector<16xf32>, vector<16xf32>, vector<16xf32>, vector<16xf32>, vector<16xf32>, vector<16xf32>, vector<16xf32>, vector<16xf32>)  : i32 {
      %mul3A_243 = arith.constant 1 : i32
      %mul3A_244 = arith.muli %scan3A_226, %mul3A_243 : i32
      %add3A_245 = arith.constant 0 : i32
      %add3A_246 = arith.addi %add3A_245, %mul3A_244 : i32
      %mul3A_247 = arith.constant 8 : i32
      %mul3A_248 = arith.muli %add3A_246, %mul3A_247 : i32
      %add3A_249 = arith.constant 0 : i32
      %add3A_250 = arith.addi %mul3A_248, %add3A_249 : i32
      %mul3A_251 = arith.constant 16 : i32
      %mul3A_252 = arith.muli %add3A_250, %mul3A_251 : i32
      %get3A_253 = arith.index_cast %mul3A_252 : i32 to index
      %get3A_254 = tpu.vector_load %arg6[%get3A_253] {strides = array<i32>} : memref<32768xf32, #tpu.memory_space<vmem>>, vector<16xf32>,
      %min3A_255 = arith.minimumf %scan3A_227, %get3A_254 : vector<16xf32>
      %max3A_256 = arith.maximumf %scan3A_235, %get3A_254 : vector<16xf32>
      %mul3A_257 = arith.constant 8 : i32
      %mul3A_258 = arith.muli %add3A_246, %mul3A_257 : i32
      %add3A_259 = arith.constant 1 : i32
      %add3A_260 = arith.addi %mul3A_258, %add3A_259 : i32
      %mul3A_261 = arith.constant 16 : i32
      %mul3A_262 = arith.muli %add3A_260, %mul3A_261 : i32
      %get3A_263 = arith.index_cast %mul3A_262 : i32 to index
      %get3A_264 = tpu.vector_load %arg6[%get3A_263] {strides = array<i32>} : memref<32768xf32, #tpu.memory_space<vmem>>, vector<16xf32>,
      %min3A_265 = arith.minimumf %scan3A_228, %get3A_264 : vector<16xf32>
      %max3A_266 = arith.maximumf %scan3A_236, %get3A_264 : vector<16xf32>
      %mul3A_267 = arith.constant 8 : i32
      %mul3A_268 = arith.muli %add3A_246, %mul3A_267 : i32
      %add3A_269 = arith.constant 2 : i32
      %add3A_270 = arith.addi %mul3A_268, %add3A_269 : i32
      %mul3A_271 = arith.constant 16 : i32
      %mul3A_272 = arith.muli %add3A_270, %mul3A_271 : i32
      %get3A_273 = arith.index_cast %mul3A_272 : i32 to index
      %get3A_274 = tpu.vector_load %arg6[%get3A_273] {strides = array<i32>} : memref<32768xf32, #tpu.memory_space<vmem>>, vector<16xf32>,
      %min3A_275 = arith.minimumf %scan3A_229, %get3A_274 : vector<16xf32>
      %max3A_276 = arith.maximumf %scan3A_237, %get3A_274 : vector<16xf32>
      %mul3A_277 = arith.constant 8 : i32
      %mul3A_278 = arith.muli %add3A_246, %mul3A_277 : i32
      %add3A_279 = arith.constant 3 : i32
      %add3A_280 = arith.addi %mul3A_278, %add3A_279 : i32
      %mul3A_281 = arith.constant 16 : i32
      %mul3A_282 = arith.muli %add3A_280, %mul3A_281 : i32
      %get3A_283 = arith.index_cast %mul3A_282 : i32 to index
      %get3A_284 = tpu.vector_load %arg6[%get3A_283] {strides = array<i32>} : memref<32768xf32, #tpu.memory_space<vmem>>, vector<16xf32>,
      %min3A_285 = arith.minimumf %scan3A_230, %get3A_284 : vector<16xf32>
      %max3A_286 = arith.maximumf %scan3A_238, %get3A_284 : vector<16xf32>
      %mul3A_287 = arith.constant 8 : i32
      %mul3A_288 = arith.muli %add3A_246, %mul3A_287 : i32
      %add3A_289 = arith.constant 4 : i32
      %add3A_290 = arith.addi %mul3A_288, %add3A_289 : i32
      %mul3A_291 = arith.constant 16 : i32
      %mul3A_292 = arith.muli %add3A_290, %mul3A_291 : i32
      %get3A_293 = arith.index_cast %mul3A_292 : i32 to index
      %get3A_294 = tpu.vector_load %arg6[%get3A_293] {strides = array<i32>} : memref<32768xf32, #tpu.memory_space<vmem>>, vector<16xf32>,
      %min3A_295 = arith.minimumf %scan3A_231, %get3A_294 : vector<16xf32>
      %max3A_296 = arith.maximumf %scan3A_239, %get3A_294 : vector<16xf32>
      %mul3A_297 = arith.constant 8 : i32
      %mul3A_298 = arith.muli %add3A_246, %mul3A_297 : i32
      %add3A_299 = arith.constant 5 : i32
      %add3A_300 = arith.addi %mul3A_298, %add3A_299 : i32
      %mul3A_301 = arith.constant 16 : i32
      %mul3A_302 = arith.muli %add3A_300, %mul3A_301 : i32
      %get3A_303 = arith.index_cast %mul3A_302 : i32 to index
      %get3A_304 = tpu.vector_load %arg6[%get3A_303] {strides = array<i32>} : memref<32768xf32, #tpu.memory_space<vmem>>, vector<16xf32>,
      %min3A_305 = arith.minimumf %scan3A_232, %get3A_304 : vector<16xf32>
      %max3A_306 = arith.maximumf %scan3A_240, %get3A_304 : vector<16xf32>
      %mul3A_307 = arith.constant 8 : i32
      %mul3A_308 = arith.muli %add3A_246, %mul3A_307 : i32
      %add3A_309 = arith.constant 6 : i32
      %add3A_310 = arith.addi %mul3A_308, %add3A_309 : i32
      %mul3A_311 = arith.constant 16 : i32
      %mul3A_312 = arith.muli %add3A_310, %mul3A_311 : i32
      %get3A_313 = arith.index_cast %mul3A_312 : i32 to index
      %get3A_314 = tpu.vector_load %arg6[%get3A_313] {strides = array<i32>} : memref<32768xf32, #tpu.memory_space<vmem>>, vector<16xf32>,
      %min3A_315 = arith.minimumf %scan3A_233, %get3A_314 : vector<16xf32>
      %max3A_316 = arith.maximumf %scan3A_241, %get3A_314 : vector<16xf32>
      %mul3A_317 = arith.constant 8 : i32
      %mul3A_318 = arith.muli %add3A_246, %mul3A_317 : i32
      %add3A_319 = arith.constant 7 : i32
      %add3A_320 = arith.addi %mul3A_318, %add3A_319 : i32
      %mul3A_321 = arith.constant 16 : i32
      %mul3A_322 = arith.muli %add3A_320, %mul3A_321 : i32
      %get3A_323 = arith.index_cast %mul3A_322 : i32 to index
      %get3A_324 = tpu.vector_load %arg6[%get3A_323] {strides = array<i32>} : memref<32768xf32, #tpu.memory_space<vmem>>, vector<16xf32>,
      %min3A_325 = arith.minimumf %scan3A_234, %get3A_324 : vector<16xf32>
      %max3A_326 = arith.maximumf %scan3A_242, %get3A_324 : vector<16xf32>
      scf.yield %min3A_255, %min3A_265, %min3A_275, %min3A_285, %min3A_295, %min3A_305, %min3A_315, %min3A_325, %max3A_256, %max3A_266, %max3A_276, %max3A_286, %max3A_296, %max3A_306, %max3A_316, %max3A_326 : vector<16xf32>, vector<16xf32>, vector<16xf32>, vector<16xf32>, vector<16xf32>, vector<16xf32>, vector<16xf32>, vector<16xf32>, vector<16xf32>, vector<16xf32>, vector<16xf32>, vector<16xf32>, vector<16xf32>, vector<16xf32>, vector<16xf32>, vector<16xf32>
    }
    %scan3A_162 = arith.constant 256 : i32
    %add3A_163 = arith.constant 425984 : i32
    %add3A_164 = arith.addi %mul3A_2, %add3A_163 : i32
    %dma_start3A_165 = tpu.memref_slice %arg2[%add3A_164] : memref<16777216xf32, #tpu.memory_space<hbm>> -> memref<32768xf32, #tpu.memory_space<hbm>>
    %dma_start3A_166 = tpu.memref_slice %arg2[%add3A_164] : memref<16777216xf32, #tpu.memory_space<hbm>> -> memref<32768xf32, #tpu.memory_space<hbm>>
    tpu.enqueue_dma source(%dma_start3A_166 : memref<32768xf32, #tpu.memory_space<hbm>>) target(%arg6 : memref<32768xf32, #tpu.memory_space<vmem>>) target_semaphore(%arg10 : memref<!tpu.dma_semaphore, #tpu.memory_space<semaphore_mem>>)
    %dma_wait3A_167 = tpu.memref_slice %arg2[%add3A_152] : memref<16777216xf32, #tpu.memory_space<hbm>> -> memref<32768xf32, #tpu.memory_space<hbm>>
    %dma_wait3A_168 = tpu.memref_slice %arg2[%add3A_152] : memref<16777216xf32, #tpu.memory_space<hbm>> -> memref<32768xf32, #tpu.memory_space<hbm>>
    tpu.wait_dma2 semaphore(%arg9 : memref<!tpu.dma_semaphore, #tpu.memory_space<semaphore_mem>>) src(%dma_wait3A_168 : memref<32768xf32, #tpu.memory_space<hbm>>) dst(%arg5 : memref<32768xf32, #tpu.memory_space<vmem>>)
    %scan3A_169 = arith.constant 0 : i32
    %scan3A_170 = arith.constant 256 : i32
    %scan3A_171 = arith.addi %scan3A_169, %scan3A_170 : i32
    %scan3A_172 = arith.constant 1 : i32
    %scan3A_173:16 = scf.for %scan3A_226 = %scan3A_169 to %scan3A_171 step %scan3A_172 iter_args(%scan3A_227 = %scan3A_161#0, %scan3A_228 = %scan3A_161#1, %scan3A_229 = %scan3A_161#2, %scan3A_230 = %scan3A_161#3, %scan3A_231 = %scan3A_161#4, %scan3A_232 = %scan3A_161#5, %scan3A_233 = %scan3A_161#6, %scan3A_234 = %scan3A_161#7, %scan3A_235 = %scan3A_161#8, %scan3A_236 = %scan3A_161#9, %scan3A_237 = %scan3A_161#10, %scan3A_238 = %scan3A_161#11, %scan3A_239 = %scan3A_161#12, %scan3A_240 = %scan3A_161#13, %scan3A_241 = %scan3A_161#14, %scan3A_242 = %scan3A_161#15) -> (vector<16xf32>, vector<16xf32>, vector<16xf32>, vector<16xf32>, vector<16xf32>, vector<16xf32>, vector<16xf32>, vector<16xf32>, vector<16xf32>, vector<16xf32>, vector<16xf32>, vector<16xf32>, vector<16xf32>, vector<16xf32>, vector<16xf32>, vector<16xf32>)  : i32 {
      %mul3A_243 = arith.constant 1 : i32
      %mul3A_244 = arith.muli %scan3A_226, %mul3A_243 : i32
      %add3A_245 = arith.constant 0 : i32
      %add3A_246 = arith.addi %add3A_245, %mul3A_244 : i32
      %mul3A_247 = arith.constant 8 : i32
      %mul3A_248 = arith.muli %add3A_246, %mul3A_247 : i32
      %add3A_249 = arith.constant 0 : i32
      %add3A_250 = arith.addi %mul3A_248, %add3A_249 : i32
      %mul3A_251 = arith.constant 16 : i32
      %mul3A_252 = arith.muli %add3A_250, %mul3A_251 : i32
      %get3A_253 = arith.index_cast %mul3A_252 : i32 to index
      %get3A_254 = tpu.vector_load %arg5[%get3A_253] {strides = array<i32>} : memref<32768xf32, #tpu.memory_space<vmem>>, vector<16xf32>,
      %min3A_255 = arith.minimumf %scan3A_227, %get3A_254 : vector<16xf32>
      %max3A_256 = arith.maximumf %scan3A_235, %get3A_254 : vector<16xf32>
      %mul3A_257 = arith.constant 8 : i32
      %mul3A_258 = arith.muli %add3A_246, %mul3A_257 : i32
      %add3A_259 = arith.constant 1 : i32
      %add3A_260 = arith.addi %mul3A_258, %add3A_259 : i32
      %mul3A_261 = arith.constant 16 : i32
      %mul3A_262 = arith.muli %add3A_260, %mul3A_261 : i32
      %get3A_263 = arith.index_cast %mul3A_262 : i32 to index
      %get3A_264 = tpu.vector_load %arg5[%get3A_263] {strides = array<i32>} : memref<32768xf32, #tpu.memory_space<vmem>>, vector<16xf32>,
      %min3A_265 = arith.minimumf %scan3A_228, %get3A_264 : vector<16xf32>
      %max3A_266 = arith.maximumf %scan3A_236, %get3A_264 : vector<16xf32>
      %mul3A_267 = arith.constant 8 : i32
      %mul3A_268 = arith.muli %add3A_246, %mul3A_267 : i32
      %add3A_269 = arith.constant 2 : i32
      %add3A_270 = arith.addi %mul3A_268, %add3A_269 : i32
      %mul3A_271 = arith.constant 16 : i32
      %mul3A_272 = arith.muli %add3A_270, %mul3A_271 : i32
      %get3A_273 = arith.index_cast %mul3A_272 : i32 to index
      %get3A_274 = tpu.vector_load %arg5[%get3A_273] {strides = array<i32>} : memref<32768xf32, #tpu.memory_space<vmem>>, vector<16xf32>,
      %min3A_275 = arith.minimumf %scan3A_229, %get3A_274 : vector<16xf32>
      %max3A_276 = arith.maximumf %scan3A_237, %get3A_274 : vector<16xf32>
      %mul3A_277 = arith.constant 8 : i32
      %mul3A_278 = arith.muli %add3A_246, %mul3A_277 : i32
      %add3A_279 = arith.constant 3 : i32
      %add3A_280 = arith.addi %mul3A_278, %add3A_279 : i32
      %mul3A_281 = arith.constant 16 : i32
      %mul3A_282 = arith.muli %add3A_280, %mul3A_281 : i32
      %get3A_283 = arith.index_cast %mul3A_282 : i32 to index
      %get3A_284 = tpu.vector_load %arg5[%get3A_283] {strides = array<i32>} : memref<32768xf32, #tpu.memory_space<vmem>>, vector<16xf32>,
      %min3A_285 = arith.minimumf %scan3A_230, %get3A_284 : vector<16xf32>
      %max3A_286 = arith.maximumf %scan3A_238, %get3A_284 : vector<16xf32>
      %mul3A_287 = arith.constant 8 : i32
      %mul3A_288 = arith.muli %add3A_246, %mul3A_287 : i32
      %add3A_289 = arith.constant 4 : i32
      %add3A_290 = arith.addi %mul3A_288, %add3A_289 : i32
      %mul3A_291 = arith.constant 16 : i32
      %mul3A_292 = arith.muli %add3A_290, %mul3A_291 : i32
      %get3A_293 = arith.index_cast %mul3A_292 : i32 to index
      %get3A_294 = tpu.vector_load %arg5[%get3A_293] {strides = array<i32>} : memref<32768xf32, #tpu.memory_space<vmem>>, vector<16xf32>,
      %min3A_295 = arith.minimumf %scan3A_231, %get3A_294 : vector<16xf32>
      %max3A_296 = arith.maximumf %scan3A_239, %get3A_294 : vector<16xf32>
      %mul3A_297 = arith.constant 8 : i32
      %mul3A_298 = arith.muli %add3A_246, %mul3A_297 : i32
      %add3A_299 = arith.constant 5 : i32
      %add3A_300 = arith.addi %mul3A_298, %add3A_299 : i32
      %mul3A_301 = arith.constant 16 : i32
      %mul3A_302 = arith.muli %add3A_300, %mul3A_301 : i32
      %get3A_303 = arith.index_cast %mul3A_302 : i32 to index
      %get3A_304 = tpu.vector_load %arg5[%get3A_303] {strides = array<i32>} : memref<32768xf32, #tpu.memory_space<vmem>>, vector<16xf32>,
      %min3A_305 = arith.minimumf %scan3A_232, %get3A_304 : vector<16xf32>
      %max3A_306 = arith.maximumf %scan3A_240, %get3A_304 : vector<16xf32>
      %mul3A_307 = arith.constant 8 : i32
      %mul3A_308 = arith.muli %add3A_246, %mul3A_307 : i32
      %add3A_309 = arith.constant 6 : i32
      %add3A_310 = arith.addi %mul3A_308, %add3A_309 : i32
      %mul3A_311 = arith.constant 16 : i32
      %mul3A_312 = arith.muli %add3A_310, %mul3A_311 : i32
      %get3A_313 = arith.index_cast %mul3A_312 : i32 to index
      %get3A_314 = tpu.vector_load %arg5[%get3A_313] {strides = array<i32>} : memref<32768xf32, #tpu.memory_space<vmem>>, vector<16xf32>,
      %min3A_315 = arith.minimumf %scan3A_233, %get3A_314 : vector<16xf32>
      %max3A_316 = arith.maximumf %scan3A_241, %get3A_314 : vector<16xf32>
      %mul3A_317 = arith.constant 8 : i32
      %mul3A_318 = arith.muli %add3A_246, %mul3A_317 : i32
      %add3A_319 = arith.constant 7 : i32
      %add3A_320 = arith.addi %mul3A_318, %add3A_319 : i32
      %mul3A_321 = arith.constant 16 : i32
      %mul3A_322 = arith.muli %add3A_320, %mul3A_321 : i32
      %get3A_323 = arith.index_cast %mul3A_322 : i32 to index
      %get3A_324 = tpu.vector_load %arg5[%get3A_323] {strides = array<i32>} : memref<32768xf32, #tpu.memory_space<vmem>>, vector<16xf32>,
      %min3A_325 = arith.minimumf %scan3A_234, %get3A_324 : vector<16xf32>
      %max3A_326 = arith.maximumf %scan3A_242, %get3A_324 : vector<16xf32>
      scf.yield %min3A_255, %min3A_265, %min3A_275, %min3A_285, %min3A_295, %min3A_305, %min3A_315, %min3A_325, %max3A_256, %max3A_266, %max3A_276, %max3A_286, %max3A_296, %max3A_306, %max3A_316, %max3A_326 : vector<16xf32>, vector<16xf32>, vector<16xf32>, vector<16xf32>, vector<16xf32>, vector<16xf32>, vector<16xf32>, vector<16xf32>, vector<16xf32>, vector<16xf32>, vector<16xf32>, vector<16xf32>, vector<16xf32>, vector<16xf32>, vector<16xf32>, vector<16xf32>
    }
    %scan3A_174 = arith.constant 256 : i32
    %add3A_175 = arith.constant 458752 : i32
    %add3A_176 = arith.addi %mul3A_2, %add3A_175 : i32
    %dma_start3A_177 = tpu.memref_slice %arg2[%add3A_176] : memref<16777216xf32, #tpu.memory_space<hbm>> -> memref<32768xf32, #tpu.memory_space<hbm>>
    %dma_start3A_178 = tpu.memref_slice %arg2[%add3A_176] : memref<16777216xf32, #tpu.memory_space<hbm>> -> memref<32768xf32, #tpu.memory_space<hbm>>
    tpu.enqueue_dma source(%dma_start3A_178 : memref<32768xf32, #tpu.memory_space<hbm>>) target(%arg5 : memref<32768xf32, #tpu.memory_space<vmem>>) target_semaphore(%arg9 : memref<!tpu.dma_semaphore, #tpu.memory_space<semaphore_mem>>)
    %dma_wait3A_179 = tpu.memref_slice %arg2[%add3A_164] : memref<16777216xf32, #tpu.memory_space<hbm>> -> memref<32768xf32, #tpu.memory_space<hbm>>
    %dma_wait3A_180 = tpu.memref_slice %arg2[%add3A_164] : memref<16777216xf32, #tpu.memory_space<hbm>> -> memref<32768xf32, #tpu.memory_space<hbm>>
    tpu.wait_dma2 semaphore(%arg10 : memref<!tpu.dma_semaphore, #tpu.memory_space<semaphore_mem>>) src(%dma_wait3A_180 : memref<32768xf32, #tpu.memory_space<hbm>>) dst(%arg6 : memref<32768xf32, #tpu.memory_space<vmem>>)
    %scan3A_181 = arith.constant 0 : i32
    %scan3A_182 = arith.constant 256 : i32
    %scan3A_183 = arith.addi %scan3A_181, %scan3A_182 : i32
    %scan3A_184 = arith.constant 1 : i32
    %scan3A_185:16 = scf.for %scan3A_226 = %scan3A_181 to %scan3A_183 step %scan3A_184 iter_args(%scan3A_227 = %scan3A_173#0, %scan3A_228 = %scan3A_173#1, %scan3A_229 = %scan3A_173#2, %scan3A_230 = %scan3A_173#3, %scan3A_231 = %scan3A_173#4, %scan3A_232 = %scan3A_173#5, %scan3A_233 = %scan3A_173#6, %scan3A_234 = %scan3A_173#7, %scan3A_235 = %scan3A_173#8, %scan3A_236 = %scan3A_173#9, %scan3A_237 = %scan3A_173#10, %scan3A_238 = %scan3A_173#11, %scan3A_239 = %scan3A_173#12, %scan3A_240 = %scan3A_173#13, %scan3A_241 = %scan3A_173#14, %scan3A_242 = %scan3A_173#15) -> (vector<16xf32>, vector<16xf32>, vector<16xf32>, vector<16xf32>, vector<16xf32>, vector<16xf32>, vector<16xf32>, vector<16xf32>, vector<16xf32>, vector<16xf32>, vector<16xf32>, vector<16xf32>, vector<16xf32>, vector<16xf32>, vector<16xf32>, vector<16xf32>)  : i32 {
      %mul3A_243 = arith.constant 1 : i32
      %mul3A_244 = arith.muli %scan3A_226, %mul3A_243 : i32
      %add3A_245 = arith.constant 0 : i32
      %add3A_246 = arith.addi %add3A_245, %mul3A_244 : i32
      %mul3A_247 = arith.constant 8 : i32
      %mul3A_248 = arith.muli %add3A_246, %mul3A_247 : i32
      %add3A_249 = arith.constant 0 : i32
      %add3A_250 = arith.addi %mul3A_248, %add3A_249 : i32
      %mul3A_251 = arith.constant 16 : i32
      %mul3A_252 = arith.muli %add3A_250, %mul3A_251 : i32
      %get3A_253 = arith.index_cast %mul3A_252 : i32 to index
      %get3A_254 = tpu.vector_load %arg6[%get3A_253] {strides = array<i32>} : memref<32768xf32, #tpu.memory_space<vmem>>, vector<16xf32>,
      %min3A_255 = arith.minimumf %scan3A_227, %get3A_254 : vector<16xf32>
      %max3A_256 = arith.maximumf %scan3A_235, %get3A_254 : vector<16xf32>
      %mul3A_257 = arith.constant 8 : i32
      %mul3A_258 = arith.muli %add3A_246, %mul3A_257 : i32
      %add3A_259 = arith.constant 1 : i32
      %add3A_260 = arith.addi %mul3A_258, %add3A_259 : i32
      %mul3A_261 = arith.constant 16 : i32
      %mul3A_262 = arith.muli %add3A_260, %mul3A_261 : i32
      %get3A_263 = arith.index_cast %mul3A_262 : i32 to index
      %get3A_264 = tpu.vector_load %arg6[%get3A_263] {strides = array<i32>} : memref<32768xf32, #tpu.memory_space<vmem>>, vector<16xf32>,
      %min3A_265 = arith.minimumf %scan3A_228, %get3A_264 : vector<16xf32>
      %max3A_266 = arith.maximumf %scan3A_236, %get3A_264 : vector<16xf32>
      %mul3A_267 = arith.constant 8 : i32
      %mul3A_268 = arith.muli %add3A_246, %mul3A_267 : i32
      %add3A_269 = arith.constant 2 : i32
      %add3A_270 = arith.addi %mul3A_268, %add3A_269 : i32
      %mul3A_271 = arith.constant 16 : i32
      %mul3A_272 = arith.muli %add3A_270, %mul3A_271 : i32
      %get3A_273 = arith.index_cast %mul3A_272 : i32 to index
      %get3A_274 = tpu.vector_load %arg6[%get3A_273] {strides = array<i32>} : memref<32768xf32, #tpu.memory_space<vmem>>, vector<16xf32>,
      %min3A_275 = arith.minimumf %scan3A_229, %get3A_274 : vector<16xf32>
      %max3A_276 = arith.maximumf %scan3A_237, %get3A_274 : vector<16xf32>
      %mul3A_277 = arith.constant 8 : i32
      %mul3A_278 = arith.muli %add3A_246, %mul3A_277 : i32
      %add3A_279 = arith.constant 3 : i32
      %add3A_280 = arith.addi %mul3A_278, %add3A_279 : i32
      %mul3A_281 = arith.constant 16 : i32
      %mul3A_282 = arith.muli %add3A_280, %mul3A_281 : i32
      %get3A_283 = arith.index_cast %mul3A_282 : i32 to index
      %get3A_284 = tpu.vector_load %arg6[%get3A_283] {strides = array<i32>} : memref<32768xf32, #tpu.memory_space<vmem>>, vector<16xf32>,
      %min3A_285 = arith.minimumf %scan3A_230, %get3A_284 : vector<16xf32>
      %max3A_286 = arith.maximumf %scan3A_238, %get3A_284 : vector<16xf32>
      %mul3A_287 = arith.constant 8 : i32
      %mul3A_288 = arith.muli %add3A_246, %mul3A_287 : i32
      %add3A_289 = arith.constant 4 : i32
      %add3A_290 = arith.addi %mul3A_288, %add3A_289 : i32
      %mul3A_291 = arith.constant 16 : i32
      %mul3A_292 = arith.muli %add3A_290, %mul3A_291 : i32
      %get3A_293 = arith.index_cast %mul3A_292 : i32 to index
      %get3A_294 = tpu.vector_load %arg6[%get3A_293] {strides = array<i32>} : memref<32768xf32, #tpu.memory_space<vmem>>, vector<16xf32>,
      %min3A_295 = arith.minimumf %scan3A_231, %get3A_294 : vector<16xf32>
      %max3A_296 = arith.maximumf %scan3A_239, %get3A_294 : vector<16xf32>
      %mul3A_297 = arith.constant 8 : i32
      %mul3A_298 = arith.muli %add3A_246, %mul3A_297 : i32
      %add3A_299 = arith.constant 5 : i32
      %add3A_300 = arith.addi %mul3A_298, %add3A_299 : i32
      %mul3A_301 = arith.constant 16 : i32
      %mul3A_302 = arith.muli %add3A_300, %mul3A_301 : i32
      %get3A_303 = arith.index_cast %mul3A_302 : i32 to index
      %get3A_304 = tpu.vector_load %arg6[%get3A_303] {strides = array<i32>} : memref<32768xf32, #tpu.memory_space<vmem>>, vector<16xf32>,
      %min3A_305 = arith.minimumf %scan3A_232, %get3A_304 : vector<16xf32>
      %max3A_306 = arith.maximumf %scan3A_240, %get3A_304 : vector<16xf32>
      %mul3A_307 = arith.constant 8 : i32
      %mul3A_308 = arith.muli %add3A_246, %mul3A_307 : i32
      %add3A_309 = arith.constant 6 : i32
      %add3A_310 = arith.addi %mul3A_308, %add3A_309 : i32
      %mul3A_311 = arith.constant 16 : i32
      %mul3A_312 = arith.muli %add3A_310, %mul3A_311 : i32
      %get3A_313 = arith.index_cast %mul3A_312 : i32 to index
      %get3A_314 = tpu.vector_load %arg6[%get3A_313] {strides = array<i32>} : memref<32768xf32, #tpu.memory_space<vmem>>, vector<16xf32>,
      %min3A_315 = arith.minimumf %scan3A_233, %get3A_314 : vector<16xf32>
      %max3A_316 = arith.maximumf %scan3A_241, %get3A_314 : vector<16xf32>
      %mul3A_317 = arith.constant 8 : i32
      %mul3A_318 = arith.muli %add3A_246, %mul3A_317 : i32
      %add3A_319 = arith.constant 7 : i32
      %add3A_320 = arith.addi %mul3A_318, %add3A_319 : i32
      %mul3A_321 = arith.constant 16 : i32
      %mul3A_322 = arith.muli %add3A_320, %mul3A_321 : i32
      %get3A_323 = arith.index_cast %mul3A_322 : i32 to index
      %get3A_324 = tpu.vector_load %arg6[%get3A_323] {strides = array<i32>} : memref<32768xf32, #tpu.memory_space<vmem>>, vector<16xf32>,
      %min3A_325 = arith.minimumf %scan3A_234, %get3A_324 : vector<16xf32>
      %max3A_326 = arith.maximumf %scan3A_242, %get3A_324 : vector<16xf32>
      scf.yield %min3A_255, %min3A_265, %min3A_275, %min3A_285, %min3A_295, %min3A_305, %min3A_315, %min3A_325, %max3A_256, %max3A_266, %max3A_276, %max3A_286, %max3A_296, %max3A_306, %max3A_316, %max3A_326 : vector<16xf32>, vector<16xf32>, vector<16xf32>, vector<16xf32>, vector<16xf32>, vector<16xf32>, vector<16xf32>, vector<16xf32>, vector<16xf32>, vector<16xf32>, vector<16xf32>, vector<16xf32>, vector<16xf32>, vector<16xf32>, vector<16xf32>, vector<16xf32>
    }
    %scan3A_186 = arith.constant 256 : i32
    %add3A_187 = arith.constant 491520 : i32
    %add3A_188 = arith.addi %mul3A_2, %add3A_187 : i32
    %dma_start3A_189 = tpu.memref_slice %arg2[%add3A_188] : memref<16777216xf32, #tpu.memory_space<hbm>> -> memref<32768xf32, #tpu.memory_space<hbm>>
    %dma_start3A_190 = tpu.memref_slice %arg2[%add3A_188] : memref<16777216xf32, #tpu.memory_space<hbm>> -> memref<32768xf32, #tpu.memory_space<hbm>>
    tpu.enqueue_dma source(%dma_start3A_190 : memref<32768xf32, #tpu.memory_space<hbm>>) target(%arg6 : memref<32768xf32, #tpu.memory_space<vmem>>) target_semaphore(%arg10 : memref<!tpu.dma_semaphore, #tpu.memory_space<semaphore_mem>>)
    %dma_wait3A_191 = tpu.memref_slice %arg2[%add3A_176] : memref<16777216xf32, #tpu.memory_space<hbm>> -> memref<32768xf32, #tpu.memory_space<hbm>>
    %dma_wait3A_192 = tpu.memref_slice %arg2[%add3A_176] : memref<16777216xf32, #tpu.memory_space<hbm>> -> memref<32768xf32, #tpu.memory_space<hbm>>
    tpu.wait_dma2 semaphore(%arg9 : memref<!tpu.dma_semaphore, #tpu.memory_space<semaphore_mem>>) src(%dma_wait3A_192 : memref<32768xf32, #tpu.memory_space<hbm>>) dst(%arg5 : memref<32768xf32, #tpu.memory_space<vmem>>)
    %scan3A_193 = arith.constant 0 : i32
    %scan3A_194 = arith.constant 256 : i32
    %scan3A_195 = arith.addi %scan3A_193, %scan3A_194 : i32
    %scan3A_196 = arith.constant 1 : i32
    %scan3A_197:16 = scf.for %scan3A_226 = %scan3A_193 to %scan3A_195 step %scan3A_196 iter_args(%scan3A_227 = %scan3A_185#0, %scan3A_228 = %scan3A_185#1, %scan3A_229 = %scan3A_185#2, %scan3A_230 = %scan3A_185#3, %scan3A_231 = %scan3A_185#4, %scan3A_232 = %scan3A_185#5, %scan3A_233 = %scan3A_185#6, %scan3A_234 = %scan3A_185#7, %scan3A_235 = %scan3A_185#8, %scan3A_236 = %scan3A_185#9, %scan3A_237 = %scan3A_185#10, %scan3A_238 = %scan3A_185#11, %scan3A_239 = %scan3A_185#12, %scan3A_240 = %scan3A_185#13, %scan3A_241 = %scan3A_185#14, %scan3A_242 = %scan3A_185#15) -> (vector<16xf32>, vector<16xf32>, vector<16xf32>, vector<16xf32>, vector<16xf32>, vector<16xf32>, vector<16xf32>, vector<16xf32>, vector<16xf32>, vector<16xf32>, vector<16xf32>, vector<16xf32>, vector<16xf32>, vector<16xf32>, vector<16xf32>, vector<16xf32>)  : i32 {
      %mul3A_243 = arith.constant 1 : i32
      %mul3A_244 = arith.muli %scan3A_226, %mul3A_243 : i32
      %add3A_245 = arith.constant 0 : i32
      %add3A_246 = arith.addi %add3A_245, %mul3A_244 : i32
      %mul3A_247 = arith.constant 8 : i32
      %mul3A_248 = arith.muli %add3A_246, %mul3A_247 : i32
      %add3A_249 = arith.constant 0 : i32
      %add3A_250 = arith.addi %mul3A_248, %add3A_249 : i32
      %mul3A_251 = arith.constant 16 : i32
      %mul3A_252 = arith.muli %add3A_250, %mul3A_251 : i32
      %get3A_253 = arith.index_cast %mul3A_252 : i32 to index
      %get3A_254 = tpu.vector_load %arg5[%get3A_253] {strides = array<i32>} : memref<32768xf32, #tpu.memory_space<vmem>>, vector<16xf32>,
      %min3A_255 = arith.minimumf %scan3A_227, %get3A_254 : vector<16xf32>
      %max3A_256 = arith.maximumf %scan3A_235, %get3A_254 : vector<16xf32>
      %mul3A_257 = arith.constant 8 : i32
      %mul3A_258 = arith.muli %add3A_246, %mul3A_257 : i32
      %add3A_259 = arith.constant 1 : i32
      %add3A_260 = arith.addi %mul3A_258, %add3A_259 : i32
      %mul3A_261 = arith.constant 16 : i32
      %mul3A_262 = arith.muli %add3A_260, %mul3A_261 : i32
      %get3A_263 = arith.index_cast %mul3A_262 : i32 to index
      %get3A_264 = tpu.vector_load %arg5[%get3A_263] {strides = array<i32>} : memref<32768xf32, #tpu.memory_space<vmem>>, vector<16xf32>,
      %min3A_265 = arith.minimumf %scan3A_228, %get3A_264 : vector<16xf32>
      %max3A_266 = arith.maximumf %scan3A_236, %get3A_264 : vector<16xf32>
      %mul3A_267 = arith.constant 8 : i32
      %mul3A_268 = arith.muli %add3A_246, %mul3A_267 : i32
      %add3A_269 = arith.constant 2 : i32
      %add3A_270 = arith.addi %mul3A_268, %add3A_269 : i32
      %mul3A_271 = arith.constant 16 : i32
      %mul3A_272 = arith.muli %add3A_270, %mul3A_271 : i32
      %get3A_273 = arith.index_cast %mul3A_272 : i32 to index
      %get3A_274 = tpu.vector_load %arg5[%get3A_273] {strides = array<i32>} : memref<32768xf32, #tpu.memory_space<vmem>>, vector<16xf32>,
      %min3A_275 = arith.minimumf %scan3A_229, %get3A_274 : vector<16xf32>
      %max3A_276 = arith.maximumf %scan3A_237, %get3A_274 : vector<16xf32>
      %mul3A_277 = arith.constant 8 : i32
      %mul3A_278 = arith.muli %add3A_246, %mul3A_277 : i32
      %add3A_279 = arith.constant 3 : i32
      %add3A_280 = arith.addi %mul3A_278, %add3A_279 : i32
      %mul3A_281 = arith.constant 16 : i32
      %mul3A_282 = arith.muli %add3A_280, %mul3A_281 : i32
      %get3A_283 = arith.index_cast %mul3A_282 : i32 to index
      %get3A_284 = tpu.vector_load %arg5[%get3A_283] {strides = array<i32>} : memref<32768xf32, #tpu.memory_space<vmem>>, vector<16xf32>,
      %min3A_285 = arith.minimumf %scan3A_230, %get3A_284 : vector<16xf32>
      %max3A_286 = arith.maximumf %scan3A_238, %get3A_284 : vector<16xf32>
      %mul3A_287 = arith.constant 8 : i32
      %mul3A_288 = arith.muli %add3A_246, %mul3A_287 : i32
      %add3A_289 = arith.constant 4 : i32
      %add3A_290 = arith.addi %mul3A_288, %add3A_289 : i32
      %mul3A_291 = arith.constant 16 : i32
      %mul3A_292 = arith.muli %add3A_290, %mul3A_291 : i32
      %get3A_293 = arith.index_cast %mul3A_292 : i32 to index
      %get3A_294 = tpu.vector_load %arg5[%get3A_293] {strides = array<i32>} : memref<32768xf32, #tpu.memory_space<vmem>>, vector<16xf32>,
      %min3A_295 = arith.minimumf %scan3A_231, %get3A_294 : vector<16xf32>
      %max3A_296 = arith.maximumf %scan3A_239, %get3A_294 : vector<16xf32>
      %mul3A_297 = arith.constant 8 : i32
      %mul3A_298 = arith.muli %add3A_246, %mul3A_297 : i32
      %add3A_299 = arith.constant 5 : i32
      %add3A_300 = arith.addi %mul3A_298, %add3A_299 : i32
      %mul3A_301 = arith.constant 16 : i32
      %mul3A_302 = arith.muli %add3A_300, %mul3A_301 : i32
      %get3A_303 = arith.index_cast %mul3A_302 : i32 to index
      %get3A_304 = tpu.vector_load %arg5[%get3A_303] {strides = array<i32>} : memref<32768xf32, #tpu.memory_space<vmem>>, vector<16xf32>,
      %min3A_305 = arith.minimumf %scan3A_232, %get3A_304 : vector<16xf32>
      %max3A_306 = arith.maximumf %scan3A_240, %get3A_304 : vector<16xf32>
      %mul3A_307 = arith.constant 8 : i32
      %mul3A_308 = arith.muli %add3A_246, %mul3A_307 : i32
      %add3A_309 = arith.constant 6 : i32
      %add3A_310 = arith.addi %mul3A_308, %add3A_309 : i32
      %mul3A_311 = arith.constant 16 : i32
      %mul3A_312 = arith.muli %add3A_310, %mul3A_311 : i32
      %get3A_313 = arith.index_cast %mul3A_312 : i32 to index
      %get3A_314 = tpu.vector_load %arg5[%get3A_313] {strides = array<i32>} : memref<32768xf32, #tpu.memory_space<vmem>>, vector<16xf32>,
      %min3A_315 = arith.minimumf %scan3A_233, %get3A_314 : vector<16xf32>
      %max3A_316 = arith.maximumf %scan3A_241, %get3A_314 : vector<16xf32>
      %mul3A_317 = arith.constant 8 : i32
      %mul3A_318 = arith.muli %add3A_246, %mul3A_317 : i32
      %add3A_319 = arith.constant 7 : i32
      %add3A_320 = arith.addi %mul3A_318, %add3A_319 : i32
      %mul3A_321 = arith.constant 16 : i32
      %mul3A_322 = arith.muli %add3A_320, %mul3A_321 : i32
      %get3A_323 = arith.index_cast %mul3A_322 : i32 to index
      %get3A_324 = tpu.vector_load %arg5[%get3A_323] {strides = array<i32>} : memref<32768xf32, #tpu.memory_space<vmem>>, vector<16xf32>,
      %min3A_325 = arith.minimumf %scan3A_234, %get3A_324 : vector<16xf32>
      %max3A_326 = arith.maximumf %scan3A_242, %get3A_324 : vector<16xf32>
      scf.yield %min3A_255, %min3A_265, %min3A_275, %min3A_285, %min3A_295, %min3A_305, %min3A_315, %min3A_325, %max3A_256, %max3A_266, %max3A_276, %max3A_286, %max3A_296, %max3A_306, %max3A_316, %max3A_326 : vector<16xf32>, vector<16xf32>, vector<16xf32>, vector<16xf32>, vector<16xf32>, vector<16xf32>, vector<16xf32>, vector<16xf32>, vector<16xf32>, vector<16xf32>, vector<16xf32>, vector<16xf32>, vector<16xf32>, vector<16xf32>, vector<16xf32>, vector<16xf32>
    }
    %scan3A_198 = arith.constant 256 : i32
    %dma_wait3A_199 = tpu.memref_slice %arg2[%add3A_188] : memref<16777216xf32, #tpu.memory_space<hbm>> -> memref<32768xf32, #tpu.memory_space<hbm>>
    %dma_wait3A_200 = tpu.memref_slice %arg2[%add3A_188] : memref<16777216xf32, #tpu.memory_space<hbm>> -> memref<32768xf32, #tpu.memory_space<hbm>>
    tpu.wait_dma2 semaphore(%arg10 : memref<!tpu.dma_semaphore, #tpu.memory_space<semaphore_mem>>) src(%dma_wait3A_200 : memref<32768xf32, #tpu.memory_space<hbm>>) dst(%arg6 : memref<32768xf32, #tpu.memory_space<vmem>>)
    %scan3A_201 = arith.constant 0 : i32
    %scan3A_202 = arith.constant 256 : i32
    %scan3A_203 = arith.addi %scan3A_201, %scan3A_202 : i32
    %scan3A_204 = arith.constant 1 : i32
    %scan3A_205:16 = scf.for %scan3A_226 = %scan3A_201 to %scan3A_203 step %scan3A_204 iter_args(%scan3A_227 = %scan3A_197#0, %scan3A_228 = %scan3A_197#1, %scan3A_229 = %scan3A_197#2, %scan3A_230 = %scan3A_197#3, %scan3A_231 = %scan3A_197#4, %scan3A_232 = %scan3A_197#5, %scan3A_233 = %scan3A_197#6, %scan3A_234 = %scan3A_197#7, %scan3A_235 = %scan3A_197#8, %scan3A_236 = %scan3A_197#9, %scan3A_237 = %scan3A_197#10, %scan3A_238 = %scan3A_197#11, %scan3A_239 = %scan3A_197#12, %scan3A_240 = %scan3A_197#13, %scan3A_241 = %scan3A_197#14, %scan3A_242 = %scan3A_197#15) -> (vector<16xf32>, vector<16xf32>, vector<16xf32>, vector<16xf32>, vector<16xf32>, vector<16xf32>, vector<16xf32>, vector<16xf32>, vector<16xf32>, vector<16xf32>, vector<16xf32>, vector<16xf32>, vector<16xf32>, vector<16xf32>, vector<16xf32>, vector<16xf32>)  : i32 {
      %mul3A_243 = arith.constant 1 : i32
      %mul3A_244 = arith.muli %scan3A_226, %mul3A_243 : i32
      %add3A_245 = arith.constant 0 : i32
      %add3A_246 = arith.addi %add3A_245, %mul3A_244 : i32
      %mul3A_247 = arith.constant 8 : i32
      %mul3A_248 = arith.muli %add3A_246, %mul3A_247 : i32
      %add3A_249 = arith.constant 0 : i32
      %add3A_250 = arith.addi %mul3A_248, %add3A_249 : i32
      %mul3A_251 = arith.constant 16 : i32
      %mul3A_252 = arith.muli %add3A_250, %mul3A_251 : i32
      %get3A_253 = arith.index_cast %mul3A_252 : i32 to index
      %get3A_254 = tpu.vector_load %arg6[%get3A_253] {strides = array<i32>} : memref<32768xf32, #tpu.memory_space<vmem>>, vector<16xf32>,
      %min3A_255 = arith.minimumf %scan3A_227, %get3A_254 : vector<16xf32>
      %max3A_256 = arith.maximumf %scan3A_235, %get3A_254 : vector<16xf32>
      %mul3A_257 = arith.constant 8 : i32
      %mul3A_258 = arith.muli %add3A_246, %mul3A_257 : i32
      %add3A_259 = arith.constant 1 : i32
      %add3A_260 = arith.addi %mul3A_258, %add3A_259 : i32
      %mul3A_261 = arith.constant 16 : i32
      %mul3A_262 = arith.muli %add3A_260, %mul3A_261 : i32
      %get3A_263 = arith.index_cast %mul3A_262 : i32 to index
      %get3A_264 = tpu.vector_load %arg6[%get3A_263] {strides = array<i32>} : memref<32768xf32, #tpu.memory_space<vmem>>, vector<16xf32>,
      %min3A_265 = arith.minimumf %scan3A_228, %get3A_264 : vector<16xf32>
      %max3A_266 = arith.maximumf %scan3A_236, %get3A_264 : vector<16xf32>
      %mul3A_267 = arith.constant 8 : i32
      %mul3A_268 = arith.muli %add3A_246, %mul3A_267 : i32
      %add3A_269 = arith.constant 2 : i32
      %add3A_270 = arith.addi %mul3A_268, %add3A_269 : i32
      %mul3A_271 = arith.constant 16 : i32
      %mul3A_272 = arith.muli %add3A_270, %mul3A_271 : i32
      %get3A_273 = arith.index_cast %mul3A_272 : i32 to index
      %get3A_274 = tpu.vector_load %arg6[%get3A_273] {strides = array<i32>} : memref<32768xf32, #tpu.memory_space<vmem>>, vector<16xf32>,
      %min3A_275 = arith.minimumf %scan3A_229, %get3A_274 : vector<16xf32>
      %max3A_276 = arith.maximumf %scan3A_237, %get3A_274 : vector<16xf32>
      %mul3A_277 = arith.constant 8 : i32
      %mul3A_278 = arith.muli %add3A_246, %mul3A_277 : i32
      %add3A_279 = arith.constant 3 : i32
      %add3A_280 = arith.addi %mul3A_278, %add3A_279 : i32
      %mul3A_281 = arith.constant 16 : i32
      %mul3A_282 = arith.muli %add3A_280, %mul3A_281 : i32
      %get3A_283 = arith.index_cast %mul3A_282 : i32 to index
      %get3A_284 = tpu.vector_load %arg6[%get3A_283] {strides = array<i32>} : memref<32768xf32, #tpu.memory_space<vmem>>, vector<16xf32>,
      %min3A_285 = arith.minimumf %scan3A_230, %get3A_284 : vector<16xf32>
      %max3A_286 = arith.maximumf %scan3A_238, %get3A_284 : vector<16xf32>
      %mul3A_287 = arith.constant 8 : i32
      %mul3A_288 = arith.muli %add3A_246, %mul3A_287 : i32
      %add3A_289 = arith.constant 4 : i32
      %add3A_290 = arith.addi %mul3A_288, %add3A_289 : i32
      %mul3A_291 = arith.constant 16 : i32
      %mul3A_292 = arith.muli %add3A_290, %mul3A_291 : i32
      %get3A_293 = arith.index_cast %mul3A_292 : i32 to index
      %get3A_294 = tpu.vector_load %arg6[%get3A_293] {strides = array<i32>} : memref<32768xf32, #tpu.memory_space<vmem>>, vector<16xf32>,
      %min3A_295 = arith.minimumf %scan3A_231, %get3A_294 : vector<16xf32>
      %max3A_296 = arith.maximumf %scan3A_239, %get3A_294 : vector<16xf32>
      %mul3A_297 = arith.constant 8 : i32
      %mul3A_298 = arith.muli %add3A_246, %mul3A_297 : i32
      %add3A_299 = arith.constant 5 : i32
      %add3A_300 = arith.addi %mul3A_298, %add3A_299 : i32
      %mul3A_301 = arith.constant 16 : i32
      %mul3A_302 = arith.muli %add3A_300, %mul3A_301 : i32
      %get3A_303 = arith.index_cast %mul3A_302 : i32 to index
      %get3A_304 = tpu.vector_load %arg6[%get3A_303] {strides = array<i32>} : memref<32768xf32, #tpu.memory_space<vmem>>, vector<16xf32>,
      %min3A_305 = arith.minimumf %scan3A_232, %get3A_304 : vector<16xf32>
      %max3A_306 = arith.maximumf %scan3A_240, %get3A_304 : vector<16xf32>
      %mul3A_307 = arith.constant 8 : i32
      %mul3A_308 = arith.muli %add3A_246, %mul3A_307 : i32
      %add3A_309 = arith.constant 6 : i32
      %add3A_310 = arith.addi %mul3A_308, %add3A_309 : i32
      %mul3A_311 = arith.constant 16 : i32
      %mul3A_312 = arith.muli %add3A_310, %mul3A_311 : i32
      %get3A_313 = arith.index_cast %mul3A_312 : i32 to index
      %get3A_314 = tpu.vector_load %arg6[%get3A_313] {strides = array<i32>} : memref<32768xf32, #tpu.memory_space<vmem>>, vector<16xf32>,
      %min3A_315 = arith.minimumf %scan3A_233, %get3A_314 : vector<16xf32>
      %max3A_316 = arith.maximumf %scan3A_241, %get3A_314 : vector<16xf32>
      %mul3A_317 = arith.constant 8 : i32
      %mul3A_318 = arith.muli %add3A_246, %mul3A_317 : i32
      %add3A_319 = arith.constant 7 : i32
      %add3A_320 = arith.addi %mul3A_318, %add3A_319 : i32
      %mul3A_321 = arith.constant 16 : i32
      %mul3A_322 = arith.muli %add3A_320, %mul3A_321 : i32
      %get3A_323 = arith.index_cast %mul3A_322 : i32 to index
      %get3A_324 = tpu.vector_load %arg6[%get3A_323] {strides = array<i32>} : memref<32768xf32, #tpu.memory_space<vmem>>, vector<16xf32>,
      %min3A_325 = arith.minimumf %scan3A_234, %get3A_324 : vector<16xf32>
      %max3A_326 = arith.maximumf %scan3A_242, %get3A_324 : vector<16xf32>
      scf.yield %min3A_255, %min3A_265, %min3A_275, %min3A_285, %min3A_295, %min3A_305, %min3A_315, %min3A_325, %max3A_256, %max3A_266, %max3A_276, %max3A_286, %max3A_296, %max3A_306, %max3A_316, %max3A_326 : vector<16xf32>, vector<16xf32>, vector<16xf32>, vector<16xf32>, vector<16xf32>, vector<16xf32>, vector<16xf32>, vector<16xf32>, vector<16xf32>, vector<16xf32>, vector<16xf32>, vector<16xf32>, vector<16xf32>, vector<16xf32>, vector<16xf32>, vector<16xf32>
    }
    %scan3A_206 = arith.constant 256 : i32
    %min3A = arith.minimumf %scan3A_205#0, %scan3A_205#1 : vector<16xf32>
    %max3A = arith.maximumf %scan3A_205#8, %scan3A_205#9 : vector<16xf32>
    %min3A_207 = arith.minimumf %min3A, %scan3A_205#2 : vector<16xf32>
    %max3A_208 = arith.maximumf %max3A, %scan3A_205#10 : vector<16xf32>
    %min3A_209 = arith.minimumf %min3A_207, %scan3A_205#3 : vector<16xf32>
    %max3A_210 = arith.maximumf %max3A_208, %scan3A_205#11 : vector<16xf32>
    %min3A_211 = arith.minimumf %min3A_209, %scan3A_205#4 : vector<16xf32>
    %max3A_212 = arith.maximumf %max3A_210, %scan3A_205#12 : vector<16xf32>
    %min3A_213 = arith.minimumf %min3A_211, %scan3A_205#5 : vector<16xf32>
    %max3A_214 = arith.maximumf %max3A_212, %scan3A_205#13 : vector<16xf32>
    %min3A_215 = arith.minimumf %min3A_213, %scan3A_205#6 : vector<16xf32>
    %max3A_216 = arith.maximumf %max3A_214, %scan3A_205#14 : vector<16xf32>
    %min3A_217 = arith.minimumf %min3A_215, %scan3A_205#7 : vector<16xf32>
    %max3A_218 = arith.maximumf %max3A_216, %scan3A_205#15 : vector<16xf32>
    %swap3A = arith.constant 0 : index
    %swap3A_219 = tpu.vector_load %arg7[%swap3A] {strides = array<i32>} : memref<16xf32, #tpu.memory_space<vmem>>, vector<16xf32>,
    tpu.vector_store %arg7[%swap3A], %min3A_217 {strides = array<i32>} : memref<16xf32, #tpu.memory_space<vmem>>, vector<16xf32>,
    %swap3A_220 = arith.constant 0 : index
    %swap3A_221 = tpu.vector_load %arg8[%swap3A_220] {strides = array<i32>} : memref<16xf32, #tpu.memory_space<vmem>>, vector<16xf32>,
    tpu.vector_store %arg8[%swap3A_220], %max3A_218 {strides = array<i32>} : memref<16xf32, #tpu.memory_space<vmem>>, vector<16xf32>,
    %mul3A_222 = arith.constant 16 : i32
    %mul3A_223 = arith.muli %add3A, %mul3A_222 : i32
    "tpu.region"() ({
      %run_scoped3A = tpu.sem_alloc : memref<!tpu.dma_semaphore, #tpu.memory_space<semaphore_mem>>
      %dma_start3A_226 = tpu.memref_slice %arg3[%mul3A_223] : memref<512xf32, #tpu.memory_space<hbm>> -> memref<16xf32, #tpu.memory_space<hbm>>
      %dma_start3A_227 = tpu.memref_slice %arg3[%mul3A_223] : memref<512xf32, #tpu.memory_space<hbm>> -> memref<16xf32, #tpu.memory_space<hbm>>
      tpu.enqueue_dma source(%arg7 : memref<16xf32, #tpu.memory_space<vmem>>) target(%dma_start3A_227 : memref<16xf32, #tpu.memory_space<hbm>>) target_semaphore(%run_scoped3A : memref<!tpu.dma_semaphore, #tpu.memory_space<semaphore_mem>>)
      %dma_wait3A_228 = tpu.memref_slice %arg3[%mul3A_223] : memref<512xf32, #tpu.memory_space<hbm>> -> memref<16xf32, #tpu.memory_space<hbm>>
      %dma_wait3A_229 = tpu.memref_slice %arg3[%mul3A_223] : memref<512xf32, #tpu.memory_space<hbm>> -> memref<16xf32, #tpu.memory_space<hbm>>
      tpu.wait_dma2 semaphore(%run_scoped3A : memref<!tpu.dma_semaphore, #tpu.memory_space<semaphore_mem>>) src(%arg7 : memref<16xf32, #tpu.memory_space<vmem>>) dst(%dma_wait3A_229 : memref<16xf32, #tpu.memory_space<hbm>>)
      tpu.yield
    }) : () -> ()
    %mul3A_224 = arith.constant 16 : i32
    %mul3A_225 = arith.muli %add3A, %mul3A_224 : i32
    "tpu.region"() ({
      %run_scoped3A = tpu.sem_alloc : memref<!tpu.dma_semaphore, #tpu.memory_space<semaphore_mem>>
      %dma_start3A_226 = tpu.memref_slice %arg4[%mul3A_225] : memref<512xf32, #tpu.memory_space<hbm>> -> memref<16xf32, #tpu.memory_space<hbm>>
      %dma_start3A_227 = tpu.memref_slice %arg4[%mul3A_225] : memref<512xf32, #tpu.memory_space<hbm>> -> memref<16xf32, #tpu.memory_space<hbm>>
      tpu.enqueue_dma source(%arg8 : memref<16xf32, #tpu.memory_space<vmem>>) target(%dma_start3A_227 : memref<16xf32, #tpu.memory_space<hbm>>) target_semaphore(%run_scoped3A : memref<!tpu.dma_semaphore, #tpu.memory_space<semaphore_mem>>)
      %dma_wait3A_228 = tpu.memref_slice %arg4[%mul3A_225] : memref<512xf32, #tpu.memory_space<hbm>> -> memref<16xf32, #tpu.memory_space<hbm>>
      %dma_wait3A_229 = tpu.memref_slice %arg4[%mul3A_225] : memref<512xf32, #tpu.memory_space<hbm>> -> memref<16xf32, #tpu.memory_space<hbm>>
      tpu.wait_dma2 semaphore(%run_scoped3A : memref<!tpu.dma_semaphore, #tpu.memory_space<semaphore_mem>>) src(%arg8 : memref<16xf32, #tpu.memory_space<vmem>>) dst(%dma_wait3A_229 : memref<16xf32, #tpu.memory_space<hbm>>)
      tpu.yield
    }) : () -> ()
    return
  }
}

module attributes {stable_mosaic.version = 14 : i64} {
  func.func @_combine_body(%arg0: memref<32x2064xf32, #tpu.memory_space<vmem>>, %arg1: memref<1x2048xf32, #tpu.memory_space<vmem>>) attributes {dimension_semantics = [], scalar_prefetch = 0 : i64, scratch_operands = 0 : i64, tpu.core_type = #tpu.core_type<tc>} {
    %get3A = arith.constant 0 : index
    %get3A_0 = arith.constant 0 : index
    %get3A_1 = vector.load %arg0[%get3A, %get3A_0] : memref<32x2064xf32, #tpu.memory_space<vmem>>, vector<32x2064xf32>
    %reduce_sum3A = arith.constant dense<0.000000e+00> : vector<2064xf32>
    %reduce_sum3A_2 = vector.multi_reduction <add>, %get3A_1, %reduce_sum3A [0] : vector<32x2064xf32> to vector<2064xf32>
    %broadcast_in_dim3A = vector.shape_cast %reduce_sum3A_2 : vector<2064xf32> to vector<1x2064xf32>
    %slice3A = vector.extract_strided_slice %broadcast_in_dim3A {offsets = [0, 2048], sizes = [1, 1], strides = [1, 1]} : vector<1x2064xf32> to vector<1x1xf32>
    %squeeze3A = vector.extract %slice3A[0, 0] : f32 from vector<1x1xf32>
    %iota3A = tpu.iota {dimensions = array<i32: 1>} : vector<1x2048xi32>
    %slice3A_3 = vector.extract_strided_slice %broadcast_in_dim3A {offsets = [0, 0], sizes = [1, 2048], strides = [1, 1]} : vector<1x2064xf32> to vector<1x2048xf32>
    %eq3A = arith.constant 2047 : i32
    %eq3A_4 = vector.broadcast %eq3A : i32 to vector<1x2048xi32>
    %eq3A_5 = arith.cmpi eq, %iota3A, %eq3A_4 : vector<1x2048xi32>
    %jit3A = arith.constant 0.000000e+00 : f32
    %broadcast_in_dim3A_6 = vector.broadcast %squeeze3A : f32 to vector<1x2048xf32>
    %broadcast_in_dim3A_7 = vector.broadcast %jit3A : f32 to vector<1x2048xf32>
    %select_n3A = arith.select %eq3A_5, %broadcast_in_dim3A_6, %broadcast_in_dim3A_7 : vector<1x2048xi1>, vector<1x2048xf32>
    %add3A = arith.addf %slice3A_3, %select_n3A : vector<1x2048xf32>
    %swap3A = arith.constant 0 : index
    %swap3A_8 = arith.constant 0 : index
    %swap3A_9 = vector.load %arg1[%swap3A, %swap3A_8] : memref<1x2048xf32, #tpu.memory_space<vmem>>, vector<1x2048xf32>
    tpu.vector_store %arg1[%swap3A, %swap3A_8], %add3A {strides = array<i32>} : memref<1x2048xf32, #tpu.memory_space<vmem>>, vector<1x2048xf32>,
    return
  }
}

</mosaic_0001>

<sc_bundles>
// kernel: kernel.5.cloned.1.call-start
scs
__scs_entry_jumppad:
0x0: {  	(pc) =	sbr.rel $0x88, $3  }
0x1: {  	(tag) =	ssettag $0x0;
	lr =	simm.s32 $0x1  }
0x2: {  	[smem:$0x3FA0] =	sst lr;
	_ =	strace $0xD0000000  }
0x3: {  	_ = 	snop  }
0x4: {  	_ = 	snop  }
0x5: {  	_ = 	snop  }
0x6: {  	_ = 	snop  }
0x7: {  	_ = 	snop  }
__scs_overlays_trampoline_lowered:
0x8: {  	[smem:$0x3FAF] =	sst s0  }
0x9: {  	[smem:$0x3FB0] =	sst s1  }
0xa: {  	[smem:$0x3FB1] =	sst s2  }
0xb: {  	[smem:$0x3FB2] =	sst s3  }
0xc: {  	[smem:$0x3FB3] =	sst s4  }
0xd: {  	[smem:$0x3FB4] =	sst s5  }
0xe: {  	[smem:$0x3FB5] =	sst s6  }
0xf: {  	[smem:$0x3FB6] =	sst s7  }
0x10: {  	[smem:$0x3FB7] =	sst s8  }
0x11: {  	[smem:$0x3FB8] =	sst s9;
	s0 =	simm.s32 @!p0 $0x0  }
0x12: {  	s1 =	sld [smem:$0x3F9E];
	s0 =	simm.s32 @p0 $0x1  }
0x13: {  	[smem:$0x3FB9] =	sst s0;
	s0 =	simm.s32 @!p1 $0x0  }
0x14: {  	s2 =	sld [smem:$0x3F9D];
	s0 =	simm.s32 @p1 $0x1  }
0x15: {  	[smem:$0x3FBA] =	sst s0;
	s0 =	simm.s32 @!p2 $0x0  }
0x16: {  	s3 =	sld [smem:$0x3FDB];
	s0 =	simm.s32 @p2 $0x1  }
0x17: {  	s4 =	simm.s32 $0x1BF5;
	[smem:$0x3FBC] =	sst s0  }
0x18: {  	s0 =	sld [smem:$0x3F9F];
	_ =	swait.ge [sflag:s4], $0x0  }
0x19: {  	s7 =	sld [smem:$0x3FA0]  }
0x1a: {  	s8 =	sadd.s32 $0xFFFFE003, lr  }
0x1b: {  	s9 =	sadd.s32 $0xFFFFFEF7, lr;
	s5 =	simm.s32 $0xFFFFFFFF;
	p2 =	slt.u32 s8, $0xFFFFF086  }
0x1c: {  	p1 =	slt.u32 s9, $0xF7A;
	s5 =	simm.s32 @!p2 $0x0  }
0x1d: {  	s5 =	simm.s32 @p1 $0x1;
	p0 =	seq.s32 s7, s2  }
0x1e: {  	s7 =	smul.u32 @!p0 $0xF7A, s2;
	p2 =	seq.s32 @!p0 s5, $0x0  }
0x1f: {  	s9 =	smul.u32 $0xF7A, s1;
	s8 =	simm.s32 @!p0 $0x1BF5;
	p2 =	por !p2, p0  }
0x20: {  	[sflag:s8] =	ssyncset.s32 @!p0 $0xFFFFF086;
	s6 =	sadd.s32 @!p0 s3, s7;
	s7 =	simm.s32 @!p0 $0x108  }
0x21: {  	s3 =	sadd.s32 s3, s9;
	s6 =	sadd.s32 @!p0 $0x88, s6;
	s7 =	simm.s32 @p2 $0x1082  }
0x22: {  	[simem:s7], [sflag:s8] =	dma.local @!p0 [hbm:s6], $0xF7A  }
0x23: {  	s9 =	sor.u32 $0xD0000000, s2;
	s6 =	simm.s32 $0x108;
	_ =	swait.ge @!p0 [sflag:s8], $0x0  }
0x24: {  	s3 =	sadd.s32 $0x88, s3;
	s6 =	simm.s32 @!p1 $0x1082;
	[sflag:s4] =	ssyncset.s32 $0xFFFFF086  }
0x25: {  	[simem:s6], [sflag:s4] =	dma.local [hbm:s3], $0xF7A  }
0x26: {  	[smem:$0x3FA0] =	sst s1;
	(tag) =	ssettag s2;
	_ =	strace s9  }
0x27: {  	s1 =	sld [smem:$0x3FB0]  }
0x28: {  	s2 =	sld [smem:$0x3FB1]  }
0x29: {  	s4 =	sld [smem:$0x3FB3]  }
0x2a: {  	p0 =	seq.s32 s5, $0x0;
	s5 =	sld [smem:$0x3FB4]  }
0x2b: {  	s6 =	sld [smem:$0x3FB5]  }
0x2c: {  	s7 =	sld [smem:$0x3FB6]  }
0x2d: {  	s3 =	simm.s32 $0x108;
	s8 =	sld [smem:$0x3FB7]  }
0x2e: {  	s3 =	simm.s32 @!p0 $0x1082;
	s9 =	sld [smem:$0x3FB8]  }
0x2f: {  	lr =	sadd.s32 s0, s3;
	s0 =	sld [smem:$0x3FAF]  }
0x30: {  	s3 =	sld [smem:$0x3FB2]  }
0x31: {  	[smem:$0x3FBB] =	sst s10  }
0x32: {  	s10 =	sld [smem:$0x3FB9];
	_ =	sdelay $0x3  }
0x33: {  	p0 =	seq.s32 s10, $0x1;
	s10 =	sld [smem:$0x3FBB];
	_ =	sdelay $0x3  }
0x34: {  	[smem:$0x3FBB] =	sst s10  }
0x35: {  	s10 =	sld [smem:$0x3FBA];
	_ =	sdelay $0x3  }
0x36: {  	p1 =	seq.s32 s10, $0x1;
	s10 =	sld [smem:$0x3FBB];
	_ =	sdelay $0x3  }
0x37: {  	[smem:$0x3FBB] =	sst s10  }
0x38: {  	s10 =	sld [smem:$0x3FBC]  }
0x39: {  	_ = 	snop;
	(pc) =	sbr.ind lr, $3  }
0x3a: {  	_ = 	snop  }
0x3b: {  	_ = 	snop  }
0x3c: {  	p2 =	seq.s32 s10, $0x1;
	s10 =	sld [smem:$0x3FBB]  }
0x3d: {  	_ =	shalt  }
0x3e: {  	_ =	shalt  }
0x3f: {  	_ =	shalt  }
0x40: {  	_ =	shalt  }
0x41: {  	_ =	shalt  }
0x42: {  	_ =	shalt  }
0x43: {  	_ =	shalt  }
0x44: {  	_ =	shalt  }
0x45: {  	_ =	shalt  }
0x46: {  	_ =	shalt  }
0x47: {  	_ =	shalt  }
0x48: {  	_ =	shalt  }
0x49: {  	_ =	shalt  }
0x4a: {  	_ =	shalt  }
0x4b: {  	_ =	shalt  }
0x4c: {  	_ =	shalt  }
0x4d: {  	_ =	shalt  }
0x4e: {  	_ =	shalt  }
0x4f: {  	_ =	shalt  }
0x50: {  	_ =	shalt  }
0x51: {  	_ =	shalt  }
0x52: {  	_ =	shalt  }
0x53: {  	_ =	shalt  }
0x54: {  	_ =	shalt  }
0x55: {  	_ =	shalt  }
0x56: {  	_ =	shalt  }
0x57: {  	_ =	shalt  }
0x58: {  	_ =	shalt  }
0x59: {  	_ =	shalt  }
0x5a: {  	_ =	shalt  }
0x5b: {  	_ =	shalt  }
0x5c: {  	_ =	shalt  }
0x5d: {  	_ =	shalt  }
0x5e: {  	_ =	shalt  }
0x5f: {  	_ =	shalt  }
0x60: {  	_ =	shalt  }
0x61: {  	_ =	shalt  }
0x62: {  	_ =	shalt  }
0x63: {  	_ =	shalt  }
0x64: {  	_ =	shalt  }
0x65: {  	_ =	shalt  }
0x66: {  	_ =	shalt  }
0x67: {  	_ =	shalt  }
0x68: {  	_ =	shalt  }
0x69: {  	_ =	shalt  }
0x6a: {  	_ =	shalt  }
0x6b: {  	_ =	shalt  }
0x6c: {  	_ =	shalt  }
0x6d: {  	_ =	shalt  }
0x6e: {  	_ =	shalt  }
0x6f: {  	_ =	shalt  }
0x70: {  	_ =	shalt  }
0x71: {  	_ =	shalt  }
0x72: {  	_ =	shalt  }
0x73: {  	_ =	shalt  }
0x74: {  	_ =	shalt  }
0x75: {  	_ =	shalt  }
0x76: {  	_ =	shalt  }
0x77: {  	_ =	shalt  }
0x78: {  	_ =	shalt  }
0x79: {  	_ =	shalt  }
0x7a: {  	_ =	shalt  }
0x7b: {  	_ =	shalt  }
0x7c: {  	_ =	shalt  }
0x7d: {  	_ =	shalt  }
0x7e: {  	_ =	shalt  }
0x7f: {  	_ =	shalt  }
0x80: {  	_ =	shalt  }
0x81: {  	_ =	shalt  }
0x82: {  	_ =	shalt  }
0x83: {  	_ =	shalt  }
0x84: {  	_ =	shalt  }
0x85: {  	_ =	shalt  }
0x86: {  	_ =	shalt  }
0x87: {  	_ =	shalt  }
.Lfunc_end0:
.L_simem_size_0:
called_computation_lowered:
.L_overlay_start_0:
0x88: {  	s2 =	sld [smem:$0x3FD9]  }
0x89: {  	s3 =	sld [smem:$0x3FFE];
	_ =	sdelay $0x1  }
0x8a: {  	s1 =	srdreg.scid  }
0x8b: {  	s0 =	sand.u32 $0x1, s1  }
0x8c: {  	s14 =	sshll.u32 s0, $0xA;
	s2 =	sadd.s32 s3, s2  }
0x8d: {  	s2 =	sadd.s32 s2, s14  }
0x8e: {  	[smem:$0x3FC7] =	sst s2  }
0x8f: {  	_ = 	snop  }
0x90: {  	s2 =	sld [smem:$0x3FD0];
	_ =	sdelay $0x2  }
0x91: {  	s4 =	simm.s32 $0xA;
	s5 =	simm.s32 $0x10;
	s15 =	sld [smem:$0x3FC9]  }
0x92: {  	[smem:s5], [sflag:s4] =	dma.local [hbm:s2], $0x1  }
0x93: {  	_ =	swait.eq [sflag:s4], $0x1  }
0x94: {  	[sflag:s4] =	ssyncset.done $0x0  }
0x95: {  	[sflag:s4] =	ssyncadd.s32 $0xFFFFFFFF  }
0x96: {  	s16 =	sld [smem:$0x11];
	(tm) =	ssettm $0x1  }
0x97: {  	s17 =	sld [smem:$0x3FFB];
	_ =	sdelay $0x3  }
0x98: {  	_ =	strace s17  }
0x99: {  	s4 =	sld [smem:$0x3FFC];
	_ =	sdelay $0x3  }
0x9a: {  	_ =	strace s4  }
0x9b: {  	s4 =	sld [smem:$0x3FFD];
	_ =	sdelay $0x3  }
0x9c: {  	_ =	strace s4  }
0x9d: {  	_ =	strace $0x8FFFFFFF  }
0x9e: {  	s18 =	sld [smem:$0x3FDB];
	_ =	sdelay $0x1  }
0x9f: {  	s19 =	simm.s32 $_scs_section_size  }
0xa0: {  	s6 =	simm.s32 $_size__tile_overlayer_lowered;
	s7 =	simm.s32 $_tile_overlayer_lowered  }
0xa1: {  	s22 =	simm.s32 $0x1BFF;
	s21 =	sshll.u32 s7, $0x1;
	s4 =	sadd.s32 s19, s18  }
0xa2: {  	s8 =	simm.s32 $0x0;
	s20 =	sshll.u32 s6, $0x1;
	s6 =	sadd.s32 s21, s4  }
0xa3: {  	[timem:s8], [sflag:s22] =	dma.local [hbm:s6], s20  }
0xa4: {  	_ =	swait.ge [sflag:s22], s20  }
0xa5: {  	s5 =	ssub.s32 $0x0, s20;
	[sflag:s22] =	ssyncset.done $0x0  }
0xa6: {  	[sflag:s22] =	ssyncadd.s32 s5;
	_ =	sdelay $0x1  }
0xa7: {  	s23 =	simm.s32 $0x1B8B  }
0xa8: {  	_ =	swait.ge [sflag:s23], $0x1  }
0xa9: {  	[sflag:s23] =	ssyncset.done $0x0  }
0xaa: {  	s25 =	simm.s32 $0x1B8E;
	s24 =	sld [smem:$0x3FFE];
	[sflag:s23] =	ssyncadd.s32 $0xFFFFFFFF  }
0xab: {  	s26 =	simm.s32 $execute0_lowered;
	[smem:$0x3FD2] =	sst s25  }
0xac: {  	s6 =	sshll.u32 s26, $0x1;
	_ =	strace $0x80000046;
	[dreg:$0x1] =	wrdreg $0xFFFFFFFF  }
0xad: {  	s28 =	simm.s32 $_size_execute0_lowered;
	s4 =	sadd.s32 s4, s6;
	[dreg:$0x0] =	wrdreg $0x0  }
0xae: {  	s6 =	sshll.u32 s28, $0x1;
	[dreg:$0x2] =	wrdreg s4  }
0xaf: {  	[dreg:$0x3] =	wrdreg s6  }
0xb0: {  	[dreg:$0x4] =	wrdreg $0xC0  }
0xb1: {  	_ =	task [dreg:s8], $0x5FFFF  }
0xb2: {  	[dreg:$0x1] =	wrdreg $0xFFFFFFFF  }
0xb3: {  	[dreg:$0x0] =	wrdreg $0x60  }
0xb4: {  	[dreg:$0x2] =	wrdreg s15  }
0xb5: {  	[dreg:$0x3] =	wrdreg s16  }
0xb6: {  	[dreg:$0x4] =	wrdreg s24  }
0xb7: {  	[dreg:$0x5] =	wrdreg $0x9  }
0xb8: {  	_ =	task.clear_ibuf [dreg:s8], $0x6FFFF;
	_ =	strace $0x90000046  }
0xb9: {  	s29 =	simm.s32 $0x9;
	_ =	strace $0x80000048  }
0xba: {  	_ =	swait.ge [sflag:s29], $0x1  }
0xbb: {  	[sflag:s29] =	ssyncadd.s32 $0xFFFFFFFF  }
0xbc: {  	_ =	strace $0x90000048  }
0xbd: {  	_ =	sfence  }
0xbe: {  	s30 =	sld [smem:$0x0];
	_ =	sdelay $0x2  }
0xbf: {  	s31 =	sshll.u32 s1, $0xD;
	s1 =	sshrl.u32 s1, $0x2  }
0xc0: {  	s3 =	sand.u32 $0x4000, s31;
	s1 =	sadd.s32 s1, s30  }
0xc1: {  	s0 =	sor.u32 s3, s0;
	s1 =	sshll.u32 s1, $0x11  }
0xc2: {  	s0 =	sor.u32 s1, s0  }
0xc3: {  	s0 =	sadd.s32 $0x8F2B, s0  }
0xc4: {  	[sflag:s0] =	ssyncadd.remote.s32 $0x1  }
0xc5: {  	_ =	sfence.sel $0xFFFF  }
0xc6: {  	[dreg:$0x0] =	wrdreg $0xFFFFFFFF;
	(pc) =	sbr.abs _section_cstart, $3  }
0xc7: {  	[dreg:$0x1] =	wrdreg $0xFFFFFFFF  }
0xc8: {  	_ =	task.clear_ibuf [dreg:s8], $0x2FFFF;
	_ =	strace $0x9FFFFFFF  }
0xc9: {  	(tm) =	ssettm $0x7FFFFFFF  }
tec
execute0_lowered:
.L_overlay_start_1:
0x0: {  	(tag) =	ssettag $0x1  }
0x1: {  	s3 =	rddreg [dreg:$0x0]  }
0x2: {  	s19 =	rddreg [dreg:$0x1]  }
0x3: {  	s4 =	rddreg [dreg:$0x2];
	s5 =	srdreg.scid  }
0x4: {  	s1 =	stileid.u32;
	s2 =	simm.s32 $0x0;
	s23 =	simm.s32 $0x1  }
0x5: {  	s24 =	simm.s32 $0x2;
	s25 =	simm.s32 $0x10000;
	s26 =	simm.s32 $0x3  }
0x6: {  	s28 =	simm.s32 $0x10080;
	s5 =	sand.u32 $0x1, s5;
	s6 =	sshll.u32 s1, $0x1  }
0x7: {  	s29 =	simm.s32 $0x0;
	[smem:$0x7FF] =	sst s2;
	s6 =	sor.u32 s5, s6  }
0x8: {  	_ =	strace $0x80000047;
	s5 =	ssub.s32 $0x2, s5;
	s7 =	sshll.u32 s6, $0x10  }
0x9: {  	s20 =	sshll.u32 s6, $0x1;
	s31 =	sshrl.u32 s5, $0x1;
	s3 =	sadd.s32 s3, s7  }
0xa: {  	s21 =	sadd.s32 s20, s4;
	s22 =	ssub.s32 s5, s31;
	s19 =	sadd.s32 s19, s20  }
0xb: {  	s4 =	sadd.s32 $0x1000, s3;
	s5 =	sadd.s32 $0x2000, s3;
	s6 =	sadd.s32 $0x3000, s3  }
0xc: {  	s7 =	sadd.s32 $0x4000, s3;
	s8 =	sadd.s32 $0x5000, s3;
	s9 =	sadd.s32 $0x6000, s3  }
0xd: {  	s10 =	sadd.s32 $0x7000, s3;
	s11 =	sadd.s32 $0x8000, s3;
	s12 =	sadd.s32 $0x9000, s3  }
0xe: {  	s13 =	sadd.s32 $0xA000, s3;
	s14 =	sadd.s32 $0xB000, s3;
	s15 =	sadd.s32 $0xC000, s3  }
0xf: {  	s16 =	sadd.s32 $0xD000, s3;
	s17 =	sadd.s32 $0xE000, s3;
	s18 =	sadd.s32 $0xF000, s3  }
0x10: {  	s20 =	sadd.s32 $0x1200, s21;
	s21 =	smax.u32 s22, $0x1;
	s22 =	simm.s32 $0x8000  }
.LBB2_1:
0x11: {  	[tilespmem:s2], [sflag:$0x1] =	stream.linear.gather [hbm4b:s3+s2], $0x8000, $0x38;
	[tilespmem:$0x10100] =	vst v63  }
0x12: {  	_ = 	snop  }
0x13: {  	[tilespmem:s22], [sflag:$0x2] =	stream.linear.gather [hbm4b:s4+s2], $0x8000, $0x38;
	[tilespmem:$0x10100] =	vst v63  }
0x14: {  	_ =	swait.ge [sflag:s23], $0x8000  }
0x15: {  	[sflag:s23] =	ssyncset.done $0x0  }
0x16: {  	[sflag:s23] =	ssyncadd.s32 $0xFFFF8000  }
0x17: {  	v7 =	vld [tilespmem:$0x0]  }
0x18: {  	v10 =	vld [tilespmem:$0x10]  }
0x19: {  	v8 =	vld [tilespmem:$0x20]  }
0x1a: {  	v3 =	vld [tilespmem:$0x30]  }
0x1b: {  	v2 =	vld [tilespmem:$0x40]  }
0x1c: {  	v1 =	vld [tilespmem:$0x50]  }
0x1d: {  	s0 =	simm.s32 $0x0;
	v4 =	vld [tilespmem:$0x70]  }
0x1e: {  	v5 =	vld [tilespmem:s0+$0x70]  }
0x1f: {  	v9 =	vld [tilespmem:s0+$0x0]  }
0x20: {  	v11 =	vld [tilespmem:s0+$0x10]  }
0x21: {  	v0 =	vld [tilespmem:$0x60]  }
0x22: {  	v16 =	vld [tilespmem:s0+$0x20]  }
0x23: {  	v13 =	vld [tilespmem:s0+$0x30]  }
0x24: {  	v12 =	vld [tilespmem:s0+$0x40];
	v6 =	vmin.f32 v4, v5;
	v4 =	vmax.f32 v4, v5;
	v5 =	vmin.f32 v7, v9  }
0x25: {  	v17 =	vld [tilespmem:s0+$0x50];
	v7 =	vmax.f32 v7, v9;
	v9 =	vmin.f32 v10, v11;
	v10 =	vmax.f32 v10, v11  }
0x26: {  	s30 =	simm.s32 $0x80;
	s31 =	simm.s32 $0x400;
	v19 =	vld [tilespmem:s0+$0x60];
	v20 =	vmovc v8;
	v18 =	vmovc v3;
	v15 =	vmov v2;
	v14 =	vmov v1;
	v11 =	vmov v0  }
.LBB2_2:
0x27: {  	p0 =	sne.s32 s31, $0x1FE00;
	v21 =	vld [tilespmem:s30+$0x70];
	v8 =	vmin.f32 v8, v16;
	v20 =	vmax.f32 v20, v16  }
0x28: {  	v22 =	vld [tilespmem:s30+$0x0];
	v3 =	vmin.f32 v3, v13;
	v18 =	vmax.f32 v18, v13  }
0x29: {  	v23 =	vld [tilespmem:s30+$0x10];
	v2 =	vmin.f32 v2, v12;
	v15 =	vmax.f32 v15, v12  }
.Ltmp0:
0x2a: {  	v16 =	vld [tilespmem:s30+$0x20];
	v1 =	vmin.f32 v1, v17;
	v14 =	vmax.f32 v14, v17;
	(pc) =	sbr.rel @p0 .LBB2_2-.Ltmp0, $4  }
0x2b: {  	v13 =	vld [tilespmem:s30+$0x30];
	v0 =	vmin.f32 v0, v19;
	v11 =	vmax.f32 v11, v19  }
0x2c: {  	v12 =	vld [tilespmem:s30+$0x40];
	v6 =	vmin.f32 v6, v21;
	v4 =	vmax.f32 v4, v21  }
0x2d: {  	v5 =	vmin.f32 v5, v22;
	v7 =	vmax.f32 v7, v22;
	v17 =	vld [tilespmem:s30+$0x50]  }
0x2e: {  	v9 =	vmin.f32 v9, v23;
	v10 =	vmax.f32 v10, v23;
	v19 =	vld [tilespmem:s30+$0x60];
	s30 =	sshra.s32 s31, $0x2;
	s31 =	sadd.s32 $0x200, s31  }
0x2f: {  	v21 =	vld [tilespmem:s30+$0x70]  }
0x30: {  	v22 =	vld [tilespmem:s30+$0x0]  }
0x31: {  	v23 =	vld [tilespmem:s30+$0x10]  }
0x32: {  	v24 =	vld [tilespmem:s30+$0x20]  }
0x33: {  	v25 =	vld [tilespmem:s30+$0x30]  }
0x34: {  	v26 =	vld [tilespmem:s30+$0x40]  }
0x35: {  	v27 =	vld [tilespmem:s30+$0x50];
	s0 =	simm.s32 $0x0  }
0x36: {  	v28 =	vld [tilespmem:s30+$0x60];
	[tilespmem:s0], [sflag:$0x1] =	stream.linear.gather [hbm4b:s5+s0], $0x8000, $0x38  }
0x37: {  	v8 =	vmin.f32 v8, v16;
	v16 =	vmax.f32 v20, v16;
	_ =	swait.ge [sflag:s24], $0x8000  }
0x38: {  	v3 =	vmin.f32 v3, v13;
	v13 =	vmax.f32 v18, v13;
	v2 =	vmin.f32 v2, v12;
	[sflag:s24] =	ssyncset.done $0x0  }
0x39: {  	s0 =	simm.s32 $0x0;
	v15 =	vmax.f32 v15, v12;
	v1 =	vmin.f32 v1, v17;
	v14 =	vmax.f32 v14, v17;
	[sflag:s24] =	ssyncadd.s32 $0xFFFF8000  }
0x3a: {  	v0 =	vmin.f32 v0, v19;
	v18 =	vmax.f32 v11, v19;
	v19 =	vmin.f32 v6, v21;
	v20 =	vld [tilespmem:s0+$0x8070]  }
0x3b: {  	v21 =	vmax.f32 v4, v21;
	v29 =	vmin.f32 v5, v22;
	v22 =	vmax.f32 v7, v22;
	v30 =	vld [tilespmem:s0+$0x8000]  }
0x3c: {  	v31 =	vmin.f32 v9, v23;
	v23 =	vmax.f32 v10, v23;
	v4 =	vmin.f32 v8, v24;
	v32 =	vld [tilespmem:s0+$0x8010]  }
0x3d: {  	v11 =	vmax.f32 v16, v24;
	v5 =	vmin.f32 v3, v25;
	v6 =	vmax.f32 v13, v25;
	v16 =	vld [tilespmem:s0+$0x8020]  }
0x3e: {  	v12 =	vmin.f32 v2, v26;
	v7 =	vmax.f32 v15, v26;
	v8 =	vmin.f32 v1, v27;
	v17 =	vld [tilespmem:s0+$0x8030]  }
0x3f: {  	v13 =	vmax.f32 v14, v27;
	v0 =	vmin.f32 v0, v28;
	v1 =	vmax.f32 v18, v28;
	v18 =	vld [tilespmem:s0+$0x8040]  }
0x40: {  	v9 =	vmin.f32 v19, v20;
	v2 =	vmax.f32 v21, v20;
	v3 =	vmin.f32 v29, v30;
	v19 =	vld [tilespmem:s0+$0x8050]  }
0x41: {  	s30 =	simm.s32 $0x80;
	s31 =	simm.s32 $0x400;
	v10 =	vmax.f32 v22, v30;
	v14 =	vmin.f32 v31, v32;
	v15 =	vmax.f32 v23, v32;
	v20 =	vld [tilespmem:s0+$0x8060]  }
.LBB2_4:
0x42: {  	p0 =	sne.s32 s31, $0x1FE00;
	v21 =	vld [tilespmem:s30+$0x8070];
	v4 =	vmin.f32 v4, v16;
	v11 =	vmax.f32 v11, v16  }
0x43: {  	v22 =	vld [tilespmem:s30+$0x8000];
	v5 =	vmin.f32 v5, v17;
	v6 =	vmax.f32 v6, v17  }
0x44: {  	v23 =	vld [tilespmem:s30+$0x8010];
	v12 =	vmin.f32 v12, v18;
	v7 =	vmax.f32 v7, v18  }
.Ltmp1:
0x45: {  	v16 =	vld [tilespmem:s30+$0x8020];
	v8 =	vmin.f32 v8, v19;
	v13 =	vmax.f32 v13, v19;
	(pc) =	sbr.rel @p0 .LBB2_4-.Ltmp1, $4  }
0x46: {  	v17 =	vld [tilespmem:s30+$0x8030];
	v0 =	vmin.f32 v0, v20;
	v1 =	vmax.f32 v1, v20  }
0x47: {  	v18 =	vld [tilespmem:s30+$0x8040];
	v9 =	vmin.f32 v9, v21;
	v2 =	vmax.f32 v2, v21  }
0x48: {  	v3 =	vmin.f32 v3, v22;
	v10 =	vmax.f32 v10, v22;
	v19 =	vld [tilespmem:s30+$0x8050]  }
0x49: {  	v14 =	vmin.f32 v14, v23;
	v15 =	vmax.f32 v15, v23;
	v20 =	vld [tilespmem:s30+$0x8060];
	s30 =	sshra.s32 s31, $0x2;
	s31 =	sadd.s32 $0x200, s31  }
0x4a: {  	v21 =	vld [tilespmem:s30+$0x8070]  }
0x4b: {  	v22 =	vld [tilespmem:s30+$0x8000]  }
0x4c: {  	v23 =	vld [tilespmem:s30+$0x8010]  }
0x4d: {  	v24 =	vld [tilespmem:s30+$0x8020]  }
0x4e: {  	v25 =	vld [tilespmem:s30+$0x8030]  }
0x4f: {  	v26 =	vld [tilespmem:s30+$0x8040]  }
0x50: {  	v27 =	vld [tilespmem:s30+$0x8050];
	s0 =	simm.s32 $0x0  }
0x51: {  	v28 =	vld [tilespmem:s30+$0x8060];
	[tilespmem:s22], [sflag:$0x2] =	stream.linear.gather [hbm4b:s6+s0], $0x8000, $0x38  }
0x52: {  	v4 =	vmin.f32 v4, v16;
	v11 =	vmax.f32 v11, v16;
	_ =	swait.ge [sflag:s23], $0x8000  }
0x53: {  	v5 =	vmin.f32 v5, v17;
	v6 =	vmax.f32 v6, v17;
	v12 =	vmin.f32 v12, v18;
	[sflag:s23] =	ssyncset.done $0x0  }
0x54: {  	s0 =	simm.s32 $0x0;
	v7 =	vmax.f32 v7, v18;
	v8 =	vmin.f32 v8, v19;
	v13 =	vmax.f32 v13, v19;
	[sflag:s23] =	ssyncadd.s32 $0xFFFF8000  }
0x55: {  	v0 =	vmin.f32 v0, v20;
	v1 =	vmax.f32 v1, v20;
	v9 =	vmin.f32 v9, v21;
	v19 =	vld [tilespmem:s0+$0x70]  }
0x56: {  	v2 =	vmax.f32 v2, v21;
	v3 =	vmin.f32 v3, v22;
	v10 =	vmax.f32 v10, v22;
	v20 =	vld [tilespmem:s0+$0x0]  }
0x57: {  	v14 =	vmin.f32 v14, v23;
	v15 =	vmax.f32 v15, v23;
	v4 =	vmin.f32 v4, v24;
	v21 =	vld [tilespmem:s0+$0x10]  }
0x58: {  	v11 =	vmax.f32 v11, v24;
	v5 =	vmin.f32 v5, v25;
	v6 =	vmax.f32 v6, v25;
	v16 =	vld [tilespmem:s0+$0x20]  }
0x59: {  	v12 =	vmin.f32 v12, v26;
	v7 =	vmax.f32 v7, v26;
	v8 =	vmin.f32 v8, v27;
	v17 =	vld [tilespmem:s0+$0x30]  }
0x5a: {  	v13 =	vmax.f32 v13, v27;
	v0 =	vmin.f32 v0, v28;
	v1 =	vmax.f32 v1, v28;
	v18 =	vld [tilespmem:s0+$0x40]  }
0x5b: {  	v9 =	vmin.f32 v9, v19;
	v2 =	vmax.f32 v2, v19;
	v3 =	vmin.f32 v3, v20;
	v19 =	vld [tilespmem:s0+$0x50]  }
0x5c: {  	s30 =	simm.s32 $0x80;
	s31 =	simm.s32 $0x400;
	v10 =	vmax.f32 v10, v20;
	v14 =	vmin.f32 v14, v21;
	v15 =	vmax.f32 v15, v21;
	v20 =	vld [tilespmem:s0+$0x60]  }
.LBB2_6:
0x5d: {  	p0 =	sne.s32 s31, $0x1FE00;
	v21 =	vld [tilespmem:s30+$0x70];
	v4 =	vmin.f32 v4, v16;
	v11 =	vmax.f32 v11, v16  }
0x5e: {  	v22 =	vld [tilespmem:s30+$0x0];
	v5 =	vmin.f32 v5, v17;
	v6 =	vmax.f32 v6, v17  }
0x5f: {  	v23 =	vld [tilespmem:s30+$0x10];
	v12 =	vmin.f32 v12, v18;
	v7 =	vmax.f32 v7, v18  }
.Ltmp2:
0x60: {  	v16 =	vld [tilespmem:s30+$0x20];
	v8 =	vmin.f32 v8, v19;
	v13 =	vmax.f32 v13, v19;
	(pc) =	sbr.rel @p0 .LBB2_6-.Ltmp2, $4  }
0x61: {  	v17 =	vld [tilespmem:s30+$0x30];
	v0 =	vmin.f32 v0, v20;
	v1 =	vmax.f32 v1, v20  }
0x62: {  	v18 =	vld [tilespmem:s30+$0x40];
	v9 =	vmin.f32 v9, v21;
	v2 =	vmax.f32 v2, v21  }
0x63: {  	v3 =	vmin.f32 v3, v22;
	v10 =	vmax.f32 v10, v22;
	v19 =	vld [tilespmem:s30+$0x50]  }
0x64: {  	v14 =	vmin.f32 v14, v23;
	v15 =	vmax.f32 v15, v23;
	v20 =	vld [tilespmem:s30+$0x60];
	s30 =	sshra.s32 s31, $0x2;
	s31 =	sadd.s32 $0x200, s31  }
0x65: {  	v21 =	vld [tilespmem:s30+$0x70]  }
0x66: {  	v22 =	vld [tilespmem:s30+$0x0]  }
0x67: {  	v23 =	vld [tilespmem:s30+$0x10]  }
0x68: {  	v24 =	vld [tilespmem:s30+$0x20]  }
0x69: {  	v25 =	vld [tilespmem:s30+$0x30]  }
0x6a: {  	v26 =	vld [tilespmem:s30+$0x40]  }
0x6b: {  	v27 =	vld [tilespmem:s30+$0x50];
	s0 =	simm.s32 $0x0  }
0x6c: {  	v28 =	vld [tilespmem:s30+$0x60];
	[tilespmem:s0], [sflag:$0x1] =	stream.linear.gather [hbm4b:s7+s0], $0x8000, $0x38  }
0x6d: {  	v4 =	vmin.f32 v4, v16;
	v11 =	vmax.f32 v11, v16;
	_ =	swait.ge [sflag:s24], $0x8000  }
0x6e: {  	v5 =	vmin.f32 v5, v17;
	v6 =	vmax.f32 v6, v17;
	v12 =	vmin.f32 v12, v18;
	[sflag:s24] =	ssyncset.done $0x0  }
0x6f: {  	s0 =	simm.s32 $0x0;
	v7 =	vmax.f32 v7, v18;
	v8 =	vmin.f32 v8, v19;
	v13 =	vmax.f32 v13, v19;
	[sflag:s24] =	ssyncadd.s32 $0xFFFF8000  }
0x70: {  	v0 =	vmin.f32 v0, v20;
	v1 =	vmax.f32 v1, v20;
	v9 =	vmin.f32 v9, v21;
	v19 =	vld [tilespmem:s0+$0x8070]  }
0x71: {  	v2 =	vmax.f32 v2, v21;
	v3 =	vmin.f32 v3, v22;
	v10 =	vmax.f32 v10, v22;
	v20 =	vld [tilespmem:s0+$0x8000]  }
0x72: {  	v14 =	vmin.f32 v14, v23;
	v15 =	vmax.f32 v15, v23;
	v4 =	vmin.f32 v4, v24;
	v21 =	vld [tilespmem:s0+$0x8010]  }
0x73: {  	v11 =	vmax.f32 v11, v24;
	v5 =	vmin.f32 v5, v25;
	v6 =	vmax.f32 v6, v25;
	v16 =	vld [tilespmem:s0+$0x8020]  }
0x74: {  	v12 =	vmin.f32 v12, v26;
	v7 =	vmax.f32 v7, v26;
	v8 =	vmin.f32 v8, v27;
	v17 =	vld [tilespmem:s0+$0x8030]  }
0x75: {  	v13 =	vmax.f32 v13, v27;
	v0 =	vmin.f32 v0, v28;
	v1 =	vmax.f32 v1, v28;
	v18 =	vld [tilespmem:s0+$0x8040]  }
0x76: {  	v9 =	vmin.f32 v9, v19;
	v2 =	vmax.f32 v2, v19;
	v3 =	vmin.f32 v3, v20;
	v19 =	vld [tilespmem:s0+$0x8050]  }
0x77: {  	s30 =	simm.s32 $0x80;
	s31 =	simm.s32 $0x400;
	v10 =	vmax.f32 v10, v20;
	v14 =	vmin.f32 v14, v21;
	v15 =	vmax.f32 v15, v21;
	v20 =	vld [tilespmem:s0+$0x8060]  }
.LBB2_8:
0x78: {  	p0 =	sne.s32 s31, $0x1FE00;
	v21 =	vld [tilespmem:s30+$0x8070];
	v4 =	vmin.f32 v4, v16;
	v11 =	vmax.f32 v11, v16  }
0x79: {  	v22 =	vld [tilespmem:s30+$0x8000];
	v5 =	vmin.f32 v5, v17;
	v6 =	vmax.f32 v6, v17  }
0x7a: {  	v23 =	vld [tilespmem:s30+$0x8010];
	v12 =	vmin.f32 v12, v18;
	v7 =	vmax.f32 v7, v18  }
.Ltmp3:
0x7b: {  	v16 =	vld [tilespmem:s30+$0x8020];
	v8 =	vmin.f32 v8, v19;
	v13 =	vmax.f32 v13, v19;
	(pc) =	sbr.rel @p0 .LBB2_8-.Ltmp3, $4  }
0x7c: {  	v17 =	vld [tilespmem:s30+$0x8030];
	v0 =	vmin.f32 v0, v20;
	v1 =	vmax.f32 v1, v20  }
0x7d: {  	v18 =	vld [tilespmem:s30+$0x8040];
	v9 =	vmin.f32 v9, v21;
	v2 =	vmax.f32 v2, v21  }
0x7e: {  	v3 =	vmin.f32 v3, v22;
	v10 =	vmax.f32 v10, v22;
	v19 =	vld [tilespmem:s30+$0x8050]  }
0x7f: {  	v14 =	vmin.f32 v14, v23;
	v15 =	vmax.f32 v15, v23;
	v20 =	vld [tilespmem:s30+$0x8060];
	s30 =	sshra.s32 s31, $0x2;
	s31 =	sadd.s32 $0x200, s31  }
0x80: {  	v21 =	vld [tilespmem:s30+$0x8070]  }
0x81: {  	v22 =	vld [tilespmem:s30+$0x8000]  }
0x82: {  	v23 =	vld [tilespmem:s30+$0x8010]  }
0x83: {  	v24 =	vld [tilespmem:s30+$0x8020]  }
0x84: {  	v25 =	vld [tilespmem:s30+$0x8030]  }
0x85: {  	v26 =	vld [tilespmem:s30+$0x8040]  }
0x86: {  	v27 =	vld [tilespmem:s30+$0x8050];
	s0 =	simm.s32 $0x0  }
0x87: {  	v28 =	vld [tilespmem:s30+$0x8060];
	[tilespmem:s22], [sflag:$0x2] =	stream.linear.gather [hbm4b:s8+s0], $0x8000, $0x38  }
0x88: {  	v4 =	vmin.f32 v4, v16;
	v11 =	vmax.f32 v11, v16;
	_ =	swait.ge [sflag:s23], $0x8000  }
0x89: {  	v5 =	vmin.f32 v5, v17;
	v6 =	vmax.f32 v6, v17;
	v12 =	vmin.f32 v12, v18;
	[sflag:s23] =	ssyncset.done $0x0  }
0x8a: {  	s0 =	simm.s32 $0x0;
	v7 =	vmax.f32 v7, v18;
	v8 =	vmin.f32 v8, v19;
	v13 =	vmax.f32 v13, v19;
	[sflag:s23] =	ssyncadd.s32 $0xFFFF8000  }
0x8b: {  	v0 =	vmin.f32 v0, v20;
	v1 =	vmax.f32 v1, v20;
	v9 =	vmin.f32 v9, v21;
	v19 =	vld [tilespmem:s0+$0x70]  }
0x8c: {  	v2 =	vmax.f32 v2, v21;
	v3 =	vmin.f32 v3, v22;
	v10 =	vmax.f32 v10, v22;
	v20 =	vld [tilespmem:s0+$0x0]  }
0x8d: {  	v14 =	vmin.f32 v14, v23;
	v15 =	vmax.f32 v15, v23;
	v4 =	vmin.f32 v4, v24;
	v21 =	vld [tilespmem:s0+$0x10]  }
0x8e: {  	v11 =	vmax.f32 v11, v24;
	v5 =	vmin.f32 v5, v25;
	v6 =	vmax.f32 v6, v25;
	v16 =	vld [tilespmem:s0+$0x20]  }
0x8f: {  	v12 =	vmin.f32 v12, v26;
	v7 =	vmax.f32 v7, v26;
	v8 =	vmin.f32 v8, v27;
	v17 =	vld [tilespmem:s0+$0x30]  }
0x90: {  	v13 =	vmax.f32 v13, v27;
	v0 =	vmin.f32 v0, v28;
	v1 =	vmax.f32 v1, v28;
	v18 =	vld [tilespmem:s0+$0x40]  }
0x91: {  	v9 =	vmin.f32 v9, v19;
	v2 =	vmax.f32 v2, v19;
	v3 =	vmin.f32 v3, v20;
	v19 =	vld [tilespmem:s0+$0x50]  }
0x92: {  	s30 =	simm.s32 $0x80;
	s31 =	simm.s32 $0x400;
	v10 =	vmax.f32 v10, v20;
	v14 =	vmin.f32 v14, v21;
	v15 =	vmax.f32 v15, v21;
	v20 =	vld [tilespmem:s0+$0x60]  }
.LBB2_10:
0x93: {  	p0 =	sne.s32 s31, $0x1FE00;
	v21 =	vld [tilespmem:s30+$0x70];
	v4 =	vmin.f32 v4, v16;
	v11 =	vmax.f32 v11, v16  }
0x94: {  	v22 =	vld [tilespmem:s30+$0x0];
	v5 =	vmin.f32 v5, v17;
	v6 =	vmax.f32 v6, v17  }
0x95: {  	v23 =	vld [tilespmem:s30+$0x10];
	v12 =	vmin.f32 v12, v18;
	v7 =	vmax.f32 v7, v18  }
.Ltmp4:
0x96: {  	v16 =	vld [tilespmem:s30+$0x20];
	v8 =	vmin.f32 v8, v19;
	v13 =	vmax.f32 v13, v19;
	(pc) =	sbr.rel @p0 .LBB2_10-.Ltmp4, $4  }
0x97: {  	v17 =	vld [tilespmem:s30+$0x30];
	v0 =	vmin.f32 v0, v20;
	v1 =	vmax.f32 v1, v20  }
0x98: {  	v18 =	vld [tilespmem:s30+$0x40];
	v9 =	vmin.f32 v9, v21;
	v2 =	vmax.f32 v2, v21  }
0x99: {  	v3 =	vmin.f32 v3, v22;
	v10 =	vmax.f32 v10, v22;
	v19 =	vld [tilespmem:s30+$0x50]  }
0x9a: {  	v14 =	vmin.f32 v14, v23;
	v15 =	vmax.f32 v15, v23;
	v20 =	vld [tilespmem:s30+$0x60];
	s30 =	sshra.s32 s31, $0x2;
	s31 =	sadd.s32 $0x200, s31  }
0x9b: {  	v21 =	vld [tilespmem:s30+$0x70]  }
0x9c: {  	v22 =	vld [tilespmem:s30+$0x0]  }
0x9d: {  	v23 =	vld [tilespmem:s30+$0x10]  }
0x9e: {  	v24 =	vld [tilespmem:s30+$0x20]  }
0x9f: {  	v25 =	vld [tilespmem:s30+$0x30]  }
0xa0: {  	v26 =	vld [tilespmem:s30+$0x40]  }
0xa1: {  	v27 =	vld [tilespmem:s30+$0x50];
	s0 =	simm.s32 $0x0  }
0xa2: {  	v28 =	vld [tilespmem:s30+$0x60];
	[tilespmem:s0], [sflag:$0x1] =	stream.linear.gather [hbm4b:s9+s0], $0x8000, $0x38  }
0xa3: {  	v4 =	vmin.f32 v4, v16;
	v11 =	vmax.f32 v11, v16;
	_ =	swait.ge [sflag:s24], $0x8000  }
0xa4: {  	v5 =	vmin.f32 v5, v17;
	v6 =	vmax.f32 v6, v17;
	v12 =	vmin.f32 v12, v18;
	[sflag:s24] =	ssyncset.done $0x0  }
0xa5: {  	s0 =	simm.s32 $0x0;
	v7 =	vmax.f32 v7, v18;
	v8 =	vmin.f32 v8, v19;
	v13 =	vmax.f32 v13, v19;
	[sflag:s24] =	ssyncadd.s32 $0xFFFF8000  }
0xa6: {  	v0 =	vmin.f32 v0, v20;
	v1 =	vmax.f32 v1, v20;
	v9 =	vmin.f32 v9, v21;
	v19 =	vld [tilespmem:s0+$0x8070]  }
0xa7: {  	v2 =	vmax.f32 v2, v21;
	v3 =	vmin.f32 v3, v22;
	v10 =	vmax.f32 v10, v22;
	v20 =	vld [tilespmem:s0+$0x8000]  }
0xa8: {  	v14 =	vmin.f32 v14, v23;
	v15 =	vmax.f32 v15, v23;
	v4 =	vmin.f32 v4, v24;
	v21 =	vld [tilespmem:s0+$0x8010]  }
0xa9: {  	v11 =	vmax.f32 v11, v24;
	v5 =	vmin.f32 v5, v25;
	v6 =	vmax.f32 v6, v25;
	v16 =	vld [tilespmem:s0+$0x8020]  }
0xaa: {  	v12 =	vmin.f32 v12, v26;
	v7 =	vmax.f32 v7, v26;
	v8 =	vmin.f32 v8, v27;
	v17 =	vld [tilespmem:s0+$0x8030]  }
0xab: {  	v13 =	vmax.f32 v13, v27;
	v0 =	vmin.f32 v0, v28;
	v1 =	vmax.f32 v1, v28;
	v18 =	vld [tilespmem:s0+$0x8040]  }
0xac: {  	v9 =	vmin.f32 v9, v19;
	v2 =	vmax.f32 v2, v19;
	v3 =	vmin.f32 v3, v20;
	v19 =	vld [tilespmem:s0+$0x8050]  }
0xad: {  	s30 =	simm.s32 $0x80;
	s31 =	simm.s32 $0x400;
	v10 =	vmax.f32 v10, v20;
	v14 =	vmin.f32 v14, v21;
	v15 =	vmax.f32 v15, v21;
	v20 =	vld [tilespmem:s0+$0x8060]  }
.LBB2_12:
0xae: {  	p0 =	sne.s32 s31, $0x1FE00;
	v21 =	vld [tilespmem:s30+$0x8070];
	v4 =	vmin.f32 v4, v16;
	v11 =	vmax.f32 v11, v16  }
0xaf: {  	v22 =	vld [tilespmem:s30+$0x8000];
	v5 =	vmin.f32 v5, v17;
	v6 =	vmax.f32 v6, v17  }
0xb0: {  	v23 =	vld [tilespmem:s30+$0x8010];
	v12 =	vmin.f32 v12, v18;
	v7 =	vmax.f32 v7, v18  }
.Ltmp5:
0xb1: {  	v16 =	vld [tilespmem:s30+$0x8020];
	v8 =	vmin.f32 v8, v19;
	v13 =	vmax.f32 v13, v19;
	(pc) =	sbr.rel @p0 .LBB2_12-.Ltmp5, $4  }
0xb2: {  	v17 =	vld [tilespmem:s30+$0x8030];
	v0 =	vmin.f32 v0, v20;
	v1 =	vmax.f32 v1, v20  }
0xb3: {  	v18 =	vld [tilespmem:s30+$0x8040];
	v9 =	vmin.f32 v9, v21;
	v2 =	vmax.f32 v2, v21  }
0xb4: {  	v3 =	vmin.f32 v3, v22;
	v10 =	vmax.f32 v10, v22;
	v19 =	vld [tilespmem:s30+$0x8050]  }
0xb5: {  	v14 =	vmin.f32 v14, v23;
	v15 =	vmax.f32 v15, v23;
	v20 =	vld [tilespmem:s30+$0x8060];
	s30 =	sshra.s32 s31, $0x2;
	s31 =	sadd.s32 $0x200, s31  }
0xb6: {  	v21 =	vld [tilespmem:s30+$0x8070]  }
0xb7: {  	v22 =	vld [tilespmem:s30+$0x8000]  }
0xb8: {  	v23 =	vld [tilespmem:s30+$0x8010]  }
0xb9: {  	v24 =	vld [tilespmem:s30+$0x8020]  }
0xba: {  	v25 =	vld [tilespmem:s30+$0x8030]  }
0xbb: {  	v26 =	vld [tilespmem:s30+$0x8040]  }
0xbc: {  	v27 =	vld [tilespmem:s30+$0x8050];
	s0 =	simm.s32 $0x0  }
0xbd: {  	v28 =	vld [tilespmem:s30+$0x8060];
	[tilespmem:s22], [sflag:$0x2] =	stream.linear.gather [hbm4b:s10+s0], $0x8000, $0x38  }
0xbe: {  	v4 =	vmin.f32 v4, v16;
	v11 =	vmax.f32 v11, v16;
	_ =	swait.ge [sflag:s23], $0x8000  }
0xbf: {  	v5 =	vmin.f32 v5, v17;
	v6 =	vmax.f32 v6, v17;
	v12 =	vmin.f32 v12, v18;
	[sflag:s23] =	ssyncset.done $0x0  }
0xc0: {  	s0 =	simm.s32 $0x0;
	v7 =	vmax.f32 v7, v18;
	v8 =	vmin.f32 v8, v19;
	v13 =	vmax.f32 v13, v19;
	[sflag:s23] =	ssyncadd.s32 $0xFFFF8000  }
0xc1: {  	v0 =	vmin.f32 v0, v20;
	v1 =	vmax.f32 v1, v20;
	v9 =	vmin.f32 v9, v21;
	v19 =	vld [tilespmem:s0+$0x70]  }
0xc2: {  	v2 =	vmax.f32 v2, v21;
	v3 =	vmin.f32 v3, v22;
	v10 =	vmax.f32 v10, v22;
	v20 =	vld [tilespmem:s0+$0x0]  }
0xc3: {  	v14 =	vmin.f32 v14, v23;
	v15 =	vmax.f32 v15, v23;
	v4 =	vmin.f32 v4, v24;
	v21 =	vld [tilespmem:s0+$0x10]  }
0xc4: {  	v11 =	vmax.f32 v11, v24;
	v5 =	vmin.f32 v5, v25;
	v6 =	vmax.f32 v6, v25;
	v16 =	vld [tilespmem:s0+$0x20]  }
0xc5: {  	v12 =	vmin.f32 v12, v26;
	v7 =	vmax.f32 v7, v26;
	v8 =	vmin.f32 v8, v27;
	v17 =	vld [tilespmem:s0+$0x30]  }
0xc6: {  	v13 =	vmax.f32 v13, v27;
	v0 =	vmin.f32 v0, v28;
	v1 =	vmax.f32 v1, v28;
	v18 =	vld [tilespmem:s0+$0x40]  }
0xc7: {  	v9 =	vmin.f32 v9, v19;
	v2 =	vmax.f32 v2, v19;
	v3 =	vmin.f32 v3, v20;
	v19 =	vld [tilespmem:s0+$0x50]  }
0xc8: {  	s30 =	simm.s32 $0x80;
	s31 =	simm.s32 $0x400;
	v10 =	vmax.f32 v10, v20;
	v14 =	vmin.f32 v14, v21;
	v15 =	vmax.f32 v15, v21;
	v20 =	vld [tilespmem:s0+$0x60]  }
.LBB2_14:
0xc9: {  	p0 =	sne.s32 s31, $0x1FE00;
	v21 =	vld [tilespmem:s30+$0x70];
	v4 =	vmin.f32 v4, v16;
	v11 =	vmax.f32 v11, v16  }
0xca: {  	v22 =	vld [tilespmem:s30+$0x0];
	v5 =	vmin.f32 v5, v17;
	v6 =	vmax.f32 v6, v17  }
0xcb: {  	v23 =	vld [tilespmem:s30+$0x10];
	v12 =	vmin.f32 v12, v18;
	v7 =	vmax.f32 v7, v18  }
.Ltmp6:
0xcc: {  	v16 =	vld [tilespmem:s30+$0x20];
	v8 =	vmin.f32 v8, v19;
	v13 =	vmax.f32 v13, v19;
	(pc) =	sbr.rel @p0 .LBB2_14-.Ltmp6, $4  }
0xcd: {  	v17 =	vld [tilespmem:s30+$0x30];
	v0 =	vmin.f32 v0, v20;
	v1 =	vmax.f32 v1, v20  }
0xce: {  	v18 =	vld [tilespmem:s30+$0x40];
	v9 =	vmin.f32 v9, v21;
	v2 =	vmax.f32 v2, v21  }
0xcf: {  	v3 =	vmin.f32 v3, v22;
	v10 =	vmax.f32 v10, v22;
	v19 =	vld [tilespmem:s30+$0x50]  }
0xd0: {  	v14 =	vmin.f32 v14, v23;
	v15 =	vmax.f32 v15, v23;
	v20 =	vld [tilespmem:s30+$0x60];
	s30 =	sshra.s32 s31, $0x2;
	s31 =	sadd.s32 $0x200, s31  }
0xd1: {  	v21 =	vld [tilespmem:s30+$0x70]  }
0xd2: {  	v22 =	vld [tilespmem:s30+$0x0]  }
0xd3: {  	v23 =	vld [tilespmem:s30+$0x10]  }
0xd4: {  	v24 =	vld [tilespmem:s30+$0x20]  }
0xd5: {  	v25 =	vld [tilespmem:s30+$0x30]  }
0xd6: {  	v26 =	vld [tilespmem:s30+$0x40]  }
0xd7: {  	v27 =	vld [tilespmem:s30+$0x50];
	s0 =	simm.s32 $0x0  }
0xd8: {  	v28 =	vld [tilespmem:s30+$0x60];
	[tilespmem:s0], [sflag:$0x1] =	stream.linear.gather [hbm4b:s11+s0], $0x8000, $0x38  }
0xd9: {  	v4 =	vmin.f32 v4, v16;
	v11 =	vmax.f32 v11, v16;
	_ =	swait.ge [sflag:s24], $0x8000  }
0xda: {  	v5 =	vmin.f32 v5, v17;
	v6 =	vmax.f32 v6, v17;
	v12 =	vmin.f32 v12, v18;
	[sflag:s24] =	ssyncset.done $0x0  }
0xdb: {  	s0 =	simm.s32 $0x0;
	v7 =	vmax.f32 v7, v18;
	v8 =	vmin.f32 v8, v19;
	v13 =	vmax.f32 v13, v19;
	[sflag:s24] =	ssyncadd.s32 $0xFFFF8000  }
0xdc: {  	v0 =	vmin.f32 v0, v20;
	v1 =	vmax.f32 v1, v20;
	v9 =	vmin.f32 v9, v21;
	v19 =	vld [tilespmem:s0+$0x8070]  }
0xdd: {  	v2 =	vmax.f32 v2, v21;
	v3 =	vmin.f32 v3, v22;
	v10 =	vmax.f32 v10, v22;
	v20 =	vld [tilespmem:s0+$0x8000]  }
0xde: {  	v14 =	vmin.f32 v14, v23;
	v15 =	vmax.f32 v15, v23;
	v4 =	vmin.f32 v4, v24;
	v21 =	vld [tilespmem:s0+$0x8010]  }
0xdf: {  	v11 =	vmax.f32 v11, v24;
	v5 =	vmin.f32 v5, v25;
	v6 =	vmax.f32 v6, v25;
	v16 =	vld [tilespmem:s0+$0x8020]  }
0xe0: {  	v12 =	vmin.f32 v12, v26;
	v7 =	vmax.f32 v7, v26;
	v8 =	vmin.f32 v8, v27;
	v17 =	vld [tilespmem:s0+$0x8030]  }
0xe1: {  	v13 =	vmax.f32 v13, v27;
	v0 =	vmin.f32 v0, v28;
	v1 =	vmax.f32 v1, v28;
	v18 =	vld [tilespmem:s0+$0x8040]  }
0xe2: {  	v9 =	vmin.f32 v9, v19;
	v2 =	vmax.f32 v2, v19;
	v3 =	vmin.f32 v3, v20;
	v19 =	vld [tilespmem:s0+$0x8050]  }
0xe3: {  	s30 =	simm.s32 $0x80;
	s31 =	simm.s32 $0x400;
	v10 =	vmax.f32 v10, v20;
	v14 =	vmin.f32 v14, v21;
	v15 =	vmax.f32 v15, v21;
	v20 =	vld [tilespmem:s0+$0x8060]  }
.LBB2_16:
0xe4: {  	p0 =	sne.s32 s31, $0x1FE00;
	v21 =	vld [tilespmem:s30+$0x8070];
	v4 =	vmin.f32 v4, v16;
	v11 =	vmax.f32 v11, v16  }
0xe5: {  	v22 =	vld [tilespmem:s30+$0x8000];
	v5 =	vmin.f32 v5, v17;
	v6 =	vmax.f32 v6, v17  }
0xe6: {  	v23 =	vld [tilespmem:s30+$0x8010];
	v12 =	vmin.f32 v12, v18;
	v7 =	vmax.f32 v7, v18  }
.Ltmp7:
0xe7: {  	v16 =	vld [tilespmem:s30+$0x8020];
	v8 =	vmin.f32 v8, v19;
	v13 =	vmax.f32 v13, v19;
	(pc) =	sbr.rel @p0 .LBB2_16-.Ltmp7, $4  }
0xe8: {  	v17 =	vld [tilespmem:s30+$0x8030];
	v0 =	vmin.f32 v0, v20;
	v1 =	vmax.f32 v1, v20  }
0xe9: {  	v18 =	vld [tilespmem:s30+$0x8040];
	v9 =	vmin.f32 v9, v21;
	v2 =	vmax.f32 v2, v21  }
0xea: {  	v3 =	vmin.f32 v3, v22;
	v10 =	vmax.f32 v10, v22;
	v19 =	vld [tilespmem:s30+$0x8050]  }
0xeb: {  	v14 =	vmin.f32 v14, v23;
	v15 =	vmax.f32 v15, v23;
	v20 =	vld [tilespmem:s30+$0x8060];
	s30 =	sshra.s32 s31, $0x2;
	s31 =	sadd.s32 $0x200, s31  }
0xec: {  	v21 =	vld [tilespmem:s30+$0x8070]  }
0xed: {  	v22 =	vld [tilespmem:s30+$0x8000]  }
0xee: {  	v23 =	vld [tilespmem:s30+$0x8010]  }
0xef: {  	v24 =	vld [tilespmem:s30+$0x8020]  }
0xf0: {  	v25 =	vld [tilespmem:s30+$0x8030]  }
0xf1: {  	v26 =	vld [tilespmem:s30+$0x8040]  }
0xf2: {  	v27 =	vld [tilespmem:s30+$0x8050];
	s0 =	simm.s32 $0x0  }
0xf3: {  	v28 =	vld [tilespmem:s30+$0x8060];
	[tilespmem:s22], [sflag:$0x2] =	stream.linear.gather [hbm4b:s12+s0], $0x8000, $0x38  }
0xf4: {  	v4 =	vmin.f32 v4, v16;
	v11 =	vmax.f32 v11, v16;
	_ =	swait.ge [sflag:s23], $0x8000  }
0xf5: {  	v5 =	vmin.f32 v5, v17;
	v6 =	vmax.f32 v6, v17;
	v12 =	vmin.f32 v12, v18;
	[sflag:s23] =	ssyncset.done $0x0  }
0xf6: {  	s0 =	simm.s32 $0x0;
	v7 =	vmax.f32 v7, v18;
	v8 =	vmin.f32 v8, v19;
	v13 =	vmax.f32 v13, v19;
	[sflag:s23] =	ssyncadd.s32 $0xFFFF8000  }
0xf7: {  	v0 =	vmin.f32 v0, v20;
	v1 =	vmax.f32 v1, v20;
	v9 =	vmin.f32 v9, v21;
	v19 =	vld [tilespmem:s0+$0x70]  }
0xf8: {  	v2 =	vmax.f32 v2, v21;
	v3 =	vmin.f32 v3, v22;
	v10 =	vmax.f32 v10, v22;
	v20 =	vld [tilespmem:s0+$0x0]  }
0xf9: {  	v14 =	vmin.f32 v14, v23;
	v15 =	vmax.f32 v15, v23;
	v4 =	vmin.f32 v4, v24;
	v21 =	vld [tilespmem:s0+$0x10]  }
0xfa: {  	v11 =	vmax.f32 v11, v24;
	v5 =	vmin.f32 v5, v25;
	v6 =	vmax.f32 v6, v25;
	v16 =	vld [tilespmem:s0+$0x20]  }
0xfb: {  	v12 =	vmin.f32 v12, v26;
	v7 =	vmax.f32 v7, v26;
	v8 =	vmin.f32 v8, v27;
	v17 =	vld [tilespmem:s0+$0x30]  }
0xfc: {  	v13 =	vmax.f32 v13, v27;
	v0 =	vmin.f32 v0, v28;
	v1 =	vmax.f32 v1, v28;
	v18 =	vld [tilespmem:s0+$0x40]  }
0xfd: {  	v9 =	vmin.f32 v9, v19;
	v2 =	vmax.f32 v2, v19;
	v3 =	vmin.f32 v3, v20;
	v19 =	vld [tilespmem:s0+$0x50]  }
0xfe: {  	s30 =	simm.s32 $0x80;
	s31 =	simm.s32 $0x400;
	v10 =	vmax.f32 v10, v20;
	v14 =	vmin.f32 v14, v21;
	v15 =	vmax.f32 v15, v21;
	v20 =	vld [tilespmem:s0+$0x60]  }
.LBB2_18:
0xff: {  	p0 =	sne.s32 s31, $0x1FE00;
	v21 =	vld [tilespmem:s30+$0x70];
	v4 =	vmin.f32 v4, v16;
	v11 =	vmax.f32 v11, v16  }
0x100: {  	v22 =	vld [tilespmem:s30+$0x0];
	v5 =	vmin.f32 v5, v17;
	v6 =	vmax.f32 v6, v17  }
0x101: {  	v23 =	vld [tilespmem:s30+$0x10];
	v12 =	vmin.f32 v12, v18;
	v7 =	vmax.f32 v7, v18  }
.Ltmp8:
0x102: {  	v16 =	vld [tilespmem:s30+$0x20];
	v8 =	vmin.f32 v8, v19;
	v13 =	vmax.f32 v13, v19;
	(pc) =	sbr.rel @p0 .LBB2_18-.Ltmp8, $4  }
0x103: {  	v17 =	vld [tilespmem:s30+$0x30];
	v0 =	vmin.f32 v0, v20;
	v1 =	vmax.f32 v1, v20  }
0x104: {  	v18 =	vld [tilespmem:s30+$0x40];
	v9 =	vmin.f32 v9, v21;
	v2 =	vmax.f32 v2, v21  }
0x105: {  	v3 =	vmin.f32 v3, v22;
	v10 =	vmax.f32 v10, v22;
	v19 =	vld [tilespmem:s30+$0x50]  }
0x106: {  	v14 =	vmin.f32 v14, v23;
	v15 =	vmax.f32 v15, v23;
	v20 =	vld [tilespmem:s30+$0x60];
	s30 =	sshra.s32 s31, $0x2;
	s31 =	sadd.s32 $0x200, s31  }
0x107: {  	v21 =	vld [tilespmem:s30+$0x70]  }
0x108: {  	v22 =	vld [tilespmem:s30+$0x0]  }
0x109: {  	v23 =	vld [tilespmem:s30+$0x10]  }
0x10a: {  	v24 =	vld [tilespmem:s30+$0x20]  }
0x10b: {  	v25 =	vld [tilespmem:s30+$0x30]  }
0x10c: {  	v26 =	vld [tilespmem:s30+$0x40]  }
0x10d: {  	v27 =	vld [tilespmem:s30+$0x50];
	s0 =	simm.s32 $0x0  }
0x10e: {  	v28 =	vld [tilespmem:s30+$0x60];
	[tilespmem:s0], [sflag:$0x1] =	stream.linear.gather [hbm4b:s13+s0], $0x8000, $0x38  }
0x10f: {  	v4 =	vmin.f32 v4, v16;
	v11 =	vmax.f32 v11, v16;
	_ =	swait.ge [sflag:s24], $0x8000  }
0x110: {  	v5 =	vmin.f32 v5, v17;
	v6 =	vmax.f32 v6, v17;
	v12 =	vmin.f32 v12, v18;
	[sflag:s24] =	ssyncset.done $0x0  }
0x111: {  	s0 =	simm.s32 $0x0;
	v7 =	vmax.f32 v7, v18;
	v8 =	vmin.f32 v8, v19;
	v13 =	vmax.f32 v13, v19;
	[sflag:s24] =	ssyncadd.s32 $0xFFFF8000  }
0x112: {  	v0 =	vmin.f32 v0, v20;
	v1 =	vmax.f32 v1, v20;
	v9 =	vmin.f32 v9, v21;
	v19 =	vld [tilespmem:s0+$0x8070]  }
0x113: {  	v2 =	vmax.f32 v2, v21;
	v3 =	vmin.f32 v3, v22;
	v10 =	vmax.f32 v10, v22;
	v20 =	vld [tilespmem:s0+$0x8000]  }
0x114: {  	v14 =	vmin.f32 v14, v23;
	v15 =	vmax.f32 v15, v23;
	v4 =	vmin.f32 v4, v24;
	v21 =	vld [tilespmem:s0+$0x8010]  }
0x115: {  	v11 =	vmax.f32 v11, v24;
	v5 =	vmin.f32 v5, v25;
	v6 =	vmax.f32 v6, v25;
	v16 =	vld [tilespmem:s0+$0x8020]  }
0x116: {  	v12 =	vmin.f32 v12, v26;
	v7 =	vmax.f32 v7, v26;
	v8 =	vmin.f32 v8, v27;
	v17 =	vld [tilespmem:s0+$0x8030]  }
0x117: {  	v13 =	vmax.f32 v13, v27;
	v0 =	vmin.f32 v0, v28;
	v1 =	vmax.f32 v1, v28;
	v18 =	vld [tilespmem:s0+$0x8040]  }
0x118: {  	v9 =	vmin.f32 v9, v19;
	v2 =	vmax.f32 v2, v19;
	v3 =	vmin.f32 v3, v20;
	v19 =	vld [tilespmem:s0+$0x8050]  }
0x119: {  	s30 =	simm.s32 $0x80;
	s31 =	simm.s32 $0x400;
	v10 =	vmax.f32 v10, v20;
	v14 =	vmin.f32 v14, v21;
	v15 =	vmax.f32 v15, v21;
	v20 =	vld [tilespmem:s0+$0x8060]  }
.LBB2_20:
0x11a: {  	p0 =	sne.s32 s31, $0x1FE00;
	v21 =	vld [tilespmem:s30+$0x8070];
	v4 =	vmin.f32 v4, v16;
	v11 =	vmax.f32 v11, v16  }
0x11b: {  	v22 =	vld [tilespmem:s30+$0x8000];
	v5 =	vmin.f32 v5, v17;
	v6 =	vmax.f32 v6, v17  }
0x11c: {  	v23 =	vld [tilespmem:s30+$0x8010];
	v12 =	vmin.f32 v12, v18;
	v7 =	vmax.f32 v7, v18  }
.Ltmp9:
0x11d: {  	v16 =	vld [tilespmem:s30+$0x8020];
	v8 =	vmin.f32 v8, v19;
	v13 =	vmax.f32 v13, v19;
	(pc) =	sbr.rel @p0 .LBB2_20-.Ltmp9, $4  }
0x11e: {  	v17 =	vld [tilespmem:s30+$0x8030];
	v0 =	vmin.f32 v0, v20;
	v1 =	vmax.f32 v1, v20  }
0x11f: {  	v18 =	vld [tilespmem:s30+$0x8040];
	v9 =	vmin.f32 v9, v21;
	v2 =	vmax.f32 v2, v21  }
0x120: {  	v3 =	vmin.f32 v3, v22;
	v10 =	vmax.f32 v10, v22;
	v19 =	vld [tilespmem:s30+$0x8050]  }
0x121: {  	v14 =	vmin.f32 v14, v23;
	v15 =	vmax.f32 v15, v23;
	v20 =	vld [tilespmem:s30+$0x8060];
	s30 =	sshra.s32 s31, $0x2;
	s31 =	sadd.s32 $0x200, s31  }
0x122: {  	v21 =	vld [tilespmem:s30+$0x8070]  }
0x123: {  	v22 =	vld [tilespmem:s30+$0x8000]  }
0x124: {  	v23 =	vld [tilespmem:s30+$0x8010]  }
0x125: {  	v24 =	vld [tilespmem:s30+$0x8020]  }
0x126: {  	v25 =	vld [tilespmem:s30+$0x8030]  }
0x127: {  	v26 =	vld [tilespmem:s30+$0x8040]  }
0x128: {  	v27 =	vld [tilespmem:s30+$0x8050];
	s0 =	simm.s32 $0x0  }
0x129: {  	v28 =	vld [tilespmem:s30+$0x8060];
	[tilespmem:s22], [sflag:$0x2] =	stream.linear.gather [hbm4b:s14+s0], $0x8000, $0x38  }
0x12a: {  	v4 =	vmin.f32 v4, v16;
	v11 =	vmax.f32 v11, v16;
	_ =	swait.ge [sflag:s23], $0x8000  }
0x12b: {  	v5 =	vmin.f32 v5, v17;
	v6 =	vmax.f32 v6, v17;
	v12 =	vmin.f32 v12, v18;
	[sflag:s23] =	ssyncset.done $0x0  }
0x12c: {  	s0 =	simm.s32 $0x0;
	v7 =	vmax.f32 v7, v18;
	v8 =	vmin.f32 v8, v19;
	v13 =	vmax.f32 v13, v19;
	[sflag:s23] =	ssyncadd.s32 $0xFFFF8000  }
0x12d: {  	v0 =	vmin.f32 v0, v20;
	v1 =	vmax.f32 v1, v20;
	v9 =	vmin.f32 v9, v21;
	v19 =	vld [tilespmem:s0+$0x70]  }
0x12e: {  	v2 =	vmax.f32 v2, v21;
	v3 =	vmin.f32 v3, v22;
	v10 =	vmax.f32 v10, v22;
	v20 =	vld [tilespmem:s0+$0x0]  }
0x12f: {  	v14 =	vmin.f32 v14, v23;
	v15 =	vmax.f32 v15, v23;
	v4 =	vmin.f32 v4, v24;
	v21 =	vld [tilespmem:s0+$0x10]  }
0x130: {  	v11 =	vmax.f32 v11, v24;
	v5 =	vmin.f32 v5, v25;
	v6 =	vmax.f32 v6, v25;
	v16 =	vld [tilespmem:s0+$0x20]  }
0x131: {  	v12 =	vmin.f32 v12, v26;
	v7 =	vmax.f32 v7, v26;
	v8 =	vmin.f32 v8, v27;
	v17 =	vld [tilespmem:s0+$0x30]  }
0x132: {  	v13 =	vmax.f32 v13, v27;
	v0 =	vmin.f32 v0, v28;
	v1 =	vmax.f32 v1, v28;
	v18 =	vld [tilespmem:s0+$0x40]  }
0x133: {  	v9 =	vmin.f32 v9, v19;
	v2 =	vmax.f32 v2, v19;
	v3 =	vmin.f32 v3, v20;
	v19 =	vld [tilespmem:s0+$0x50]  }
0x134: {  	s30 =	simm.s32 $0x80;
	s31 =	simm.s32 $0x400;
	v10 =	vmax.f32 v10, v20;
	v14 =	vmin.f32 v14, v21;
	v15 =	vmax.f32 v15, v21;
	v20 =	vld [tilespmem:s0+$0x60]  }
.LBB2_22:
0x135: {  	p0 =	sne.s32 s31, $0x1FE00;
	v21 =	vld [tilespmem:s30+$0x70];
	v4 =	vmin.f32 v4, v16;
	v11 =	vmax.f32 v11, v16  }
0x136: {  	v22 =	vld [tilespmem:s30+$0x0];
	v5 =	vmin.f32 v5, v17;
	v6 =	vmax.f32 v6, v17  }
0x137: {  	v23 =	vld [tilespmem:s30+$0x10];
	v12 =	vmin.f32 v12, v18;
	v7 =	vmax.f32 v7, v18  }
.Ltmp10:
0x138: {  	v16 =	vld [tilespmem:s30+$0x20];
	v8 =	vmin.f32 v8, v19;
	v13 =	vmax.f32 v13, v19;
	(pc) =	sbr.rel @p0 .LBB2_22-.Ltmp10, $4  }
0x139: {  	v17 =	vld [tilespmem:s30+$0x30];
	v0 =	vmin.f32 v0, v20;
	v1 =	vmax.f32 v1, v20  }
0x13a: {  	v18 =	vld [tilespmem:s30+$0x40];
	v9 =	vmin.f32 v9, v21;
	v2 =	vmax.f32 v2, v21  }
0x13b: {  	v3 =	vmin.f32 v3, v22;
	v10 =	vmax.f32 v10, v22;
	v19 =	vld [tilespmem:s30+$0x50]  }
0x13c: {  	v14 =	vmin.f32 v14, v23;
	v15 =	vmax.f32 v15, v23;
	v20 =	vld [tilespmem:s30+$0x60];
	s30 =	sshra.s32 s31, $0x2;
	s31 =	sadd.s32 $0x200, s31  }
0x13d: {  	v21 =	vld [tilespmem:s30+$0x70]  }
0x13e: {  	v22 =	vld [tilespmem:s30+$0x0]  }
0x13f: {  	v23 =	vld [tilespmem:s30+$0x10]  }
0x140: {  	v24 =	vld [tilespmem:s30+$0x20]  }
0x141: {  	v25 =	vld [tilespmem:s30+$0x30]  }
0x142: {  	v26 =	vld [tilespmem:s30+$0x40]  }
0x143: {  	v27 =	vld [tilespmem:s30+$0x50];
	s0 =	simm.s32 $0x0  }
0x144: {  	v28 =	vld [tilespmem:s30+$0x60];
	[tilespmem:s0], [sflag:$0x1] =	stream.linear.gather [hbm4b:s15+s0], $0x8000, $0x38  }
0x145: {  	v4 =	vmin.f32 v4, v16;
	v11 =	vmax.f32 v11, v16;
	_ =	swait.ge [sflag:s24], $0x8000  }
0x146: {  	v5 =	vmin.f32 v5, v17;
	v6 =	vmax.f32 v6, v17;
	v12 =	vmin.f32 v12, v18;
	[sflag:s24] =	ssyncset.done $0x0  }
0x147: {  	s0 =	simm.s32 $0x0;
	v7 =	vmax.f32 v7, v18;
	v8 =	vmin.f32 v8, v19;
	v13 =	vmax.f32 v13, v19;
	[sflag:s24] =	ssyncadd.s32 $0xFFFF8000  }
0x148: {  	v0 =	vmin.f32 v0, v20;
	v1 =	vmax.f32 v1, v20;
	v9 =	vmin.f32 v9, v21;
	v19 =	vld [tilespmem:s0+$0x8070]  }
0x149: {  	v2 =	vmax.f32 v2, v21;
	v3 =	vmin.f32 v3, v22;
	v10 =	vmax.f32 v10, v22;
	v20 =	vld [tilespmem:s0+$0x8000]  }
0x14a: {  	v14 =	vmin.f32 v14, v23;
	v15 =	vmax.f32 v15, v23;
	v4 =	vmin.f32 v4, v24;
	v21 =	vld [tilespmem:s0+$0x8010]  }
0x14b: {  	v11 =	vmax.f32 v11, v24;
	v5 =	vmin.f32 v5, v25;
	v6 =	vmax.f32 v6, v25;
	v16 =	vld [tilespmem:s0+$0x8020]  }
0x14c: {  	v12 =	vmin.f32 v12, v26;
	v7 =	vmax.f32 v7, v26;
	v8 =	vmin.f32 v8, v27;
	v17 =	vld [tilespmem:s0+$0x8030]  }
0x14d: {  	v13 =	vmax.f32 v13, v27;
	v0 =	vmin.f32 v0, v28;
	v1 =	vmax.f32 v1, v28;
	v18 =	vld [tilespmem:s0+$0x8040]  }
0x14e: {  	v9 =	vmin.f32 v9, v19;
	v2 =	vmax.f32 v2, v19;
	v3 =	vmin.f32 v3, v20;
	v19 =	vld [tilespmem:s0+$0x8050]  }
0x14f: {  	s30 =	simm.s32 $0x80;
	s31 =	simm.s32 $0x400;
	v10 =	vmax.f32 v10, v20;
	v14 =	vmin.f32 v14, v21;
	v15 =	vmax.f32 v15, v21;
	v20 =	vld [tilespmem:s0+$0x8060]  }
.LBB2_24:
0x150: {  	p0 =	sne.s32 s31, $0x1FE00;
	v21 =	vld [tilespmem:s30+$0x8070];
	v4 =	vmin.f32 v4, v16;
	v11 =	vmax.f32 v11, v16  }
0x151: {  	v22 =	vld [tilespmem:s30+$0x8000];
	v5 =	vmin.f32 v5, v17;
	v6 =	vmax.f32 v6, v17  }
0x152: {  	v23 =	vld [tilespmem:s30+$0x8010];
	v12 =	vmin.f32 v12, v18;
	v7 =	vmax.f32 v7, v18  }
.Ltmp11:
0x153: {  	v16 =	vld [tilespmem:s30+$0x8020];
	v8 =	vmin.f32 v8, v19;
	v13 =	vmax.f32 v13, v19;
	(pc) =	sbr.rel @p0 .LBB2_24-.Ltmp11, $4  }
0x154: {  	v17 =	vld [tilespmem:s30+$0x8030];
	v0 =	vmin.f32 v0, v20;
	v1 =	vmax.f32 v1, v20  }
0x155: {  	v18 =	vld [tilespmem:s30+$0x8040];
	v9 =	vmin.f32 v9, v21;
	v2 =	vmax.f32 v2, v21  }
0x156: {  	v3 =	vmin.f32 v3, v22;
	v10 =	vmax.f32 v10, v22;
	v19 =	vld [tilespmem:s30+$0x8050]  }
0x157: {  	v14 =	vmin.f32 v14, v23;
	v15 =	vmax.f32 v15, v23;
	v20 =	vld [tilespmem:s30+$0x8060];
	s30 =	sshra.s32 s31, $0x2;
	s31 =	sadd.s32 $0x200, s31  }
0x158: {  	v21 =	vld [tilespmem:s30+$0x8070]  }
0x159: {  	v22 =	vld [tilespmem:s30+$0x8000]  }
0x15a: {  	v23 =	vld [tilespmem:s30+$0x8010]  }
0x15b: {  	v24 =	vld [tilespmem:s30+$0x8020]  }
0x15c: {  	v25 =	vld [tilespmem:s30+$0x8030]  }
0x15d: {  	v26 =	vld [tilespmem:s30+$0x8040]  }
0x15e: {  	v27 =	vld [tilespmem:s30+$0x8050];
	s0 =	simm.s32 $0x0  }
0x15f: {  	v28 =	vld [tilespmem:s30+$0x8060];
	[tilespmem:s22], [sflag:$0x2] =	stream.linear.gather [hbm4b:s16+s0], $0x8000, $0x38  }
0x160: {  	v4 =	vmin.f32 v4, v16;
	v11 =	vmax.f32 v11, v16;
	_ =	swait.ge [sflag:s23], $0x8000  }
0x161: {  	v5 =	vmin.f32 v5, v17;
	v6 =	vmax.f32 v6, v17;
	v12 =	vmin.f32 v12, v18;
	[sflag:s23] =	ssyncset.done $0x0  }
0x162: {  	s0 =	simm.s32 $0x0;
	v7 =	vmax.f32 v7, v18;
	v8 =	vmin.f32 v8, v19;
	v13 =	vmax.f32 v13, v19;
	[sflag:s23] =	ssyncadd.s32 $0xFFFF8000  }
0x163: {  	v0 =	vmin.f32 v0, v20;
	v1 =	vmax.f32 v1, v20;
	v9 =	vmin.f32 v9, v21;
	v19 =	vld [tilespmem:s0+$0x70]  }
0x164: {  	v2 =	vmax.f32 v2, v21;
	v3 =	vmin.f32 v3, v22;
	v10 =	vmax.f32 v10, v22;
	v20 =	vld [tilespmem:s0+$0x0]  }
0x165: {  	v14 =	vmin.f32 v14, v23;
	v15 =	vmax.f32 v15, v23;
	v4 =	vmin.f32 v4, v24;
	v21 =	vld [tilespmem:s0+$0x10]  }
0x166: {  	v11 =	vmax.f32 v11, v24;
	v5 =	vmin.f32 v5, v25;
	v6 =	vmax.f32 v6, v25;
	v16 =	vld [tilespmem:s0+$0x20]  }
0x167: {  	v12 =	vmin.f32 v12, v26;
	v7 =	vmax.f32 v7, v26;
	v8 =	vmin.f32 v8, v27;
	v17 =	vld [tilespmem:s0+$0x30]  }
0x168: {  	v13 =	vmax.f32 v13, v27;
	v0 =	vmin.f32 v0, v28;
	v1 =	vmax.f32 v1, v28;
	v18 =	vld [tilespmem:s0+$0x40]  }
0x169: {  	v9 =	vmin.f32 v9, v19;
	v2 =	vmax.f32 v2, v19;
	v3 =	vmin.f32 v3, v20;
	v19 =	vld [tilespmem:s0+$0x50]  }
0x16a: {  	s30 =	simm.s32 $0x80;
	s31 =	simm.s32 $0x400;
	v10 =	vmax.f32 v10, v20;
	v14 =	vmin.f32 v14, v21;
	v15 =	vmax.f32 v15, v21;
	v20 =	vld [tilespmem:s0+$0x60]  }
.LBB2_26:
0x16b: {  	p0 =	sne.s32 s31, $0x1FE00;
	v21 =	vld [tilespmem:s30+$0x70];
	v4 =	vmin.f32 v4, v16;
	v11 =	vmax.f32 v11, v16  }
0x16c: {  	v22 =	vld [tilespmem:s30+$0x0];
	v5 =	vmin.f32 v5, v17;
	v6 =	vmax.f32 v6, v17  }
0x16d: {  	v23 =	vld [tilespmem:s30+$0x10];
	v12 =	vmin.f32 v12, v18;
	v7 =	vmax.f32 v7, v18  }
.Ltmp12:
0x16e: {  	v16 =	vld [tilespmem:s30+$0x20];
	v8 =	vmin.f32 v8, v19;
	v13 =	vmax.f32 v13, v19;
	(pc) =	sbr.rel @p0 .LBB2_26-.Ltmp12, $4  }
0x16f: {  	v17 =	vld [tilespmem:s30+$0x30];
	v0 =	vmin.f32 v0, v20;
	v1 =	vmax.f32 v1, v20  }
0x170: {  	v18 =	vld [tilespmem:s30+$0x40];
	v9 =	vmin.f32 v9, v21;
	v2 =	vmax.f32 v2, v21  }
0x171: {  	v3 =	vmin.f32 v3, v22;
	v10 =	vmax.f32 v10, v22;
	v19 =	vld [tilespmem:s30+$0x50]  }
0x172: {  	v14 =	vmin.f32 v14, v23;
	v15 =	vmax.f32 v15, v23;
	v20 =	vld [tilespmem:s30+$0x60];
	s30 =	sshra.s32 s31, $0x2;
	s31 =	sadd.s32 $0x200, s31  }
0x173: {  	v21 =	vld [tilespmem:s30+$0x70]  }
0x174: {  	v22 =	vld [tilespmem:s30+$0x0]  }
0x175: {  	v23 =	vld [tilespmem:s30+$0x10]  }
0x176: {  	v24 =	vld [tilespmem:s30+$0x20]  }
0x177: {  	v25 =	vld [tilespmem:s30+$0x30]  }
0x178: {  	v26 =	vld [tilespmem:s30+$0x40]  }
0x179: {  	v27 =	vld [tilespmem:s30+$0x50];
	s0 =	simm.s32 $0x0  }
0x17a: {  	v28 =	vld [tilespmem:s30+$0x60];
	[tilespmem:s0], [sflag:$0x1] =	stream.linear.gather [hbm4b:s17+s0], $0x8000, $0x38  }
0x17b: {  	v4 =	vmin.f32 v4, v16;
	v11 =	vmax.f32 v11, v16;
	_ =	swait.ge [sflag:s24], $0x8000  }
0x17c: {  	v5 =	vmin.f32 v5, v17;
	v6 =	vmax.f32 v6, v17;
	v12 =	vmin.f32 v12, v18;
	[sflag:s24] =	ssyncset.done $0x0  }
0x17d: {  	s0 =	simm.s32 $0x0;
	v7 =	vmax.f32 v7, v18;
	v8 =	vmin.f32 v8, v19;
	v13 =	vmax.f32 v13, v19;
	[sflag:s24] =	ssyncadd.s32 $0xFFFF8000  }
0x17e: {  	v0 =	vmin.f32 v0, v20;
	v1 =	vmax.f32 v1, v20;
	v9 =	vmin.f32 v9, v21;
	v19 =	vld [tilespmem:s0+$0x8070]  }
0x17f: {  	v2 =	vmax.f32 v2, v21;
	v3 =	vmin.f32 v3, v22;
	v10 =	vmax.f32 v10, v22;
	v20 =	vld [tilespmem:s0+$0x8000]  }
0x180: {  	v14 =	vmin.f32 v14, v23;
	v15 =	vmax.f32 v15, v23;
	v4 =	vmin.f32 v4, v24;
	v21 =	vld [tilespmem:s0+$0x8010]  }
0x181: {  	v11 =	vmax.f32 v11, v24;
	v5 =	vmin.f32 v5, v25;
	v6 =	vmax.f32 v6, v25;
	v16 =	vld [tilespmem:s0+$0x8020]  }
0x182: {  	v12 =	vmin.f32 v12, v26;
	v7 =	vmax.f32 v7, v26;
	v8 =	vmin.f32 v8, v27;
	v17 =	vld [tilespmem:s0+$0x8030]  }
0x183: {  	v13 =	vmax.f32 v13, v27;
	v0 =	vmin.f32 v0, v28;
	v1 =	vmax.f32 v1, v28;
	v18 =	vld [tilespmem:s0+$0x8040]  }
0x184: {  	v9 =	vmin.f32 v9, v19;
	v2 =	vmax.f32 v2, v19;
	v3 =	vmin.f32 v3, v20;
	v19 =	vld [tilespmem:s0+$0x8050]  }
0x185: {  	s30 =	simm.s32 $0x80;
	s31 =	simm.s32 $0x400;
	v10 =	vmax.f32 v10, v20;
	v14 =	vmin.f32 v14, v21;
	v15 =	vmax.f32 v15, v21;
	v20 =	vld [tilespmem:s0+$0x8060]  }
.LBB2_28:
0x186: {  	p0 =	sne.s32 s31, $0x1FE00;
	v21 =	vld [tilespmem:s30+$0x8070];
	v4 =	vmin.f32 v4, v16;
	v11 =	vmax.f32 v11, v16  }
0x187: {  	v22 =	vld [tilespmem:s30+$0x8000];
	v5 =	vmin.f32 v5, v17;
	v6 =	vmax.f32 v6, v17  }
0x188: {  	v23 =	vld [tilespmem:s30+$0x8010];
	v12 =	vmin.f32 v12, v18;
	v7 =	vmax.f32 v7, v18  }
.Ltmp13:
0x189: {  	v16 =	vld [tilespmem:s30+$0x8020];
	v8 =	vmin.f32 v8, v19;
	v13 =	vmax.f32 v13, v19;
	(pc) =	sbr.rel @p0 .LBB2_28-.Ltmp13, $4  }
0x18a: {  	v17 =	vld [tilespmem:s30+$0x8030];
	v0 =	vmin.f32 v0, v20;
	v1 =	vmax.f32 v1, v20  }
0x18b: {  	v18 =	vld [tilespmem:s30+$0x8040];
	v9 =	vmin.f32 v9, v21;
	v2 =	vmax.f32 v2, v21  }
0x18c: {  	v3 =	vmin.f32 v3, v22;
	v10 =	vmax.f32 v10, v22;
	v19 =	vld [tilespmem:s30+$0x8050]  }
0x18d: {  	v14 =	vmin.f32 v14, v23;
	v15 =	vmax.f32 v15, v23;
	v20 =	vld [tilespmem:s30+$0x8060];
	s30 =	sshra.s32 s31, $0x2;
	s31 =	sadd.s32 $0x200, s31  }
0x18e: {  	v21 =	vld [tilespmem:s30+$0x8070]  }
0x18f: {  	v22 =	vld [tilespmem:s30+$0x8000]  }
0x190: {  	v23 =	vld [tilespmem:s30+$0x8010]  }
0x191: {  	v24 =	vld [tilespmem:s30+$0x8020]  }
0x192: {  	v25 =	vld [tilespmem:s30+$0x8030]  }
0x193: {  	v26 =	vld [tilespmem:s30+$0x8040]  }
0x194: {  	v27 =	vld [tilespmem:s30+$0x8050];
	s0 =	simm.s32 $0x0  }
0x195: {  	v28 =	vld [tilespmem:s30+$0x8060];
	[tilespmem:s22], [sflag:$0x2] =	stream.linear.gather [hbm4b:s18+s0], $0x8000, $0x38  }
0x196: {  	v4 =	vmin.f32 v4, v16;
	v11 =	vmax.f32 v11, v16;
	_ =	swait.ge [sflag:s23], $0x8000  }
0x197: {  	v5 =	vmin.f32 v5, v17;
	v6 =	vmax.f32 v6, v17;
	v12 =	vmin.f32 v12, v18;
	[sflag:s23] =	ssyncset.done $0x0  }
0x198: {  	s0 =	simm.s32 $0x0;
	v7 =	vmax.f32 v7, v18;
	v8 =	vmin.f32 v8, v19;
	v13 =	vmax.f32 v13, v19;
	[sflag:s23] =	ssyncadd.s32 $0xFFFF8000  }
0x199: {  	v0 =	vmin.f32 v0, v20;
	v1 =	vmax.f32 v1, v20;
	v9 =	vmin.f32 v9, v21;
	v19 =	vld [tilespmem:s0+$0x70]  }
0x19a: {  	v2 =	vmax.f32 v2, v21;
	v3 =	vmin.f32 v3, v22;
	v10 =	vmax.f32 v10, v22;
	v20 =	vld [tilespmem:s0+$0x0]  }
0x19b: {  	v14 =	vmin.f32 v14, v23;
	v15 =	vmax.f32 v15, v23;
	v4 =	vmin.f32 v4, v24;
	v21 =	vld [tilespmem:s0+$0x10]  }
0x19c: {  	v11 =	vmax.f32 v11, v24;
	v5 =	vmin.f32 v5, v25;
	v6 =	vmax.f32 v6, v25;
	v16 =	vld [tilespmem:s0+$0x20]  }
0x19d: {  	v12 =	vmin.f32 v12, v26;
	v7 =	vmax.f32 v7, v26;
	v8 =	vmin.f32 v8, v27;
	v17 =	vld [tilespmem:s0+$0x30]  }
0x19e: {  	v13 =	vmax.f32 v13, v27;
	v0 =	vmin.f32 v0, v28;
	v1 =	vmax.f32 v1, v28;
	v18 =	vld [tilespmem:s0+$0x40]  }
0x19f: {  	v9 =	vmin.f32 v9, v19;
	v2 =	vmax.f32 v2, v19;
	v3 =	vmin.f32 v3, v20;
	v19 =	vld [tilespmem:s0+$0x50]  }
0x1a0: {  	s30 =	simm.s32 $0x80;
	s31 =	simm.s32 $0x400;
	v10 =	vmax.f32 v10, v20;
	v14 =	vmin.f32 v14, v21;
	v15 =	vmax.f32 v15, v21;
	v20 =	vld [tilespmem:s0+$0x60]  }
.LBB2_30:
0x1a1: {  	p0 =	sne.s32 s31, $0x1FE00;
	v21 =	vld [tilespmem:s30+$0x70];
	v4 =	vmin.f32 v4, v16;
	v11 =	vmax.f32 v11, v16  }
0x1a2: {  	v22 =	vld [tilespmem:s30+$0x0];
	v5 =	vmin.f32 v5, v17;
	v6 =	vmax.f32 v6, v17  }
0x1a3: {  	v23 =	vld [tilespmem:s30+$0x10];
	v12 =	vmin.f32 v12, v18;
	v7 =	vmax.f32 v7, v18  }
.Ltmp14:
0x1a4: {  	v16 =	vld [tilespmem:s30+$0x20];
	v8 =	vmin.f32 v8, v19;
	v13 =	vmax.f32 v13, v19;
	(pc) =	sbr.rel @p0 .LBB2_30-.Ltmp14, $4  }
0x1a5: {  	v17 =	vld [tilespmem:s30+$0x30];
	v0 =	vmin.f32 v0, v20;
	v1 =	vmax.f32 v1, v20  }
0x1a6: {  	v18 =	vld [tilespmem:s30+$0x40];
	v9 =	vmin.f32 v9, v21;
	v2 =	vmax.f32 v2, v21  }
0x1a7: {  	v3 =	vmin.f32 v3, v22;
	v10 =	vmax.f32 v10, v22;
	v19 =	vld [tilespmem:s30+$0x50]  }
0x1a8: {  	v14 =	vmin.f32 v14, v23;
	v15 =	vmax.f32 v15, v23;
	v20 =	vld [tilespmem:s30+$0x60];
	s30 =	sshra.s32 s31, $0x2;
	s31 =	sadd.s32 $0x200, s31  }
0x1a9: {  	v21 =	vld [tilespmem:s30+$0x70]  }
0x1aa: {  	v22 =	vld [tilespmem:s30+$0x0]  }
0x1ab: {  	v23 =	vld [tilespmem:s30+$0x10]  }
0x1ac: {  	v24 =	vld [tilespmem:s30+$0x20]  }
0x1ad: {  	v25 =	vld [tilespmem:s30+$0x30]  }
0x1ae: {  	v26 =	vld [tilespmem:s30+$0x40]  }
0x1af: {  	v27 =	vld [tilespmem:s30+$0x50]  }
0x1b0: {  	v28 =	vld [tilespmem:s30+$0x60];
	v4 =	vmin.f32 v4, v16;
	v11 =	vmax.f32 v11, v16;
	_ =	swait.ge [sflag:s24], $0x8000  }
0x1b1: {  	v16 =	vmin.f32 v5, v17;
	v17 =	vmax.f32 v6, v17;
	[sflag:s24] =	ssyncset.done $0x0;
	v12 =	vmin.f32 v12, v18  }
0x1b2: {  	s0 =	simm.s32 $0x0;
	v18 =	vmax.f32 v7, v18;
	[sflag:s24] =	ssyncadd.s32 $0xFFFF8000;
	v29 =	vmin.f32 v8, v19;
	v13 =	vmax.f32 v13, v19  }
0x1b3: {  	v31 =	vld [tilespmem:s0+$0x8000];
	v0 =	vmin.f32 v0, v20;
	v1 =	vmax.f32 v1, v20;
	v19 =	vmin.f32 v9, v21  }
0x1b4: {  	v20 =	vld [tilespmem:s0+$0x8070];
	v21 =	vmax.f32 v2, v21;
	v30 =	vmin.f32 v3, v22;
	v22 =	vmax.f32 v10, v22  }
0x1b5: {  	v14 =	vmin.f32 v14, v23;
	v15 =	vmax.f32 v15, v23;
	v2 =	vmin.f32 v4, v24;
	v23 =	vld [tilespmem:s0+$0x8010]  }
0x1b6: {  	v5 =	vmax.f32 v11, v24;
	v6 =	vmin.f32 v16, v25;
	v3 =	vmax.f32 v17, v25;
	v16 =	vld [tilespmem:s0+$0x8020]  }
0x1b7: {  	v7 =	vmin.f32 v12, v26;
	v8 =	vmax.f32 v18, v26;
	v4 =	vmin.f32 v29, v27;
	v17 =	vld [tilespmem:s0+$0x8030]  }
0x1b8: {  	v9 =	vmax.f32 v13, v27;
	v10 =	vmin.f32 v0, v28;
	v11 =	vmax.f32 v1, v28;
	v18 =	vld [tilespmem:s0+$0x8040]  }
0x1b9: {  	v12 =	vmin.f32 v30, v31;
	v13 =	vmax.f32 v22, v31;
	v1 =	vmin.f32 v19, v20;
	v19 =	vld [tilespmem:s0+$0x8050]  }
0x1ba: {  	s30 =	simm.s32 $0x80;
	s31 =	simm.s32 $0x400;
	v0 =	vmax.f32 v21, v20;
	v20 =	vld [tilespmem:s0+$0x8060];
	v14 =	vmin.f32 v14, v23;
	v15 =	vmax.f32 v15, v23  }
.LBB2_32:
0x1bb: {  	p0 =	sne.s32 s31, $0x1FE00;
	v21 =	vld [tilespmem:s30+$0x8070];
	v2 =	vmin.f32 v2, v16;
	v5 =	vmax.f32 v5, v16  }
0x1bc: {  	v22 =	vld [tilespmem:s30+$0x8000];
	v6 =	vmin.f32 v6, v17;
	v3 =	vmax.f32 v3, v17  }
0x1bd: {  	v23 =	vld [tilespmem:s30+$0x8010];
	v7 =	vmin.f32 v7, v18;
	v8 =	vmax.f32 v8, v18  }
.Ltmp15:
0x1be: {  	v16 =	vld [tilespmem:s30+$0x8020];
	v4 =	vmin.f32 v4, v19;
	v9 =	vmax.f32 v9, v19;
	(pc) =	sbr.rel @p0 .LBB2_32-.Ltmp15, $4  }
0x1bf: {  	v17 =	vld [tilespmem:s30+$0x8030];
	v10 =	vmin.f32 v10, v20;
	v11 =	vmax.f32 v11, v20  }
0x1c0: {  	v18 =	vld [tilespmem:s30+$0x8040];
	v1 =	vmin.f32 v1, v21;
	v0 =	vmax.f32 v0, v21  }
0x1c1: {  	v12 =	vmin.f32 v12, v22;
	v13 =	vmax.f32 v13, v22;
	v19 =	vld [tilespmem:s30+$0x8050]  }
0x1c2: {  	v14 =	vmin.f32 v14, v23;
	v15 =	vmax.f32 v15, v23;
	v20 =	vld [tilespmem:s30+$0x8060];
	s30 =	sshra.s32 s31, $0x2;
	s31 =	sadd.s32 $0x200, s31  }
0x1c3: {  	v21 =	vld [tilespmem:s30+$0x8070]  }
0x1c4: {  	v22 =	vld [tilespmem:s30+$0x8000]  }
0x1c5: {  	v23 =	vld [tilespmem:s30+$0x8010]  }
0x1c6: {  	v24 =	vld [tilespmem:s30+$0x8020]  }
0x1c7: {  	v2 =	vmin.f32 v2, v16;
	v5 =	vmax.f32 v5, v16;
	v57 =	vld [tilespmem:s30+$0x8030];
	v6 =	vmin.f32 v6, v17  }
0x1c8: {  	v58 =	vld [tilespmem:s30+$0x8040];
	v3 =	vmax.f32 v3, v17;
	v7 =	vmin.f32 v7, v18;
	v8 =	vmax.f32 v8, v18  }
0x1c9: {  	v4 =	vmin.f32 v4, v19;
	v9 =	vmax.f32 v9, v19;
	v10 =	vmin.f32 v10, v20  }
0x1ca: {  	v59 =	vld [tilespmem:s30+$0x8050];
	v11 =	vmax.f32 v11, v20;
	v12 =	vmin.f32 v12, v22;
	v13 =	vmax.f32 v13, v22  }
0x1cb: {  	v1 =	vmin.f32 v1, v21;
	v14 =	vmin.f32 v14, v23;
	v15 =	vmax.f32 v15, v23  }
0x1cc: {  	v60 =	vld [tilespmem:s30+$0x8060];
	v2 =	vmin.f32 v2, v24;
	v5 =	vmax.f32 v5, v24;
	v6 =	vmin.f32 v6, v57  }
0x1cd: {  	v3 =	vmax.f32 v3, v57;
	v7 =	vmin.f32 v7, v58;
	v12 =	vmin.f32 v12, v14  }
0x1ce: {  	v8 =	vmax.f32 v8, v58;
	v13 =	vmax.f32 v13, v15;
	v2 =	vmin.f32 v12, v2  }
0x1cf: {  	v4 =	vmin.f32 v4, v59;
	v5 =	vmax.f32 v13, v5;
	v2 =	vmin.f32 v2, v6  }
0x1d0: {  	v61 =	vmax.f32 v9, v59;
	v3 =	vmax.f32 v5, v3;
	v2 =	vmin.f32 v2, v7  }
0x1d1: {  	v62 =	vmin.f32 v10, v60;
	v3 =	vmax.f32 v3, v8;
	v2 =	vmin.f32 v2, v4  }
0x1d2: {  	v63 =	vmax.f32 v11, v60;
	v3 =	vmax.f32 v3, v61;
	v2 =	vmin.f32 v2, v62  }
0x1d3: {  	v0 =	vmax.f32 v0, v21;
	v3 =	vmax.f32 v3, v63;
	v1 =	vmin.f32 v2, v1  }
0x1d4: {  	v0 =	vmax.f32 v3, v0;
	[tilespmem:$0x10000] =	vst v1  }
0x1d5: {  	[tilespmem:$0x10080] =	vst v0  }
0x1d6: {  	[hbm4b:s19+s2] =	stream.linear.scatter [tilespmem:s25], [sflag:$0x3], $0x10, $0x38;
	[tilespmem:$0x10100] =	vst v63  }
0x1d7: {  	s29 =	sadd.s32 $0x1, s29;
	_ =	swait.ge [sflag:s26], $0x10  }
0x1d8: {  	p0 =	sne.s32 s29, s21;
	[sflag:s26] =	ssyncset.done $0x0  }
.Ltmp16:
0x1d9: {  	[sflag:s26] =	ssyncadd.s32 $0xFFFFFFF0;
	(pc) =	sbr.rel @p0 .LBB2_1-.Ltmp16, $4  }
0x1da: {  	[hbm4b:s20+s2] =	stream.linear.scatter [tilespmem:s28], [sflag:$0x3], $0x10, $0x38;
	[tilespmem:$0x10100] =	vst v63  }
0x1db: {  	_ =	swait.ge [sflag:s26], $0x10  }
0x1dc: {  	[sflag:s26] =	ssyncset.done $0x0  }
0x1dd: {  	[sflag:s26] =	ssyncadd.s32 $0xFFFFFFF0  }
0x1de: {  	_ =	sfence.sel $0x180000  }
0x1df: {  	[bflag:$0x0] =	sbarrier.arrive $0xFFFF  }
0x1e0: {  	_ =	strace $0x90000047  }
0x1e1: {  	[bflag:$0x2] =	sbarrier.arrive $0xFFFF  }
0x1e2: {  	p0 =	sne.s32 s1, $0x0;
	s0 =	rddreg [dreg:$0x3]  }
0x1e3: {  	s0 =	sadd.s32 @!p0 $0x100000, s0  }
0x1e4: {  	[sflag:s0] =	ssyncadd.tile.s32 @!p0 $0x1;
	_ =	shalt  }
.Lfunc_end2:
_tile_overlayer_lowered:
.L_overlay_start_2:
0x1e5: {  	(tag) =	ssettag $0x2  }
0x1e6: {  	s0 =	rddreg [dreg:$0x0];
	s2 =	stileid.u32  }
0x1e7: {  	s1 =	rddreg [dreg:$0x1];
	p0 =	sne.s32 s2, $0x0  }
0x1e8: {  	s3 =	rddreg [dreg:$0x2];
	[bflag:$0x3] =	sbarrier.arrive $0xFFFF;
	s2 =	simm.s32 @!p0 $0x1C03  }
0x1e9: {  	[timem:s3], [sflag:s2] =	dma.local @!p0 [hbm:s0], s1  }
0x1ea: {  	s0 =	simm.s32 @!p0 $0x3  }
0x1eb: {  	_ =	swait.ge @!p0 [sflag:s0], s1  }
0x1ec: {  	s1 =	ssub.s32 @!p0 $0x0, s1;
	[sflag:s0] =	ssyncset.done @!p0 $0x0  }
0x1ed: {  	[sflag:s0] =	ssyncadd.s32 @!p0 s1  }
0x1ee: {  	[bflag:$0x3] =	sbarrier.arrive $0xFFFF  }
0x1ef: {  	_ =	shalt  }

// kernel: kernel.8.cloned.1.call-start
scs
__scs_entry_jumppad:
0x0: {  	(pc) =	sbr.rel $0x88, $3  }
0x1: {  	(tag) =	ssettag $0x0;
	lr =	simm.s32 $0x1  }
0x2: {  	[smem:$0x3FA0] =	sst lr;
	_ =	strace $0xD0000000  }
0x3: {  	_ = 	snop  }
0x4: {  	_ = 	snop  }
0x5: {  	_ = 	snop  }
0x6: {  	_ = 	snop  }
0x7: {  	_ = 	snop  }
__scs_overlays_trampoline_lowered:
0x8: {  	[smem:$0x3FAF] =	sst s0  }
0x9: {  	[smem:$0x3FB0] =	sst s1  }
0xa: {  	[smem:$0x3FB1] =	sst s2  }
0xb: {  	[smem:$0x3FB2] =	sst s3  }
0xc: {  	[smem:$0x3FB3] =	sst s4  }
0xd: {  	[smem:$0x3FB4] =	sst s5  }
0xe: {  	[smem:$0x3FB5] =	sst s6  }
0xf: {  	[smem:$0x3FB6] =	sst s7  }
0x10: {  	[smem:$0x3FB7] =	sst s8  }
0x11: {  	[smem:$0x3FB8] =	sst s9;
	s0 =	simm.s32 @!p0 $0x0  }
0x12: {  	s1 =	sld [smem:$0x3F9E];
	s0 =	simm.s32 @p0 $0x1  }
0x13: {  	[smem:$0x3FB9] =	sst s0;
	s0 =	simm.s32 @!p1 $0x0  }
0x14: {  	s2 =	sld [smem:$0x3F9D];
	s0 =	simm.s32 @p1 $0x1  }
0x15: {  	[smem:$0x3FBA] =	sst s0;
	s0 =	simm.s32 @!p2 $0x0  }
0x16: {  	s3 =	sld [smem:$0x3FDB];
	s0 =	simm.s32 @p2 $0x1  }
0x17: {  	s4 =	simm.s32 $0x1BF5;
	[smem:$0x3FBC] =	sst s0  }
0x18: {  	s0 =	sld [smem:$0x3F9F];
	_ =	swait.ge [sflag:s4], $0x0  }
0x19: {  	s7 =	sld [smem:$0x3FA0]  }
0x1a: {  	s8 =	sadd.s32 $0xFFFFE003, lr  }
0x1b: {  	s9 =	sadd.s32 $0xFFFFFEF7, lr;
	s5 =	simm.s32 $0xFFFFFFFF;
	p2 =	slt.u32 s8, $0xFFFFF086  }
0x1c: {  	p1 =	slt.u32 s9, $0xF7A;
	s5 =	simm.s32 @!p2 $0x0  }
0x1d: {  	s5 =	simm.s32 @p1 $0x1;
	p0 =	seq.s32 s7, s2  }
0x1e: {  	s7 =	smul.u32 @!p0 $0xF7A, s2;
	p2 =	seq.s32 @!p0 s5, $0x0  }
0x1f: {  	s9 =	smul.u32 $0xF7A, s1;
	s8 =	simm.s32 @!p0 $0x1BF5;
	p2 =	por !p2, p0  }
0x20: {  	[sflag:s8] =	ssyncset.s32 @!p0 $0xFFFFF086;
	s6 =	sadd.s32 @!p0 s3, s7;
	s7 =	simm.s32 @!p0 $0x108  }
0x21: {  	s3 =	sadd.s32 s3, s9;
	s6 =	sadd.s32 @!p0 $0x88, s6;
	s7 =	simm.s32 @p2 $0x1082  }
0x22: {  	[simem:s7], [sflag:s8] =	dma.local @!p0 [hbm:s6], $0xF7A  }
0x23: {  	s9 =	sor.u32 $0xD0000000, s2;
	s6 =	simm.s32 $0x108;
	_ =	swait.ge @!p0 [sflag:s8], $0x0  }
0x24: {  	s3 =	sadd.s32 $0x88, s3;
	s6 =	simm.s32 @!p1 $0x1082;
	[sflag:s4] =	ssyncset.s32 $0xFFFFF086  }
0x25: {  	[simem:s6], [sflag:s4] =	dma.local [hbm:s3], $0xF7A  }
0x26: {  	[smem:$0x3FA0] =	sst s1;
	(tag) =	ssettag s2;
	_ =	strace s9  }
0x27: {  	s1 =	sld [smem:$0x3FB0]  }
0x28: {  	s2 =	sld [smem:$0x3FB1]  }
0x29: {  	s4 =	sld [smem:$0x3FB3]  }
0x2a: {  	p0 =	seq.s32 s5, $0x0;
	s5 =	sld [smem:$0x3FB4]  }
0x2b: {  	s6 =	sld [smem:$0x3FB5]  }
0x2c: {  	s7 =	sld [smem:$0x3FB6]  }
0x2d: {  	s3 =	simm.s32 $0x108;
	s8 =	sld [smem:$0x3FB7]  }
0x2e: {  	s3 =	simm.s32 @!p0 $0x1082;
	s9 =	sld [smem:$0x3FB8]  }
0x2f: {  	lr =	sadd.s32 s0, s3;
	s0 =	sld [smem:$0x3FAF]  }
0x30: {  	s3 =	sld [smem:$0x3FB2]  }
0x31: {  	[smem:$0x3FBB] =	sst s10  }
0x32: {  	s10 =	sld [smem:$0x3FB9];
	_ =	sdelay $0x3  }
0x33: {  	p0 =	seq.s32 s10, $0x1;
	s10 =	sld [smem:$0x3FBB];
	_ =	sdelay $0x3  }
0x34: {  	[smem:$0x3FBB] =	sst s10  }
0x35: {  	s10 =	sld [smem:$0x3FBA];
	_ =	sdelay $0x3  }
0x36: {  	p1 =	seq.s32 s10, $0x1;
	s10 =	sld [smem:$0x3FBB];
	_ =	sdelay $0x3  }
0x37: {  	[smem:$0x3FBB] =	sst s10  }
0x38: {  	s10 =	sld [smem:$0x3FBC]  }
0x39: {  	_ = 	snop;
	(pc) =	sbr.ind lr, $3  }
0x3a: {  	_ = 	snop  }
0x3b: {  	_ = 	snop  }
0x3c: {  	p2 =	seq.s32 s10, $0x1;
	s10 =	sld [smem:$0x3FBB]  }
0x3d: {  	_ =	shalt  }
0x3e: {  	_ =	shalt  }
0x3f: {  	_ =	shalt  }
0x40: {  	_ =	shalt  }
0x41: {  	_ =	shalt  }
0x42: {  	_ =	shalt  }
0x43: {  	_ =	shalt  }
0x44: {  	_ =	shalt  }
0x45: {  	_ =	shalt  }
0x46: {  	_ =	shalt  }
0x47: {  	_ =	shalt  }
0x48: {  	_ =	shalt  }
0x49: {  	_ =	shalt  }
0x4a: {  	_ =	shalt  }
0x4b: {  	_ =	shalt  }
0x4c: {  	_ =	shalt  }
0x4d: {  	_ =	shalt  }
0x4e: {  	_ =	shalt  }
0x4f: {  	_ =	shalt  }
0x50: {  	_ =	shalt  }
0x51: {  	_ =	shalt  }
0x52: {  	_ =	shalt  }
0x53: {  	_ =	shalt  }
0x54: {  	_ =	shalt  }
0x55: {  	_ =	shalt  }
0x56: {  	_ =	shalt  }
0x57: {  	_ =	shalt  }
0x58: {  	_ =	shalt  }
0x59: {  	_ =	shalt  }
0x5a: {  	_ =	shalt  }
0x5b: {  	_ =	shalt  }
0x5c: {  	_ =	shalt  }
0x5d: {  	_ =	shalt  }
0x5e: {  	_ =	shalt  }
0x5f: {  	_ =	shalt  }
0x60: {  	_ =	shalt  }
0x61: {  	_ =	shalt  }
0x62: {  	_ =	shalt  }
0x63: {  	_ =	shalt  }
0x64: {  	_ =	shalt  }
0x65: {  	_ =	shalt  }
0x66: {  	_ =	shalt  }
0x67: {  	_ =	shalt  }
0x68: {  	_ =	shalt  }
0x69: {  	_ =	shalt  }
0x6a: {  	_ =	shalt  }
0x6b: {  	_ =	shalt  }
0x6c: {  	_ =	shalt  }
0x6d: {  	_ =	shalt  }
0x6e: {  	_ =	shalt  }
0x6f: {  	_ =	shalt  }
0x70: {  	_ =	shalt  }
0x71: {  	_ =	shalt  }
0x72: {  	_ =	shalt  }
0x73: {  	_ =	shalt  }
0x74: {  	_ =	shalt  }
0x75: {  	_ =	shalt  }
0x76: {  	_ =	shalt  }
0x77: {  	_ =	shalt  }
0x78: {  	_ =	shalt  }
0x79: {  	_ =	shalt  }
0x7a: {  	_ =	shalt  }
0x7b: {  	_ =	shalt  }
0x7c: {  	_ =	shalt  }
0x7d: {  	_ =	shalt  }
0x7e: {  	_ =	shalt  }
0x7f: {  	_ =	shalt  }
0x80: {  	_ =	shalt  }
0x81: {  	_ =	shalt  }
0x82: {  	_ =	shalt  }
0x83: {  	_ =	shalt  }
0x84: {  	_ =	shalt  }
0x85: {  	_ =	shalt  }
0x86: {  	_ =	shalt  }
0x87: {  	_ =	shalt  }
.Lfunc_end0:
.L_simem_size_0:
called_computation.1_lowered:
.L_overlay_start_0:
0x88: {  	s2 =	sld [smem:$0x3FD9]  }
0x89: {  	s3 =	sld [smem:$0x3FFE];
	_ =	sdelay $0x1  }
0x8a: {  	s1 =	srdreg.scid  }
0x8b: {  	s0 =	sand.u32 $0x1, s1  }
0x8c: {  	s14 =	sshll.u32 s0, $0xA;
	s2 =	sadd.s32 s3, s2  }
0x8d: {  	s2 =	sadd.s32 s2, s14  }
0x8e: {  	[smem:$0x3FC7] =	sst s2  }
0x8f: {  	_ = 	snop  }
0x90: {  	s2 =	sld [smem:$0x3FD0];
	_ =	sdelay $0x2  }
0x91: {  	s4 =	simm.s32 $0xA;
	s5 =	simm.s32 $0x10;
	s15 =	sld [smem:$0x3FC9]  }
0x92: {  	[smem:s5], [sflag:s4] =	dma.local [hbm:s2], $0x1  }
0x93: {  	_ =	swait.eq [sflag:s4], $0x1  }
0x94: {  	s16 =	sld [smem:$0x10]  }
0x95: {  	s17 =	sld [smem:$0x11];
	[sflag:s4] =	ssyncset.done $0x0  }
0x96: {  	s6 =	sld [smem:$0x12];
	[sflag:s4] =	ssyncadd.s32 $0xFFFFFFFF  }
0x97: {  	s18 =	sld [smem:$0x13];
	(tm) =	ssettm $0x1  }
0x98: {  	s7 =	sld [smem:$0x3FFB];
	_ =	sdelay $0x3  }
0x99: {  	_ =	strace s7  }
0x9a: {  	s7 =	sld [smem:$0x3FFC];
	_ =	sdelay $0x3  }
0x9b: {  	_ =	strace s7  }
0x9c: {  	s7 =	sld [smem:$0x3FFD];
	_ =	sdelay $0x3  }
0x9d: {  	_ =	strace s7  }
0x9e: {  	_ =	strace $0x8FFFFFFF  }
0x9f: {  	s19 =	sld [smem:$0x3FDB];
	_ =	sdelay $0x1  }
0xa0: {  	s8 =	simm.s32 $_scs_section_size  }
0xa1: {  	s9 =	simm.s32 $_size__tile_overlayer_lowered;
	s10 =	simm.s32 $_tile_overlayer_lowered  }
0xa2: {  	s22 =	simm.s32 $0x1BFF;
	s21 =	sshll.u32 s10, $0x1;
	s7 =	sadd.s32 s8, s19  }
0xa3: {  	s11 =	simm.s32 $0x0;
	s20 =	sshll.u32 s9, $0x1;
	s9 =	sadd.s32 s21, s7  }
0xa4: {  	[timem:s11], [sflag:s22] =	dma.local [hbm:s9], s20  }
0xa5: {  	_ =	swait.ge [sflag:s22], s20  }
0xa6: {  	s8 =	ssub.s32 $0x0, s20;
	[sflag:s22] =	ssyncset.done $0x0  }
0xa7: {  	[sflag:s22] =	ssyncadd.s32 s8;
	_ =	sdelay $0x1  }
0xa8: {  	s23 =	simm.s32 $0x1B8B  }
0xa9: {  	_ =	swait.ge [sflag:s23], $0x1  }
0xaa: {  	[sflag:s23] =	ssyncset.done $0x0  }
0xab: {  	s25 =	simm.s32 $0x1B8E;
	s24 =	sld [smem:$0x3FFE];
	[sflag:s23] =	ssyncadd.s32 $0xFFFFFFFF  }
0xac: {  	s26 =	simm.s32 $execute0_lowered;
	[smem:$0x3FD2] =	sst s25  }
0xad: {  	s9 =	sshll.u32 s26, $0x1;
	_ =	strace $0x80000049;
	[dreg:$0x1] =	wrdreg $0xFFFFFFFF  }
0xae: {  	s28 =	simm.s32 $_size_execute0_lowered;
	s7 =	sadd.s32 s7, s9;
	[dreg:$0x0] =	wrdreg $0x0  }
0xaf: {  	s9 =	sshll.u32 s28, $0x1;
	[dreg:$0x2] =	wrdreg s7  }
0xb0: {  	[dreg:$0x3] =	wrdreg s9  }
0xb1: {  	[dreg:$0x4] =	wrdreg $0xC0  }
0xb2: {  	_ =	task [dreg:s11], $0x5FFFF  }
0xb3: {  	[dreg:$0x1] =	wrdreg $0xFFFFFFFF  }
0xb4: {  	[dreg:$0x0] =	wrdreg $0x60  }
0xb5: {  	[dreg:$0x2] =	wrdreg s15  }
0xb6: {  	[dreg:$0x3] =	wrdreg s17  }
0xb7: {  	[dreg:$0x4] =	wrdreg s24  }
0xb8: {  	[dreg:$0x5] =	wrdreg s16  }
0xb9: {  	[dreg:$0x6] =	wrdreg s6  }
0xba: {  	[dreg:$0x7] =	wrdreg s18  }
0xbb: {  	[dreg:$0x8] =	wrdreg $0x9  }
0xbc: {  	_ =	task.clear_ibuf [dreg:s11], $0x9FFFF;
	_ =	strace $0x90000049  }
0xbd: {  	s29 =	simm.s32 $0x9;
	_ =	strace $0x8000004B  }
0xbe: {  	_ =	swait.ge [sflag:s29], $0x1  }
0xbf: {  	[sflag:s29] =	ssyncadd.s32 $0xFFFFFFFF  }
0xc0: {  	_ =	strace $0x9000004B  }
0xc1: {  	_ =	sfence  }
0xc2: {  	s30 =	sld [smem:$0x0];
	_ =	sdelay $0x2  }
0xc3: {  	s31 =	sshll.u32 s1, $0xD;
	s1 =	sshrl.u32 s1, $0x2  }
0xc4: {  	s3 =	sand.u32 $0x4000, s31;
	s1 =	sadd.s32 s1, s30  }
0xc5: {  	s0 =	sor.u32 s3, s0;
	s1 =	sshll.u32 s1, $0x11  }
0xc6: {  	s0 =	sor.u32 s1, s0  }
0xc7: {  	s0 =	sadd.s32 $0x8F2B, s0  }
0xc8: {  	[sflag:s0] =	ssyncadd.remote.s32 $0x1  }
0xc9: {  	_ =	sfence.sel $0xFFFF  }
0xca: {  	[dreg:$0x0] =	wrdreg $0xFFFFFFFF;
	(pc) =	sbr.abs _section_cstart, $3  }
0xcb: {  	[dreg:$0x1] =	wrdreg $0xFFFFFFFF  }
0xcc: {  	_ =	task.clear_ibuf [dreg:s11], $0x2FFFF;
	_ =	strace $0x9FFFFFFF  }
0xcd: {  	(tm) =	ssettm $0x7FFFFFFF  }
tec
execute0_lowered:
.L_overlay_start_1:
0x0: {  	(tag) =	ssettag $0x1  }
0x1: {  	s1 =	srdreg.scid;
	s0 =	rddreg [dreg:$0x0]  }
0x2: {  	s5 =	stileid.u32;
	s3 =	rddreg [dreg:$0x3];
	s2 =	sand.u32 $0x1, s1  }
0x3: {  	s13 =	sshll.u32 s5, $0x1;
	s5 =	sshrl.u32 s5, $0x2;
	s1 =	simm.s32 $0x0  }
0x4: {  	s4 =	sor.u32 s2, s13;
	s5 =	smul.u32 $0x4400, s5;
	s2 =	ssub.s32 $0x2, s2  }
0x5: {  	[smem:$0x7FF] =	sst s1;
	s6 =	sshll.u32 s4, $0x7;
	s14 =	sshrl.u32 s2, $0x1  }
0x6: {  	s7 =	sshll.u32 s4, $0x10;
	p0 =	sne.s32 s4, $0x0;
	s6 =	sand.u32 $0x380, s6  }
0x7: {  	s15 =	sor.u32 $0x1000, s7;
	s8 =	sor.u32 $0x2000, s7;
	s17 =	sor.u32 $0x3000, s7  }
0x8: {  	s19 =	sor.u32 $0x4000, s7;
	s21 =	sor.u32 $0x5000, s7;
	s9 =	sadd.s32 s0, s15  }
0x9: {  	s5 =	sor.u32 s5, s6;
	s16 =	sadd.s32 s0, s8;
	[dreg:$0x7] =	wrdreg s9  }
0xa: {  	s6 =	ssub.s32 s2, s14;
	s2 =	sadd.s32 s3, s15;
	[dreg:$0x8] =	wrdreg s16  }
0xb: {  	s23 =	sor.u32 $0x6000, s7;
	s18 =	sadd.s32 s0, s17;
	[dreg:$0x9] =	wrdreg s2  }
0xc: {  	s25 =	sor.u32 $0x7000, s7;
	s8 =	sadd.s32 s3, s8;
	[dreg:$0xa] =	wrdreg s18  }
0xd: {  	s10 =	sor.u32 $0x8000, s7;
	s20 =	sadd.s32 s0, s19;
	[dreg:$0xb] =	wrdreg s8  }
0xe: {  	s12 =	sor.u32 $0x9000, s7;
	s22 =	sadd.s32 s0, s21;
	[dreg:$0xc] =	wrdreg s20  }
0xf: {  	s13 =	sor.u32 $0xA000, s7;
	s24 =	sadd.s32 s0, s23;
	[dreg:$0xe] =	wrdreg s22  }
0x10: {  	s30 =	sadd.s32 s0, s7;
	s26 =	sadd.s32 s0, s25;
	[dreg:$0x10] =	wrdreg s24  }
0x11: {  	s31 =	sadd.s32 s3, s7;
	s11 =	sadd.s32 s0, s10;
	[dreg:$0x12] =	wrdreg s26  }
0x12: {  	s14 =	sadd.s32 s0, s12;
	s15 =	sadd.s32 s0, s13;
	[dreg:$0x14] =	wrdreg s11  }
0x13: {  	s9 =	sadd.s32 s3, s17;
	s2 =	sadd.s32 s3, s19;
	[dreg:$0x17] =	wrdreg s14  }
0x14: {  	s8 =	sadd.s32 s3, s21;
	[dreg:$0x19] =	wrdreg s15;
	s16 =	sadd.s32 s3, s13  }
0x15: {  	s17 =	sor.u32 $0xB000, s7;
	s18 =	sor.u32 $0xC000, s7;
	s19 =	sor.u32 $0xD000, s7  }
0x16: {  	s20 =	rddreg [dreg:$0x2];
	s21 =	sor.u32 $0xE000, s7;
	s7 =	sor.u32 $0xF000, s7  }
0x17: {  	s5 =	sshrl.u32 s5, $0x3;
	s6 =	smax.u32 s6, $0x1;
	[dreg:$0xd] =	wrdreg s9  }
0x18: {  	s11 =	simm.s32 $0x10000;
	s13 =	simm.s32 $0x4;
	[dreg:$0xf] =	wrdreg s2  }
0x19: {  	s14 =	simm.s32 $0x3;
	s15 =	simm.s32 $0x5;
	[dreg:$0x11] =	wrdreg s8  }
0x1a: {  	s9 =	sadd.s32 s3, s23;
	s2 =	sadd.s32 s3, s25;
	s8 =	sadd.s32 s3, s10  }
0x1b: {  	[dreg:$0x1a] =	wrdreg s16;
	s22 =	sadd.s32 s0, s17;
	s23 =	sadd.s32 s3, s17  }
0x1c: {  	s24 =	sadd.s32 s0, s18;
	s25 =	sadd.s32 s3, s18;
	s28 =	sadd.s32 s0, s19  }
0x1d: {  	s29 =	sadd.s32 s3, s19;
	s26 =	sadd.s32 s0, s21;
	s0 =	sadd.s32 s0, s7  }
0x1e: {  	s5 =	sadd.s32 s5, s20;
	s4 =	sadd.s32 $0x1200, s20;
	[dreg:$0x13] =	wrdreg s9  }
0x1f: {  	s10 =	simm.s32 $0x18000;
	s16 =	simm.s32 $0x6;
	[dreg:$0x15] =	wrdreg s2  }
0x20: {  	s17 =	simm.s32 $0x0;
	[dreg:$0x16] =	wrdreg s8;
	s2 =	sadd.s32 s3, s12  }
0x21: {  	s5 =	sadd.s32 $0x1400, s5;
	s8 =	simm.s32 $0x8000;
	s9 =	simm.s32 $0x1  }
0x22: {  	s12 =	simm.s32 $0x2;
	[dreg:$0x18] =	wrdreg s2;
	s2 =	sadd.s32 s3, s21  }
0x23: {  	v0 =	vimm.f32 $0.0e+00;
	v1 =	vimm.f32 $1.000000000e+00;
	s3 =	sadd.s32 s3, s7;
	s7 =	simm.s32 $0x7;
	_ =	strace $0x8000004A  }
.LBB2_1:
0x24: {  	s18 =	rddreg [dreg:$0x1];
	s19 =	simm.s32 $0x18880  }
0x25: {  	[tilespmem:s19], [sflag:$0x7] =	stream.linear.gather [hbm4b:s18+s1], $0x200, $0x38;
	[tilespmem:$0x18D80] =	vst v63  }
0x26: {  	_ =	swait.ge [sflag:s7], $0x200  }
0x27: {  	[sflag:s7] =	ssyncset.done $0x0  }
0x28: {  	s21 =	simm.s32 $0x18A80;
	[sflag:s7] =	ssyncadd.s32 $0xFFFFFE00  }
0x29: {  	[tilespmem:s21], [sflag:$0x7] =	stream.linear.gather [hbm4b:s4+s1], $0x200, $0x38;
	[tilespmem:$0x18D80] =	vst v63  }
0x2a: {  	_ =	swait.ge [sflag:s7], $0x200  }
0x2b: {  	[sflag:s7] =	ssyncset.done $0x0  }
0x2c: {  	[sflag:s7] =	ssyncadd.s32 $0xFFFFFE00  }
0x2d: {  	v2 =	vld [tilespmem:$0x18880]  }
0x2e: {  	v3 =	vld [tilespmem:$0x18A80]  }
0x2f: {  	v4 =	vld [tilespmem:$0x18890]  }
0x30: {  	v5 =	vld [tilespmem:$0x18A90]  }
0x31: {  	v6 =	vld [tilespmem:$0x188A0]  }
0x32: {  	v7 =	vld [tilespmem:$0x18AA0]  }
0x33: {  	v8 =	vld [tilespmem:$0x188B0]  }
0x34: {  	v9 =	vld [tilespmem:$0x18AB0]  }
0x35: {  	v10 =	vld [tilespmem:$0x188C0]  }
0x36: {  	v11 =	vld [tilespmem:$0x18AC0]  }
0x37: {  	v12 =	vld [tilespmem:$0x188D0]  }
0x38: {  	v13 =	vld [tilespmem:$0x18AD0]  }
0x39: {  	v14 =	vld [tilespmem:$0x188E0]  }
0x3a: {  	v15 =	vld [tilespmem:$0x18AE0]  }
0x3b: {  	v16 =	vld [tilespmem:$0x188F0]  }
0x3c: {  	v17 =	vld [tilespmem:$0x18AF0]  }
0x3d: {  	v18 =	vld [tilespmem:$0x18900]  }
0x3e: {  	v19 =	vld [tilespmem:$0x18B00]  }
0x3f: {  	v20 =	vld [tilespmem:$0x18910]  }
0x40: {  	v21 =	vld [tilespmem:$0x18B10]  }
0x41: {  	v22 =	vld [tilespmem:$0x18920]  }
0x42: {  	v23 =	vld [tilespmem:$0x18B20]  }
0x43: {  	v24 =	vld [tilespmem:$0x18930]  }
0x44: {  	v25 =	vld [tilespmem:$0x18B30]  }
0x45: {  	v26 =	vld [tilespmem:$0x18940]  }
0x46: {  	v27 =	vld [tilespmem:$0x18B40]  }
0x47: {  	v28 =	vld [tilespmem:$0x18950]  }
0x48: {  	v29 =	vld [tilespmem:$0x18B50]  }
0x49: {  	v30 =	vld [tilespmem:$0x18960]  }
0x4a: {  	v31 =	vld [tilespmem:$0x18B60]  }
0x4b: {  	v32 =	vld [tilespmem:$0x18970]  }
0x4c: {  	v33 =	vld [tilespmem:$0x18B70]  }
0x4d: {  	v34 =	vld [tilespmem:$0x18980]  }
0x4e: {  	v35 =	vld [tilespmem:$0x18B80]  }
0x4f: {  	v36 =	vld [tilespmem:$0x18990]  }
0x50: {  	v37 =	vld [tilespmem:$0x18B90]  }
0x51: {  	v38 =	vld [tilespmem:$0x189A0]  }
0x52: {  	v41 =	vld [tilespmem:$0x18BB0];
	v2 =	vmin.f32 v2, v4  }
0x53: {  	v42 =	vld [tilespmem:$0x189C0];
	v3 =	vmax.f32 v3, v5;
	v2 =	vmin.f32 v2, v6  }
0x54: {  	v43 =	vld [tilespmem:$0x18BC0];
	v3 =	vmax.f32 v3, v7;
	v2 =	vmin.f32 v2, v8  }
0x55: {  	v44 =	vld [tilespmem:$0x189D0];
	v3 =	vmax.f32 v3, v9;
	v2 =	vmin.f32 v2, v10  }
0x56: {  	v45 =	vld [tilespmem:$0x18BD0];
	v3 =	vmax.f32 v3, v11;
	v2 =	vmin.f32 v2, v12  }
0x57: {  	v46 =	vld [tilespmem:$0x189E0];
	v3 =	vmax.f32 v3, v13;
	v2 =	vmin.f32 v2, v14  }
0x58: {  	v47 =	vld [tilespmem:$0x18BE0];
	v3 =	vmax.f32 v3, v15;
	v2 =	vmin.f32 v2, v16  }
0x59: {  	v48 =	vld [tilespmem:$0x189F0];
	v3 =	vmax.f32 v3, v17;
	v2 =	vmin.f32 v2, v18  }
0x5a: {  	v49 =	vld [tilespmem:$0x18BF0];
	v3 =	vmax.f32 v3, v19;
	v2 =	vmin.f32 v2, v20  }
0x5b: {  	v50 =	vld [tilespmem:$0x18A00];
	v3 =	vmax.f32 v3, v21;
	v2 =	vmin.f32 v2, v22  }
0x5c: {  	v51 =	vld [tilespmem:$0x18C00];
	v3 =	vmax.f32 v3, v23;
	v2 =	vmin.f32 v2, v24  }
0x5d: {  	v52 =	vld [tilespmem:$0x18A10];
	v3 =	vmax.f32 v3, v25;
	v2 =	vmin.f32 v2, v26  }
0x5e: {  	v4 =	vld [tilespmem:$0x18BA0];
	v3 =	vmax.f32 v3, v27;
	v2 =	vmin.f32 v2, v28  }
0x5f: {  	v5 =	vld [tilespmem:$0x189B0];
	v3 =	vmax.f32 v3, v29;
	v2 =	vmin.f32 v2, v30  }
0x60: {  	v53 =	vld [tilespmem:$0x18C10];
	v3 =	vmax.f32 v3, v31;
	v2 =	vmin.f32 v2, v32  }
0x61: {  	v54 =	vld [tilespmem:$0x18A20];
	v3 =	vmax.f32 v3, v33;
	v2 =	vmin.f32 v2, v34  }
0x62: {  	v55 =	vld [tilespmem:$0x18C20];
	v3 =	vmax.f32 v3, v35;
	v2 =	vmin.f32 v2, v36  }
0x63: {  	v56 =	vld [tilespmem:$0x18A30];
	v3 =	vmax.f32 v3, v37;
	v2 =	vmin.f32 v2, v38  }
0x64: {  	v57 =	vld [tilespmem:$0x18C40];
	v3 =	vmax.f32 v3, v4;
	v2 =	vmin.f32 v2, v5  }
0x65: {  	v58 =	vld [tilespmem:$0x18A50];
	v3 =	vmax.f32 v3, v41;
	v2 =	vmin.f32 v2, v42  }
0x66: {  	v59 =	vld [tilespmem:$0x18C50];
	v3 =	vmax.f32 v3, v43;
	v2 =	vmin.f32 v2, v44  }
0x67: {  	v4 =	vld [tilespmem:$0x18C30];
	v3 =	vmax.f32 v3, v45;
	v2 =	vmin.f32 v2, v46  }
0x68: {  	v5 =	vld [tilespmem:$0x18A40];
	v3 =	vmax.f32 v3, v47;
	v2 =	vmin.f32 v2, v48  }
0x69: {  	v60 =	vld [tilespmem:$0x18A60];
	v3 =	vmax.f32 v3, v49;
	v2 =	vmin.f32 v2, v50  }
0x6a: {  	v61 =	vld [tilespmem:$0x18C60];
	v3 =	vmax.f32 v3, v51;
	v2 =	vmin.f32 v2, v52  }
0x6b: {  	v62 =	vld [tilespmem:$0x18A70];
	v3 =	vmax.f32 v3, v53;
	v2 =	vmin.f32 v2, v54  }
0x6c: {  	v63 =	vld [tilespmem:$0x18C70];
	v3 =	vmax.f32 v3, v55;
	v2 =	vmin.f32 v2, v56  }
0x6d: {  	v3 =	vmax.f32 v3, v4;
	v2 =	vmin.f32 v2, v5  }
0x6e: {  	v3 =	vmax.f32 v3, v57;
	v2 =	vmin.f32 v2, v58  }
0x6f: {  	v3 =	vmax.f32 v3, v59;
	v2 =	vmin.f32 v2, v60  }
0x70: {  	v3 =	vmax.f32 v3, v61;
	v2 =	vmin.f32 v2, v62  }
0x71: {  	v3 =	vmax.f32 v3, v63;
	(xrf0) =	vmin.scan.msk.f32 $0xffff, v2  }
0x72: {  	(xrf0) =	vmax.scan.msk.f32 $0xffff, v3;
	_ =	sdelay $0x4  }
0x73: {  	v2, _, _ =	vpop (xrf0)  }
0x74: {  	v3, _, _ =	vpop (xrf0)  }
0x75: {  	v2 =	vbroadcast v2, $0xF;
	v3 =	vbroadcast v3, $0xF;
	_ =	sdelay $0x1  }
0x76: {  	v4 =	vsub.f32 v3, v2;
	_ =	sdelay $0x1  }
0x77: {  	vm0 =	veq.f32 v4, $0.0e+00  }
0x78: {  	v4 =	vsel vm0, $0x3F800000, v4  }
0x79: {  	(erf) = vrcp.f32 v4;
	_ =	sdelay $0x5  }
0x7a: {  	[tilespmem:$0x18C80] =	vst @!p0 v2  }
0x7b: {  	s18 =	simm.s32 @!p0 $0x0;
	s19 =	simm.s32 @!p0 $0x18C80;
	s20 =	rddreg [dreg:$0x4];
	[tilespmem:$0x18D00] =	vst @!p0 v3  }
0x7c: {  	[hbm4b:s20+s18] =	stream.linear.scatter @!p0 [tilespmem:s19], [sflag:$0x7], $0x80, $0x38;
	[tilespmem:$0x18D80] =	vst v63  }
0x7d: {  	s19 =	simm.s32 @!p0 $0x7;
	v3 =	vpop (erf)  }
0x7e: {  	_ =	swait.ge @!p0 [sflag:s19], $0x80  }
0x7f: {  	[sflag:s19] =	ssyncset.done @!p0 $0x0  }
0x80: {  	[sflag:s19] =	ssyncadd.s32 @!p0 $0xFFFFFF80  }
0x81: {  	s20 =	simm.s32 @!p0 $0x18D00;
	s21 =	rddreg [dreg:$0x5]  }
0x82: {  	[hbm4b:s21+s18] =	stream.linear.scatter @!p0 [tilespmem:s20], [sflag:$0x7], $0x80, $0x38;
	[tilespmem:$0x18D80] =	vst v63  }
0x83: {  	_ =	swait.ge @!p0 [sflag:s19], $0x80  }
0x84: {  	[sflag:s19] =	ssyncset.done @!p0 $0x0  }
0x85: {  	s18 =	simm.s32 $0x18040;
	[sflag:s19] =	ssyncadd.s32 @!p0 $0xFFFFFF80  }
0x86: {  	[tilespmem:s18+$0xFFFFFFC0] =	vst v0  }
0x87: {  	[tilespmem:s18+$0x30] =	vst v0  }
0x88: {  	[tilespmem:s18+$0x20] =	vst v0  }
0x89: {  	v3 =	vmul.f32 $2.048000000e+03, v3;
	[tilespmem:s18+$0x10] =	vst v0  }
0x8a: {  	[tilespmem:s18+$0x0] =	vst v0  }
0x8b: {  	vm15 =	veq.f32 v3, $+Inf;
	[tilespmem:s18+$0xFFFFFFF0] =	vst v0  }
0x8c: {  	v3 =	vsel vm15, $0x0, v3;
	s19 =	simm.s32 $0x0;
	[tilespmem:s18+$0xFFFFFFE0] =	vst v0  }
.LBB2_2:
0x8d: {  	s19 =	sadd.s32 $0x8, s19;
	[tilespmem:s18+$0xFFFFFFD0] =	vst v0;
	s18 =	sadd.s32 $0x80, s18  }
0x8e: {  	[tilespmem:s18+$0xFFFFFFC0] =	vst v0;
	p1 =	slt.u32 s19, $0x78  }
0x8f: {  	[tilespmem:s18+$0x30] =	vst v0  }
.Ltmp0:
0x90: {  	[tilespmem:s18+$0x20] =	vst v0;
	(pc) =	sbr.rel @p1 .LBB2_2-.Ltmp0, $4  }
0x91: {  	[tilespmem:s18+$0x10] =	vst v0  }
0x92: {  	[tilespmem:s18+$0x0] =	vst v0  }
0x93: {  	[tilespmem:s18+$0xFFFFFFF0] =	vst v0  }
0x94: {  	[tilespmem:s18+$0xFFFFFFE0] =	vst v0  }
0x95: {  	[tilespmem:s18+$0xFFFFFFD0] =	vst v0  }
0x96: {  	[tilespmem:$0x18800] =	vst v0  }
0x97: {  	[tilespmem:s1], [sflag:$0x1] =	stream.linear.gather [hbm4b:s30+s1], $0x8000, $0x38;
	[tilespmem:$0x18D80] =	vst v63  }
0x98: {  	s20 =	rddreg [dreg:$0x7]  }
0x99: {  	[tilespmem:s8], [sflag:$0x2] =	stream.linear.gather [hbm4b:s20+s1], $0x8000, $0x38;
	[tilespmem:$0x18D80] =	vst v63  }
0x9a: {  	_ =	swait.ge [sflag:s9], $0x8000  }
0x9b: {  	[sflag:s9] =	ssyncset.done $0x0  }
0x9c: {  	s21 =	simm.s32 $0x20;
	[sflag:s9] =	ssyncadd.s32 $0xFFFF8000  }
0x9d: {  	v4 =	vld [tilespmem:s21+$0x10]  }
0x9e: {  	v5 =	vld [tilespmem:s21+$0xFFFFFFF0]  }
0x9f: {  	v6 =	vld [tilespmem:s21+$0x0]  }
0xa0: {  	v7 =	vld [tilespmem:s21+$0xFFFFFFE0];
	_ =	sdelay $0x1  }
0xa1: {  	v4 =	vsub.f32 v4, v2  }
0xa2: {  	v5 =	vsub.f32 v5, v2  }
0xa3: {  	s19 =	simm.s32 $0x60;
	v6 =	vsub.f32 v6, v2;
	v4 =	vmul.f32 v4, v3  }
0xa4: {  	v8 =	vld [tilespmem:s19+$0x10];
	v7 =	vsub.f32 v7, v2;
	v9 =	vmul.f32 v5, v3  }
0xa5: {  	v11 =	vld [tilespmem:s19+$0xFFFFFFF0];
	v6 =	vmul.f32 v6, v3;
	v4 =	vtrunc.f32 v4  }
0xa6: {  	v10 =	vmul.f32 v7, v3;
	v7 =	vld [tilespmem:s19+$0x0];
	v5 =	vcvt.f32.s32 v4  }
0xa7: {  	v4 =	vtrunc.f32 v9;
	v9 =	vld [tilespmem:s19+$0xFFFFFFE0]  }
0xa8: {  	v12 =	vtrunc.f32 v6  }
0xa9: {  	v6 =	vtrunc.f32 v10;
	v10 =	vsub.f32 v8, v2;
	v8 =	vcvt.f32.s32 v12  }
0xaa: {  	s18 =	simm.s32 $0x4;
	v11 =	vsub.f32 v11, v2;
	v6 =	vcvt.f32.s32 v6;
	s19 =	simm.s32 $0xA0;
	v4 =	vcvt.f32.s32 v4  }
.LBB2_4:
0xab: {  	v12 =	vld [tilespmem:s19+$0x10];
	v7 =	vsub.f32 v7, v2;
	v10 =	vmul.f32 v10, v3;
	v13 =	vmov v8  }
0xac: {  	s18 =	sadd.s32 $0x4, s18;
	v8 =	vsub.f32 v9, v2;
	v11 =	vmul.f32 v11, v3;
	[tilespmem:v5+s10+$0x0] =	vst.idx.add.f32.msk $0xffff, v1  }
0xad: {  	p1 =	slt.u32 s18, $0x7FC;
	v14 =	vld [tilespmem:s19+$0xFFFFFFF0];
	v15 =	vmul.f32 v7, v3;
	v5 =	vtrunc.f32 v10  }
.Ltmp1:
0xae: {  	v7 =	vld [tilespmem:s19+$0x0];
	v8 =	vmul.f32 v8, v3;
	v5 =	vcvt.f32.s32 v5;
	(pc) =	sbr.rel @p1 .LBB2_4-.Ltmp1, $4  }
0xaf: {  	v10 =	vtrunc.f32 v11;
	v9 =	vld [tilespmem:s19+$0xFFFFFFE0];
	v11 =	vtrunc.f32 v15  }
0xb0: {  	v15 =	vcvt.f32.s32 v10;
	v8 =	vtrunc.f32 v8;
	[tilespmem:v6+s10+$0x0] =	vst.idx.add.f32.msk $0xffff, v1  }
0xb1: {  	v10 =	vsub.f32 v12, v2;
	v6 =	vcvt.f32.s32 v8;
	v8 =	vcvt.f32.s32 v11;
	[tilespmem:v4+s10+$0x0] =	vst.idx.add.f32.msk $0xffff, v1  }
0xb2: {  	s19 =	sadd.s32 $0x40, s19;
	v4 =	vmov v15;
	v11 =	vsub.f32 v14, v2;
	[tilespmem:v13+s10+$0x0] =	vst.idx.add.f32.msk $0xffff, v1  }
0xb3: {  	v7 =	vsub.f32 v7, v2  }
0xb4: {  	v10 =	vmul.f32 v10, v3;
	v9 =	vsub.f32 v9, v2  }
0xb5: {  	v11 =	vmul.f32 v11, v3;
	v7 =	vmul.f32 v7, v3  }
0xb6: {  	v10 =	vtrunc.f32 v10;
	v9 =	vmul.f32 v9, v3  }
0xb7: {  	v10 =	vcvt.f32.s32 v10;
	v11 =	vtrunc.f32 v11  }
0xb8: {  	[tilespmem:v5+s10+$0x0] =	vst.idx.add.f32.msk $0xffff, v1;
	v5 =	vtrunc.f32 v7;
	v7 =	vcvt.f32.s32 v11  }
0xb9: {  	v9 =	vtrunc.f32 v9;
	v5 =	vcvt.f32.s32 v5  }
0xba: {  	[tilespmem:v6+s10+$0x0] =	vst.idx.add.f32.msk $0xffff, v1;
	v9 =	vcvt.f32.s32 v9  }
0xbb: {  	[tilespmem:v4+s10+$0x0] =	vst.idx.add.f32.msk $0xffff, v1  }
0xbc: {  	[tilespmem:v8+s10+$0x0] =	vst.idx.add.f32.msk $0xffff, v1  }
0xbd: {  	[tilespmem:v10+s10+$0x0] =	vst.idx.add.f32.msk $0xffff, v1  }
0xbe: {  	[tilespmem:v7+s10+$0x0] =	vst.idx.add.f32.msk $0xffff, v1  }
0xbf: {  	[tilespmem:v5+s10+$0x0] =	vst.idx.add.f32.msk $0xffff, v1  }
0xc0: {  	[tilespmem:v9+s10+$0x0] =	vst.idx.add.f32.msk $0xffff, v1  }
0xc1: {  	[hbm4b:s31+s1] =	stream.linear.scatter [tilespmem:s1], [sflag:$0x4], $0x8000, $0x38;
	[tilespmem:$0x18D80] =	vst v63  }
0xc2: {  	s18 =	rddreg [dreg:$0x8]  }
0xc3: {  	[tilespmem:s11], [sflag:$0x3] =	stream.linear.gather [hbm4b:s18+s1], $0x8000, $0x38;
	[tilespmem:$0x18D80] =	vst v63  }
0xc4: {  	_ =	swait.ge [sflag:s12], $0x8000  }
0xc5: {  	[sflag:s12] =	ssyncset.done $0x0  }
0xc6: {  	s21 =	simm.s32 $0x8020;
	[sflag:s12] =	ssyncadd.s32 $0xFFFF8000  }
0xc7: {  	v4 =	vld [tilespmem:s21+$0x10]  }
0xc8: {  	v5 =	vld [tilespmem:s21+$0xFFFFFFF0]  }
0xc9: {  	v6 =	vld [tilespmem:s21+$0x0]  }
0xca: {  	v7 =	vld [tilespmem:s21+$0xFFFFFFE0];
	_ =	sdelay $0x1  }
0xcb: {  	v4 =	vsub.f32 v4, v2  }
0xcc: {  	v5 =	vsub.f32 v5, v2  }
0xcd: {  	s19 =	simm.s32 $0x8060;
	v6 =	vsub.f32 v6, v2;
	v4 =	vmul.f32 v4, v3  }
0xce: {  	v8 =	vld [tilespmem:s19+$0x10];
	v7 =	vsub.f32 v7, v2;
	v9 =	vmul.f32 v5, v3  }
0xcf: {  	v11 =	vld [tilespmem:s19+$0xFFFFFFF0];
	v6 =	vmul.f32 v6, v3;
	v4 =	vtrunc.f32 v4  }
0xd0: {  	v10 =	vmul.f32 v7, v3;
	v7 =	vld [tilespmem:s19+$0x0];
	v5 =	vcvt.f32.s32 v4  }
0xd1: {  	v4 =	vtrunc.f32 v9;
	v9 =	vld [tilespmem:s19+$0xFFFFFFE0]  }
0xd2: {  	v12 =	vtrunc.f32 v6  }
0xd3: {  	v6 =	vtrunc.f32 v10;
	v10 =	vsub.f32 v8, v2;
	v8 =	vcvt.f32.s32 v12  }
0xd4: {  	s18 =	simm.s32 $0x4;
	v11 =	vsub.f32 v11, v2;
	v6 =	vcvt.f32.s32 v6;
	s19 =	simm.s32 $0x80A0;
	v4 =	vcvt.f32.s32 v4  }
.LBB2_6:
0xd5: {  	v12 =	vld [tilespmem:s19+$0x10];
	v7 =	vsub.f32 v7, v2;
	v10 =	vmul.f32 v10, v3;
	v13 =	vmov v8  }
0xd6: {  	s18 =	sadd.s32 $0x4, s18;
	v8 =	vsub.f32 v9, v2;
	v11 =	vmul.f32 v11, v3;
	[tilespmem:v5+s10+$0x0] =	vst.idx.add.f32.msk $0xffff, v1  }
0xd7: {  	p1 =	slt.u32 s18, $0x7FC;
	v14 =	vld [tilespmem:s19+$0xFFFFFFF0];
	v15 =	vmul.f32 v7, v3;
	v5 =	vtrunc.f32 v10  }
.Ltmp2:
0xd8: {  	v7 =	vld [tilespmem:s19+$0x0];
	v8 =	vmul.f32 v8, v3;
	v5 =	vcvt.f32.s32 v5;
	(pc) =	sbr.rel @p1 .LBB2_6-.Ltmp2, $4  }
0xd9: {  	v10 =	vtrunc.f32 v11;
	v9 =	vld [tilespmem:s19+$0xFFFFFFE0];
	v11 =	vtrunc.f32 v15  }
0xda: {  	v15 =	vcvt.f32.s32 v10;
	v8 =	vtrunc.f32 v8;
	[tilespmem:v6+s10+$0x0] =	vst.idx.add.f32.msk $0xffff, v1  }
0xdb: {  	v10 =	vsub.f32 v12, v2;
	v6 =	vcvt.f32.s32 v8;
	v8 =	vcvt.f32.s32 v11;
	[tilespmem:v4+s10+$0x0] =	vst.idx.add.f32.msk $0xffff, v1  }
0xdc: {  	s19 =	sadd.s32 $0x40, s19;
	v4 =	vmov v15;
	v11 =	vsub.f32 v14, v2;
	[tilespmem:v13+s10+$0x0] =	vst.idx.add.f32.msk $0xffff, v1  }
0xdd: {  	v7 =	vsub.f32 v7, v2  }
0xde: {  	v10 =	vmul.f32 v10, v3;
	v9 =	vsub.f32 v9, v2  }
0xdf: {  	v11 =	vmul.f32 v11, v3;
	v7 =	vmul.f32 v7, v3  }
0xe0: {  	v10 =	vtrunc.f32 v10;
	v9 =	vmul.f32 v9, v3  }
0xe1: {  	v10 =	vcvt.f32.s32 v10;
	v11 =	vtrunc.f32 v11  }
0xe2: {  	[tilespmem:v5+s10+$0x0] =	vst.idx.add.f32.msk $0xffff, v1;
	v5 =	vtrunc.f32 v7;
	v7 =	vcvt.f32.s32 v11  }
0xe3: {  	v9 =	vtrunc.f32 v9;
	v5 =	vcvt.f32.s32 v5  }
0xe4: {  	[tilespmem:v6+s10+$0x0] =	vst.idx.add.f32.msk $0xffff, v1;
	v9 =	vcvt.f32.s32 v9  }
0xe5: {  	[tilespmem:v4+s10+$0x0] =	vst.idx.add.f32.msk $0xffff, v1  }
0xe6: {  	[tilespmem:v8+s10+$0x0] =	vst.idx.add.f32.msk $0xffff, v1  }
0xe7: {  	[tilespmem:v10+s10+$0x0] =	vst.idx.add.f32.msk $0xffff, v1  }
0xe8: {  	[tilespmem:v7+s10+$0x0] =	vst.idx.add.f32.msk $0xffff, v1  }
0xe9: {  	[tilespmem:v5+s10+$0x0] =	vst.idx.add.f32.msk $0xffff, v1  }
0xea: {  	[tilespmem:v9+s10+$0x0] =	vst.idx.add.f32.msk $0xffff, v1  }
0xeb: {  	s18 =	rddreg [dreg:$0x9]  }
0xec: {  	[hbm4b:s18+s1] =	stream.linear.scatter [tilespmem:s8], [sflag:$0x5], $0x8000, $0x38;
	[tilespmem:$0x18D80] =	vst v63  }
0xed: {  	_ =	swait.ge [sflag:s13], $0x8000  }
0xee: {  	[sflag:s13] =	ssyncset.done $0x0  }
0xef: {  	s20 =	rddreg [dreg:$0xa];
	[sflag:s13] =	ssyncadd.s32 $0xFFFF8000  }
0xf0: {  	[tilespmem:s1], [sflag:$0x1] =	stream.linear.gather [hbm4b:s20+s1], $0x8000, $0x38;
	[tilespmem:$0x18D80] =	vst v63  }
0xf1: {  	_ =	swait.ge [sflag:s14], $0x8000  }
0xf2: {  	[sflag:s14] =	ssyncset.done $0x0  }
0xf3: {  	s21 =	simm.s32 $0x10020;
	[sflag:s14] =	ssyncadd.s32 $0xFFFF8000  }
0xf4: {  	v4 =	vld [tilespmem:s21+$0x10]  }
0xf5: {  	v5 =	vld [tilespmem:s21+$0xFFFFFFF0]  }
0xf6: {  	v6 =	vld [tilespmem:s21+$0x0]  }
0xf7: {  	v7 =	vld [tilespmem:s21+$0xFFFFFFE0];
	_ =	sdelay $0x1  }
0xf8: {  	v4 =	vsub.f32 v4, v2  }
0xf9: {  	v5 =	vsub.f32 v5, v2  }
0xfa: {  	s19 =	simm.s32 $0x10060;
	v6 =	vsub.f32 v6, v2;
	v4 =	vmul.f32 v4, v3  }
0xfb: {  	v8 =	vld [tilespmem:s19+$0x10];
	v7 =	vsub.f32 v7, v2;
	v9 =	vmul.f32 v5, v3  }
0xfc: {  	v11 =	vld [tilespmem:s19+$0xFFFFFFF0];
	v6 =	vmul.f32 v6, v3;
	v4 =	vtrunc.f32 v4  }
0xfd: {  	v10 =	vmul.f32 v7, v3;
	v7 =	vld [tilespmem:s19+$0x0];
	v5 =	vcvt.f32.s32 v4  }
0xfe: {  	v4 =	vtrunc.f32 v9;
	v9 =	vld [tilespmem:s19+$0xFFFFFFE0]  }
0xff: {  	v12 =	vtrunc.f32 v6  }
0x100: {  	v6 =	vtrunc.f32 v10;
	v10 =	vsub.f32 v8, v2;
	v8 =	vcvt.f32.s32 v12  }
0x101: {  	s18 =	simm.s32 $0x4;
	v11 =	vsub.f32 v11, v2;
	v6 =	vcvt.f32.s32 v6;
	s19 =	simm.s32 $0x100A0;
	v4 =	vcvt.f32.s32 v4  }
.LBB2_8:
0x102: {  	v12 =	vld [tilespmem:s19+$0x10];
	v7 =	vsub.f32 v7, v2;
	v10 =	vmul.f32 v10, v3;
	v13 =	vmov v8  }
0x103: {  	s18 =	sadd.s32 $0x4, s18;
	v8 =	vsub.f32 v9, v2;
	v11 =	vmul.f32 v11, v3;
	[tilespmem:v5+s10+$0x0] =	vst.idx.add.f32.msk $0xffff, v1  }
0x104: {  	p1 =	slt.u32 s18, $0x7FC;
	v14 =	vld [tilespmem:s19+$0xFFFFFFF0];
	v15 =	vmul.f32 v7, v3;
	v5 =	vtrunc.f32 v10  }
.Ltmp3:
0x105: {  	v7 =	vld [tilespmem:s19+$0x0];
	v8 =	vmul.f32 v8, v3;
	v5 =	vcvt.f32.s32 v5;
	(pc) =	sbr.rel @p1 .LBB2_8-.Ltmp3, $4  }
0x106: {  	v10 =	vtrunc.f32 v11;
	v9 =	vld [tilespmem:s19+$0xFFFFFFE0];
	v11 =	vtrunc.f32 v15  }
0x107: {  	v15 =	vcvt.f32.s32 v10;
	v8 =	vtrunc.f32 v8;
	[tilespmem:v6+s10+$0x0] =	vst.idx.add.f32.msk $0xffff, v1  }
0x108: {  	v10 =	vsub.f32 v12, v2;
	v6 =	vcvt.f32.s32 v8;
	v8 =	vcvt.f32.s32 v11;
	[tilespmem:v4+s10+$0x0] =	vst.idx.add.f32.msk $0xffff, v1  }
0x109: {  	s19 =	sadd.s32 $0x40, s19;
	v4 =	vmov v15;
	v11 =	vsub.f32 v14, v2;
	[tilespmem:v13+s10+$0x0] =	vst.idx.add.f32.msk $0xffff, v1  }
0x10a: {  	v7 =	vsub.f32 v7, v2  }
0x10b: {  	v10 =	vmul.f32 v10, v3;
	v9 =	vsub.f32 v9, v2  }
0x10c: {  	v11 =	vmul.f32 v11, v3;
	v7 =	vmul.f32 v7, v3  }
0x10d: {  	v10 =	vtrunc.f32 v10;
	v9 =	vmul.f32 v9, v3  }
0x10e: {  	v10 =	vcvt.f32.s32 v10;
	v11 =	vtrunc.f32 v11  }
0x10f: {  	[tilespmem:v5+s10+$0x0] =	vst.idx.add.f32.msk $0xffff, v1;
	v5 =	vtrunc.f32 v7;
	v7 =	vcvt.f32.s32 v11  }
0x110: {  	v9 =	vtrunc.f32 v9;
	v5 =	vcvt.f32.s32 v5  }
0x111: {  	[tilespmem:v6+s10+$0x0] =	vst.idx.add.f32.msk $0xffff, v1;
	v9 =	vcvt.f32.s32 v9  }
0x112: {  	[tilespmem:v4+s10+$0x0] =	vst.idx.add.f32.msk $0xffff, v1  }
0x113: {  	[tilespmem:v8+s10+$0x0] =	vst.idx.add.f32.msk $0xffff, v1  }
0x114: {  	[tilespmem:v10+s10+$0x0] =	vst.idx.add.f32.msk $0xffff, v1  }
0x115: {  	[tilespmem:v7+s10+$0x0] =	vst.idx.add.f32.msk $0xffff, v1  }
0x116: {  	[tilespmem:v5+s10+$0x0] =	vst.idx.add.f32.msk $0xffff, v1  }
0x117: {  	[tilespmem:v9+s10+$0x0] =	vst.idx.add.f32.msk $0xffff, v1  }
0x118: {  	s18 =	rddreg [dreg:$0xb]  }
0x119: {  	[hbm4b:s18+s1] =	stream.linear.scatter [tilespmem:s11], [sflag:$0x6], $0x8000, $0x38;
	[tilespmem:$0x18D80] =	vst v63  }
0x11a: {  	_ =	swait.ge [sflag:s15], $0x8000  }
0x11b: {  	[sflag:s15] =	ssyncset.done $0x0  }
0x11c: {  	s20 =	rddreg [dreg:$0xc];
	[sflag:s15] =	ssyncadd.s32 $0xFFFF8000  }
0x11d: {  	[tilespmem:s8], [sflag:$0x2] =	stream.linear.gather [hbm4b:s20+s1], $0x8000, $0x38;
	[tilespmem:$0x18D80] =	vst v63  }
0x11e: {  	_ =	swait.ge [sflag:s9], $0x8000  }
0x11f: {  	[sflag:s9] =	ssyncset.done $0x0  }
0x120: {  	s21 =	simm.s32 $0x20;
	[sflag:s9] =	ssyncadd.s32 $0xFFFF8000  }
0x121: {  	v4 =	vld [tilespmem:s21+$0x10]  }
0x122: {  	v5 =	vld [tilespmem:s21+$0xFFFFFFF0]  }
0x123: {  	v6 =	vld [tilespmem:s21+$0x0]  }
0x124: {  	v7 =	vld [tilespmem:s21+$0xFFFFFFE0];
	_ =	sdelay $0x1  }
0x125: {  	v4 =	vsub.f32 v4, v2  }
0x126: {  	v5 =	vsub.f32 v5, v2  }
0x127: {  	s19 =	simm.s32 $0x60;
	v6 =	vsub.f32 v6, v2;
	v4 =	vmul.f32 v4, v3  }
0x128: {  	v8 =	vld [tilespmem:s19+$0x10];
	v7 =	vsub.f32 v7, v2;
	v9 =	vmul.f32 v5, v3  }
0x129: {  	v11 =	vld [tilespmem:s19+$0xFFFFFFF0];
	v6 =	vmul.f32 v6, v3;
	v4 =	vtrunc.f32 v4  }
0x12a: {  	v10 =	vmul.f32 v7, v3;
	v7 =	vld [tilespmem:s19+$0x0];
	v5 =	vcvt.f32.s32 v4  }
0x12b: {  	v4 =	vtrunc.f32 v9;
	v9 =	vld [tilespmem:s19+$0xFFFFFFE0]  }
0x12c: {  	v12 =	vtrunc.f32 v6  }
0x12d: {  	v6 =	vtrunc.f32 v10;
	v10 =	vsub.f32 v8, v2;
	v8 =	vcvt.f32.s32 v12  }
0x12e: {  	s18 =	simm.s32 $0x4;
	v11 =	vsub.f32 v11, v2;
	v6 =	vcvt.f32.s32 v6;
	s19 =	simm.s32 $0xA0;
	v4 =	vcvt.f32.s32 v4  }
.LBB2_10:
0x12f: {  	v12 =	vld [tilespmem:s19+$0x10];
	v7 =	vsub.f32 v7, v2;
	v10 =	vmul.f32 v10, v3;
	v13 =	vmov v8  }
0x130: {  	s18 =	sadd.s32 $0x4, s18;
	v8 =	vsub.f32 v9, v2;
	v11 =	vmul.f32 v11, v3;
	[tilespmem:v5+s10+$0x0] =	vst.idx.add.f32.msk $0xffff, v1  }
0x131: {  	p1 =	slt.u32 s18, $0x7FC;
	v14 =	vld [tilespmem:s19+$0xFFFFFFF0];
	v15 =	vmul.f32 v7, v3;
	v5 =	vtrunc.f32 v10  }
.Ltmp4:
0x132: {  	v7 =	vld [tilespmem:s19+$0x0];
	v8 =	vmul.f32 v8, v3;
	v5 =	vcvt.f32.s32 v5;
	(pc) =	sbr.rel @p1 .LBB2_10-.Ltmp4, $4  }
0x133: {  	v10 =	vtrunc.f32 v11;
	v9 =	vld [tilespmem:s19+$0xFFFFFFE0];
	v11 =	vtrunc.f32 v15  }
0x134: {  	v15 =	vcvt.f32.s32 v10;
	v8 =	vtrunc.f32 v8;
	[tilespmem:v6+s10+$0x0] =	vst.idx.add.f32.msk $0xffff, v1  }
0x135: {  	v10 =	vsub.f32 v12, v2;
	v6 =	vcvt.f32.s32 v8;
	v8 =	vcvt.f32.s32 v11;
	[tilespmem:v4+s10+$0x0] =	vst.idx.add.f32.msk $0xffff, v1  }
0x136: {  	s19 =	sadd.s32 $0x40, s19;
	v4 =	vmov v15;
	v11 =	vsub.f32 v14, v2;
	[tilespmem:v13+s10+$0x0] =	vst.idx.add.f32.msk $0xffff, v1  }
0x137: {  	v7 =	vsub.f32 v7, v2  }
0x138: {  	v10 =	vmul.f32 v10, v3;
	v9 =	vsub.f32 v9, v2  }
0x139: {  	v11 =	vmul.f32 v11, v3;
	v7 =	vmul.f32 v7, v3  }
0x13a: {  	v10 =	vtrunc.f32 v10;
	v9 =	vmul.f32 v9, v3  }
0x13b: {  	v10 =	vcvt.f32.s32 v10;
	v11 =	vtrunc.f32 v11  }
0x13c: {  	[tilespmem:v5+s10+$0x0] =	vst.idx.add.f32.msk $0xffff, v1;
	v5 =	vtrunc.f32 v7;
	v7 =	vcvt.f32.s32 v11  }
0x13d: {  	v9 =	vtrunc.f32 v9;
	v5 =	vcvt.f32.s32 v5  }
0x13e: {  	[tilespmem:v6+s10+$0x0] =	vst.idx.add.f32.msk $0xffff, v1;
	v9 =	vcvt.f32.s32 v9  }
0x13f: {  	[tilespmem:v4+s10+$0x0] =	vst.idx.add.f32.msk $0xffff, v1  }
0x140: {  	[tilespmem:v8+s10+$0x0] =	vst.idx.add.f32.msk $0xffff, v1  }
0x141: {  	[tilespmem:v10+s10+$0x0] =	vst.idx.add.f32.msk $0xffff, v1  }
0x142: {  	[tilespmem:v7+s10+$0x0] =	vst.idx.add.f32.msk $0xffff, v1  }
0x143: {  	[tilespmem:v5+s10+$0x0] =	vst.idx.add.f32.msk $0xffff, v1  }
0x144: {  	[tilespmem:v9+s10+$0x0] =	vst.idx.add.f32.msk $0xffff, v1  }
0x145: {  	s18 =	rddreg [dreg:$0xd]  }
0x146: {  	[hbm4b:s18+s1] =	stream.linear.scatter [tilespmem:s1], [sflag:$0x4], $0x8000, $0x38;
	[tilespmem:$0x18D80] =	vst v63  }
0x147: {  	_ =	swait.ge [sflag:s16], $0x8000  }
0x148: {  	[sflag:s16] =	ssyncset.done $0x0  }
0x149: {  	s20 =	rddreg [dreg:$0xe];
	[sflag:s16] =	ssyncadd.s32 $0xFFFF8000  }
0x14a: {  	[tilespmem:s11], [sflag:$0x3] =	stream.linear.gather [hbm4b:s20+s1], $0x8000, $0x38;
	[tilespmem:$0x18D80] =	vst v63  }
0x14b: {  	_ =	swait.ge [sflag:s12], $0x8000  }
0x14c: {  	[sflag:s12] =	ssyncset.done $0x0  }
0x14d: {  	s21 =	simm.s32 $0x8020;
	[sflag:s12] =	ssyncadd.s32 $0xFFFF8000  }
0x14e: {  	v4 =	vld [tilespmem:s21+$0x10]  }
0x14f: {  	v5 =	vld [tilespmem:s21+$0xFFFFFFF0]  }
0x150: {  	v6 =	vld [tilespmem:s21+$0x0]  }
0x151: {  	v7 =	vld [tilespmem:s21+$0xFFFFFFE0];
	_ =	sdelay $0x1  }
0x152: {  	v4 =	vsub.f32 v4, v2  }
0x153: {  	v5 =	vsub.f32 v5, v2  }
0x154: {  	s19 =	simm.s32 $0x8060;
	v6 =	vsub.f32 v6, v2;
	v4 =	vmul.f32 v4, v3  }
0x155: {  	v8 =	vld [tilespmem:s19+$0x10];
	v7 =	vsub.f32 v7, v2;
	v9 =	vmul.f32 v5, v3  }
0x156: {  	v11 =	vld [tilespmem:s19+$0xFFFFFFF0];
	v6 =	vmul.f32 v6, v3;
	v4 =	vtrunc.f32 v4  }
0x157: {  	v10 =	vmul.f32 v7, v3;
	v7 =	vld [tilespmem:s19+$0x0];
	v5 =	vcvt.f32.s32 v4  }
0x158: {  	v4 =	vtrunc.f32 v9;
	v9 =	vld [tilespmem:s19+$0xFFFFFFE0]  }
0x159: {  	v12 =	vtrunc.f32 v6  }
0x15a: {  	v6 =	vtrunc.f32 v10;
	v10 =	vsub.f32 v8, v2;
	v8 =	vcvt.f32.s32 v12  }
0x15b: {  	s18 =	simm.s32 $0x4;
	v11 =	vsub.f32 v11, v2;
	v6 =	vcvt.f32.s32 v6;
	s19 =	simm.s32 $0x80A0;
	v4 =	vcvt.f32.s32 v4  }
.LBB2_12:
0x15c: {  	v12 =	vld [tilespmem:s19+$0x10];
	v7 =	vsub.f32 v7, v2;
	v10 =	vmul.f32 v10, v3;
	v13 =	vmov v8  }
0x15d: {  	s18 =	sadd.s32 $0x4, s18;
	v8 =	vsub.f32 v9, v2;
	v11 =	vmul.f32 v11, v3;
	[tilespmem:v5+s10+$0x0] =	vst.idx.add.f32.msk $0xffff, v1  }
0x15e: {  	p1 =	slt.u32 s18, $0x7FC;
	v14 =	vld [tilespmem:s19+$0xFFFFFFF0];
	v15 =	vmul.f32 v7, v3;
	v5 =	vtrunc.f32 v10  }
.Ltmp5:
0x15f: {  	v7 =	vld [tilespmem:s19+$0x0];
	v8 =	vmul.f32 v8, v3;
	v5 =	vcvt.f32.s32 v5;
	(pc) =	sbr.rel @p1 .LBB2_12-.Ltmp5, $4  }
0x160: {  	v10 =	vtrunc.f32 v11;
	v9 =	vld [tilespmem:s19+$0xFFFFFFE0];
	v11 =	vtrunc.f32 v15  }
0x161: {  	v15 =	vcvt.f32.s32 v10;
	v8 =	vtrunc.f32 v8;
	[tilespmem:v6+s10+$0x0] =	vst.idx.add.f32.msk $0xffff, v1  }
0x162: {  	v10 =	vsub.f32 v12, v2;
	v6 =	vcvt.f32.s32 v8;
	v8 =	vcvt.f32.s32 v11;
	[tilespmem:v4+s10+$0x0] =	vst.idx.add.f32.msk $0xffff, v1  }
0x163: {  	s19 =	sadd.s32 $0x40, s19;
	v4 =	vmov v15;
	v11 =	vsub.f32 v14, v2;
	[tilespmem:v13+s10+$0x0] =	vst.idx.add.f32.msk $0xffff, v1  }
0x164: {  	v7 =	vsub.f32 v7, v2  }
0x165: {  	v10 =	vmul.f32 v10, v3;
	v9 =	vsub.f32 v9, v2  }
0x166: {  	v11 =	vmul.f32 v11, v3;
	v7 =	vmul.f32 v7, v3  }
0x167: {  	v10 =	vtrunc.f32 v10;
	v9 =	vmul.f32 v9, v3  }
0x168: {  	v10 =	vcvt.f32.s32 v10;
	v11 =	vtrunc.f32 v11  }
0x169: {  	[tilespmem:v5+s10+$0x0] =	vst.idx.add.f32.msk $0xffff, v1;
	v5 =	vtrunc.f32 v7;
	v7 =	vcvt.f32.s32 v11  }
0x16a: {  	v9 =	vtrunc.f32 v9;
	v5 =	vcvt.f32.s32 v5  }
0x16b: {  	[tilespmem:v6+s10+$0x0] =	vst.idx.add.f32.msk $0xffff, v1;
	v9 =	vcvt.f32.s32 v9  }
0x16c: {  	[tilespmem:v4+s10+$0x0] =	vst.idx.add.f32.msk $0xffff, v1  }
0x16d: {  	[tilespmem:v8+s10+$0x0] =	vst.idx.add.f32.msk $0xffff, v1  }
0x16e: {  	[tilespmem:v10+s10+$0x0] =	vst.idx.add.f32.msk $0xffff, v1  }
0x16f: {  	[tilespmem:v7+s10+$0x0] =	vst.idx.add.f32.msk $0xffff, v1  }
0x170: {  	[tilespmem:v5+s10+$0x0] =	vst.idx.add.f32.msk $0xffff, v1  }
0x171: {  	[tilespmem:v9+s10+$0x0] =	vst.idx.add.f32.msk $0xffff, v1  }
0x172: {  	s18 =	rddreg [dreg:$0xf]  }
0x173: {  	[hbm4b:s18+s1] =	stream.linear.scatter [tilespmem:s8], [sflag:$0x5], $0x8000, $0x38;
	[tilespmem:$0x18D80] =	vst v63  }
0x174: {  	_ =	swait.ge [sflag:s13], $0x8000  }
0x175: {  	[sflag:s13] =	ssyncset.done $0x0  }
0x176: {  	s20 =	rddreg [dreg:$0x10];
	[sflag:s13] =	ssyncadd.s32 $0xFFFF8000  }
0x177: {  	[tilespmem:s1], [sflag:$0x1] =	stream.linear.gather [hbm4b:s20+s1], $0x8000, $0x38;
	[tilespmem:$0x18D80] =	vst v63  }
0x178: {  	_ =	swait.ge [sflag:s14], $0x8000  }
0x179: {  	[sflag:s14] =	ssyncset.done $0x0  }
0x17a: {  	s21 =	simm.s32 $0x10020;
	[sflag:s14] =	ssyncadd.s32 $0xFFFF8000  }
0x17b: {  	v4 =	vld [tilespmem:s21+$0x10]  }
0x17c: {  	v5 =	vld [tilespmem:s21+$0xFFFFFFF0]  }
0x17d: {  	v6 =	vld [tilespmem:s21+$0x0]  }
0x17e: {  	v7 =	vld [tilespmem:s21+$0xFFFFFFE0];
	_ =	sdelay $0x1  }
0x17f: {  	v4 =	vsub.f32 v4, v2  }
0x180: {  	v5 =	vsub.f32 v5, v2  }
0x181: {  	s19 =	simm.s32 $0x10060;
	v6 =	vsub.f32 v6, v2;
	v4 =	vmul.f32 v4, v3  }
0x182: {  	v8 =	vld [tilespmem:s19+$0x10];
	v7 =	vsub.f32 v7, v2;
	v9 =	vmul.f32 v5, v3  }
0x183: {  	v11 =	vld [tilespmem:s19+$0xFFFFFFF0];
	v6 =	vmul.f32 v6, v3;
	v4 =	vtrunc.f32 v4  }
0x184: {  	v10 =	vmul.f32 v7, v3;
	v7 =	vld [tilespmem:s19+$0x0];
	v5 =	vcvt.f32.s32 v4  }
0x185: {  	v4 =	vtrunc.f32 v9;
	v9 =	vld [tilespmem:s19+$0xFFFFFFE0]  }
0x186: {  	v12 =	vtrunc.f32 v6  }
0x187: {  	v6 =	vtrunc.f32 v10;
	v10 =	vsub.f32 v8, v2;
	v8 =	vcvt.f32.s32 v12  }
0x188: {  	s18 =	simm.s32 $0x4;
	v11 =	vsub.f32 v11, v2;
	v6 =	vcvt.f32.s32 v6;
	s19 =	simm.s32 $0x100A0;
	v4 =	vcvt.f32.s32 v4  }
.LBB2_14:
0x189: {  	v12 =	vld [tilespmem:s19+$0x10];
	v7 =	vsub.f32 v7, v2;
	v10 =	vmul.f32 v10, v3;
	v13 =	vmov v8  }
0x18a: {  	s18 =	sadd.s32 $0x4, s18;
	v8 =	vsub.f32 v9, v2;
	v11 =	vmul.f32 v11, v3;
	[tilespmem:v5+s10+$0x0] =	vst.idx.add.f32.msk $0xffff, v1  }
0x18b: {  	p1 =	slt.u32 s18, $0x7FC;
	v14 =	vld [tilespmem:s19+$0xFFFFFFF0];
	v15 =	vmul.f32 v7, v3;
	v5 =	vtrunc.f32 v10  }
.Ltmp6:
0x18c: {  	v7 =	vld [tilespmem:s19+$0x0];
	v8 =	vmul.f32 v8, v3;
	v5 =	vcvt.f32.s32 v5;
	(pc) =	sbr.rel @p1 .LBB2_14-.Ltmp6, $4  }
0x18d: {  	v10 =	vtrunc.f32 v11;
	v9 =	vld [tilespmem:s19+$0xFFFFFFE0];
	v11 =	vtrunc.f32 v15  }
0x18e: {  	v15 =	vcvt.f32.s32 v10;
	v8 =	vtrunc.f32 v8;
	[tilespmem:v6+s10+$0x0] =	vst.idx.add.f32.msk $0xffff, v1  }
0x18f: {  	v10 =	vsub.f32 v12, v2;
	v6 =	vcvt.f32.s32 v8;
	v8 =	vcvt.f32.s32 v11;
	[tilespmem:v4+s10+$0x0] =	vst.idx.add.f32.msk $0xffff, v1  }
0x190: {  	s19 =	sadd.s32 $0x40, s19;
	v4 =	vmov v15;
	v11 =	vsub.f32 v14, v2;
	[tilespmem:v13+s10+$0x0] =	vst.idx.add.f32.msk $0xffff, v1  }
0x191: {  	v7 =	vsub.f32 v7, v2  }
0x192: {  	v10 =	vmul.f32 v10, v3;
	v9 =	vsub.f32 v9, v2  }
0x193: {  	v11 =	vmul.f32 v11, v3;
	v7 =	vmul.f32 v7, v3  }
0x194: {  	v10 =	vtrunc.f32 v10;
	v9 =	vmul.f32 v9, v3  }
0x195: {  	v10 =	vcvt.f32.s32 v10;
	v11 =	vtrunc.f32 v11  }
0x196: {  	[tilespmem:v5+s10+$0x0] =	vst.idx.add.f32.msk $0xffff, v1;
	v5 =	vtrunc.f32 v7;
	v7 =	vcvt.f32.s32 v11  }
0x197: {  	v9 =	vtrunc.f32 v9;
	v5 =	vcvt.f32.s32 v5  }
0x198: {  	[tilespmem:v6+s10+$0x0] =	vst.idx.add.f32.msk $0xffff, v1;
	v9 =	vcvt.f32.s32 v9  }
0x199: {  	[tilespmem:v4+s10+$0x0] =	vst.idx.add.f32.msk $0xffff, v1  }
0x19a: {  	[tilespmem:v8+s10+$0x0] =	vst.idx.add.f32.msk $0xffff, v1  }
0x19b: {  	[tilespmem:v10+s10+$0x0] =	vst.idx.add.f32.msk $0xffff, v1  }
0x19c: {  	[tilespmem:v7+s10+$0x0] =	vst.idx.add.f32.msk $0xffff, v1  }
0x19d: {  	[tilespmem:v5+s10+$0x0] =	vst.idx.add.f32.msk $0xffff, v1  }
0x19e: {  	[tilespmem:v9+s10+$0x0] =	vst.idx.add.f32.msk $0xffff, v1  }
0x19f: {  	s18 =	rddreg [dreg:$0x11]  }
0x1a0: {  	[hbm4b:s18+s1] =	stream.linear.scatter [tilespmem:s11], [sflag:$0x6], $0x8000, $0x38;
	[tilespmem:$0x18D80] =	vst v63  }
0x1a1: {  	_ =	swait.ge [sflag:s15], $0x8000  }
0x1a2: {  	[sflag:s15] =	ssyncset.done $0x0  }
0x1a3: {  	s20 =	rddreg [dreg:$0x12];
	[sflag:s15] =	ssyncadd.s32 $0xFFFF8000  }
0x1a4: {  	[tilespmem:s8], [sflag:$0x2] =	stream.linear.gather [hbm4b:s20+s1], $0x8000, $0x38;
	[tilespmem:$0x18D80] =	vst v63  }
0x1a5: {  	_ =	swait.ge [sflag:s9], $0x8000  }
0x1a6: {  	[sflag:s9] =	ssyncset.done $0x0  }
0x1a7: {  	s21 =	simm.s32 $0x20;
	[sflag:s9] =	ssyncadd.s32 $0xFFFF8000  }
0x1a8: {  	v4 =	vld [tilespmem:s21+$0x10]  }
0x1a9: {  	v5 =	vld [tilespmem:s21+$0xFFFFFFF0]  }
0x1aa: {  	v6 =	vld [tilespmem:s21+$0x0]  }
0x1ab: {  	v7 =	vld [tilespmem:s21+$0xFFFFFFE0];
	_ =	sdelay $0x1  }
0x1ac: {  	v4 =	vsub.f32 v4, v2  }
0x1ad: {  	v5 =	vsub.f32 v5, v2  }
0x1ae: {  	s19 =	simm.s32 $0x60;
	v6 =	vsub.f32 v6, v2;
	v4 =	vmul.f32 v4, v3  }
0x1af: {  	v8 =	vld [tilespmem:s19+$0x10];
	v7 =	vsub.f32 v7, v2;
	v9 =	vmul.f32 v5, v3  }
0x1b0: {  	v11 =	vld [tilespmem:s19+$0xFFFFFFF0];
	v6 =	vmul.f32 v6, v3;
	v4 =	vtrunc.f32 v4  }
0x1b1: {  	v10 =	vmul.f32 v7, v3;
	v7 =	vld [tilespmem:s19+$0x0];
	v5 =	vcvt.f32.s32 v4  }
0x1b2: {  	v4 =	vtrunc.f32 v9;
	v9 =	vld [tilespmem:s19+$0xFFFFFFE0]  }
0x1b3: {  	v12 =	vtrunc.f32 v6  }
0x1b4: {  	v6 =	vtrunc.f32 v10;
	v10 =	vsub.f32 v8, v2;
	v8 =	vcvt.f32.s32 v12  }
0x1b5: {  	s18 =	simm.s32 $0x4;
	v11 =	vsub.f32 v11, v2;
	v6 =	vcvt.f32.s32 v6;
	s19 =	simm.s32 $0xA0;
	v4 =	vcvt.f32.s32 v4  }
.LBB2_16:
0x1b6: {  	v12 =	vld [tilespmem:s19+$0x10];
	v7 =	vsub.f32 v7, v2;
	v10 =	vmul.f32 v10, v3;
	v13 =	vmov v8  }
0x1b7: {  	s18 =	sadd.s32 $0x4, s18;
	v8 =	vsub.f32 v9, v2;
	v11 =	vmul.f32 v11, v3;
	[tilespmem:v5+s10+$0x0] =	vst.idx.add.f32.msk $0xffff, v1  }
0x1b8: {  	p1 =	slt.u32 s18, $0x7FC;
	v14 =	vld [tilespmem:s19+$0xFFFFFFF0];
	v15 =	vmul.f32 v7, v3;
	v5 =	vtrunc.f32 v10  }
.Ltmp7:
0x1b9: {  	v7 =	vld [tilespmem:s19+$0x0];
	v8 =	vmul.f32 v8, v3;
	v5 =	vcvt.f32.s32 v5;
	(pc) =	sbr.rel @p1 .LBB2_16-.Ltmp7, $4  }
0x1ba: {  	v10 =	vtrunc.f32 v11;
	v9 =	vld [tilespmem:s19+$0xFFFFFFE0];
	v11 =	vtrunc.f32 v15  }
0x1bb: {  	v15 =	vcvt.f32.s32 v10;
	v8 =	vtrunc.f32 v8;
	[tilespmem:v6+s10+$0x0] =	vst.idx.add.f32.msk $0xffff, v1  }
0x1bc: {  	v10 =	vsub.f32 v12, v2;
	v6 =	vcvt.f32.s32 v8;
	v8 =	vcvt.f32.s32 v11;
	[tilespmem:v4+s10+$0x0] =	vst.idx.add.f32.msk $0xffff, v1  }
0x1bd: {  	s19 =	sadd.s32 $0x40, s19;
	v4 =	vmov v15;
	v11 =	vsub.f32 v14, v2;
	[tilespmem:v13+s10+$0x0] =	vst.idx.add.f32.msk $0xffff, v1  }
0x1be: {  	v7 =	vsub.f32 v7, v2  }
0x1bf: {  	v10 =	vmul.f32 v10, v3;
	v9 =	vsub.f32 v9, v2  }
0x1c0: {  	v11 =	vmul.f32 v11, v3;
	v7 =	vmul.f32 v7, v3  }
0x1c1: {  	v10 =	vtrunc.f32 v10;
	v9 =	vmul.f32 v9, v3  }
0x1c2: {  	v10 =	vcvt.f32.s32 v10;
	v11 =	vtrunc.f32 v11  }
0x1c3: {  	[tilespmem:v5+s10+$0x0] =	vst.idx.add.f32.msk $0xffff, v1;
	v5 =	vtrunc.f32 v7;
	v7 =	vcvt.f32.s32 v11  }
0x1c4: {  	v9 =	vtrunc.f32 v9;
	v5 =	vcvt.f32.s32 v5  }
0x1c5: {  	[tilespmem:v6+s10+$0x0] =	vst.idx.add.f32.msk $0xffff, v1;
	v9 =	vcvt.f32.s32 v9  }
0x1c6: {  	[tilespmem:v4+s10+$0x0] =	vst.idx.add.f32.msk $0xffff, v1  }
0x1c7: {  	[tilespmem:v8+s10+$0x0] =	vst.idx.add.f32.msk $0xffff, v1  }
0x1c8: {  	[tilespmem:v10+s10+$0x0] =	vst.idx.add.f32.msk $0xffff, v1  }
0x1c9: {  	[tilespmem:v7+s10+$0x0] =	vst.idx.add.f32.msk $0xffff, v1  }
0x1ca: {  	[tilespmem:v5+s10+$0x0] =	vst.idx.add.f32.msk $0xffff, v1  }
0x1cb: {  	[tilespmem:v9+s10+$0x0] =	vst.idx.add.f32.msk $0xffff, v1  }
0x1cc: {  	s18 =	rddreg [dreg:$0x13]  }
0x1cd: {  	[hbm4b:s18+s1] =	stream.linear.scatter [tilespmem:s1], [sflag:$0x4], $0x8000, $0x38;
	[tilespmem:$0x18D80] =	vst v63  }
0x1ce: {  	_ =	swait.ge [sflag:s16], $0x8000  }
0x1cf: {  	[sflag:s16] =	ssyncset.done $0x0  }
0x1d0: {  	s20 =	rddreg [dreg:$0x14];
	[sflag:s16] =	ssyncadd.s32 $0xFFFF8000  }
0x1d1: {  	[tilespmem:s11], [sflag:$0x3] =	stream.linear.gather [hbm4b:s20+s1], $0x8000, $0x38;
	[tilespmem:$0x18D80] =	vst v63  }
0x1d2: {  	_ =	swait.ge [sflag:s12], $0x8000  }
0x1d3: {  	[sflag:s12] =	ssyncset.done $0x0  }
0x1d4: {  	s21 =	simm.s32 $0x8020;
	[sflag:s12] =	ssyncadd.s32 $0xFFFF8000  }
0x1d5: {  	v4 =	vld [tilespmem:s21+$0x10]  }
0x1d6: {  	v5 =	vld [tilespmem:s21+$0xFFFFFFF0]  }
0x1d7: {  	v6 =	vld [tilespmem:s21+$0x0]  }
0x1d8: {  	v7 =	vld [tilespmem:s21+$0xFFFFFFE0];
	_ =	sdelay $0x1  }
0x1d9: {  	v4 =	vsub.f32 v4, v2  }
0x1da: {  	v5 =	vsub.f32 v5, v2  }
0x1db: {  	s19 =	simm.s32 $0x8060;
	v6 =	vsub.f32 v6, v2;
	v4 =	vmul.f32 v4, v3  }
0x1dc: {  	v8 =	vld [tilespmem:s19+$0x10];
	v7 =	vsub.f32 v7, v2;
	v9 =	vmul.f32 v5, v3  }
0x1dd: {  	v11 =	vld [tilespmem:s19+$0xFFFFFFF0];
	v6 =	vmul.f32 v6, v3;
	v4 =	vtrunc.f32 v4  }
0x1de: {  	v10 =	vmul.f32 v7, v3;
	v7 =	vld [tilespmem:s19+$0x0];
	v5 =	vcvt.f32.s32 v4  }
0x1df: {  	v4 =	vtrunc.f32 v9;
	v9 =	vld [tilespmem:s19+$0xFFFFFFE0]  }
0x1e0: {  	v12 =	vtrunc.f32 v6  }
0x1e1: {  	v6 =	vtrunc.f32 v10;
	v10 =	vsub.f32 v8, v2;
	v8 =	vcvt.f32.s32 v12  }
0x1e2: {  	s18 =	simm.s32 $0x4;
	v11 =	vsub.f32 v11, v2;
	v6 =	vcvt.f32.s32 v6;
	s19 =	simm.s32 $0x80A0;
	v4 =	vcvt.f32.s32 v4  }
.LBB2_18:
0x1e3: {  	v12 =	vld [tilespmem:s19+$0x10];
	v7 =	vsub.f32 v7, v2;
	v10 =	vmul.f32 v10, v3;
	v13 =	vmov v8  }
0x1e4: {  	s18 =	sadd.s32 $0x4, s18;
	v8 =	vsub.f32 v9, v2;
	v11 =	vmul.f32 v11, v3;
	[tilespmem:v5+s10+$0x0] =	vst.idx.add.f32.msk $0xffff, v1  }
0x1e5: {  	p1 =	slt.u32 s18, $0x7FC;
	v14 =	vld [tilespmem:s19+$0xFFFFFFF0];
	v15 =	vmul.f32 v7, v3;
	v5 =	vtrunc.f32 v10  }
.Ltmp8:
0x1e6: {  	v7 =	vld [tilespmem:s19+$0x0];
	v8 =	vmul.f32 v8, v3;
	v5 =	vcvt.f32.s32 v5;
	(pc) =	sbr.rel @p1 .LBB2_18-.Ltmp8, $4  }
0x1e7: {  	v10 =	vtrunc.f32 v11;
	v9 =	vld [tilespmem:s19+$0xFFFFFFE0];
	v11 =	vtrunc.f32 v15  }
0x1e8: {  	v15 =	vcvt.f32.s32 v10;
	v8 =	vtrunc.f32 v8;
	[tilespmem:v6+s10+$0x0] =	vst.idx.add.f32.msk $0xffff, v1  }
0x1e9: {  	v10 =	vsub.f32 v12, v2;
	v6 =	vcvt.f32.s32 v8;
	v8 =	vcvt.f32.s32 v11;
	[tilespmem:v4+s10+$0x0] =	vst.idx.add.f32.msk $0xffff, v1  }
0x1ea: {  	s19 =	sadd.s32 $0x40, s19;
	v4 =	vmov v15;
	v11 =	vsub.f32 v14, v2;
	[tilespmem:v13+s10+$0x0] =	vst.idx.add.f32.msk $0xffff, v1  }
0x1eb: {  	v7 =	vsub.f32 v7, v2  }
0x1ec: {  	v10 =	vmul.f32 v10, v3;
	v9 =	vsub.f32 v9, v2  }
0x1ed: {  	v11 =	vmul.f32 v11, v3;
	v7 =	vmul.f32 v7, v3  }
0x1ee: {  	v10 =	vtrunc.f32 v10;
	v9 =	vmul.f32 v9, v3  }
0x1ef: {  	v10 =	vcvt.f32.s32 v10;
	v11 =	vtrunc.f32 v11  }
0x1f0: {  	[tilespmem:v5+s10+$0x0] =	vst.idx.add.f32.msk $0xffff, v1;
	v5 =	vtrunc.f32 v7;
	v7 =	vcvt.f32.s32 v11  }
0x1f1: {  	v9 =	vtrunc.f32 v9;
	v5 =	vcvt.f32.s32 v5  }
0x1f2: {  	[tilespmem:v6+s10+$0x0] =	vst.idx.add.f32.msk $0xffff, v1;
	v9 =	vcvt.f32.s32 v9  }
0x1f3: {  	[tilespmem:v4+s10+$0x0] =	vst.idx.add.f32.msk $0xffff, v1  }
0x1f4: {  	[tilespmem:v8+s10+$0x0] =	vst.idx.add.f32.msk $0xffff, v1  }
0x1f5: {  	[tilespmem:v10+s10+$0x0] =	vst.idx.add.f32.msk $0xffff, v1  }
0x1f6: {  	[tilespmem:v7+s10+$0x0] =	vst.idx.add.f32.msk $0xffff, v1  }
0x1f7: {  	[tilespmem:v5+s10+$0x0] =	vst.idx.add.f32.msk $0xffff, v1  }
0x1f8: {  	[tilespmem:v9+s10+$0x0] =	vst.idx.add.f32.msk $0xffff, v1  }
0x1f9: {  	s18 =	rddreg [dreg:$0x15]  }
0x1fa: {  	[hbm4b:s18+s1] =	stream.linear.scatter [tilespmem:s8], [sflag:$0x5], $0x8000, $0x38;
	[tilespmem:$0x18D80] =	vst v63  }
0x1fb: {  	_ =	swait.ge [sflag:s13], $0x8000  }
0x1fc: {  	[sflag:s13] =	ssyncset.done $0x0  }
0x1fd: {  	s20 =	rddreg [dreg:$0x17];
	[sflag:s13] =	ssyncadd.s32 $0xFFFF8000  }
0x1fe: {  	[tilespmem:s1], [sflag:$0x1] =	stream.linear.gather [hbm4b:s20+s1], $0x8000, $0x38;
	[tilespmem:$0x18D80] =	vst v63  }
0x1ff: {  	_ =	swait.ge [sflag:s14], $0x8000  }
0x200: {  	[sflag:s14] =	ssyncset.done $0x0  }
0x201: {  	s21 =	simm.s32 $0x10020;
	[sflag:s14] =	ssyncadd.s32 $0xFFFF8000  }
0x202: {  	v4 =	vld [tilespmem:s21+$0x10]  }
0x203: {  	v5 =	vld [tilespmem:s21+$0xFFFFFFF0]  }
0x204: {  	v6 =	vld [tilespmem:s21+$0x0]  }
0x205: {  	v7 =	vld [tilespmem:s21+$0xFFFFFFE0];
	_ =	sdelay $0x1  }
0x206: {  	v4 =	vsub.f32 v4, v2  }
0x207: {  	v5 =	vsub.f32 v5, v2  }
0x208: {  	s19 =	simm.s32 $0x10060;
	v6 =	vsub.f32 v6, v2;
	v4 =	vmul.f32 v4, v3  }
0x209: {  	v8 =	vld [tilespmem:s19+$0x10];
	v7 =	vsub.f32 v7, v2;
	v9 =	vmul.f32 v5, v3  }
0x20a: {  	v11 =	vld [tilespmem:s19+$0xFFFFFFF0];
	v6 =	vmul.f32 v6, v3;
	v4 =	vtrunc.f32 v4  }
0x20b: {  	v10 =	vmul.f32 v7, v3;
	v7 =	vld [tilespmem:s19+$0x0];
	v5 =	vcvt.f32.s32 v4  }
0x20c: {  	v4 =	vtrunc.f32 v9;
	v9 =	vld [tilespmem:s19+$0xFFFFFFE0]  }
0x20d: {  	v12 =	vtrunc.f32 v6  }
0x20e: {  	v6 =	vtrunc.f32 v10;
	v10 =	vsub.f32 v8, v2;
	v8 =	vcvt.f32.s32 v12  }
0x20f: {  	s18 =	simm.s32 $0x4;
	v11 =	vsub.f32 v11, v2;
	v6 =	vcvt.f32.s32 v6;
	s19 =	simm.s32 $0x100A0;
	v4 =	vcvt.f32.s32 v4  }
.LBB2_20:
0x210: {  	v12 =	vld [tilespmem:s19+$0x10];
	v7 =	vsub.f32 v7, v2;
	v10 =	vmul.f32 v10, v3;
	v13 =	vmov v8  }
0x211: {  	s18 =	sadd.s32 $0x4, s18;
	v8 =	vsub.f32 v9, v2;
	v11 =	vmul.f32 v11, v3;
	[tilespmem:v5+s10+$0x0] =	vst.idx.add.f32.msk $0xffff, v1  }
0x212: {  	p1 =	slt.u32 s18, $0x7FC;
	v14 =	vld [tilespmem:s19+$0xFFFFFFF0];
	v15 =	vmul.f32 v7, v3;
	v5 =	vtrunc.f32 v10  }
.Ltmp9:
0x213: {  	v7 =	vld [tilespmem:s19+$0x0];
	v8 =	vmul.f32 v8, v3;
	v5 =	vcvt.f32.s32 v5;
	(pc) =	sbr.rel @p1 .LBB2_20-.Ltmp9, $4  }
0x214: {  	v10 =	vtrunc.f32 v11;
	v9 =	vld [tilespmem:s19+$0xFFFFFFE0];
	v11 =	vtrunc.f32 v15  }
0x215: {  	v15 =	vcvt.f32.s32 v10;
	v8 =	vtrunc.f32 v8;
	[tilespmem:v6+s10+$0x0] =	vst.idx.add.f32.msk $0xffff, v1  }
0x216: {  	v10 =	vsub.f32 v12, v2;
	v6 =	vcvt.f32.s32 v8;
	v8 =	vcvt.f32.s32 v11;
	[tilespmem:v4+s10+$0x0] =	vst.idx.add.f32.msk $0xffff, v1  }
0x217: {  	s19 =	sadd.s32 $0x40, s19;
	v4 =	vmov v15;
	v11 =	vsub.f32 v14, v2;
	[tilespmem:v13+s10+$0x0] =	vst.idx.add.f32.msk $0xffff, v1  }
0x218: {  	v7 =	vsub.f32 v7, v2  }
0x219: {  	v10 =	vmul.f32 v10, v3;
	v9 =	vsub.f32 v9, v2  }
0x21a: {  	v11 =	vmul.f32 v11, v3;
	v7 =	vmul.f32 v7, v3  }
0x21b: {  	v10 =	vtrunc.f32 v10;
	v9 =	vmul.f32 v9, v3  }
0x21c: {  	v10 =	vcvt.f32.s32 v10;
	v11 =	vtrunc.f32 v11  }
0x21d: {  	[tilespmem:v5+s10+$0x0] =	vst.idx.add.f32.msk $0xffff, v1;
	v5 =	vtrunc.f32 v7;
	v7 =	vcvt.f32.s32 v11  }
0x21e: {  	v9 =	vtrunc.f32 v9;
	v5 =	vcvt.f32.s32 v5  }
0x21f: {  	[tilespmem:v6+s10+$0x0] =	vst.idx.add.f32.msk $0xffff, v1;
	v9 =	vcvt.f32.s32 v9  }
0x220: {  	[tilespmem:v4+s10+$0x0] =	vst.idx.add.f32.msk $0xffff, v1  }
0x221: {  	[tilespmem:v8+s10+$0x0] =	vst.idx.add.f32.msk $0xffff, v1  }
0x222: {  	[tilespmem:v10+s10+$0x0] =	vst.idx.add.f32.msk $0xffff, v1  }
0x223: {  	[tilespmem:v7+s10+$0x0] =	vst.idx.add.f32.msk $0xffff, v1  }
0x224: {  	[tilespmem:v5+s10+$0x0] =	vst.idx.add.f32.msk $0xffff, v1  }
0x225: {  	[tilespmem:v9+s10+$0x0] =	vst.idx.add.f32.msk $0xffff, v1  }
0x226: {  	s18 =	rddreg [dreg:$0x16]  }
0x227: {  	[hbm4b:s18+s1] =	stream.linear.scatter [tilespmem:s11], [sflag:$0x6], $0x8000, $0x38;
	[tilespmem:$0x18D80] =	vst v63  }
0x228: {  	_ =	swait.ge [sflag:s15], $0x8000  }
0x229: {  	[sflag:s15] =	ssyncset.done $0x0  }
0x22a: {  	s20 =	rddreg [dreg:$0x19];
	[sflag:s15] =	ssyncadd.s32 $0xFFFF8000  }
0x22b: {  	[tilespmem:s8], [sflag:$0x2] =	stream.linear.gather [hbm4b:s20+s1], $0x8000, $0x38;
	[tilespmem:$0x18D80] =	vst v63  }
0x22c: {  	_ =	swait.ge [sflag:s9], $0x8000  }
0x22d: {  	[sflag:s9] =	ssyncset.done $0x0  }
0x22e: {  	s21 =	simm.s32 $0x20;
	[sflag:s9] =	ssyncadd.s32 $0xFFFF8000  }
0x22f: {  	v4 =	vld [tilespmem:s21+$0x10]  }
0x230: {  	v5 =	vld [tilespmem:s21+$0xFFFFFFF0]  }
0x231: {  	v6 =	vld [tilespmem:s21+$0x0]  }
0x232: {  	v7 =	vld [tilespmem:s21+$0xFFFFFFE0];
	_ =	sdelay $0x1  }
0x233: {  	v4 =	vsub.f32 v4, v2  }
0x234: {  	v5 =	vsub.f32 v5, v2  }
0x235: {  	s19 =	simm.s32 $0x60;
	v6 =	vsub.f32 v6, v2;
	v4 =	vmul.f32 v4, v3  }
0x236: {  	v8 =	vld [tilespmem:s19+$0x10];
	v7 =	vsub.f32 v7, v2;
	v9 =	vmul.f32 v5, v3  }
0x237: {  	v11 =	vld [tilespmem:s19+$0xFFFFFFF0];
	v6 =	vmul.f32 v6, v3;
	v4 =	vtrunc.f32 v4  }
0x238: {  	v10 =	vmul.f32 v7, v3;
	v7 =	vld [tilespmem:s19+$0x0];
	v5 =	vcvt.f32.s32 v4  }
0x239: {  	v4 =	vtrunc.f32 v9;
	v9 =	vld [tilespmem:s19+$0xFFFFFFE0]  }
0x23a: {  	v12 =	vtrunc.f32 v6  }
0x23b: {  	v6 =	vtrunc.f32 v10;
	v10 =	vsub.f32 v8, v2;
	v8 =	vcvt.f32.s32 v12  }
0x23c: {  	s18 =	simm.s32 $0x4;
	v11 =	vsub.f32 v11, v2;
	v6 =	vcvt.f32.s32 v6;
	s19 =	simm.s32 $0xA0;
	v4 =	vcvt.f32.s32 v4  }
.LBB2_22:
0x23d: {  	v12 =	vld [tilespmem:s19+$0x10];
	v7 =	vsub.f32 v7, v2;
	v10 =	vmul.f32 v10, v3;
	v13 =	vmov v8  }
0x23e: {  	s18 =	sadd.s32 $0x4, s18;
	v8 =	vsub.f32 v9, v2;
	v11 =	vmul.f32 v11, v3;
	[tilespmem:v5+s10+$0x0] =	vst.idx.add.f32.msk $0xffff, v1  }
0x23f: {  	p1 =	slt.u32 s18, $0x7FC;
	v14 =	vld [tilespmem:s19+$0xFFFFFFF0];
	v15 =	vmul.f32 v7, v3;
	v5 =	vtrunc.f32 v10  }
.Ltmp10:
0x240: {  	v7 =	vld [tilespmem:s19+$0x0];
	v8 =	vmul.f32 v8, v3;
	v5 =	vcvt.f32.s32 v5;
	(pc) =	sbr.rel @p1 .LBB2_22-.Ltmp10, $4  }
0x241: {  	v10 =	vtrunc.f32 v11;
	v9 =	vld [tilespmem:s19+$0xFFFFFFE0];
	v11 =	vtrunc.f32 v15  }
0x242: {  	v15 =	vcvt.f32.s32 v10;
	v8 =	vtrunc.f32 v8;
	[tilespmem:v6+s10+$0x0] =	vst.idx.add.f32.msk $0xffff, v1  }
0x243: {  	v10 =	vsub.f32 v12, v2;
	v6 =	vcvt.f32.s32 v8;
	v8 =	vcvt.f32.s32 v11;
	[tilespmem:v4+s10+$0x0] =	vst.idx.add.f32.msk $0xffff, v1  }
0x244: {  	s19 =	sadd.s32 $0x40, s19;
	v4 =	vmov v15;
	v11 =	vsub.f32 v14, v2;
	[tilespmem:v13+s10+$0x0] =	vst.idx.add.f32.msk $0xffff, v1  }
0x245: {  	v7 =	vsub.f32 v7, v2  }
0x246: {  	v10 =	vmul.f32 v10, v3;
	v9 =	vsub.f32 v9, v2  }
0x247: {  	v11 =	vmul.f32 v11, v3;
	v7 =	vmul.f32 v7, v3  }
0x248: {  	v10 =	vtrunc.f32 v10;
	v9 =	vmul.f32 v9, v3  }
0x249: {  	v10 =	vcvt.f32.s32 v10;
	v11 =	vtrunc.f32 v11  }
0x24a: {  	[tilespmem:v5+s10+$0x0] =	vst.idx.add.f32.msk $0xffff, v1;
	v5 =	vtrunc.f32 v7;
	v7 =	vcvt.f32.s32 v11  }
0x24b: {  	v9 =	vtrunc.f32 v9;
	v5 =	vcvt.f32.s32 v5  }
0x24c: {  	[tilespmem:v6+s10+$0x0] =	vst.idx.add.f32.msk $0xffff, v1;
	v9 =	vcvt.f32.s32 v9  }
0x24d: {  	[tilespmem:v4+s10+$0x0] =	vst.idx.add.f32.msk $0xffff, v1  }
0x24e: {  	[tilespmem:v8+s10+$0x0] =	vst.idx.add.f32.msk $0xffff, v1  }
0x24f: {  	[tilespmem:v10+s10+$0x0] =	vst.idx.add.f32.msk $0xffff, v1  }
0x250: {  	[tilespmem:v7+s10+$0x0] =	vst.idx.add.f32.msk $0xffff, v1  }
0x251: {  	[tilespmem:v5+s10+$0x0] =	vst.idx.add.f32.msk $0xffff, v1  }
0x252: {  	[tilespmem:v9+s10+$0x0] =	vst.idx.add.f32.msk $0xffff, v1  }
0x253: {  	s18 =	rddreg [dreg:$0x18]  }
0x254: {  	[hbm4b:s18+s1] =	stream.linear.scatter [tilespmem:s1], [sflag:$0x4], $0x8000, $0x38;
	[tilespmem:$0x18D80] =	vst v63  }
0x255: {  	_ =	swait.ge [sflag:s16], $0x8000  }
0x256: {  	[sflag:s16] =	ssyncset.done $0x0  }
0x257: {  	[sflag:s16] =	ssyncadd.s32 $0xFFFF8000  }
0x258: {  	[tilespmem:s11], [sflag:$0x3] =	stream.linear.gather [hbm4b:s22+s1], $0x8000, $0x38;
	[tilespmem:$0x18D80] =	vst v63  }
0x259: {  	_ =	swait.ge [sflag:s12], $0x8000  }
0x25a: {  	[sflag:s12] =	ssyncset.done $0x0  }
0x25b: {  	s21 =	simm.s32 $0x8020;
	[sflag:s12] =	ssyncadd.s32 $0xFFFF8000  }
0x25c: {  	v4 =	vld [tilespmem:s21+$0x10]  }
0x25d: {  	v5 =	vld [tilespmem:s21+$0xFFFFFFF0]  }
0x25e: {  	v6 =	vld [tilespmem:s21+$0x0]  }
0x25f: {  	v7 =	vld [tilespmem:s21+$0xFFFFFFE0];
	_ =	sdelay $0x1  }
0x260: {  	v4 =	vsub.f32 v4, v2  }
0x261: {  	v5 =	vsub.f32 v5, v2  }
0x262: {  	s19 =	simm.s32 $0x8060;
	v6 =	vsub.f32 v6, v2;
	v4 =	vmul.f32 v4, v3  }
0x263: {  	v8 =	vld [tilespmem:s19+$0x10];
	v7 =	vsub.f32 v7, v2;
	v9 =	vmul.f32 v5, v3  }
0x264: {  	v11 =	vld [tilespmem:s19+$0xFFFFFFF0];
	v6 =	vmul.f32 v6, v3;
	v4 =	vtrunc.f32 v4  }
0x265: {  	v10 =	vmul.f32 v7, v3;
	v7 =	vld [tilespmem:s19+$0x0];
	v5 =	vcvt.f32.s32 v4  }
0x266: {  	v4 =	vtrunc.f32 v9;
	v9 =	vld [tilespmem:s19+$0xFFFFFFE0]  }
0x267: {  	v12 =	vtrunc.f32 v6  }
0x268: {  	v6 =	vtrunc.f32 v10;
	v10 =	vsub.f32 v8, v2;
	v8 =	vcvt.f32.s32 v12  }
0x269: {  	s18 =	simm.s32 $0x4;
	v11 =	vsub.f32 v11, v2;
	v6 =	vcvt.f32.s32 v6;
	s19 =	simm.s32 $0x80A0;
	v4 =	vcvt.f32.s32 v4  }
.LBB2_24:
0x26a: {  	v12 =	vld [tilespmem:s19+$0x10];
	v7 =	vsub.f32 v7, v2;
	v10 =	vmul.f32 v10, v3;
	v13 =	vmov v8  }
0x26b: {  	s18 =	sadd.s32 $0x4, s18;
	v8 =	vsub.f32 v9, v2;
	v11 =	vmul.f32 v11, v3;
	[tilespmem:v5+s10+$0x0] =	vst.idx.add.f32.msk $0xffff, v1  }
0x26c: {  	p1 =	slt.u32 s18, $0x7FC;
	v14 =	vld [tilespmem:s19+$0xFFFFFFF0];
	v15 =	vmul.f32 v7, v3;
	v5 =	vtrunc.f32 v10  }
.Ltmp11:
0x26d: {  	v7 =	vld [tilespmem:s19+$0x0];
	v8 =	vmul.f32 v8, v3;
	v5 =	vcvt.f32.s32 v5;
	(pc) =	sbr.rel @p1 .LBB2_24-.Ltmp11, $4  }
0x26e: {  	v10 =	vtrunc.f32 v11;
	v9 =	vld [tilespmem:s19+$0xFFFFFFE0];
	v11 =	vtrunc.f32 v15  }
0x26f: {  	v15 =	vcvt.f32.s32 v10;
	v8 =	vtrunc.f32 v8;
	[tilespmem:v6+s10+$0x0] =	vst.idx.add.f32.msk $0xffff, v1  }
0x270: {  	v10 =	vsub.f32 v12, v2;
	v6 =	vcvt.f32.s32 v8;
	v8 =	vcvt.f32.s32 v11;
	[tilespmem:v4+s10+$0x0] =	vst.idx.add.f32.msk $0xffff, v1  }
0x271: {  	s19 =	sadd.s32 $0x40, s19;
	v4 =	vmov v15;
	v11 =	vsub.f32 v14, v2;
	[tilespmem:v13+s10+$0x0] =	vst.idx.add.f32.msk $0xffff, v1  }
0x272: {  	v7 =	vsub.f32 v7, v2  }
0x273: {  	v10 =	vmul.f32 v10, v3;
	v9 =	vsub.f32 v9, v2  }
0x274: {  	v11 =	vmul.f32 v11, v3;
	v7 =	vmul.f32 v7, v3  }
0x275: {  	v10 =	vtrunc.f32 v10;
	v9 =	vmul.f32 v9, v3  }
0x276: {  	v10 =	vcvt.f32.s32 v10;
	v11 =	vtrunc.f32 v11  }
0x277: {  	[tilespmem:v5+s10+$0x0] =	vst.idx.add.f32.msk $0xffff, v1;
	v5 =	vtrunc.f32 v7;
	v7 =	vcvt.f32.s32 v11  }
0x278: {  	v9 =	vtrunc.f32 v9;
	v5 =	vcvt.f32.s32 v5  }
0x279: {  	[tilespmem:v6+s10+$0x0] =	vst.idx.add.f32.msk $0xffff, v1;
	v9 =	vcvt.f32.s32 v9  }
0x27a: {  	[tilespmem:v4+s10+$0x0] =	vst.idx.add.f32.msk $0xffff, v1  }
0x27b: {  	[tilespmem:v8+s10+$0x0] =	vst.idx.add.f32.msk $0xffff, v1  }
0x27c: {  	[tilespmem:v10+s10+$0x0] =	vst.idx.add.f32.msk $0xffff, v1  }
0x27d: {  	[tilespmem:v7+s10+$0x0] =	vst.idx.add.f32.msk $0xffff, v1  }
0x27e: {  	[tilespmem:v5+s10+$0x0] =	vst.idx.add.f32.msk $0xffff, v1  }
0x27f: {  	[tilespmem:v9+s10+$0x0] =	vst.idx.add.f32.msk $0xffff, v1  }
0x280: {  	s18 =	rddreg [dreg:$0x1a]  }
0x281: {  	[hbm4b:s18+s1] =	stream.linear.scatter [tilespmem:s8], [sflag:$0x5], $0x8000, $0x38;
	[tilespmem:$0x18D80] =	vst v63  }
0x282: {  	_ =	swait.ge [sflag:s13], $0x8000  }
0x283: {  	[sflag:s13] =	ssyncset.done $0x0  }
0x284: {  	[sflag:s13] =	ssyncadd.s32 $0xFFFF8000  }
0x285: {  	[tilespmem:s1], [sflag:$0x1] =	stream.linear.gather [hbm4b:s24+s1], $0x8000, $0x38;
	[tilespmem:$0x18D80] =	vst v63  }
0x286: {  	_ =	swait.ge [sflag:s14], $0x8000  }
0x287: {  	[sflag:s14] =	ssyncset.done $0x0  }
0x288: {  	s21 =	simm.s32 $0x10020;
	[sflag:s14] =	ssyncadd.s32 $0xFFFF8000  }
0x289: {  	v4 =	vld [tilespmem:s21+$0x10]  }
0x28a: {  	v5 =	vld [tilespmem:s21+$0xFFFFFFF0]  }
0x28b: {  	v6 =	vld [tilespmem:s21+$0x0]  }
0x28c: {  	v7 =	vld [tilespmem:s21+$0xFFFFFFE0];
	_ =	sdelay $0x1  }
0x28d: {  	v4 =	vsub.f32 v4, v2  }
0x28e: {  	v5 =	vsub.f32 v5, v2  }
0x28f: {  	s19 =	simm.s32 $0x10060;
	v6 =	vsub.f32 v6, v2;
	v4 =	vmul.f32 v4, v3  }
0x290: {  	v8 =	vld [tilespmem:s19+$0x10];
	v7 =	vsub.f32 v7, v2;
	v9 =	vmul.f32 v5, v3  }
0x291: {  	v11 =	vld [tilespmem:s19+$0xFFFFFFF0];
	v6 =	vmul.f32 v6, v3;
	v4 =	vtrunc.f32 v4  }
0x292: {  	v10 =	vmul.f32 v7, v3;
	v7 =	vld [tilespmem:s19+$0x0];
	v5 =	vcvt.f32.s32 v4  }
0x293: {  	v4 =	vtrunc.f32 v9;
	v9 =	vld [tilespmem:s19+$0xFFFFFFE0]  }
0x294: {  	v12 =	vtrunc.f32 v6  }
0x295: {  	v6 =	vtrunc.f32 v10;
	v10 =	vsub.f32 v8, v2;
	v8 =	vcvt.f32.s32 v12  }
0x296: {  	s18 =	simm.s32 $0x4;
	v11 =	vsub.f32 v11, v2;
	v6 =	vcvt.f32.s32 v6;
	s19 =	simm.s32 $0x100A0;
	v4 =	vcvt.f32.s32 v4  }
.LBB2_26:
0x297: {  	v12 =	vld [tilespmem:s19+$0x10];
	v7 =	vsub.f32 v7, v2;
	v10 =	vmul.f32 v10, v3;
	v13 =	vmov v8  }
0x298: {  	s18 =	sadd.s32 $0x4, s18;
	v8 =	vsub.f32 v9, v2;
	v11 =	vmul.f32 v11, v3;
	[tilespmem:v5+s10+$0x0] =	vst.idx.add.f32.msk $0xffff, v1  }
0x299: {  	p1 =	slt.u32 s18, $0x7FC;
	v14 =	vld [tilespmem:s19+$0xFFFFFFF0];
	v15 =	vmul.f32 v7, v3;
	v5 =	vtrunc.f32 v10  }
.Ltmp12:
0x29a: {  	v7 =	vld [tilespmem:s19+$0x0];
	v8 =	vmul.f32 v8, v3;
	v5 =	vcvt.f32.s32 v5;
	(pc) =	sbr.rel @p1 .LBB2_26-.Ltmp12, $4  }
0x29b: {  	v10 =	vtrunc.f32 v11;
	v9 =	vld [tilespmem:s19+$0xFFFFFFE0];
	v11 =	vtrunc.f32 v15  }
0x29c: {  	v15 =	vcvt.f32.s32 v10;
	v8 =	vtrunc.f32 v8;
	[tilespmem:v6+s10+$0x0] =	vst.idx.add.f32.msk $0xffff, v1  }
0x29d: {  	v10 =	vsub.f32 v12, v2;
	v6 =	vcvt.f32.s32 v8;
	v8 =	vcvt.f32.s32 v11;
	[tilespmem:v4+s10+$0x0] =	vst.idx.add.f32.msk $0xffff, v1  }
0x29e: {  	s19 =	sadd.s32 $0x40, s19;
	v4 =	vmov v15;
	v11 =	vsub.f32 v14, v2;
	[tilespmem:v13+s10+$0x0] =	vst.idx.add.f32.msk $0xffff, v1  }
0x29f: {  	v7 =	vsub.f32 v7, v2  }
0x2a0: {  	v10 =	vmul.f32 v10, v3;
	v9 =	vsub.f32 v9, v2  }
0x2a1: {  	v11 =	vmul.f32 v11, v3;
	v7 =	vmul.f32 v7, v3  }
0x2a2: {  	v10 =	vtrunc.f32 v10;
	v9 =	vmul.f32 v9, v3  }
0x2a3: {  	v10 =	vcvt.f32.s32 v10;
	v11 =	vtrunc.f32 v11  }
0x2a4: {  	[tilespmem:v5+s10+$0x0] =	vst.idx.add.f32.msk $0xffff, v1;
	v5 =	vtrunc.f32 v7;
	v7 =	vcvt.f32.s32 v11  }
0x2a5: {  	v9 =	vtrunc.f32 v9;
	v5 =	vcvt.f32.s32 v5  }
0x2a6: {  	[tilespmem:v6+s10+$0x0] =	vst.idx.add.f32.msk $0xffff, v1;
	v9 =	vcvt.f32.s32 v9  }
0x2a7: {  	[tilespmem:v4+s10+$0x0] =	vst.idx.add.f32.msk $0xffff, v1  }
0x2a8: {  	[tilespmem:v8+s10+$0x0] =	vst.idx.add.f32.msk $0xffff, v1  }
0x2a9: {  	[tilespmem:v10+s10+$0x0] =	vst.idx.add.f32.msk $0xffff, v1  }
0x2aa: {  	[tilespmem:v7+s10+$0x0] =	vst.idx.add.f32.msk $0xffff, v1  }
0x2ab: {  	[tilespmem:v5+s10+$0x0] =	vst.idx.add.f32.msk $0xffff, v1  }
0x2ac: {  	[tilespmem:v9+s10+$0x0] =	vst.idx.add.f32.msk $0xffff, v1  }
0x2ad: {  	[hbm4b:s23+s1] =	stream.linear.scatter [tilespmem:s11], [sflag:$0x6], $0x8000, $0x38;
	[tilespmem:$0x18D80] =	vst v63  }
0x2ae: {  	_ =	swait.ge [sflag:s15], $0x8000  }
0x2af: {  	[sflag:s15] =	ssyncset.done $0x0  }
0x2b0: {  	[sflag:s15] =	ssyncadd.s32 $0xFFFF8000  }
0x2b1: {  	[tilespmem:s8], [sflag:$0x2] =	stream.linear.gather [hbm4b:s28+s1], $0x8000, $0x38;
	[tilespmem:$0x18D80] =	vst v63  }
0x2b2: {  	_ =	swait.ge [sflag:s9], $0x8000  }
0x2b3: {  	[sflag:s9] =	ssyncset.done $0x0  }
0x2b4: {  	s18 =	simm.s32 $0x20;
	[sflag:s9] =	ssyncadd.s32 $0xFFFF8000  }
0x2b5: {  	v4 =	vld [tilespmem:s18+$0x10]  }
0x2b6: {  	v5 =	vld [tilespmem:s18+$0xFFFFFFF0]  }
0x2b7: {  	v6 =	vld [tilespmem:s18+$0x0]  }
0x2b8: {  	v7 =	vld [tilespmem:s18+$0xFFFFFFE0];
	_ =	sdelay $0x1  }
0x2b9: {  	v4 =	vsub.f32 v4, v2  }
0x2ba: {  	v5 =	vsub.f32 v5, v2  }
0x2bb: {  	s19 =	simm.s32 $0x60;
	v6 =	vsub.f32 v6, v2;
	v4 =	vmul.f32 v4, v3  }
0x2bc: {  	v8 =	vld [tilespmem:s19+$0x10];
	v7 =	vsub.f32 v7, v2;
	v9 =	vmul.f32 v5, v3  }
0x2bd: {  	v11 =	vld [tilespmem:s19+$0xFFFFFFF0];
	v6 =	vmul.f32 v6, v3;
	v4 =	vtrunc.f32 v4  }
0x2be: {  	v10 =	vmul.f32 v7, v3;
	v7 =	vld [tilespmem:s19+$0x0];
	v5 =	vcvt.f32.s32 v4  }
0x2bf: {  	v4 =	vtrunc.f32 v9;
	v9 =	vld [tilespmem:s19+$0xFFFFFFE0]  }
0x2c0: {  	v12 =	vtrunc.f32 v6  }
0x2c1: {  	v6 =	vtrunc.f32 v10;
	v10 =	vsub.f32 v8, v2;
	v8 =	vcvt.f32.s32 v12  }
0x2c2: {  	s18 =	simm.s32 $0x4;
	v11 =	vsub.f32 v11, v2;
	v6 =	vcvt.f32.s32 v6;
	s19 =	simm.s32 $0xA0;
	v4 =	vcvt.f32.s32 v4  }
.LBB2_28:
0x2c3: {  	v12 =	vld [tilespmem:s19+$0x10];
	v7 =	vsub.f32 v7, v2;
	v10 =	vmul.f32 v10, v3;
	v13 =	vmov v8  }
0x2c4: {  	s18 =	sadd.s32 $0x4, s18;
	v8 =	vsub.f32 v9, v2;
	v11 =	vmul.f32 v11, v3;
	[tilespmem:v5+s10+$0x0] =	vst.idx.add.f32.msk $0xffff, v1  }
0x2c5: {  	p1 =	slt.u32 s18, $0x7FC;
	v14 =	vld [tilespmem:s19+$0xFFFFFFF0];
	v15 =	vmul.f32 v7, v3;
	v5 =	vtrunc.f32 v10  }
.Ltmp13:
0x2c6: {  	v7 =	vld [tilespmem:s19+$0x0];
	v8 =	vmul.f32 v8, v3;
	v5 =	vcvt.f32.s32 v5;
	(pc) =	sbr.rel @p1 .LBB2_28-.Ltmp13, $4  }
0x2c7: {  	v10 =	vtrunc.f32 v11;
	v9 =	vld [tilespmem:s19+$0xFFFFFFE0];
	v11 =	vtrunc.f32 v15  }
0x2c8: {  	v15 =	vcvt.f32.s32 v10;
	v8 =	vtrunc.f32 v8;
	[tilespmem:v6+s10+$0x0] =	vst.idx.add.f32.msk $0xffff, v1  }
0x2c9: {  	v10 =	vsub.f32 v12, v2;
	v6 =	vcvt.f32.s32 v8;
	v8 =	vcvt.f32.s32 v11;
	[tilespmem:v4+s10+$0x0] =	vst.idx.add.f32.msk $0xffff, v1  }
0x2ca: {  	s19 =	sadd.s32 $0x40, s19;
	v4 =	vmov v15;
	v11 =	vsub.f32 v14, v2;
	[tilespmem:v13+s10+$0x0] =	vst.idx.add.f32.msk $0xffff, v1  }
0x2cb: {  	v7 =	vsub.f32 v7, v2  }
0x2cc: {  	v10 =	vmul.f32 v10, v3;
	v9 =	vsub.f32 v9, v2  }
0x2cd: {  	v11 =	vmul.f32 v11, v3;
	v7 =	vmul.f32 v7, v3  }
0x2ce: {  	v10 =	vtrunc.f32 v10;
	v9 =	vmul.f32 v9, v3  }
0x2cf: {  	v10 =	vcvt.f32.s32 v10;
	v11 =	vtrunc.f32 v11  }
0x2d0: {  	[tilespmem:v5+s10+$0x0] =	vst.idx.add.f32.msk $0xffff, v1;
	v5 =	vtrunc.f32 v7;
	v7 =	vcvt.f32.s32 v11  }
0x2d1: {  	v9 =	vtrunc.f32 v9;
	v5 =	vcvt.f32.s32 v5  }
0x2d2: {  	[tilespmem:v6+s10+$0x0] =	vst.idx.add.f32.msk $0xffff, v1;
	v9 =	vcvt.f32.s32 v9  }
0x2d3: {  	[tilespmem:v4+s10+$0x0] =	vst.idx.add.f32.msk $0xffff, v1  }
0x2d4: {  	[tilespmem:v8+s10+$0x0] =	vst.idx.add.f32.msk $0xffff, v1  }
0x2d5: {  	[tilespmem:v10+s10+$0x0] =	vst.idx.add.f32.msk $0xffff, v1  }
0x2d6: {  	[tilespmem:v7+s10+$0x0] =	vst.idx.add.f32.msk $0xffff, v1  }
0x2d7: {  	[tilespmem:v5+s10+$0x0] =	vst.idx.add.f32.msk $0xffff, v1  }
0x2d8: {  	[tilespmem:v9+s10+$0x0] =	vst.idx.add.f32.msk $0xffff, v1  }
0x2d9: {  	[hbm4b:s25+s1] =	stream.linear.scatter [tilespmem:s1], [sflag:$0x4], $0x8000, $0x38;
	[tilespmem:$0x18D80] =	vst v63  }
0x2da: {  	_ =	swait.ge [sflag:s16], $0x8000  }
0x2db: {  	[sflag:s16] =	ssyncset.done $0x0  }
0x2dc: {  	[sflag:s16] =	ssyncadd.s32 $0xFFFF8000  }
0x2dd: {  	[tilespmem:s11], [sflag:$0x3] =	stream.linear.gather [hbm4b:s26+s1], $0x8000, $0x38;
	[tilespmem:$0x18D80] =	vst v63  }
0x2de: {  	_ =	swait.ge [sflag:s12], $0x8000  }
0x2df: {  	[sflag:s12] =	ssyncset.done $0x0  }
0x2e0: {  	s18 =	simm.s32 $0x8020;
	[sflag:s12] =	ssyncadd.s32 $0xFFFF8000  }
0x2e1: {  	v4 =	vld [tilespmem:s18+$0x10]  }
0x2e2: {  	v5 =	vld [tilespmem:s18+$0xFFFFFFF0]  }
0x2e3: {  	v6 =	vld [tilespmem:s18+$0x0]  }
0x2e4: {  	v7 =	vld [tilespmem:s18+$0xFFFFFFE0];
	_ =	sdelay $0x1  }
0x2e5: {  	v4 =	vsub.f32 v4, v2  }
0x2e6: {  	v5 =	vsub.f32 v5, v2  }
0x2e7: {  	s19 =	simm.s32 $0x8060;
	v6 =	vsub.f32 v6, v2;
	v4 =	vmul.f32 v4, v3  }
0x2e8: {  	v8 =	vld [tilespmem:s19+$0x10];
	v7 =	vsub.f32 v7, v2;
	v9 =	vmul.f32 v5, v3  }
0x2e9: {  	v11 =	vld [tilespmem:s19+$0xFFFFFFF0];
	v6 =	vmul.f32 v6, v3;
	v4 =	vtrunc.f32 v4  }
0x2ea: {  	v10 =	vmul.f32 v7, v3;
	v7 =	vld [tilespmem:s19+$0x0];
	v5 =	vcvt.f32.s32 v4  }
0x2eb: {  	v4 =	vtrunc.f32 v9;
	v9 =	vld [tilespmem:s19+$0xFFFFFFE0]  }
0x2ec: {  	v12 =	vtrunc.f32 v6  }
0x2ed: {  	v6 =	vtrunc.f32 v10;
	v10 =	vsub.f32 v8, v2;
	v8 =	vcvt.f32.s32 v12  }
0x2ee: {  	s18 =	simm.s32 $0x4;
	v11 =	vsub.f32 v11, v2;
	v6 =	vcvt.f32.s32 v6;
	s19 =	simm.s32 $0x80A0;
	v4 =	vcvt.f32.s32 v4  }
.LBB2_30:
0x2ef: {  	v12 =	vld [tilespmem:s19+$0x10];
	v7 =	vsub.f32 v7, v2;
	v10 =	vmul.f32 v10, v3;
	v13 =	vmov v8  }
0x2f0: {  	s18 =	sadd.s32 $0x4, s18;
	v8 =	vsub.f32 v9, v2;
	v11 =	vmul.f32 v11, v3;
	[tilespmem:v5+s10+$0x0] =	vst.idx.add.f32.msk $0xffff, v1  }
0x2f1: {  	p1 =	slt.u32 s18, $0x7FC;
	v14 =	vld [tilespmem:s19+$0xFFFFFFF0];
	v15 =	vmul.f32 v7, v3;
	v5 =	vtrunc.f32 v10  }
.Ltmp14:
0x2f2: {  	v7 =	vld [tilespmem:s19+$0x0];
	v8 =	vmul.f32 v8, v3;
	v5 =	vcvt.f32.s32 v5;
	(pc) =	sbr.rel @p1 .LBB2_30-.Ltmp14, $4  }
0x2f3: {  	v10 =	vtrunc.f32 v11;
	v9 =	vld [tilespmem:s19+$0xFFFFFFE0];
	v11 =	vtrunc.f32 v15  }
0x2f4: {  	v15 =	vcvt.f32.s32 v10;
	v8 =	vtrunc.f32 v8;
	[tilespmem:v6+s10+$0x0] =	vst.idx.add.f32.msk $0xffff, v1  }
0x2f5: {  	v10 =	vsub.f32 v12, v2;
	v6 =	vcvt.f32.s32 v8;
	v8 =	vcvt.f32.s32 v11;
	[tilespmem:v4+s10+$0x0] =	vst.idx.add.f32.msk $0xffff, v1  }
0x2f6: {  	s19 =	sadd.s32 $0x40, s19;
	v4 =	vmov v15;
	v11 =	vsub.f32 v14, v2;
	[tilespmem:v13+s10+$0x0] =	vst.idx.add.f32.msk $0xffff, v1  }
0x2f7: {  	v7 =	vsub.f32 v7, v2  }
0x2f8: {  	v10 =	vmul.f32 v10, v3;
	v9 =	vsub.f32 v9, v2  }
0x2f9: {  	v11 =	vmul.f32 v11, v3;
	v7 =	vmul.f32 v7, v3  }
0x2fa: {  	v10 =	vtrunc.f32 v10;
	v9 =	vmul.f32 v9, v3  }
0x2fb: {  	v10 =	vcvt.f32.s32 v10;
	v11 =	vtrunc.f32 v11  }
0x2fc: {  	[tilespmem:v5+s10+$0x0] =	vst.idx.add.f32.msk $0xffff, v1;
	v5 =	vtrunc.f32 v7;
	v7 =	vcvt.f32.s32 v11  }
0x2fd: {  	v9 =	vtrunc.f32 v9;
	v5 =	vcvt.f32.s32 v5  }
0x2fe: {  	[tilespmem:v6+s10+$0x0] =	vst.idx.add.f32.msk $0xffff, v1;
	v9 =	vcvt.f32.s32 v9  }
0x2ff: {  	[tilespmem:v4+s10+$0x0] =	vst.idx.add.f32.msk $0xffff, v1  }
0x300: {  	[tilespmem:v8+s10+$0x0] =	vst.idx.add.f32.msk $0xffff, v1  }
0x301: {  	[tilespmem:v10+s10+$0x0] =	vst.idx.add.f32.msk $0xffff, v1  }
0x302: {  	[tilespmem:v7+s10+$0x0] =	vst.idx.add.f32.msk $0xffff, v1  }
0x303: {  	[tilespmem:v5+s10+$0x0] =	vst.idx.add.f32.msk $0xffff, v1  }
0x304: {  	[tilespmem:v9+s10+$0x0] =	vst.idx.add.f32.msk $0xffff, v1  }
0x305: {  	[hbm4b:s29+s1] =	stream.linear.scatter [tilespmem:s8], [sflag:$0x5], $0x8000, $0x38;
	[tilespmem:$0x18D80] =	vst v63  }
0x306: {  	_ =	swait.ge [sflag:s13], $0x8000  }
0x307: {  	[sflag:s13] =	ssyncset.done $0x0  }
0x308: {  	[sflag:s13] =	ssyncadd.s32 $0xFFFF8000  }
0x309: {  	[tilespmem:s1], [sflag:$0x1] =	stream.linear.gather [hbm4b:s0+s1], $0x8000, $0x38;
	[tilespmem:$0x18D80] =	vst v63  }
0x30a: {  	_ =	swait.ge [sflag:s14], $0x8000  }
0x30b: {  	[sflag:s14] =	ssyncset.done $0x0  }
0x30c: {  	s18 =	simm.s32 $0x10020;
	[sflag:s14] =	ssyncadd.s32 $0xFFFF8000  }
0x30d: {  	v4 =	vld [tilespmem:s18+$0x10]  }
0x30e: {  	v5 =	vld [tilespmem:s18+$0xFFFFFFF0]  }
0x30f: {  	v6 =	vld [tilespmem:s18+$0x0]  }
0x310: {  	v7 =	vld [tilespmem:s18+$0xFFFFFFE0];
	_ =	sdelay $0x1  }
0x311: {  	v4 =	vsub.f32 v4, v2  }
0x312: {  	v5 =	vsub.f32 v5, v2  }
0x313: {  	s19 =	simm.s32 $0x10060;
	v6 =	vsub.f32 v6, v2;
	v4 =	vmul.f32 v4, v3  }
0x314: {  	v8 =	vld [tilespmem:s19+$0x10];
	v7 =	vsub.f32 v7, v2;
	v9 =	vmul.f32 v5, v3  }
0x315: {  	v11 =	vld [tilespmem:s19+$0xFFFFFFF0];
	v6 =	vmul.f32 v6, v3;
	v4 =	vtrunc.f32 v4  }
0x316: {  	v10 =	vmul.f32 v7, v3;
	v7 =	vld [tilespmem:s19+$0x0];
	v5 =	vcvt.f32.s32 v4  }
0x317: {  	v4 =	vtrunc.f32 v9;
	v9 =	vld [tilespmem:s19+$0xFFFFFFE0]  }
0x318: {  	v12 =	vtrunc.f32 v6  }
0x319: {  	v6 =	vtrunc.f32 v10;
	v10 =	vsub.f32 v8, v2;
	v8 =	vcvt.f32.s32 v12  }
0x31a: {  	s18 =	simm.s32 $0x4;
	v11 =	vsub.f32 v11, v2;
	v6 =	vcvt.f32.s32 v6;
	s19 =	simm.s32 $0x100A0;
	v4 =	vcvt.f32.s32 v4  }
.LBB2_32:
0x31b: {  	v12 =	vld [tilespmem:s19+$0x10];
	v7 =	vsub.f32 v7, v2;
	v10 =	vmul.f32 v10, v3;
	v13 =	vmov v8  }
0x31c: {  	s18 =	sadd.s32 $0x4, s18;
	v8 =	vsub.f32 v9, v2;
	v11 =	vmul.f32 v11, v3;
	[tilespmem:v5+s10+$0x0] =	vst.idx.add.f32.msk $0xffff, v1  }
0x31d: {  	p1 =	slt.u32 s18, $0x7FC;
	v14 =	vld [tilespmem:s19+$0xFFFFFFF0];
	v15 =	vmul.f32 v7, v3;
	v5 =	vtrunc.f32 v10  }
.Ltmp15:
0x31e: {  	v7 =	vld [tilespmem:s19+$0x0];
	v8 =	vmul.f32 v8, v3;
	v5 =	vcvt.f32.s32 v5;
	(pc) =	sbr.rel @p1 .LBB2_32-.Ltmp15, $4  }
0x31f: {  	v10 =	vtrunc.f32 v11;
	v9 =	vld [tilespmem:s19+$0xFFFFFFE0];
	v11 =	vtrunc.f32 v15  }
0x320: {  	v15 =	vcvt.f32.s32 v10;
	v8 =	vtrunc.f32 v8;
	[tilespmem:v6+s10+$0x0] =	vst.idx.add.f32.msk $0xffff, v1  }
0x321: {  	v10 =	vsub.f32 v12, v2;
	v6 =	vcvt.f32.s32 v8;
	v8 =	vcvt.f32.s32 v11;
	[tilespmem:v4+s10+$0x0] =	vst.idx.add.f32.msk $0xffff, v1  }
0x322: {  	s19 =	sadd.s32 $0x40, s19;
	v4 =	vmov v15;
	v11 =	vsub.f32 v14, v2;
	[tilespmem:v13+s10+$0x0] =	vst.idx.add.f32.msk $0xffff, v1  }
0x323: {  	v7 =	vsub.f32 v7, v2  }
0x324: {  	v10 =	vmul.f32 v10, v3;
	v9 =	vsub.f32 v9, v2  }
0x325: {  	v11 =	vmul.f32 v11, v3;
	v7 =	vmul.f32 v7, v3  }
0x326: {  	v10 =	vtrunc.f32 v10;
	v9 =	vmul.f32 v9, v3  }
0x327: {  	v10 =	vcvt.f32.s32 v10;
	v11 =	vtrunc.f32 v11  }
0x328: {  	[tilespmem:v5+s10+$0x0] =	vst.idx.add.f32.msk $0xffff, v1;
	v5 =	vtrunc.f32 v7;
	v7 =	vcvt.f32.s32 v11  }
0x329: {  	v9 =	vtrunc.f32 v9;
	v5 =	vcvt.f32.s32 v5  }
0x32a: {  	[tilespmem:v6+s10+$0x0] =	vst.idx.add.f32.msk $0xffff, v1;
	v9 =	vcvt.f32.s32 v9  }
0x32b: {  	[tilespmem:v4+s10+$0x0] =	vst.idx.add.f32.msk $0xffff, v1  }
0x32c: {  	[tilespmem:v8+s10+$0x0] =	vst.idx.add.f32.msk $0xffff, v1  }
0x32d: {  	[tilespmem:v10+s10+$0x0] =	vst.idx.add.f32.msk $0xffff, v1  }
0x32e: {  	[tilespmem:v7+s10+$0x0] =	vst.idx.add.f32.msk $0xffff, v1  }
0x32f: {  	[tilespmem:v5+s10+$0x0] =	vst.idx.add.f32.msk $0xffff, v1  }
0x330: {  	[tilespmem:v9+s10+$0x0] =	vst.idx.add.f32.msk $0xffff, v1  }
0x331: {  	[hbm4b:s2+s1] =	stream.linear.scatter [tilespmem:s11], [sflag:$0x6], $0x8000, $0x38;
	[tilespmem:$0x18D80] =	vst v63  }
0x332: {  	_ =	swait.ge [sflag:s9], $0x8000  }
0x333: {  	[sflag:s9] =	ssyncset.done $0x0  }
0x334: {  	s18 =	simm.s32 $0x20;
	[sflag:s9] =	ssyncadd.s32 $0xFFFF8000  }
0x335: {  	v4 =	vld [tilespmem:s18+$0x10]  }
0x336: {  	v5 =	vld [tilespmem:s18+$0xFFFFFFF0]  }
0x337: {  	v6 =	vld [tilespmem:s18+$0x0]  }
0x338: {  	v7 =	vld [tilespmem:s18+$0xFFFFFFE0];
	_ =	sdelay $0x1  }
0x339: {  	v4 =	vsub.f32 v4, v2  }
0x33a: {  	v5 =	vsub.f32 v5, v2  }
0x33b: {  	s19 =	simm.s32 $0x60;
	v6 =	vsub.f32 v6, v2;
	v4 =	vmul.f32 v4, v3  }
0x33c: {  	v8 =	vld [tilespmem:s19+$0x10];
	v7 =	vsub.f32 v7, v2;
	v9 =	vmul.f32 v5, v3  }
0x33d: {  	v11 =	vld [tilespmem:s19+$0xFFFFFFF0];
	v6 =	vmul.f32 v6, v3;
	v4 =	vtrunc.f32 v4  }
0x33e: {  	v10 =	vmul.f32 v7, v3;
	v7 =	vld [tilespmem:s19+$0x0];
	v5 =	vcvt.f32.s32 v4  }
0x33f: {  	v4 =	vtrunc.f32 v9;
	v9 =	vld [tilespmem:s19+$0xFFFFFFE0]  }
0x340: {  	v12 =	vtrunc.f32 v6  }
0x341: {  	v6 =	vtrunc.f32 v10;
	v10 =	vsub.f32 v8, v2;
	v8 =	vcvt.f32.s32 v12  }
0x342: {  	s18 =	simm.s32 $0x4;
	v11 =	vsub.f32 v11, v2;
	v6 =	vcvt.f32.s32 v6;
	s19 =	simm.s32 $0xA0;
	v4 =	vcvt.f32.s32 v4  }
.LBB2_34:
0x343: {  	v12 =	vld [tilespmem:s19+$0x10];
	v7 =	vsub.f32 v7, v2;
	v10 =	vmul.f32 v10, v3;
	v13 =	vmov v8  }
0x344: {  	s18 =	sadd.s32 $0x4, s18;
	v8 =	vsub.f32 v9, v2;
	v11 =	vmul.f32 v11, v3;
	[tilespmem:v5+s10+$0x0] =	vst.idx.add.f32.msk $0xffff, v1  }
0x345: {  	p1 =	slt.u32 s18, $0x7FC;
	v14 =	vld [tilespmem:s19+$0xFFFFFFF0];
	v15 =	vmul.f32 v7, v3;
	v5 =	vtrunc.f32 v10  }
.Ltmp16:
0x346: {  	v7 =	vld [tilespmem:s19+$0x0];
	v8 =	vmul.f32 v8, v3;
	v5 =	vcvt.f32.s32 v5;
	(pc) =	sbr.rel @p1 .LBB2_34-.Ltmp16, $4  }
0x347: {  	v10 =	vtrunc.f32 v11;
	v9 =	vld [tilespmem:s19+$0xFFFFFFE0];
	v11 =	vtrunc.f32 v15  }
0x348: {  	v15 =	vcvt.f32.s32 v10;
	v8 =	vtrunc.f32 v8;
	[tilespmem:v6+s10+$0x0] =	vst.idx.add.f32.msk $0xffff, v1  }
0x349: {  	v10 =	vsub.f32 v12, v2;
	v6 =	vcvt.f32.s32 v8;
	v8 =	vcvt.f32.s32 v11;
	[tilespmem:v4+s10+$0x0] =	vst.idx.add.f32.msk $0xffff, v1  }
0x34a: {  	s19 =	sadd.s32 $0x40, s19;
	v4 =	vmov v15;
	v11 =	vsub.f32 v14, v2;
	[tilespmem:v13+s10+$0x0] =	vst.idx.add.f32.msk $0xffff, v1  }
0x34b: {  	_ = 	snop  }
0x34c: {  	v9 =	vsub.f32 v9, v2  }
0x34d: {  	v59 =	vmul.f32 v10, v3;
	v2 =	vsub.f32 v7, v2  }
0x34e: {  	v60 =	vmul.f32 v11, v3;
	v9 =	vmul.f32 v9, v3  }
0x34f: {  	v2 =	vmul.f32 v2, v3;
	v3 =	vtrunc.f32 v59  }
0x350: {  	v62 =	vtrunc.f32 v60;
	v3 =	vcvt.f32.s32 v3  }
0x351: {  	v63 =	vcvt.f32.s32 v62;
	v61 =	vtrunc.f32 v9  }
0x352: {  	[tilespmem:v5+s10+$0x0] =	vst.idx.add.f32.msk $0xffff, v1;
	v2 =	vtrunc.f32 v2;
	v7 =	vcvt.f32.s32 v61  }
0x353: {  	[tilespmem:v6+s10+$0x0] =	vst.idx.add.f32.msk $0xffff, v1;
	v2 =	vcvt.f32.s32 v2  }
0x354: {  	[tilespmem:v4+s10+$0x0] =	vst.idx.add.f32.msk $0xffff, v1  }
0x355: {  	[tilespmem:v8+s10+$0x0] =	vst.idx.add.f32.msk $0xffff, v1  }
0x356: {  	[tilespmem:v3+s10+$0x0] =	vst.idx.add.f32.msk $0xffff, v1  }
0x357: {  	[tilespmem:v63+s10+$0x0] =	vst.idx.add.f32.msk $0xffff, v1  }
0x358: {  	[tilespmem:v7+s10+$0x0] =	vst.idx.add.f32.msk $0xffff, v1  }
0x359: {  	[tilespmem:v2+s10+$0x0] =	vst.idx.add.f32.msk $0xffff, v1  }
0x35a: {  	[hbm4b:s3+s1] =	stream.linear.scatter [tilespmem:s1], [sflag:$0x4], $0x8000, $0x38;
	[tilespmem:$0x18D80] =	vst v63  }
0x35b: {  	_ =	swait.ge [sflag:s13], $0x8000  }
0x35c: {  	[sflag:s13] =	ssyncset.done $0x0  }
0x35d: {  	[sflag:s13] =	ssyncadd.s32 $0xFFFF8000  }
0x35e: {  	_ =	swait.ge [sflag:s15], $0x8000  }
0x35f: {  	[sflag:s15] =	ssyncset.done $0x0  }
0x360: {  	[sflag:s15] =	ssyncadd.s32 $0xFFFF8000  }
0x361: {  	s17 =	sadd.s32 $0x1, s17;
	_ =	swait.ge [sflag:s16], $0x8000  }
0x362: {  	s18 =	simm.s32 $0x80;
	p1 =	sne.s32 s17, s6;
	[sflag:s16] =	ssyncset.done $0x0  }
.Ltmp17:
0x363: {  	s19 =	simm.s32 $0x400;
	[sflag:s16] =	ssyncadd.s32 $0xFFFF8000;
	(pc) =	sbr.rel @p1 .LBB2_1-.Ltmp17, $4  }
0x364: {  	[hbm4b:s5+s18] =	stream.strided.scatter [tilespmem:s10], [sflag:$0x7], $0x880, s19, s18, $0x38;
	[tilespmem:$0x18D80] =	vst v63  }
0x365: {  	_ =	swait.ge [sflag:s7], $0x880  }
0x366: {  	[sflag:s7] =	ssyncset.done $0x0  }
0x367: {  	[sflag:s7] =	ssyncadd.s32 $0xFFFFF780  }
0x368: {  	_ =	sfence.sel $0x180000  }
0x369: {  	[bflag:$0x0] =	sbarrier.arrive $0xFFFF  }
0x36a: {  	_ =	strace $0x9000004A  }
0x36b: {  	s0 =	stileid.u32;
	[bflag:$0x2] =	sbarrier.arrive $0xFFFF  }
0x36c: {  	p0 =	sne.s32 s0, $0x0;
	s0 =	rddreg [dreg:$0x6]  }
0x36d: {  	s0 =	sadd.s32 @!p0 $0x100000, s0  }
0x36e: {  	[sflag:s0] =	ssyncadd.tile.s32 @!p0 $0x1;
	_ =	shalt  }
.Lfunc_end2:
_tile_overlayer_lowered:
.L_overlay_start_2:
0x36f: {  	(tag) =	ssettag $0x2  }
0x370: {  	s0 =	rddreg [dreg:$0x0];
	s2 =	stileid.u32  }
0x371: {  	s1 =	rddreg [dreg:$0x1];
	p0 =	sne.s32 s2, $0x0  }
0x372: {  	s3 =	rddreg [dreg:$0x2];
	[bflag:$0x3] =	sbarrier.arrive $0xFFFF;
	s2 =	simm.s32 @!p0 $0x1C07  }
0x373: {  	[timem:s3], [sflag:s2] =	dma.local @!p0 [hbm:s0], s1  }
0x374: {  	s0 =	simm.s32 @!p0 $0x7  }
0x375: {  	_ =	swait.ge @!p0 [sflag:s0], s1  }
0x376: {  	s1 =	ssub.s32 @!p0 $0x0, s1;
	[sflag:s0] =	ssyncset.done @!p0 $0x0  }
0x377: {  	[sflag:s0] =	ssyncadd.s32 @!p0 s1  }
0x378: {  	[bflag:$0x3] =	sbarrier.arrive $0xFFFF  }
0x379: {  	_ =	shalt  }

</sc_bundles>
